<compile_context>
chip_gen: v7x
topology: tpu7x:2x2x1
jax: 0.10.2.dev20260603
libtpu: 0.0.44.dev20260713+nightly
codegen_flags: <defaults>
</compile_context>

<pallas_src>
import functools

import jax
import jax.numpy as jnp
from jax import lax
from jax.experimental import pallas as pl
from jax.experimental.pallas import tpu as pltpu
from jax.experimental.pallas import tpu_sc as plsc

N_NODES = 10000
E_TOTAL = 320000
D = 128
HID = 64
HID_W = HID // 2

NC = 2
NS = 16
NW = NC * NS
E_PER_W = E_TOTAL // NW
CHUNK = 200
N_CHUNKS = E_PER_W // CHUNK
N_GRP = (CHUNK + 15) // 16
CHUNK_PAD = N_GRP * 16


def _node_projections(node_feat, W_enc, b_enc, W1, b1):

    def body(nf, we, be, w1c, bc, t_out):
        x = jnp.dot(nf[:], we[:], preferred_element_type=jnp.float32) + be[:]
        t = jnp.dot(x, w1c[:], preferred_element_type=jnp.float32) + bc[:]
        t_out[:] = t.astype(jnp.bfloat16)

    w1cat = jnp.concatenate([W1[:D, :], W1[D:, :]], axis=1)
    bcat = jnp.concatenate([b1, jnp.zeros((HID,), jnp.float32)])
    return pl.pallas_call(
        body,
        out_shape=jax.ShapeDtypeStruct((N_NODES, 2 * HID), jnp.bfloat16),
    )(node_feat, W_enc, b_enc.reshape(1, D), w1cat, bcat.reshape(1, 2 * HID))


def _edge_scores(Tp, src, dst, w2p):
    mesh = plsc.VectorSubcoreMesh(
        core_axis_name="c", subcore_axis_name="s", num_cores=NC, num_subcores=NS
    )

    @functools.partial(
        pl.kernel,
        out_type=jax.ShapeDtypeStruct((E_TOTAL,), jnp.float32),
        mesh=mesh,
        compiler_params=pltpu.CompilerParams(
            needs_layout_passes=False, use_tc_tiling_on_sc=False
        ),
        scratch_types=(
            [
                pltpu.VMEM((E_PER_W,), jnp.int32),
                pltpu.VMEM((E_PER_W,), jnp.int32),
            ]
            + [pltpu.VMEM((CHUNK, 2 * HID_W), jnp.int32)] * 8
            + [
                pltpu.VMEM((CHUNK_PAD * 16,), jnp.float32),
                pltpu.VMEM((HID_W,), jnp.int32),
            ]
            + [pltpu.VMEM((CHUNK_PAD,), jnp.float32)] * 4
            + [pltpu.SemaphoreType.DMA] * 5
        ),
    )
    def k(t_hbm, src_hbm, dst_hbm, w2_hbm, out_hbm,
          si_v, di_v, ra0, rb0, ra1, rb1, ra2, rb2, ra3, rb3,
          p_v, w2_v, o0, o1, o2, o3,
          sg0, sg1, sg2, sg3, so):
        wid = lax.axis_index("s") * NC + lax.axis_index("c")
        base = wid * E_PER_W
        pltpu.sync_copy(w2_hbm, w2_v)
        pltpu.sync_copy(src_hbm.at[pl.ds(base, E_PER_W)], si_v)
        pltpu.sync_copy(dst_hbm.at[pl.ds(base, E_PER_W)], di_v)
        w2_regs = [
            plsc.bitcast(w2_v[pl.ds(16 * j, 16)], jnp.bfloat16)
            for j in range(HID_W // 16)
        ]
        lanes16 = lax.iota(jnp.int32, 16)
        bufs = [
            (ra0, rb0, sg0, o0),
            (ra1, rb1, sg1, o1),
            (ra2, rb2, sg2, o2),
            (ra3, rb3, sg3, o3),
        ]
        RING = len(bufs)

        def issue(c, b):
            ra, rb, sg, _ = bufs[b]
            off = c * CHUNK
            pltpu.async_copy(t_hbm.at[si_v.at[pl.ds(off, CHUNK)]], ra, sg)
            pltpu.async_copy(t_hbm.at[di_v.at[pl.ds(off, CHUNK)]], rb, sg)

        def wait(c, b):
            ra, rb, sg, _ = bufs[b]
            off = c * CHUNK
            pltpu.make_async_copy(t_hbm.at[si_v.at[pl.ds(off, CHUNK)]], ra, sg).wait()
            pltpu.make_async_copy(t_hbm.at[di_v.at[pl.ds(off, CHUNK)]], rb, sg).wait()

        def wait_out(c, b):
            o_v = bufs[b][3]
            pltpu.make_async_copy(
                o_v.at[pl.ds(0, CHUNK)],
                out_hbm.at[pl.ds(base + c * CHUNK, CHUNK)], so).wait()

        def compute(c, b):
            ra_v, rb_v, _, o_v = bufs[b]

            G = 4
            NJ = HID_W // 16

            def edge_body(i, _):
                e0 = i * G
                a_regs = [
                    [plsc.bitcast(ra_v[e0 + g, pl.ds(16 * j, 16)], jnp.bfloat16)
                     for j in range(NJ)]
                    for g in range(G)
                ]
                b_regs = [
                    [plsc.bitcast(rb_v[e0 + g, pl.ds(HID_W + 16 * j, 16)],
                                  jnp.bfloat16)
                     for j in range(NJ)]
                    for g in range(G)
                ]
                for g in range(G):
                    ts = None
                    for j in range(NJ):
                        t = jnp.maximum(a_regs[g][j] + b_regs[g][j],
                                        jnp.bfloat16(0.0)) * w2_regs[j]
                        ts = t if ts is None else ts + t
                    ta, tb = plsc.unpack(
                        ts, format=plsc.PackFormat.INTERLEAVED,
                        preferred_element_type=jnp.float32)
                    p_v[pl.ds((e0 + g) * 16, 16)] = ta + tb
                return 0

            lax.fori_loop(0, CHUNK // G, edge_body, 0)

            def grp_body(g2, _):
                flat0 = (g2 * 16 + lanes16) * 16
                tot = None
                for l in range(16):
                    v = plsc.load_gather(p_v, [flat0 + l])
                    tot = v if tot is None else tot + v
                o_v[pl.ds(g2 * 16, 16)] = tot
                return 0

            lax.fori_loop(0, N_GRP, grp_body, 0)
            pltpu.async_copy(o_v.at[pl.ds(0, CHUNK)],
                             out_hbm.at[pl.ds(base + c * CHUNK, CHUNK)], so)

        for b in range(RING):
            issue(b, b)

        N_MAIN = (N_CHUNKS // RING) * RING

        def loop_body(q, _):
            for b in range(RING):
                c = q * RING + b
                wait(c, b)

                @pl.when(c >= RING)
                def _():
                    wait_out(c - RING, b)

                compute(c, b)

                @pl.when(c + RING < N_CHUNKS)
                def _():
                    issue(c + RING, b)
            return 0

        lax.fori_loop(0, N_MAIN // RING, loop_body, 0)
        for b in range(N_CHUNKS - N_MAIN):
            c = N_MAIN + b
            wait(c, b)
            wait_out(c - RING, b)
            compute(c, b)
        for b in range(N_CHUNKS - N_MAIN, RING):
            wait_out(N_MAIN - RING + b, b)
        for b in range(N_CHUNKS - N_MAIN):
            wait_out(N_MAIN + b, b)

    return k(Tp, src, dst, w2p)


def kernel(node_feat, edge_candidate, num_edge_candidate, nnodes,
           W_enc, b_enc, W1, b1, W2, b2):
    T = _node_projections(node_feat, W_enc, b_enc, W1, b1)
    Tp = jax.lax.bitcast_convert_type(
        T.reshape(N_NODES, HID, 2), jnp.int32)
    w2p = jax.lax.bitcast_convert_type(
        W2[:, 0].astype(jnp.bfloat16).reshape(HID_W, 2), jnp.int32)
    src = edge_candidate[:, 0]
    dst = edge_candidate[:, 1]
    scores = _edge_scores(Tp, src, dst, w2p)
    out = (scores + b2)[:, None]
    edge_rel = jnp.concatenate(
        [jnp.zeros((1,), dtype=nnodes.dtype), jnp.cumsum(nnodes)[:-1]])
    offsets = jnp.repeat(edge_rel, num_edge_candidate,
                         total_repeat_length=E_TOTAL)
    edge_candidate_idx = edge_candidate + offsets[:, None]
    return (out, edge_candidate_idx)

# --- scband reference (transcript-rebuilt; emitter-appended) ---
"""Pipeline reference for scband-edge-selector-37082747634231 (READ-ONLY COPY).

The authoritative reference and input builder live on the scoring server;
editing this copy changes nothing except your own understanding.
"""

import jax, jax.numpy as jnp
import numpy as np

N_NODES = 10000
E_TOTAL = 320000
D = 128
HID = 64
ENSEMBLE = 1

def setup_inputs(seed: int = 0) -> dict:
    key = jax.random.key(seed)
    k = jax.random.split(key, 8)
    node_feat = jax.random.normal(k[0], (N_NODES, D), dtype=jnp.float32)
    # per-graph-local candidate pairs (single graph in this batch, so local == global)
    edge_candidate = jax.random.randint(k[1], (E_TOTAL, 2), 0, N_NODES, dtype=jnp.int32)
    num_edge_candidate = jnp.array([E_TOTAL], dtype=jnp.int32)
    nnodes = jnp.array([N_NODES], dtype=jnp.int32)
    # atom encoder modeled as a linear layer in_dim -> in_dim
    W_enc = jax.random.normal(k[2], (D, D), dtype=jnp.float32) * (1.0 / np.sqrt(D))
    b_enc = jnp.zeros((D,), dtype=jnp.float32)
    # MLP dims: [2*in_dim] + [hid]*(mlp_layer-1) + [ensemble] = [256, 64, 1]
    W1 = jax.random.normal(k[3], (2 * D, HID), dtype=jnp.float32) * (1.0 / np.sqrt(2 * D))
    b1 = jnp.zeros((HID,), dtype=jnp.float32)
    W2 = jax.random.normal(k[4], (HID, ENSEMBLE), dtype=jnp.float32) * (1.0 / np.sqrt(HID))
    b2 = jnp.zeros((ENSEMBLE,), dtype=jnp.float32)
    return {"node_feat": node_feat, "edge_candidate": edge_candidate,
            "num_edge_candidate": num_edge_candidate, "nnodes": nnodes,
            "W_enc": W_enc, "b_enc": b_enc, "W1": W1, "b1": b1, "W2": W2, "b2": b2}

def reference(node_feat, edge_candidate, num_edge_candidate, nnodes, W_enc, b_enc, W1, b1, W2, b2):
    # atom_encoder
    x = node_feat @ W_enc + b_enc
    # edge_rel = hstack([0, cumsum(nnodes)[:-1]])
    edge_rel = jnp.concatenate([jnp.zeros((1,), dtype=nnodes.dtype), jnp.cumsum(nnodes)[:-1]])
    # repeat_interleave(edge_rel, num_edge_candidate)
    offsets = jnp.repeat(edge_rel, num_edge_candidate, total_repeat_length=E_TOTAL)
    edge_candidate_idx = edge_candidate + offsets[:, None]
    # gather endpoint features and hstack
    src = jnp.take(x, edge_candidate_idx[:, 0], axis=0)
    dst = jnp.take(x, edge_candidate_idx[:, 1], axis=0)
    ec = jnp.concatenate([src, dst], axis=1)
    # MLP (no BN, dropout=0): Linear->ReLU->Linear
    h = jax.nn.relu(ec @ W1 + b1)
    out = h @ W2 + b2
    return (out, edge_candidate_idx)

if __name__ == "__main__":
    import jax
    _d = setup_inputs()
    print(jax.jit(kernel)(*tuple(_d.values())))

</pallas_src>

<mosaic_0001>
#map = affine_map<(d0, d1) -> (0, 0)>
#map1 = affine_map<(d0, d1) -> (0)>
module attributes {stable_mosaic.version = 14 : i64} {
  func.func @k(%arg0: i32, %arg1: i32, %arg2: memref<10000x64xi32, #tpu.memory_space<hbm>>, %arg3: memref<320000xi32, #tpu.memory_space<hbm>>, %arg4: memref<320000xi32, #tpu.memory_space<hbm>>, %arg5: memref<32xi32, #tpu.memory_space<hbm>>, %arg6: memref<320000xf32, #tpu.memory_space<hbm>>, %arg7: memref<10000xi32, #tpu.memory_space<vmem>>, %arg8: memref<10000xi32, #tpu.memory_space<vmem>>, %arg9: memref<200x64xi32, #tpu.memory_space<vmem>>, %arg10: memref<200x64xi32, #tpu.memory_space<vmem>>, %arg11: memref<200x64xi32, #tpu.memory_space<vmem>>, %arg12: memref<200x64xi32, #tpu.memory_space<vmem>>, %arg13: memref<200x64xi32, #tpu.memory_space<vmem>>, %arg14: memref<200x64xi32, #tpu.memory_space<vmem>>, %arg15: memref<200x64xi32, #tpu.memory_space<vmem>>, %arg16: memref<200x64xi32, #tpu.memory_space<vmem>>, %arg17: memref<3328xf32, #tpu.memory_space<vmem>>, %arg18: memref<32xi32, #tpu.memory_space<vmem>>, %arg19: memref<208xf32, #tpu.memory_space<vmem>>, %arg20: memref<208xf32, #tpu.memory_space<vmem>>, %arg21: memref<208xf32, #tpu.memory_space<vmem>>, %arg22: memref<208xf32, #tpu.memory_space<vmem>>, %arg23: memref<!tpu.dma_semaphore, #tpu.memory_space<semaphore_mem>>, %arg24: memref<!tpu.dma_semaphore, #tpu.memory_space<semaphore_mem>>, %arg25: memref<!tpu.dma_semaphore, #tpu.memory_space<semaphore_mem>>, %arg26: memref<!tpu.dma_semaphore, #tpu.memory_space<semaphore_mem>>, %arg27: memref<!tpu.dma_semaphore, #tpu.memory_space<semaphore_mem>>) attributes {dimension_semantics = [#tpu.dimension_semantics<core_parallel>, #tpu.dimension_semantics<subcore_parallel>], iteration_bounds = array<i64: 2, 16>, scalar_prefetch = 0 : i64, scratch_operands = 21 : i64, tpu.core_type = #tpu.core_type<sc_vector_subcore>, window_params = [{transform_indices = #map}, {transform_indices = #map1}, {transform_indices = #map1}, {transform_indices = #map1}, {transform_indices = #map1}]} {
    %mul3A = arith.constant 2 : i32
    %mul3A_0 = arith.muli %arg1, %mul3A : i32
    %add3A = arith.addi %mul3A_0, %arg0 : i32
    %mul3A_1 = arith.constant 10000 : i32
    %mul3A_2 = arith.muli %add3A, %mul3A_1 : i32
    "tpu.region"() ({
      %run_scoped3A = tpu.sem_alloc : memref<!tpu.dma_semaphore, #tpu.memory_space<semaphore_mem>>
      tpu.enqueue_dma source(%arg5 : memref<32xi32, #tpu.memory_space<hbm>>) target(%arg18 : memref<32xi32, #tpu.memory_space<vmem>>) target_semaphore(%run_scoped3A : memref<!tpu.dma_semaphore, #tpu.memory_space<semaphore_mem>>)
      tpu.wait_dma2 semaphore(%run_scoped3A : memref<!tpu.dma_semaphore, #tpu.memory_space<semaphore_mem>>) src(%arg5 : memref<32xi32, #tpu.memory_space<hbm>>) dst(%arg18 : memref<32xi32, #tpu.memory_space<vmem>>)
      tpu.yield
    }) : () -> ()
    "tpu.region"() ({
      %run_scoped3A = tpu.sem_alloc : memref<!tpu.dma_semaphore, #tpu.memory_space<semaphore_mem>>
      %dma_start3A_163 = tpu.memref_slice %arg3[%mul3A_2] : memref<320000xi32, #tpu.memory_space<hbm>> -> memref<10000xi32, #tpu.memory_space<hbm>>
      %dma_start3A_164 = tpu.memref_slice %arg3[%mul3A_2] : memref<320000xi32, #tpu.memory_space<hbm>> -> memref<10000xi32, #tpu.memory_space<hbm>>
      tpu.enqueue_dma source(%dma_start3A_164 : memref<10000xi32, #tpu.memory_space<hbm>>) target(%arg7 : memref<10000xi32, #tpu.memory_space<vmem>>) target_semaphore(%run_scoped3A : memref<!tpu.dma_semaphore, #tpu.memory_space<semaphore_mem>>)
      %dma_wait3A_165 = tpu.memref_slice %arg3[%mul3A_2] : memref<320000xi32, #tpu.memory_space<hbm>> -> memref<10000xi32, #tpu.memory_space<hbm>>
      %dma_wait3A_166 = tpu.memref_slice %arg3[%mul3A_2] : memref<320000xi32, #tpu.memory_space<hbm>> -> memref<10000xi32, #tpu.memory_space<hbm>>
      tpu.wait_dma2 semaphore(%run_scoped3A : memref<!tpu.dma_semaphore, #tpu.memory_space<semaphore_mem>>) src(%dma_wait3A_166 : memref<10000xi32, #tpu.memory_space<hbm>>) dst(%arg7 : memref<10000xi32, #tpu.memory_space<vmem>>)
      tpu.yield
    }) : () -> ()
    "tpu.region"() ({
      %run_scoped3A = tpu.sem_alloc : memref<!tpu.dma_semaphore, #tpu.memory_space<semaphore_mem>>
      %dma_start3A_163 = tpu.memref_slice %arg4[%mul3A_2] : memref<320000xi32, #tpu.memory_space<hbm>> -> memref<10000xi32, #tpu.memory_space<hbm>>
      %dma_start3A_164 = tpu.memref_slice %arg4[%mul3A_2] : memref<320000xi32, #tpu.memory_space<hbm>> -> memref<10000xi32, #tpu.memory_space<hbm>>
      tpu.enqueue_dma source(%dma_start3A_164 : memref<10000xi32, #tpu.memory_space<hbm>>) target(%arg8 : memref<10000xi32, #tpu.memory_space<vmem>>) target_semaphore(%run_scoped3A : memref<!tpu.dma_semaphore, #tpu.memory_space<semaphore_mem>>)
      %dma_wait3A_165 = tpu.memref_slice %arg4[%mul3A_2] : memref<320000xi32, #tpu.memory_space<hbm>> -> memref<10000xi32, #tpu.memory_space<hbm>>
      %dma_wait3A_166 = tpu.memref_slice %arg4[%mul3A_2] : memref<320000xi32, #tpu.memory_space<hbm>> -> memref<10000xi32, #tpu.memory_space<hbm>>
      tpu.wait_dma2 semaphore(%run_scoped3A : memref<!tpu.dma_semaphore, #tpu.memory_space<semaphore_mem>>) src(%dma_wait3A_166 : memref<10000xi32, #tpu.memory_space<hbm>>) dst(%arg8 : memref<10000xi32, #tpu.memory_space<vmem>>)
      tpu.yield
    }) : () -> ()
    %get3A = arith.constant 0 : index
    %get3A_3 = tpu.vector_load %arg18[%get3A] {strides = array<i32>} : memref<32xi32, #tpu.memory_space<vmem>>, vector<16xi32>,
    %bitcast3A = vector.bitcast %get3A_3 : vector<16xi32> to vector<32xbf16>
    %get3A_4 = arith.constant 16 : index
    %get3A_5 = tpu.vector_load %arg18[%get3A_4] {strides = array<i32>} : memref<32xi32, #tpu.memory_space<vmem>>, vector<16xi32>,
    %bitcast3A_6 = vector.bitcast %get3A_5 : vector<16xi32> to vector<32xbf16>
    %iota3A = tpu.iota {dimensions = array<i32: 0>} : vector<16xi32>
    %dma_start3A = arith.constant 0 : i32
    %dma_start3A_7 = tpu.memref_slice %arg7[%dma_start3A] : memref<10000xi32, #tpu.memory_space<vmem>> -> memref<200xi32, #tpu.memory_space<vmem>>
    %dma_start3A_8 = arith.constant 0 : i32
    %dma_start3A_9 = arith.constant 0 : i32
    %dma_start3A_10 = tpu.memref_slice %arg2[%dma_start3A_8, %dma_start3A_9] : memref<10000x64xi32, #tpu.memory_space<hbm>> -> memref<10000x64xi32, #tpu.memory_space<hbm>>
    tpu.enqueue_indirect_dma source(%dma_start3A_10 : memref<10000x64xi32, #tpu.memory_space<hbm>>) target(%arg9 : memref<200x64xi32, #tpu.memory_space<vmem>>) offsets(%dma_start3A_7 : memref<200xi32, #tpu.memory_space<vmem>>) semaphore(%arg23 : memref<!tpu.dma_semaphore, #tpu.memory_space<semaphore_mem>>)
    %dma_start3A_11 = arith.constant 0 : i32
    %dma_start3A_12 = tpu.memref_slice %arg8[%dma_start3A_11] : memref<10000xi32, #tpu.memory_space<vmem>> -> memref<200xi32, #tpu.memory_space<vmem>>
    %dma_start3A_13 = arith.constant 0 : i32
    %dma_start3A_14 = arith.constant 0 : i32
    %dma_start3A_15 = tpu.memref_slice %arg2[%dma_start3A_13, %dma_start3A_14] : memref<10000x64xi32, #tpu.memory_space<hbm>> -> memref<10000x64xi32, #tpu.memory_space<hbm>>
    tpu.enqueue_indirect_dma source(%dma_start3A_15 : memref<10000x64xi32, #tpu.memory_space<hbm>>) target(%arg10 : memref<200x64xi32, #tpu.memory_space<vmem>>) offsets(%dma_start3A_12 : memref<200xi32, #tpu.memory_space<vmem>>) semaphore(%arg23 : memref<!tpu.dma_semaphore, #tpu.memory_space<semaphore_mem>>)
    %dma_start3A_16 = arith.constant 200 : i32
    %dma_start3A_17 = tpu.memref_slice %arg7[%dma_start3A_16] : memref<10000xi32, #tpu.memory_space<vmem>> -> memref<200xi32, #tpu.memory_space<vmem>>
    %dma_start3A_18 = arith.constant 0 : i32
    %dma_start3A_19 = arith.constant 0 : i32
    %dma_start3A_20 = tpu.memref_slice %arg2[%dma_start3A_18, %dma_start3A_19] : memref<10000x64xi32, #tpu.memory_space<hbm>> -> memref<10000x64xi32, #tpu.memory_space<hbm>>
    tpu.enqueue_indirect_dma source(%dma_start3A_20 : memref<10000x64xi32, #tpu.memory_space<hbm>>) target(%arg11 : memref<200x64xi32, #tpu.memory_space<vmem>>) offsets(%dma_start3A_17 : memref<200xi32, #tpu.memory_space<vmem>>) semaphore(%arg24 : memref<!tpu.dma_semaphore, #tpu.memory_space<semaphore_mem>>)
    %dma_start3A_21 = arith.constant 200 : i32
    %dma_start3A_22 = tpu.memref_slice %arg8[%dma_start3A_21] : memref<10000xi32, #tpu.memory_space<vmem>> -> memref<200xi32, #tpu.memory_space<vmem>>
    %dma_start3A_23 = arith.constant 0 : i32
    %dma_start3A_24 = arith.constant 0 : i32
    %dma_start3A_25 = tpu.memref_slice %arg2[%dma_start3A_23, %dma_start3A_24] : memref<10000x64xi32, #tpu.memory_space<hbm>> -> memref<10000x64xi32, #tpu.memory_space<hbm>>
    tpu.enqueue_indirect_dma source(%dma_start3A_25 : memref<10000x64xi32, #tpu.memory_space<hbm>>) target(%arg12 : memref<200x64xi32, #tpu.memory_space<vmem>>) offsets(%dma_start3A_22 : memref<200xi32, #tpu.memory_space<vmem>>) semaphore(%arg24 : memref<!tpu.dma_semaphore, #tpu.memory_space<semaphore_mem>>)
    %dma_start3A_26 = arith.constant 400 : i32
    %dma_start3A_27 = tpu.memref_slice %arg7[%dma_start3A_26] : memref<10000xi32, #tpu.memory_space<vmem>> -> memref<200xi32, #tpu.memory_space<vmem>>
    %dma_start3A_28 = arith.constant 0 : i32
    %dma_start3A_29 = arith.constant 0 : i32
    %dma_start3A_30 = tpu.memref_slice %arg2[%dma_start3A_28, %dma_start3A_29] : memref<10000x64xi32, #tpu.memory_space<hbm>> -> memref<10000x64xi32, #tpu.memory_space<hbm>>
    tpu.enqueue_indirect_dma source(%dma_start3A_30 : memref<10000x64xi32, #tpu.memory_space<hbm>>) target(%arg13 : memref<200x64xi32, #tpu.memory_space<vmem>>) offsets(%dma_start3A_27 : memref<200xi32, #tpu.memory_space<vmem>>) semaphore(%arg25 : memref<!tpu.dma_semaphore, #tpu.memory_space<semaphore_mem>>)
    %dma_start3A_31 = arith.constant 400 : i32
    %dma_start3A_32 = tpu.memref_slice %arg8[%dma_start3A_31] : memref<10000xi32, #tpu.memory_space<vmem>> -> memref<200xi32, #tpu.memory_space<vmem>>
    %dma_start3A_33 = arith.constant 0 : i32
    %dma_start3A_34 = arith.constant 0 : i32
    %dma_start3A_35 = tpu.memref_slice %arg2[%dma_start3A_33, %dma_start3A_34] : memref<10000x64xi32, #tpu.memory_space<hbm>> -> memref<10000x64xi32, #tpu.memory_space<hbm>>
    tpu.enqueue_indirect_dma source(%dma_start3A_35 : memref<10000x64xi32, #tpu.memory_space<hbm>>) target(%arg14 : memref<200x64xi32, #tpu.memory_space<vmem>>) offsets(%dma_start3A_32 : memref<200xi32, #tpu.memory_space<vmem>>) semaphore(%arg25 : memref<!tpu.dma_semaphore, #tpu.memory_space<semaphore_mem>>)
    %dma_start3A_36 = arith.constant 600 : i32
    %dma_start3A_37 = tpu.memref_slice %arg7[%dma_start3A_36] : memref<10000xi32, #tpu.memory_space<vmem>> -> memref<200xi32, #tpu.memory_space<vmem>>
    %dma_start3A_38 = arith.constant 0 : i32
    %dma_start3A_39 = arith.constant 0 : i32
    %dma_start3A_40 = tpu.memref_slice %arg2[%dma_start3A_38, %dma_start3A_39] : memref<10000x64xi32, #tpu.memory_space<hbm>> -> memref<10000x64xi32, #tpu.memory_space<hbm>>
    tpu.enqueue_indirect_dma source(%dma_start3A_40 : memref<10000x64xi32, #tpu.memory_space<hbm>>) target(%arg15 : memref<200x64xi32, #tpu.memory_space<vmem>>) offsets(%dma_start3A_37 : memref<200xi32, #tpu.memory_space<vmem>>) semaphore(%arg26 : memref<!tpu.dma_semaphore, #tpu.memory_space<semaphore_mem>>)
    %dma_start3A_41 = arith.constant 600 : i32
    %dma_start3A_42 = tpu.memref_slice %arg8[%dma_start3A_41] : memref<10000xi32, #tpu.memory_space<vmem>> -> memref<200xi32, #tpu.memory_space<vmem>>
    %dma_start3A_43 = arith.constant 0 : i32
    %dma_start3A_44 = arith.constant 0 : i32
    %dma_start3A_45 = tpu.memref_slice %arg2[%dma_start3A_43, %dma_start3A_44] : memref<10000x64xi32, #tpu.memory_space<hbm>> -> memref<10000x64xi32, #tpu.memory_space<hbm>>
    tpu.enqueue_indirect_dma source(%dma_start3A_45 : memref<10000x64xi32, #tpu.memory_space<hbm>>) target(%arg16 : memref<200x64xi32, #tpu.memory_space<vmem>>) offsets(%dma_start3A_42 : memref<200xi32, #tpu.memory_space<vmem>>) semaphore(%arg26 : memref<!tpu.dma_semaphore, #tpu.memory_space<semaphore_mem>>)
    %scan3A = arith.constant 0 : i32
    %scan3A_46 = arith.constant 0 : i32
    %scan3A_47 = arith.constant 12 : i32
    %scan3A_48 = arith.addi %scan3A_46, %scan3A_47 : i32
    %scan3A_49 = arith.constant 1 : i32
    %scan3A_50 = scf.for %scan3A_163 = %scan3A_46 to %scan3A_48 step %scan3A_49 iter_args(%scan3A_164 = %scan3A) -> (i32)  : i32 {
      %mul3A_165 = arith.constant 4 : i32
      %mul3A_166 = arith.muli %scan3A_163, %mul3A_165 : i32
      %add3A_167 = arith.constant 0 : i32
      %add3A_168 = arith.addi %mul3A_166, %add3A_167 : i32
      %mul3A_169 = arith.constant 200 : i32
      %mul3A_170 = arith.muli %add3A_168, %mul3A_169 : i32
      %dma_wait3A_171 = tpu.memref_slice %arg7[%mul3A_170] : memref<10000xi32, #tpu.memory_space<vmem>> -> memref<200xi32, #tpu.memory_space<vmem>>
      %dma_wait3A_172 = arith.constant 0 : i32
      %dma_wait3A_173 = arith.constant 0 : i32
      %dma_wait3A_174 = tpu.memref_slice %arg2[%dma_wait3A_172, %dma_wait3A_173] : memref<10000x64xi32, #tpu.memory_space<hbm>> -> memref<10000x64xi32, #tpu.memory_space<hbm>>
      tpu.wait_indirect_dma semaphore(%arg23 : memref<!tpu.dma_semaphore, #tpu.memory_space<semaphore_mem>>) src(%dma_wait3A_174 : memref<10000x64xi32, #tpu.memory_space<hbm>>) dst(%arg9 : memref<200x64xi32, #tpu.memory_space<vmem>>)
      %dma_wait3A_175 = tpu.memref_slice %arg8[%mul3A_170] : memref<10000xi32, #tpu.memory_space<vmem>> -> memref<200xi32, #tpu.memory_space<vmem>>
      %dma_wait3A_176 = arith.constant 0 : i32
      %dma_wait3A_177 = arith.constant 0 : i32
      %dma_wait3A_178 = tpu.memref_slice %arg2[%dma_wait3A_176, %dma_wait3A_177] : memref<10000x64xi32, #tpu.memory_space<hbm>> -> memref<10000x64xi32, #tpu.memory_space<hbm>>
      tpu.wait_indirect_dma semaphore(%arg23 : memref<!tpu.dma_semaphore, #tpu.memory_space<semaphore_mem>>) src(%dma_wait3A_178 : memref<10000x64xi32, #tpu.memory_space<hbm>>) dst(%arg10 : memref<200x64xi32, #tpu.memory_space<vmem>>)
      %ge3A = arith.constant 4 : i32
      %ge3A_179 = arith.cmpi sge, %add3A_168, %ge3A : i32
      %convert_element_type3A = arith.extui %ge3A_179 : i1 to i32
      %cond3A = arith.constant 0 : i32
      %cond3A_180 = arith.cmpi ne, %convert_element_type3A, %cond3A : i32
      scf.if %cond3A_180 {
        %sub3A = arith.constant 4 : i32
        %sub3A_358 = arith.subi %add3A_168, %sub3A : i32
        %mul3A_359 = arith.constant 200 : i32
        %mul3A_360 = arith.muli %sub3A_358, %mul3A_359 : i32
        %add3A_361 = arith.addi %mul3A_2, %mul3A_360 : i32
        %dma_wait3A_362 = arith.constant 0 : i32
        %dma_wait3A_363 = tpu.memref_slice %arg19[%dma_wait3A_362] : memref<208xf32, #tpu.memory_space<vmem>> -> memref<200xf32, #tpu.memory_space<vmem>>
        %dma_wait3A_364 = tpu.memref_slice %arg6[%add3A_361] : memref<320000xf32, #tpu.memory_space<hbm>> -> memref<200xf32, #tpu.memory_space<hbm>>
        %dma_wait3A_365 = tpu.memref_slice %arg6[%add3A_361] : memref<320000xf32, #tpu.memory_space<hbm>> -> memref<200xf32, #tpu.memory_space<hbm>>
        %dma_wait3A_366 = arith.constant 0 : i32
        %dma_wait3A_367 = tpu.memref_slice %arg19[%dma_wait3A_366] : memref<208xf32, #tpu.memory_space<vmem>> -> memref<200xf32, #tpu.memory_space<vmem>>
        tpu.wait_dma2 semaphore(%arg27 : memref<!tpu.dma_semaphore, #tpu.memory_space<semaphore_mem>>) src(%dma_wait3A_367 : memref<200xf32, #tpu.memory_space<vmem>>) dst(%dma_wait3A_365 : memref<200xf32, #tpu.memory_space<hbm>>)
      } else {
      }
      %scan3A_181 = arith.constant 0 : i32
      %scan3A_182 = arith.constant 0 : i32
      %scan3A_183 = arith.constant 50 : i32
      %scan3A_184 = arith.addi %scan3A_182, %scan3A_183 : i32
      %scan3A_185 = arith.constant 1 : i32
      %scan3A_186 = scf.for %scan3A_358 = %scan3A_182 to %scan3A_184 step %scan3A_185 iter_args(%scan3A_359 = %scan3A_181) -> (i32)  : i32 {
        %mul3A_360 = arith.constant 4 : i32
        %mul3A_361 = arith.muli %scan3A_358, %mul3A_360 : i32
        %add3A_362 = arith.constant 0 : i32
        %add3A_363 = arith.addi %mul3A_361, %add3A_362 : i32
        %get3A_364 = arith.index_cast %add3A_363 : i32 to index
        %get3A_365 = arith.constant 0 : index
        %get3A_366 = tpu.vector_load %arg9[%get3A_364, %get3A_365] {strides = array<i32>} : memref<200x64xi32, #tpu.memory_space<vmem>>, vector<16xi32>,
        %bitcast3A_367 = vector.bitcast %get3A_366 : vector<16xi32> to vector<32xbf16>
        %add3A_368 = arith.constant 0 : i32
        %add3A_369 = arith.addi %mul3A_361, %add3A_368 : i32
        %get3A_370 = arith.index_cast %add3A_369 : i32 to index
        %get3A_371 = arith.constant 16 : index
        %get3A_372 = tpu.vector_load %arg9[%get3A_370, %get3A_371] {strides = array<i32>} : memref<200x64xi32, #tpu.memory_space<vmem>>, vector<16xi32>,
        %bitcast3A_373 = vector.bitcast %get3A_372 : vector<16xi32> to vector<32xbf16>
        %add3A_374 = arith.constant 1 : i32
        %add3A_375 = arith.addi %mul3A_361, %add3A_374 : i32
        %get3A_376 = arith.index_cast %add3A_375 : i32 to index
        %get3A_377 = arith.constant 0 : index
        %get3A_378 = tpu.vector_load %arg9[%get3A_376, %get3A_377] {strides = array<i32>} : memref<200x64xi32, #tpu.memory_space<vmem>>, vector<16xi32>,
        %bitcast3A_379 = vector.bitcast %get3A_378 : vector<16xi32> to vector<32xbf16>
        %add3A_380 = arith.constant 1 : i32
        %add3A_381 = arith.addi %mul3A_361, %add3A_380 : i32
        %get3A_382 = arith.index_cast %add3A_381 : i32 to index
        %get3A_383 = arith.constant 16 : index
        %get3A_384 = tpu.vector_load %arg9[%get3A_382, %get3A_383] {strides = array<i32>} : memref<200x64xi32, #tpu.memory_space<vmem>>, vector<16xi32>,
        %bitcast3A_385 = vector.bitcast %get3A_384 : vector<16xi32> to vector<32xbf16>
        %add3A_386 = arith.constant 2 : i32
        %add3A_387 = arith.addi %mul3A_361, %add3A_386 : i32
        %get3A_388 = arith.index_cast %add3A_387 : i32 to index
        %get3A_389 = arith.constant 0 : index
        %get3A_390 = tpu.vector_load %arg9[%get3A_388, %get3A_389] {strides = array<i32>} : memref<200x64xi32, #tpu.memory_space<vmem>>, vector<16xi32>,
        %bitcast3A_391 = vector.bitcast %get3A_390 : vector<16xi32> to vector<32xbf16>
        %add3A_392 = arith.constant 2 : i32
        %add3A_393 = arith.addi %mul3A_361, %add3A_392 : i32
        %get3A_394 = arith.index_cast %add3A_393 : i32 to index
        %get3A_395 = arith.constant 16 : index
        %get3A_396 = tpu.vector_load %arg9[%get3A_394, %get3A_395] {strides = array<i32>} : memref<200x64xi32, #tpu.memory_space<vmem>>, vector<16xi32>,
        %bitcast3A_397 = vector.bitcast %get3A_396 : vector<16xi32> to vector<32xbf16>
        %add3A_398 = arith.constant 3 : i32
        %add3A_399 = arith.addi %mul3A_361, %add3A_398 : i32
        %get3A_400 = arith.index_cast %add3A_399 : i32 to index
        %get3A_401 = arith.constant 0 : index
        %get3A_402 = tpu.vector_load %arg9[%get3A_400, %get3A_401] {strides = array<i32>} : memref<200x64xi32, #tpu.memory_space<vmem>>, vector<16xi32>,
        %bitcast3A_403 = vector.bitcast %get3A_402 : vector<16xi32> to vector<32xbf16>
        %add3A_404 = arith.constant 3 : i32
        %add3A_405 = arith.addi %mul3A_361, %add3A_404 : i32
        %get3A_406 = arith.index_cast %add3A_405 : i32 to index
        %get3A_407 = arith.constant 16 : index
        %get3A_408 = tpu.vector_load %arg9[%get3A_406, %get3A_407] {strides = array<i32>} : memref<200x64xi32, #tpu.memory_space<vmem>>, vector<16xi32>,
        %bitcast3A_409 = vector.bitcast %get3A_408 : vector<16xi32> to vector<32xbf16>
        %add3A_410 = arith.constant 0 : i32
        %add3A_411 = arith.addi %mul3A_361, %add3A_410 : i32
        %get3A_412 = arith.index_cast %add3A_411 : i32 to index
        %get3A_413 = arith.constant 32 : index
        %get3A_414 = tpu.vector_load %arg10[%get3A_412, %get3A_413] {strides = array<i32>} : memref<200x64xi32, #tpu.memory_space<vmem>>, vector<16xi32>,
        %bitcast3A_415 = vector.bitcast %get3A_414 : vector<16xi32> to vector<32xbf16>
        %add3A_416 = arith.constant 0 : i32
        %add3A_417 = arith.addi %mul3A_361, %add3A_416 : i32
        %get3A_418 = arith.index_cast %add3A_417 : i32 to index
        %get3A_419 = arith.constant 48 : index
        %get3A_420 = tpu.vector_load %arg10[%get3A_418, %get3A_419] {strides = array<i32>} : memref<200x64xi32, #tpu.memory_space<vmem>>, vector<16xi32>,
        %bitcast3A_421 = vector.bitcast %get3A_420 : vector<16xi32> to vector<32xbf16>
        %add3A_422 = arith.constant 1 : i32
        %add3A_423 = arith.addi %mul3A_361, %add3A_422 : i32
        %get3A_424 = arith.index_cast %add3A_423 : i32 to index
        %get3A_425 = arith.constant 32 : index
        %get3A_426 = tpu.vector_load %arg10[%get3A_424, %get3A_425] {strides = array<i32>} : memref<200x64xi32, #tpu.memory_space<vmem>>, vector<16xi32>,
        %bitcast3A_427 = vector.bitcast %get3A_426 : vector<16xi32> to vector<32xbf16>
        %add3A_428 = arith.constant 1 : i32
        %add3A_429 = arith.addi %mul3A_361, %add3A_428 : i32
        %get3A_430 = arith.index_cast %add3A_429 : i32 to index
        %get3A_431 = arith.constant 48 : index
        %get3A_432 = tpu.vector_load %arg10[%get3A_430, %get3A_431] {strides = array<i32>} : memref<200x64xi32, #tpu.memory_space<vmem>>, vector<16xi32>,
        %bitcast3A_433 = vector.bitcast %get3A_432 : vector<16xi32> to vector<32xbf16>
        %add3A_434 = arith.constant 2 : i32
        %add3A_435 = arith.addi %mul3A_361, %add3A_434 : i32
        %get3A_436 = arith.index_cast %add3A_435 : i32 to index
        %get3A_437 = arith.constant 32 : index
        %get3A_438 = tpu.vector_load %arg10[%get3A_436, %get3A_437] {strides = array<i32>} : memref<200x64xi32, #tpu.memory_space<vmem>>, vector<16xi32>,
        %bitcast3A_439 = vector.bitcast %get3A_438 : vector<16xi32> to vector<32xbf16>
        %add3A_440 = arith.constant 2 : i32
        %add3A_441 = arith.addi %mul3A_361, %add3A_440 : i32
        %get3A_442 = arith.index_cast %add3A_441 : i32 to index
        %get3A_443 = arith.constant 48 : index
        %get3A_444 = tpu.vector_load %arg10[%get3A_442, %get3A_443] {strides = array<i32>} : memref<200x64xi32, #tpu.memory_space<vmem>>, vector<16xi32>,
        %bitcast3A_445 = vector.bitcast %get3A_444 : vector<16xi32> to vector<32xbf16>
        %add3A_446 = arith.constant 3 : i32
        %add3A_447 = arith.addi %mul3A_361, %add3A_446 : i32
        %get3A_448 = arith.index_cast %add3A_447 : i32 to index
        %get3A_449 = arith.constant 32 : index
        %get3A_450 = tpu.vector_load %arg10[%get3A_448, %get3A_449] {strides = array<i32>} : memref<200x64xi32, #tpu.memory_space<vmem>>, vector<16xi32>,
        %bitcast3A_451 = vector.bitcast %get3A_450 : vector<16xi32> to vector<32xbf16>
        %add3A_452 = arith.constant 3 : i32
        %add3A_453 = arith.addi %mul3A_361, %add3A_452 : i32
        %get3A_454 = arith.index_cast %add3A_453 : i32 to index
        %get3A_455 = arith.constant 48 : index
        %get3A_456 = tpu.vector_load %arg10[%get3A_454, %get3A_455] {strides = array<i32>} : memref<200x64xi32, #tpu.memory_space<vmem>>, vector<16xi32>,
        %bitcast3A_457 = vector.bitcast %get3A_456 : vector<16xi32> to vector<32xbf16>
        %add3A_458 = arith.addf %bitcast3A_367, %bitcast3A_415 : vector<32xbf16>
        %max3A = arith.constant 0.000000e+00 : bf16
        %max3A_459 = vector.broadcast %max3A : bf16 to vector<32xbf16>
        %max3A_460 = arith.maximumf %add3A_458, %max3A_459 : vector<32xbf16>
        %mul3A_461 = arith.mulf %max3A_460, %bitcast3A : vector<32xbf16>
        %add3A_462 = arith.addf %bitcast3A_373, %bitcast3A_421 : vector<32xbf16>
        %max3A_463 = arith.constant 0.000000e+00 : bf16
        %max3A_464 = vector.broadcast %max3A_463 : bf16 to vector<32xbf16>
        %max3A_465 = arith.maximumf %add3A_462, %max3A_464 : vector<32xbf16>
        %mul3A_466 = arith.mulf %max3A_465, %bitcast3A_6 : vector<32xbf16>
        %add3A_467 = arith.addf %mul3A_461, %mul3A_466 : vector<32xbf16>
        %unpack3A = tpu.unpack_subelements %add3A_467, 0 {pack_format = #tpu.pack_format<interleaved>} : vector<32xbf16> -> vector<16xf32>
        %unpack3A_468 = tpu.unpack_subelements %add3A_467, 1 {pack_format = #tpu.pack_format<interleaved>} : vector<32xbf16> -> vector<16xf32>
        %add3A_469 = arith.addf %unpack3A, %unpack3A_468 : vector<16xf32>
        %add3A_470 = arith.constant 0 : i32
        %add3A_471 = arith.addi %mul3A_361, %add3A_470 : i32
        %mul3A_472 = arith.constant 16 : i32
        %mul3A_473 = arith.muli %add3A_471, %mul3A_472 : i32
        %swap3A = arith.index_cast %mul3A_473 : i32 to index
        %swap3A_474 = tpu.vector_load %arg17[%swap3A] {strides = array<i32>} : memref<3328xf32, #tpu.memory_space<vmem>>, vector<16xf32>,
        tpu.vector_store %arg17[%swap3A], %add3A_469 {strides = array<i32>} : memref<3328xf32, #tpu.memory_space<vmem>>, vector<16xf32>,
        %add3A_475 = arith.addf %bitcast3A_379, %bitcast3A_427 : vector<32xbf16>
        %max3A_476 = arith.constant 0.000000e+00 : bf16
        %max3A_477 = vector.broadcast %max3A_476 : bf16 to vector<32xbf16>
        %max3A_478 = arith.maximumf %add3A_475, %max3A_477 : vector<32xbf16>
        %mul3A_479 = arith.mulf %max3A_478, %bitcast3A : vector<32xbf16>
        %add3A_480 = arith.addf %bitcast3A_385, %bitcast3A_433 : vector<32xbf16>
        %max3A_481 = arith.constant 0.000000e+00 : bf16
        %max3A_482 = vector.broadcast %max3A_481 : bf16 to vector<32xbf16>
        %max3A_483 = arith.maximumf %add3A_480, %max3A_482 : vector<32xbf16>
        %mul3A_484 = arith.mulf %max3A_483, %bitcast3A_6 : vector<32xbf16>
        %add3A_485 = arith.addf %mul3A_479, %mul3A_484 : vector<32xbf16>
        %unpack3A_486 = tpu.unpack_subelements %add3A_485, 0 {pack_format = #tpu.pack_format<interleaved>} : vector<32xbf16> -> vector<16xf32>
        %unpack3A_487 = tpu.unpack_subelements %add3A_485, 1 {pack_format = #tpu.pack_format<interleaved>} : vector<32xbf16> -> vector<16xf32>
        %add3A_488 = arith.addf %unpack3A_486, %unpack3A_487 : vector<16xf32>
        %add3A_489 = arith.constant 1 : i32
        %add3A_490 = arith.addi %mul3A_361, %add3A_489 : i32
        %mul3A_491 = arith.constant 16 : i32
        %mul3A_492 = arith.muli %add3A_490, %mul3A_491 : i32
        %swap3A_493 = arith.index_cast %mul3A_492 : i32 to index
        %swap3A_494 = tpu.vector_load %arg17[%swap3A_493] {strides = array<i32>} : memref<3328xf32, #tpu.memory_space<vmem>>, vector<16xf32>,
        tpu.vector_store %arg17[%swap3A_493], %add3A_488 {strides = array<i32>} : memref<3328xf32, #tpu.memory_space<vmem>>, vector<16xf32>,
        %add3A_495 = arith.addf %bitcast3A_391, %bitcast3A_439 : vector<32xbf16>
        %max3A_496 = arith.constant 0.000000e+00 : bf16
        %max3A_497 = vector.broadcast %max3A_496 : bf16 to vector<32xbf16>
        %max3A_498 = arith.maximumf %add3A_495, %max3A_497 : vector<32xbf16>
        %mul3A_499 = arith.mulf %max3A_498, %bitcast3A : vector<32xbf16>
        %add3A_500 = arith.addf %bitcast3A_397, %bitcast3A_445 : vector<32xbf16>
        %max3A_501 = arith.constant 0.000000e+00 : bf16
        %max3A_502 = vector.broadcast %max3A_501 : bf16 to vector<32xbf16>
        %max3A_503 = arith.maximumf %add3A_500, %max3A_502 : vector<32xbf16>
        %mul3A_504 = arith.mulf %max3A_503, %bitcast3A_6 : vector<32xbf16>
        %add3A_505 = arith.addf %mul3A_499, %mul3A_504 : vector<32xbf16>
        %unpack3A_506 = tpu.unpack_subelements %add3A_505, 0 {pack_format = #tpu.pack_format<interleaved>} : vector<32xbf16> -> vector<16xf32>
        %unpack3A_507 = tpu.unpack_subelements %add3A_505, 1 {pack_format = #tpu.pack_format<interleaved>} : vector<32xbf16> -> vector<16xf32>
        %add3A_508 = arith.addf %unpack3A_506, %unpack3A_507 : vector<16xf32>
        %add3A_509 = arith.constant 2 : i32
        %add3A_510 = arith.addi %mul3A_361, %add3A_509 : i32
        %mul3A_511 = arith.constant 16 : i32
        %mul3A_512 = arith.muli %add3A_510, %mul3A_511 : i32
        %swap3A_513 = arith.index_cast %mul3A_512 : i32 to index
        %swap3A_514 = tpu.vector_load %arg17[%swap3A_513] {strides = array<i32>} : memref<3328xf32, #tpu.memory_space<vmem>>, vector<16xf32>,
        tpu.vector_store %arg17[%swap3A_513], %add3A_508 {strides = array<i32>} : memref<3328xf32, #tpu.memory_space<vmem>>, vector<16xf32>,
        %add3A_515 = arith.addf %bitcast3A_403, %bitcast3A_451 : vector<32xbf16>
        %max3A_516 = arith.constant 0.000000e+00 : bf16
        %max3A_517 = vector.broadcast %max3A_516 : bf16 to vector<32xbf16>
        %max3A_518 = arith.maximumf %add3A_515, %max3A_517 : vector<32xbf16>
        %mul3A_519 = arith.mulf %max3A_518, %bitcast3A : vector<32xbf16>
        %add3A_520 = arith.addf %bitcast3A_409, %bitcast3A_457 : vector<32xbf16>
        %max3A_521 = arith.constant 0.000000e+00 : bf16
        %max3A_522 = vector.broadcast %max3A_521 : bf16 to vector<32xbf16>
        %max3A_523 = arith.maximumf %add3A_520, %max3A_522 : vector<32xbf16>
        %mul3A_524 = arith.mulf %max3A_523, %bitcast3A_6 : vector<32xbf16>
        %add3A_525 = arith.addf %mul3A_519, %mul3A_524 : vector<32xbf16>
        %unpack3A_526 = tpu.unpack_subelements %add3A_525, 0 {pack_format = #tpu.pack_format<interleaved>} : vector<32xbf16> -> vector<16xf32>
        %unpack3A_527 = tpu.unpack_subelements %add3A_525, 1 {pack_format = #tpu.pack_format<interleaved>} : vector<32xbf16> -> vector<16xf32>
        %add3A_528 = arith.addf %unpack3A_526, %unpack3A_527 : vector<16xf32>
        %add3A_529 = arith.constant 3 : i32
        %add3A_530 = arith.addi %mul3A_361, %add3A_529 : i32
        %mul3A_531 = arith.constant 16 : i32
        %mul3A_532 = arith.muli %add3A_530, %mul3A_531 : i32
        %swap3A_533 = arith.index_cast %mul3A_532 : i32 to index
        %swap3A_534 = tpu.vector_load %arg17[%swap3A_533] {strides = array<i32>} : memref<3328xf32, #tpu.memory_space<vmem>>, vector<16xf32>,
        tpu.vector_store %arg17[%swap3A_533], %add3A_528 {strides = array<i32>} : memref<3328xf32, #tpu.memory_space<vmem>>, vector<16xf32>,
        %scan3A_535 = arith.constant 0 : i32
        scf.yield %scan3A_535 : i32
      }
      %scan3A_187 = arith.constant 50 : i32
      %scan3A_188 = arith.constant 0 : i32
      %scan3A_189 = arith.constant 0 : i32
      %scan3A_190 = arith.constant 13 : i32
      %scan3A_191 = arith.addi %scan3A_189, %scan3A_190 : i32
      %scan3A_192 = arith.constant 1 : i32
      %scan3A_193 = scf.for %scan3A_358 = %scan3A_189 to %scan3A_191 step %scan3A_192 iter_args(%scan3A_359 = %scan3A_188) -> (i32)  : i32 {
        %mul3A_360 = arith.constant 16 : i32
        %mul3A_361 = arith.muli %scan3A_358, %mul3A_360 : i32
        %add3A_362 = vector.broadcast %mul3A_361 : i32 to vector<16xi32>
        %add3A_363 = arith.addi %add3A_362, %iota3A : vector<16xi32>
        %mul3A_364 = arith.constant 16 : i32
        %mul3A_365 = vector.broadcast %mul3A_364 : i32 to vector<16xi32>
        %mul3A_366 = arith.muli %add3A_363, %mul3A_365 : vector<16xi32>
        %add3A_367 = arith.constant 0 : i32
        %add3A_368 = vector.broadcast %add3A_367 : i32 to vector<16xi32>
        %add3A_369 = arith.addi %mul3A_366, %add3A_368 : vector<16xi32>
        %gather3A = tpu.vector_load_idx %arg17[%add3A_369] : memref<3328xf32, #tpu.memory_space<vmem>>[vector<16xi32>], vector<16xf32>,
        %add3A_370 = arith.constant 1 : i32
        %add3A_371 = vector.broadcast %add3A_370 : i32 to vector<16xi32>
        %add3A_372 = arith.addi %mul3A_366, %add3A_371 : vector<16xi32>
        %gather3A_373 = tpu.vector_load_idx %arg17[%add3A_372] : memref<3328xf32, #tpu.memory_space<vmem>>[vector<16xi32>], vector<16xf32>,
        %add3A_374 = arith.addf %gather3A, %gather3A_373 : vector<16xf32>
        %add3A_375 = arith.constant 2 : i32
        %add3A_376 = vector.broadcast %add3A_375 : i32 to vector<16xi32>
        %add3A_377 = arith.addi %mul3A_366, %add3A_376 : vector<16xi32>
        %gather3A_378 = tpu.vector_load_idx %arg17[%add3A_377] : memref<3328xf32, #tpu.memory_space<vmem>>[vector<16xi32>], vector<16xf32>,
        %add3A_379 = arith.addf %add3A_374, %gather3A_378 : vector<16xf32>
        %add3A_380 = arith.constant 3 : i32
        %add3A_381 = vector.broadcast %add3A_380 : i32 to vector<16xi32>
        %add3A_382 = arith.addi %mul3A_366, %add3A_381 : vector<16xi32>
        %gather3A_383 = tpu.vector_load_idx %arg17[%add3A_382] : memref<3328xf32, #tpu.memory_space<vmem>>[vector<16xi32>], vector<16xf32>,
        %add3A_384 = arith.addf %add3A_379, %gather3A_383 : vector<16xf32>
        %add3A_385 = arith.constant 4 : i32
        %add3A_386 = vector.broadcast %add3A_385 : i32 to vector<16xi32>
        %add3A_387 = arith.addi %mul3A_366, %add3A_386 : vector<16xi32>
        %gather3A_388 = tpu.vector_load_idx %arg17[%add3A_387] : memref<3328xf32, #tpu.memory_space<vmem>>[vector<16xi32>], vector<16xf32>,
        %add3A_389 = arith.addf %add3A_384, %gather3A_388 : vector<16xf32>
        %add3A_390 = arith.constant 5 : i32
        %add3A_391 = vector.broadcast %add3A_390 : i32 to vector<16xi32>
        %add3A_392 = arith.addi %mul3A_366, %add3A_391 : vector<16xi32>
        %gather3A_393 = tpu.vector_load_idx %arg17[%add3A_392] : memref<3328xf32, #tpu.memory_space<vmem>>[vector<16xi32>], vector<16xf32>,
        %add3A_394 = arith.addf %add3A_389, %gather3A_393 : vector<16xf32>
        %add3A_395 = arith.constant 6 : i32
        %add3A_396 = vector.broadcast %add3A_395 : i32 to vector<16xi32>
        %add3A_397 = arith.addi %mul3A_366, %add3A_396 : vector<16xi32>
        %gather3A_398 = tpu.vector_load_idx %arg17[%add3A_397] : memref<3328xf32, #tpu.memory_space<vmem>>[vector<16xi32>], vector<16xf32>,
        %add3A_399 = arith.addf %add3A_394, %gather3A_398 : vector<16xf32>
        %add3A_400 = arith.constant 7 : i32
        %add3A_401 = vector.broadcast %add3A_400 : i32 to vector<16xi32>
        %add3A_402 = arith.addi %mul3A_366, %add3A_401 : vector<16xi32>
        %gather3A_403 = tpu.vector_load_idx %arg17[%add3A_402] : memref<3328xf32, #tpu.memory_space<vmem>>[vector<16xi32>], vector<16xf32>,
        %add3A_404 = arith.addf %add3A_399, %gather3A_403 : vector<16xf32>
        %add3A_405 = arith.constant 8 : i32
        %add3A_406 = vector.broadcast %add3A_405 : i32 to vector<16xi32>
        %add3A_407 = arith.addi %mul3A_366, %add3A_406 : vector<16xi32>
        %gather3A_408 = tpu.vector_load_idx %arg17[%add3A_407] : memref<3328xf32, #tpu.memory_space<vmem>>[vector<16xi32>], vector<16xf32>,
        %add3A_409 = arith.addf %add3A_404, %gather3A_408 : vector<16xf32>
        %add3A_410 = arith.constant 9 : i32
        %add3A_411 = vector.broadcast %add3A_410 : i32 to vector<16xi32>
        %add3A_412 = arith.addi %mul3A_366, %add3A_411 : vector<16xi32>
        %gather3A_413 = tpu.vector_load_idx %arg17[%add3A_412] : memref<3328xf32, #tpu.memory_space<vmem>>[vector<16xi32>], vector<16xf32>,
        %add3A_414 = arith.addf %add3A_409, %gather3A_413 : vector<16xf32>
        %add3A_415 = arith.constant 10 : i32
        %add3A_416 = vector.broadcast %add3A_415 : i32 to vector<16xi32>
        %add3A_417 = arith.addi %mul3A_366, %add3A_416 : vector<16xi32>
        %gather3A_418 = tpu.vector_load_idx %arg17[%add3A_417] : memref<3328xf32, #tpu.memory_space<vmem>>[vector<16xi32>], vector<16xf32>,
        %add3A_419 = arith.addf %add3A_414, %gather3A_418 : vector<16xf32>
        %add3A_420 = arith.constant 11 : i32
        %add3A_421 = vector.broadcast %add3A_420 : i32 to vector<16xi32>
        %add3A_422 = arith.addi %mul3A_366, %add3A_421 : vector<16xi32>
        %gather3A_423 = tpu.vector_load_idx %arg17[%add3A_422] : memref<3328xf32, #tpu.memory_space<vmem>>[vector<16xi32>], vector<16xf32>,
        %add3A_424 = arith.addf %add3A_419, %gather3A_423 : vector<16xf32>
        %add3A_425 = arith.constant 12 : i32
        %add3A_426 = vector.broadcast %add3A_425 : i32 to vector<16xi32>
        %add3A_427 = arith.addi %mul3A_366, %add3A_426 : vector<16xi32>
        %gather3A_428 = tpu.vector_load_idx %arg17[%add3A_427] : memref<3328xf32, #tpu.memory_space<vmem>>[vector<16xi32>], vector<16xf32>,
        %add3A_429 = arith.addf %add3A_424, %gather3A_428 : vector<16xf32>
        %add3A_430 = arith.constant 13 : i32
        %add3A_431 = vector.broadcast %add3A_430 : i32 to vector<16xi32>
        %add3A_432 = arith.addi %mul3A_366, %add3A_431 : vector<16xi32>
        %gather3A_433 = tpu.vector_load_idx %arg17[%add3A_432] : memref<3328xf32, #tpu.memory_space<vmem>>[vector<16xi32>], vector<16xf32>,
        %add3A_434 = arith.addf %add3A_429, %gather3A_433 : vector<16xf32>
        %add3A_435 = arith.constant 14 : i32
        %add3A_436 = vector.broadcast %add3A_435 : i32 to vector<16xi32>
        %add3A_437 = arith.addi %mul3A_366, %add3A_436 : vector<16xi32>
        %gather3A_438 = tpu.vector_load_idx %arg17[%add3A_437] : memref<3328xf32, #tpu.memory_space<vmem>>[vector<16xi32>], vector<16xf32>,
        %add3A_439 = arith.addf %add3A_434, %gather3A_438 : vector<16xf32>
        %add3A_440 = arith.constant 15 : i32
        %add3A_441 = vector.broadcast %add3A_440 : i32 to vector<16xi32>
        %add3A_442 = arith.addi %mul3A_366, %add3A_441 : vector<16xi32>
        %gather3A_443 = tpu.vector_load_idx %arg17[%add3A_442] : memref<3328xf32, #tpu.memory_space<vmem>>[vector<16xi32>], vector<16xf32>,
        %add3A_444 = arith.addf %add3A_439, %gather3A_443 : vector<16xf32>
        %mul3A_445 = arith.constant 16 : i32
        %mul3A_446 = arith.muli %scan3A_358, %mul3A_445 : i32
        %swap3A = arith.index_cast %mul3A_446 : i32 to index
        %swap3A_447 = tpu.vector_load %arg19[%swap3A] {strides = array<i32>} : memref<208xf32, #tpu.memory_space<vmem>>, vector<16xf32>,
        tpu.vector_store %arg19[%swap3A], %add3A_444 {strides = array<i32>} : memref<208xf32, #tpu.memory_space<vmem>>, vector<16xf32>,
        %scan3A_448 = arith.constant 0 : i32
        scf.yield %scan3A_448 : i32
      }
      %scan3A_194 = arith.constant 13 : i32
      %mul3A_195 = arith.constant 200 : i32
      %mul3A_196 = arith.muli %add3A_168, %mul3A_195 : i32
      %add3A_197 = arith.addi %mul3A_2, %mul3A_196 : i32
      %dma_start3A_198 = arith.constant 0 : i32
      %dma_start3A_199 = tpu.memref_slice %arg19[%dma_start3A_198] : memref<208xf32, #tpu.memory_space<vmem>> -> memref<200xf32, #tpu.memory_space<vmem>>
      %dma_start3A_200 = tpu.memref_slice %arg6[%add3A_197] : memref<320000xf32, #tpu.memory_space<hbm>> -> memref<200xf32, #tpu.memory_space<hbm>>
      %dma_start3A_201 = tpu.memref_slice %arg6[%add3A_197] : memref<320000xf32, #tpu.memory_space<hbm>> -> memref<200xf32, #tpu.memory_space<hbm>>
      %dma_start3A_202 = arith.constant 0 : i32
      %dma_start3A_203 = tpu.memref_slice %arg19[%dma_start3A_202] : memref<208xf32, #tpu.memory_space<vmem>> -> memref<200xf32, #tpu.memory_space<vmem>>
      tpu.enqueue_dma source(%dma_start3A_203 : memref<200xf32, #tpu.memory_space<vmem>>) target(%dma_start3A_201 : memref<200xf32, #tpu.memory_space<hbm>>) target_semaphore(%arg27 : memref<!tpu.dma_semaphore, #tpu.memory_space<semaphore_mem>>)
      %add3A_204 = arith.constant 4 : i32
      %add3A_205 = arith.addi %add3A_168, %add3A_204 : i32
      %lt3A = arith.constant 50 : i32
      %lt3A_206 = arith.cmpi slt, %add3A_205, %lt3A : i32
      %convert_element_type3A_207 = arith.extui %lt3A_206 : i1 to i32
      %cond3A_208 = arith.constant 0 : i32
      %cond3A_209 = arith.cmpi ne, %convert_element_type3A_207, %cond3A_208 : i32
      scf.if %cond3A_209 {
        %add3A_358 = arith.constant 4 : i32
        %add3A_359 = arith.addi %add3A_168, %add3A_358 : i32
        %mul3A_360 = arith.constant 200 : i32
        %mul3A_361 = arith.muli %add3A_359, %mul3A_360 : i32
        %dma_start3A_362 = tpu.memref_slice %arg7[%mul3A_361] : memref<10000xi32, #tpu.memory_space<vmem>> -> memref<200xi32, #tpu.memory_space<vmem>>
        %dma_start3A_363 = arith.constant 0 : i32
        %dma_start3A_364 = arith.constant 0 : i32
        %dma_start3A_365 = tpu.memref_slice %arg2[%dma_start3A_363, %dma_start3A_364] : memref<10000x64xi32, #tpu.memory_space<hbm>> -> memref<10000x64xi32, #tpu.memory_space<hbm>>
        tpu.enqueue_indirect_dma source(%dma_start3A_365 : memref<10000x64xi32, #tpu.memory_space<hbm>>) target(%arg9 : memref<200x64xi32, #tpu.memory_space<vmem>>) offsets(%dma_start3A_362 : memref<200xi32, #tpu.memory_space<vmem>>) semaphore(%arg23 : memref<!tpu.dma_semaphore, #tpu.memory_space<semaphore_mem>>)
        %dma_start3A_366 = tpu.memref_slice %arg8[%mul3A_361] : memref<10000xi32, #tpu.memory_space<vmem>> -> memref<200xi32, #tpu.memory_space<vmem>>
        %dma_start3A_367 = arith.constant 0 : i32
        %dma_start3A_368 = arith.constant 0 : i32
        %dma_start3A_369 = tpu.memref_slice %arg2[%dma_start3A_367, %dma_start3A_368] : memref<10000x64xi32, #tpu.memory_space<hbm>> -> memref<10000x64xi32, #tpu.memory_space<hbm>>
        tpu.enqueue_indirect_dma source(%dma_start3A_369 : memref<10000x64xi32, #tpu.memory_space<hbm>>) target(%arg10 : memref<200x64xi32, #tpu.memory_space<vmem>>) offsets(%dma_start3A_366 : memref<200xi32, #tpu.memory_space<vmem>>) semaphore(%arg23 : memref<!tpu.dma_semaphore, #tpu.memory_space<semaphore_mem>>)
      } else {
      }
      %mul3A_210 = arith.constant 4 : i32
      %mul3A_211 = arith.muli %scan3A_163, %mul3A_210 : i32
      %add3A_212 = arith.constant 1 : i32
      %add3A_213 = arith.addi %mul3A_211, %add3A_212 : i32
      %mul3A_214 = arith.constant 200 : i32
      %mul3A_215 = arith.muli %add3A_213, %mul3A_214 : i32
      %dma_wait3A_216 = tpu.memref_slice %arg7[%mul3A_215] : memref<10000xi32, #tpu.memory_space<vmem>> -> memref<200xi32, #tpu.memory_space<vmem>>
      %dma_wait3A_217 = arith.constant 0 : i32
      %dma_wait3A_218 = arith.constant 0 : i32
      %dma_wait3A_219 = tpu.memref_slice %arg2[%dma_wait3A_217, %dma_wait3A_218] : memref<10000x64xi32, #tpu.memory_space<hbm>> -> memref<10000x64xi32, #tpu.memory_space<hbm>>
      tpu.wait_indirect_dma semaphore(%arg24 : memref<!tpu.dma_semaphore, #tpu.memory_space<semaphore_mem>>) src(%dma_wait3A_219 : memref<10000x64xi32, #tpu.memory_space<hbm>>) dst(%arg11 : memref<200x64xi32, #tpu.memory_space<vmem>>)
      %dma_wait3A_220 = tpu.memref_slice %arg8[%mul3A_215] : memref<10000xi32, #tpu.memory_space<vmem>> -> memref<200xi32, #tpu.memory_space<vmem>>
      %dma_wait3A_221 = arith.constant 0 : i32
      %dma_wait3A_222 = arith.constant 0 : i32
      %dma_wait3A_223 = tpu.memref_slice %arg2[%dma_wait3A_221, %dma_wait3A_222] : memref<10000x64xi32, #tpu.memory_space<hbm>> -> memref<10000x64xi32, #tpu.memory_space<hbm>>
      tpu.wait_indirect_dma semaphore(%arg24 : memref<!tpu.dma_semaphore, #tpu.memory_space<semaphore_mem>>) src(%dma_wait3A_223 : memref<10000x64xi32, #tpu.memory_space<hbm>>) dst(%arg12 : memref<200x64xi32, #tpu.memory_space<vmem>>)
      %ge3A_224 = arith.constant 4 : i32
      %ge3A_225 = arith.cmpi sge, %add3A_213, %ge3A_224 : i32
      %convert_element_type3A_226 = arith.extui %ge3A_225 : i1 to i32
      %cond3A_227 = arith.constant 0 : i32
      %cond3A_228 = arith.cmpi ne, %convert_element_type3A_226, %cond3A_227 : i32
      scf.if %cond3A_228 {
        %sub3A = arith.constant 4 : i32
        %sub3A_358 = arith.subi %add3A_213, %sub3A : i32
        %mul3A_359 = arith.constant 200 : i32
        %mul3A_360 = arith.muli %sub3A_358, %mul3A_359 : i32
        %add3A_361 = arith.addi %mul3A_2, %mul3A_360 : i32
        %dma_wait3A_362 = arith.constant 0 : i32
        %dma_wait3A_363 = tpu.memref_slice %arg20[%dma_wait3A_362] : memref<208xf32, #tpu.memory_space<vmem>> -> memref<200xf32, #tpu.memory_space<vmem>>
        %dma_wait3A_364 = tpu.memref_slice %arg6[%add3A_361] : memref<320000xf32, #tpu.memory_space<hbm>> -> memref<200xf32, #tpu.memory_space<hbm>>
        %dma_wait3A_365 = tpu.memref_slice %arg6[%add3A_361] : memref<320000xf32, #tpu.memory_space<hbm>> -> memref<200xf32, #tpu.memory_space<hbm>>
        %dma_wait3A_366 = arith.constant 0 : i32
        %dma_wait3A_367 = tpu.memref_slice %arg20[%dma_wait3A_366] : memref<208xf32, #tpu.memory_space<vmem>> -> memref<200xf32, #tpu.memory_space<vmem>>
        tpu.wait_dma2 semaphore(%arg27 : memref<!tpu.dma_semaphore, #tpu.memory_space<semaphore_mem>>) src(%dma_wait3A_367 : memref<200xf32, #tpu.memory_space<vmem>>) dst(%dma_wait3A_365 : memref<200xf32, #tpu.memory_space<hbm>>)
      } else {
      }
      %scan3A_229 = arith.constant 0 : i32
      %scan3A_230 = arith.constant 0 : i32
      %scan3A_231 = arith.constant 50 : i32
      %scan3A_232 = arith.addi %scan3A_230, %scan3A_231 : i32
      %scan3A_233 = arith.constant 1 : i32
      %scan3A_234 = scf.for %scan3A_358 = %scan3A_230 to %scan3A_232 step %scan3A_233 iter_args(%scan3A_359 = %scan3A_229) -> (i32)  : i32 {
        %mul3A_360 = arith.constant 4 : i32
        %mul3A_361 = arith.muli %scan3A_358, %mul3A_360 : i32
        %add3A_362 = arith.constant 0 : i32
        %add3A_363 = arith.addi %mul3A_361, %add3A_362 : i32
        %get3A_364 = arith.index_cast %add3A_363 : i32 to index
        %get3A_365 = arith.constant 0 : index
        %get3A_366 = tpu.vector_load %arg11[%get3A_364, %get3A_365] {strides = array<i32>} : memref<200x64xi32, #tpu.memory_space<vmem>>, vector<16xi32>,
        %bitcast3A_367 = vector.bitcast %get3A_366 : vector<16xi32> to vector<32xbf16>
        %add3A_368 = arith.constant 0 : i32
        %add3A_369 = arith.addi %mul3A_361, %add3A_368 : i32
        %get3A_370 = arith.index_cast %add3A_369 : i32 to index
        %get3A_371 = arith.constant 16 : index
        %get3A_372 = tpu.vector_load %arg11[%get3A_370, %get3A_371] {strides = array<i32>} : memref<200x64xi32, #tpu.memory_space<vmem>>, vector<16xi32>,
        %bitcast3A_373 = vector.bitcast %get3A_372 : vector<16xi32> to vector<32xbf16>
        %add3A_374 = arith.constant 1 : i32
        %add3A_375 = arith.addi %mul3A_361, %add3A_374 : i32
        %get3A_376 = arith.index_cast %add3A_375 : i32 to index
        %get3A_377 = arith.constant 0 : index
        %get3A_378 = tpu.vector_load %arg11[%get3A_376, %get3A_377] {strides = array<i32>} : memref<200x64xi32, #tpu.memory_space<vmem>>, vector<16xi32>,
        %bitcast3A_379 = vector.bitcast %get3A_378 : vector<16xi32> to vector<32xbf16>
        %add3A_380 = arith.constant 1 : i32
        %add3A_381 = arith.addi %mul3A_361, %add3A_380 : i32
        %get3A_382 = arith.index_cast %add3A_381 : i32 to index
        %get3A_383 = arith.constant 16 : index
        %get3A_384 = tpu.vector_load %arg11[%get3A_382, %get3A_383] {strides = array<i32>} : memref<200x64xi32, #tpu.memory_space<vmem>>, vector<16xi32>,
        %bitcast3A_385 = vector.bitcast %get3A_384 : vector<16xi32> to vector<32xbf16>
        %add3A_386 = arith.constant 2 : i32
        %add3A_387 = arith.addi %mul3A_361, %add3A_386 : i32
        %get3A_388 = arith.index_cast %add3A_387 : i32 to index
        %get3A_389 = arith.constant 0 : index
        %get3A_390 = tpu.vector_load %arg11[%get3A_388, %get3A_389] {strides = array<i32>} : memref<200x64xi32, #tpu.memory_space<vmem>>, vector<16xi32>,
        %bitcast3A_391 = vector.bitcast %get3A_390 : vector<16xi32> to vector<32xbf16>
        %add3A_392 = arith.constant 2 : i32
        %add3A_393 = arith.addi %mul3A_361, %add3A_392 : i32
        %get3A_394 = arith.index_cast %add3A_393 : i32 to index
        %get3A_395 = arith.constant 16 : index
        %get3A_396 = tpu.vector_load %arg11[%get3A_394, %get3A_395] {strides = array<i32>} : memref<200x64xi32, #tpu.memory_space<vmem>>, vector<16xi32>,
        %bitcast3A_397 = vector.bitcast %get3A_396 : vector<16xi32> to vector<32xbf16>
        %add3A_398 = arith.constant 3 : i32
        %add3A_399 = arith.addi %mul3A_361, %add3A_398 : i32
        %get3A_400 = arith.index_cast %add3A_399 : i32 to index
        %get3A_401 = arith.constant 0 : index
        %get3A_402 = tpu.vector_load %arg11[%get3A_400, %get3A_401] {strides = array<i32>} : memref<200x64xi32, #tpu.memory_space<vmem>>, vector<16xi32>,
        %bitcast3A_403 = vector.bitcast %get3A_402 : vector<16xi32> to vector<32xbf16>
        %add3A_404 = arith.constant 3 : i32
        %add3A_405 = arith.addi %mul3A_361, %add3A_404 : i32
        %get3A_406 = arith.index_cast %add3A_405 : i32 to index
        %get3A_407 = arith.constant 16 : index
        %get3A_408 = tpu.vector_load %arg11[%get3A_406, %get3A_407] {strides = array<i32>} : memref<200x64xi32, #tpu.memory_space<vmem>>, vector<16xi32>,
        %bitcast3A_409 = vector.bitcast %get3A_408 : vector<16xi32> to vector<32xbf16>
        %add3A_410 = arith.constant 0 : i32
        %add3A_411 = arith.addi %mul3A_361, %add3A_410 : i32
        %get3A_412 = arith.index_cast %add3A_411 : i32 to index
        %get3A_413 = arith.constant 32 : index
        %get3A_414 = tpu.vector_load %arg12[%get3A_412, %get3A_413] {strides = array<i32>} : memref<200x64xi32, #tpu.memory_space<vmem>>, vector<16xi32>,
        %bitcast3A_415 = vector.bitcast %get3A_414 : vector<16xi32> to vector<32xbf16>
        %add3A_416 = arith.constant 0 : i32
        %add3A_417 = arith.addi %mul3A_361, %add3A_416 : i32
        %get3A_418 = arith.index_cast %add3A_417 : i32 to index
        %get3A_419 = arith.constant 48 : index
        %get3A_420 = tpu.vector_load %arg12[%get3A_418, %get3A_419] {strides = array<i32>} : memref<200x64xi32, #tpu.memory_space<vmem>>, vector<16xi32>,
        %bitcast3A_421 = vector.bitcast %get3A_420 : vector<16xi32> to vector<32xbf16>
        %add3A_422 = arith.constant 1 : i32
        %add3A_423 = arith.addi %mul3A_361, %add3A_422 : i32
        %get3A_424 = arith.index_cast %add3A_423 : i32 to index
        %get3A_425 = arith.constant 32 : index
        %get3A_426 = tpu.vector_load %arg12[%get3A_424, %get3A_425] {strides = array<i32>} : memref<200x64xi32, #tpu.memory_space<vmem>>, vector<16xi32>,
        %bitcast3A_427 = vector.bitcast %get3A_426 : vector<16xi32> to vector<32xbf16>
        %add3A_428 = arith.constant 1 : i32
        %add3A_429 = arith.addi %mul3A_361, %add3A_428 : i32
        %get3A_430 = arith.index_cast %add3A_429 : i32 to index
        %get3A_431 = arith.constant 48 : index
        %get3A_432 = tpu.vector_load %arg12[%get3A_430, %get3A_431] {strides = array<i32>} : memref<200x64xi32, #tpu.memory_space<vmem>>, vector<16xi32>,
        %bitcast3A_433 = vector.bitcast %get3A_432 : vector<16xi32> to vector<32xbf16>
        %add3A_434 = arith.constant 2 : i32
        %add3A_435 = arith.addi %mul3A_361, %add3A_434 : i32
        %get3A_436 = arith.index_cast %add3A_435 : i32 to index
        %get3A_437 = arith.constant 32 : index
        %get3A_438 = tpu.vector_load %arg12[%get3A_436, %get3A_437] {strides = array<i32>} : memref<200x64xi32, #tpu.memory_space<vmem>>, vector<16xi32>,
        %bitcast3A_439 = vector.bitcast %get3A_438 : vector<16xi32> to vector<32xbf16>
        %add3A_440 = arith.constant 2 : i32
        %add3A_441 = arith.addi %mul3A_361, %add3A_440 : i32
        %get3A_442 = arith.index_cast %add3A_441 : i32 to index
        %get3A_443 = arith.constant 48 : index
        %get3A_444 = tpu.vector_load %arg12[%get3A_442, %get3A_443] {strides = array<i32>} : memref<200x64xi32, #tpu.memory_space<vmem>>, vector<16xi32>,
        %bitcast3A_445 = vector.bitcast %get3A_444 : vector<16xi32> to vector<32xbf16>
        %add3A_446 = arith.constant 3 : i32
        %add3A_447 = arith.addi %mul3A_361, %add3A_446 : i32
        %get3A_448 = arith.index_cast %add3A_447 : i32 to index
        %get3A_449 = arith.constant 32 : index
        %get3A_450 = tpu.vector_load %arg12[%get3A_448, %get3A_449] {strides = array<i32>} : memref<200x64xi32, #tpu.memory_space<vmem>>, vector<16xi32>,
        %bitcast3A_451 = vector.bitcast %get3A_450 : vector<16xi32> to vector<32xbf16>
        %add3A_452 = arith.constant 3 : i32
        %add3A_453 = arith.addi %mul3A_361, %add3A_452 : i32
        %get3A_454 = arith.index_cast %add3A_453 : i32 to index
        %get3A_455 = arith.constant 48 : index
        %get3A_456 = tpu.vector_load %arg12[%get3A_454, %get3A_455] {strides = array<i32>} : memref<200x64xi32, #tpu.memory_space<vmem>>, vector<16xi32>,
        %bitcast3A_457 = vector.bitcast %get3A_456 : vector<16xi32> to vector<32xbf16>
        %add3A_458 = arith.addf %bitcast3A_367, %bitcast3A_415 : vector<32xbf16>
        %max3A = arith.constant 0.000000e+00 : bf16
        %max3A_459 = vector.broadcast %max3A : bf16 to vector<32xbf16>
        %max3A_460 = arith.maximumf %add3A_458, %max3A_459 : vector<32xbf16>
        %mul3A_461 = arith.mulf %max3A_460, %bitcast3A : vector<32xbf16>
        %add3A_462 = arith.addf %bitcast3A_373, %bitcast3A_421 : vector<32xbf16>
        %max3A_463 = arith.constant 0.000000e+00 : bf16
        %max3A_464 = vector.broadcast %max3A_463 : bf16 to vector<32xbf16>
        %max3A_465 = arith.maximumf %add3A_462, %max3A_464 : vector<32xbf16>
        %mul3A_466 = arith.mulf %max3A_465, %bitcast3A_6 : vector<32xbf16>
        %add3A_467 = arith.addf %mul3A_461, %mul3A_466 : vector<32xbf16>
        %unpack3A = tpu.unpack_subelements %add3A_467, 0 {pack_format = #tpu.pack_format<interleaved>} : vector<32xbf16> -> vector<16xf32>
        %unpack3A_468 = tpu.unpack_subelements %add3A_467, 1 {pack_format = #tpu.pack_format<interleaved>} : vector<32xbf16> -> vector<16xf32>
        %add3A_469 = arith.addf %unpack3A, %unpack3A_468 : vector<16xf32>
        %add3A_470 = arith.constant 0 : i32
        %add3A_471 = arith.addi %mul3A_361, %add3A_470 : i32
        %mul3A_472 = arith.constant 16 : i32
        %mul3A_473 = arith.muli %add3A_471, %mul3A_472 : i32
        %swap3A = arith.index_cast %mul3A_473 : i32 to index
        %swap3A_474 = tpu.vector_load %arg17[%swap3A] {strides = array<i32>} : memref<3328xf32, #tpu.memory_space<vmem>>, vector<16xf32>,
        tpu.vector_store %arg17[%swap3A], %add3A_469 {strides = array<i32>} : memref<3328xf32, #tpu.memory_space<vmem>>, vector<16xf32>,
        %add3A_475 = arith.addf %bitcast3A_379, %bitcast3A_427 : vector<32xbf16>
        %max3A_476 = arith.constant 0.000000e+00 : bf16
        %max3A_477 = vector.broadcast %max3A_476 : bf16 to vector<32xbf16>
        %max3A_478 = arith.maximumf %add3A_475, %max3A_477 : vector<32xbf16>
        %mul3A_479 = arith.mulf %max3A_478, %bitcast3A : vector<32xbf16>
        %add3A_480 = arith.addf %bitcast3A_385, %bitcast3A_433 : vector<32xbf16>
        %max3A_481 = arith.constant 0.000000e+00 : bf16
        %max3A_482 = vector.broadcast %max3A_481 : bf16 to vector<32xbf16>
        %max3A_483 = arith.maximumf %add3A_480, %max3A_482 : vector<32xbf16>
        %mul3A_484 = arith.mulf %max3A_483, %bitcast3A_6 : vector<32xbf16>
        %add3A_485 = arith.addf %mul3A_479, %mul3A_484 : vector<32xbf16>
        %unpack3A_486 = tpu.unpack_subelements %add3A_485, 0 {pack_format = #tpu.pack_format<interleaved>} : vector<32xbf16> -> vector<16xf32>
        %unpack3A_487 = tpu.unpack_subelements %add3A_485, 1 {pack_format = #tpu.pack_format<interleaved>} : vector<32xbf16> -> vector<16xf32>
        %add3A_488 = arith.addf %unpack3A_486, %unpack3A_487 : vector<16xf32>
        %add3A_489 = arith.constant 1 : i32
        %add3A_490 = arith.addi %mul3A_361, %add3A_489 : i32
        %mul3A_491 = arith.constant 16 : i32
        %mul3A_492 = arith.muli %add3A_490, %mul3A_491 : i32
        %swap3A_493 = arith.index_cast %mul3A_492 : i32 to index
        %swap3A_494 = tpu.vector_load %arg17[%swap3A_493] {strides = array<i32>} : memref<3328xf32, #tpu.memory_space<vmem>>, vector<16xf32>,
        tpu.vector_store %arg17[%swap3A_493], %add3A_488 {strides = array<i32>} : memref<3328xf32, #tpu.memory_space<vmem>>, vector<16xf32>,
        %add3A_495 = arith.addf %bitcast3A_391, %bitcast3A_439 : vector<32xbf16>
        %max3A_496 = arith.constant 0.000000e+00 : bf16
        %max3A_497 = vector.broadcast %max3A_496 : bf16 to vector<32xbf16>
        %max3A_498 = arith.maximumf %add3A_495, %max3A_497 : vector<32xbf16>
        %mul3A_499 = arith.mulf %max3A_498, %bitcast3A : vector<32xbf16>
        %add3A_500 = arith.addf %bitcast3A_397, %bitcast3A_445 : vector<32xbf16>
        %max3A_501 = arith.constant 0.000000e+00 : bf16
        %max3A_502 = vector.broadcast %max3A_501 : bf16 to vector<32xbf16>
        %max3A_503 = arith.maximumf %add3A_500, %max3A_502 : vector<32xbf16>
        %mul3A_504 = arith.mulf %max3A_503, %bitcast3A_6 : vector<32xbf16>
        %add3A_505 = arith.addf %mul3A_499, %mul3A_504 : vector<32xbf16>
        %unpack3A_506 = tpu.unpack_subelements %add3A_505, 0 {pack_format = #tpu.pack_format<interleaved>} : vector<32xbf16> -> vector<16xf32>
        %unpack3A_507 = tpu.unpack_subelements %add3A_505, 1 {pack_format = #tpu.pack_format<interleaved>} : vector<32xbf16> -> vector<16xf32>
        %add3A_508 = arith.addf %unpack3A_506, %unpack3A_507 : vector<16xf32>
        %add3A_509 = arith.constant 2 : i32
        %add3A_510 = arith.addi %mul3A_361, %add3A_509 : i32
        %mul3A_511 = arith.constant 16 : i32
        %mul3A_512 = arith.muli %add3A_510, %mul3A_511 : i32
        %swap3A_513 = arith.index_cast %mul3A_512 : i32 to index
        %swap3A_514 = tpu.vector_load %arg17[%swap3A_513] {strides = array<i32>} : memref<3328xf32, #tpu.memory_space<vmem>>, vector<16xf32>,
        tpu.vector_store %arg17[%swap3A_513], %add3A_508 {strides = array<i32>} : memref<3328xf32, #tpu.memory_space<vmem>>, vector<16xf32>,
        %add3A_515 = arith.addf %bitcast3A_403, %bitcast3A_451 : vector<32xbf16>
        %max3A_516 = arith.constant 0.000000e+00 : bf16
        %max3A_517 = vector.broadcast %max3A_516 : bf16 to vector<32xbf16>
        %max3A_518 = arith.maximumf %add3A_515, %max3A_517 : vector<32xbf16>
        %mul3A_519 = arith.mulf %max3A_518, %bitcast3A : vector<32xbf16>
        %add3A_520 = arith.addf %bitcast3A_409, %bitcast3A_457 : vector<32xbf16>
        %max3A_521 = arith.constant 0.000000e+00 : bf16
        %max3A_522 = vector.broadcast %max3A_521 : bf16 to vector<32xbf16>
        %max3A_523 = arith.maximumf %add3A_520, %max3A_522 : vector<32xbf16>
        %mul3A_524 = arith.mulf %max3A_523, %bitcast3A_6 : vector<32xbf16>
        %add3A_525 = arith.addf %mul3A_519, %mul3A_524 : vector<32xbf16>
        %unpack3A_526 = tpu.unpack_subelements %add3A_525, 0 {pack_format = #tpu.pack_format<interleaved>} : vector<32xbf16> -> vector<16xf32>
        %unpack3A_527 = tpu.unpack_subelements %add3A_525, 1 {pack_format = #tpu.pack_format<interleaved>} : vector<32xbf16> -> vector<16xf32>
        %add3A_528 = arith.addf %unpack3A_526, %unpack3A_527 : vector<16xf32>
        %add3A_529 = arith.constant 3 : i32
        %add3A_530 = arith.addi %mul3A_361, %add3A_529 : i32
        %mul3A_531 = arith.constant 16 : i32
        %mul3A_532 = arith.muli %add3A_530, %mul3A_531 : i32
        %swap3A_533 = arith.index_cast %mul3A_532 : i32 to index
        %swap3A_534 = tpu.vector_load %arg17[%swap3A_533] {strides = array<i32>} : memref<3328xf32, #tpu.memory_space<vmem>>, vector<16xf32>,
        tpu.vector_store %arg17[%swap3A_533], %add3A_528 {strides = array<i32>} : memref<3328xf32, #tpu.memory_space<vmem>>, vector<16xf32>,
        %scan3A_535 = arith.constant 0 : i32
        scf.yield %scan3A_535 : i32
      }
      %scan3A_235 = arith.constant 50 : i32
      %scan3A_236 = arith.constant 0 : i32
      %scan3A_237 = arith.constant 0 : i32
      %scan3A_238 = arith.constant 13 : i32
      %scan3A_239 = arith.addi %scan3A_237, %scan3A_238 : i32
      %scan3A_240 = arith.constant 1 : i32
      %scan3A_241 = scf.for %scan3A_358 = %scan3A_237 to %scan3A_239 step %scan3A_240 iter_args(%scan3A_359 = %scan3A_236) -> (i32)  : i32 {
        %mul3A_360 = arith.constant 16 : i32
        %mul3A_361 = arith.muli %scan3A_358, %mul3A_360 : i32
        %add3A_362 = vector.broadcast %mul3A_361 : i32 to vector<16xi32>
        %add3A_363 = arith.addi %add3A_362, %iota3A : vector<16xi32>
        %mul3A_364 = arith.constant 16 : i32
        %mul3A_365 = vector.broadcast %mul3A_364 : i32 to vector<16xi32>
        %mul3A_366 = arith.muli %add3A_363, %mul3A_365 : vector<16xi32>
        %add3A_367 = arith.constant 0 : i32
        %add3A_368 = vector.broadcast %add3A_367 : i32 to vector<16xi32>
        %add3A_369 = arith.addi %mul3A_366, %add3A_368 : vector<16xi32>
        %gather3A = tpu.vector_load_idx %arg17[%add3A_369] : memref<3328xf32, #tpu.memory_space<vmem>>[vector<16xi32>], vector<16xf32>,
        %add3A_370 = arith.constant 1 : i32
        %add3A_371 = vector.broadcast %add3A_370 : i32 to vector<16xi32>
        %add3A_372 = arith.addi %mul3A_366, %add3A_371 : vector<16xi32>
        %gather3A_373 = tpu.vector_load_idx %arg17[%add3A_372] : memref<3328xf32, #tpu.memory_space<vmem>>[vector<16xi32>], vector<16xf32>,
        %add3A_374 = arith.addf %gather3A, %gather3A_373 : vector<16xf32>
        %add3A_375 = arith.constant 2 : i32
        %add3A_376 = vector.broadcast %add3A_375 : i32 to vector<16xi32>
        %add3A_377 = arith.addi %mul3A_366, %add3A_376 : vector<16xi32>
        %gather3A_378 = tpu.vector_load_idx %arg17[%add3A_377] : memref<3328xf32, #tpu.memory_space<vmem>>[vector<16xi32>], vector<16xf32>,
        %add3A_379 = arith.addf %add3A_374, %gather3A_378 : vector<16xf32>
        %add3A_380 = arith.constant 3 : i32
        %add3A_381 = vector.broadcast %add3A_380 : i32 to vector<16xi32>
        %add3A_382 = arith.addi %mul3A_366, %add3A_381 : vector<16xi32>
        %gather3A_383 = tpu.vector_load_idx %arg17[%add3A_382] : memref<3328xf32, #tpu.memory_space<vmem>>[vector<16xi32>], vector<16xf32>,
        %add3A_384 = arith.addf %add3A_379, %gather3A_383 : vector<16xf32>
        %add3A_385 = arith.constant 4 : i32
        %add3A_386 = vector.broadcast %add3A_385 : i32 to vector<16xi32>
        %add3A_387 = arith.addi %mul3A_366, %add3A_386 : vector<16xi32>
        %gather3A_388 = tpu.vector_load_idx %arg17[%add3A_387] : memref<3328xf32, #tpu.memory_space<vmem>>[vector<16xi32>], vector<16xf32>,
        %add3A_389 = arith.addf %add3A_384, %gather3A_388 : vector<16xf32>
        %add3A_390 = arith.constant 5 : i32
        %add3A_391 = vector.broadcast %add3A_390 : i32 to vector<16xi32>
        %add3A_392 = arith.addi %mul3A_366, %add3A_391 : vector<16xi32>
        %gather3A_393 = tpu.vector_load_idx %arg17[%add3A_392] : memref<3328xf32, #tpu.memory_space<vmem>>[vector<16xi32>], vector<16xf32>,
        %add3A_394 = arith.addf %add3A_389, %gather3A_393 : vector<16xf32>
        %add3A_395 = arith.constant 6 : i32
        %add3A_396 = vector.broadcast %add3A_395 : i32 to vector<16xi32>
        %add3A_397 = arith.addi %mul3A_366, %add3A_396 : vector<16xi32>
        %gather3A_398 = tpu.vector_load_idx %arg17[%add3A_397] : memref<3328xf32, #tpu.memory_space<vmem>>[vector<16xi32>], vector<16xf32>,
        %add3A_399 = arith.addf %add3A_394, %gather3A_398 : vector<16xf32>
        %add3A_400 = arith.constant 7 : i32
        %add3A_401 = vector.broadcast %add3A_400 : i32 to vector<16xi32>
        %add3A_402 = arith.addi %mul3A_366, %add3A_401 : vector<16xi32>
        %gather3A_403 = tpu.vector_load_idx %arg17[%add3A_402] : memref<3328xf32, #tpu.memory_space<vmem>>[vector<16xi32>], vector<16xf32>,
        %add3A_404 = arith.addf %add3A_399, %gather3A_403 : vector<16xf32>
        %add3A_405 = arith.constant 8 : i32
        %add3A_406 = vector.broadcast %add3A_405 : i32 to vector<16xi32>
        %add3A_407 = arith.addi %mul3A_366, %add3A_406 : vector<16xi32>
        %gather3A_408 = tpu.vector_load_idx %arg17[%add3A_407] : memref<3328xf32, #tpu.memory_space<vmem>>[vector<16xi32>], vector<16xf32>,
        %add3A_409 = arith.addf %add3A_404, %gather3A_408 : vector<16xf32>
        %add3A_410 = arith.constant 9 : i32
        %add3A_411 = vector.broadcast %add3A_410 : i32 to vector<16xi32>
        %add3A_412 = arith.addi %mul3A_366, %add3A_411 : vector<16xi32>
        %gather3A_413 = tpu.vector_load_idx %arg17[%add3A_412] : memref<3328xf32, #tpu.memory_space<vmem>>[vector<16xi32>], vector<16xf32>,
        %add3A_414 = arith.addf %add3A_409, %gather3A_413 : vector<16xf32>
        %add3A_415 = arith.constant 10 : i32
        %add3A_416 = vector.broadcast %add3A_415 : i32 to vector<16xi32>
        %add3A_417 = arith.addi %mul3A_366, %add3A_416 : vector<16xi32>
        %gather3A_418 = tpu.vector_load_idx %arg17[%add3A_417] : memref<3328xf32, #tpu.memory_space<vmem>>[vector<16xi32>], vector<16xf32>,
        %add3A_419 = arith.addf %add3A_414, %gather3A_418 : vector<16xf32>
        %add3A_420 = arith.constant 11 : i32
        %add3A_421 = vector.broadcast %add3A_420 : i32 to vector<16xi32>
        %add3A_422 = arith.addi %mul3A_366, %add3A_421 : vector<16xi32>
        %gather3A_423 = tpu.vector_load_idx %arg17[%add3A_422] : memref<3328xf32, #tpu.memory_space<vmem>>[vector<16xi32>], vector<16xf32>,
        %add3A_424 = arith.addf %add3A_419, %gather3A_423 : vector<16xf32>
        %add3A_425 = arith.constant 12 : i32
        %add3A_426 = vector.broadcast %add3A_425 : i32 to vector<16xi32>
        %add3A_427 = arith.addi %mul3A_366, %add3A_426 : vector<16xi32>
        %gather3A_428 = tpu.vector_load_idx %arg17[%add3A_427] : memref<3328xf32, #tpu.memory_space<vmem>>[vector<16xi32>], vector<16xf32>,
        %add3A_429 = arith.addf %add3A_424, %gather3A_428 : vector<16xf32>
        %add3A_430 = arith.constant 13 : i32
        %add3A_431 = vector.broadcast %add3A_430 : i32 to vector<16xi32>
        %add3A_432 = arith.addi %mul3A_366, %add3A_431 : vector<16xi32>
        %gather3A_433 = tpu.vector_load_idx %arg17[%add3A_432] : memref<3328xf32, #tpu.memory_space<vmem>>[vector<16xi32>], vector<16xf32>,
        %add3A_434 = arith.addf %add3A_429, %gather3A_433 : vector<16xf32>
        %add3A_435 = arith.constant 14 : i32
        %add3A_436 = vector.broadcast %add3A_435 : i32 to vector<16xi32>
        %add3A_437 = arith.addi %mul3A_366, %add3A_436 : vector<16xi32>
        %gather3A_438 = tpu.vector_load_idx %arg17[%add3A_437] : memref<3328xf32, #tpu.memory_space<vmem>>[vector<16xi32>], vector<16xf32>,
        %add3A_439 = arith.addf %add3A_434, %gather3A_438 : vector<16xf32>
        %add3A_440 = arith.constant 15 : i32
        %add3A_441 = vector.broadcast %add3A_440 : i32 to vector<16xi32>
        %add3A_442 = arith.addi %mul3A_366, %add3A_441 : vector<16xi32>
        %gather3A_443 = tpu.vector_load_idx %arg17[%add3A_442] : memref<3328xf32, #tpu.memory_space<vmem>>[vector<16xi32>], vector<16xf32>,
        %add3A_444 = arith.addf %add3A_439, %gather3A_443 : vector<16xf32>
        %mul3A_445 = arith.constant 16 : i32
        %mul3A_446 = arith.muli %scan3A_358, %mul3A_445 : i32
        %swap3A = arith.index_cast %mul3A_446 : i32 to index
        %swap3A_447 = tpu.vector_load %arg20[%swap3A] {strides = array<i32>} : memref<208xf32, #tpu.memory_space<vmem>>, vector<16xf32>,
        tpu.vector_store %arg20[%swap3A], %add3A_444 {strides = array<i32>} : memref<208xf32, #tpu.memory_space<vmem>>, vector<16xf32>,
        %scan3A_448 = arith.constant 0 : i32
        scf.yield %scan3A_448 : i32
      }
      %scan3A_242 = arith.constant 13 : i32
      %mul3A_243 = arith.constant 200 : i32
      %mul3A_244 = arith.muli %add3A_213, %mul3A_243 : i32
      %add3A_245 = arith.addi %mul3A_2, %mul3A_244 : i32
      %dma_start3A_246 = arith.constant 0 : i32
      %dma_start3A_247 = tpu.memref_slice %arg20[%dma_start3A_246] : memref<208xf32, #tpu.memory_space<vmem>> -> memref<200xf32, #tpu.memory_space<vmem>>
      %dma_start3A_248 = tpu.memref_slice %arg6[%add3A_245] : memref<320000xf32, #tpu.memory_space<hbm>> -> memref<200xf32, #tpu.memory_space<hbm>>
      %dma_start3A_249 = tpu.memref_slice %arg6[%add3A_245] : memref<320000xf32, #tpu.memory_space<hbm>> -> memref<200xf32, #tpu.memory_space<hbm>>
      %dma_start3A_250 = arith.constant 0 : i32
      %dma_start3A_251 = tpu.memref_slice %arg20[%dma_start3A_250] : memref<208xf32, #tpu.memory_space<vmem>> -> memref<200xf32, #tpu.memory_space<vmem>>
      tpu.enqueue_dma source(%dma_start3A_251 : memref<200xf32, #tpu.memory_space<vmem>>) target(%dma_start3A_249 : memref<200xf32, #tpu.memory_space<hbm>>) target_semaphore(%arg27 : memref<!tpu.dma_semaphore, #tpu.memory_space<semaphore_mem>>)
      %add3A_252 = arith.constant 4 : i32
      %add3A_253 = arith.addi %add3A_213, %add3A_252 : i32
      %lt3A_254 = arith.constant 50 : i32
      %lt3A_255 = arith.cmpi slt, %add3A_253, %lt3A_254 : i32
      %convert_element_type3A_256 = arith.extui %lt3A_255 : i1 to i32
      %cond3A_257 = arith.constant 0 : i32
      %cond3A_258 = arith.cmpi ne, %convert_element_type3A_256, %cond3A_257 : i32
      scf.if %cond3A_258 {
        %add3A_358 = arith.constant 4 : i32
        %add3A_359 = arith.addi %add3A_213, %add3A_358 : i32
        %mul3A_360 = arith.constant 200 : i32
        %mul3A_361 = arith.muli %add3A_359, %mul3A_360 : i32
        %dma_start3A_362 = tpu.memref_slice %arg7[%mul3A_361] : memref<10000xi32, #tpu.memory_space<vmem>> -> memref<200xi32, #tpu.memory_space<vmem>>
        %dma_start3A_363 = arith.constant 0 : i32
        %dma_start3A_364 = arith.constant 0 : i32
        %dma_start3A_365 = tpu.memref_slice %arg2[%dma_start3A_363, %dma_start3A_364] : memref<10000x64xi32, #tpu.memory_space<hbm>> -> memref<10000x64xi32, #tpu.memory_space<hbm>>
        tpu.enqueue_indirect_dma source(%dma_start3A_365 : memref<10000x64xi32, #tpu.memory_space<hbm>>) target(%arg11 : memref<200x64xi32, #tpu.memory_space<vmem>>) offsets(%dma_start3A_362 : memref<200xi32, #tpu.memory_space<vmem>>) semaphore(%arg24 : memref<!tpu.dma_semaphore, #tpu.memory_space<semaphore_mem>>)
        %dma_start3A_366 = tpu.memref_slice %arg8[%mul3A_361] : memref<10000xi32, #tpu.memory_space<vmem>> -> memref<200xi32, #tpu.memory_space<vmem>>
        %dma_start3A_367 = arith.constant 0 : i32
        %dma_start3A_368 = arith.constant 0 : i32
        %dma_start3A_369 = tpu.memref_slice %arg2[%dma_start3A_367, %dma_start3A_368] : memref<10000x64xi32, #tpu.memory_space<hbm>> -> memref<10000x64xi32, #tpu.memory_space<hbm>>
        tpu.enqueue_indirect_dma source(%dma_start3A_369 : memref<10000x64xi32, #tpu.memory_space<hbm>>) target(%arg12 : memref<200x64xi32, #tpu.memory_space<vmem>>) offsets(%dma_start3A_366 : memref<200xi32, #tpu.memory_space<vmem>>) semaphore(%arg24 : memref<!tpu.dma_semaphore, #tpu.memory_space<semaphore_mem>>)
      } else {
      }
      %mul3A_259 = arith.constant 4 : i32
      %mul3A_260 = arith.muli %scan3A_163, %mul3A_259 : i32
      %add3A_261 = arith.constant 2 : i32
      %add3A_262 = arith.addi %mul3A_260, %add3A_261 : i32
      %mul3A_263 = arith.constant 200 : i32
      %mul3A_264 = arith.muli %add3A_262, %mul3A_263 : i32
      %dma_wait3A_265 = tpu.memref_slice %arg7[%mul3A_264] : memref<10000xi32, #tpu.memory_space<vmem>> -> memref<200xi32, #tpu.memory_space<vmem>>
      %dma_wait3A_266 = arith.constant 0 : i32
      %dma_wait3A_267 = arith.constant 0 : i32
      %dma_wait3A_268 = tpu.memref_slice %arg2[%dma_wait3A_266, %dma_wait3A_267] : memref<10000x64xi32, #tpu.memory_space<hbm>> -> memref<10000x64xi32, #tpu.memory_space<hbm>>
      tpu.wait_indirect_dma semaphore(%arg25 : memref<!tpu.dma_semaphore, #tpu.memory_space<semaphore_mem>>) src(%dma_wait3A_268 : memref<10000x64xi32, #tpu.memory_space<hbm>>) dst(%arg13 : memref<200x64xi32, #tpu.memory_space<vmem>>)
      %dma_wait3A_269 = tpu.memref_slice %arg8[%mul3A_264] : memref<10000xi32, #tpu.memory_space<vmem>> -> memref<200xi32, #tpu.memory_space<vmem>>
      %dma_wait3A_270 = arith.constant 0 : i32
      %dma_wait3A_271 = arith.constant 0 : i32
      %dma_wait3A_272 = tpu.memref_slice %arg2[%dma_wait3A_270, %dma_wait3A_271] : memref<10000x64xi32, #tpu.memory_space<hbm>> -> memref<10000x64xi32, #tpu.memory_space<hbm>>
      tpu.wait_indirect_dma semaphore(%arg25 : memref<!tpu.dma_semaphore, #tpu.memory_space<semaphore_mem>>) src(%dma_wait3A_272 : memref<10000x64xi32, #tpu.memory_space<hbm>>) dst(%arg14 : memref<200x64xi32, #tpu.memory_space<vmem>>)
      %ge3A_273 = arith.constant 4 : i32
      %ge3A_274 = arith.cmpi sge, %add3A_262, %ge3A_273 : i32
      %convert_element_type3A_275 = arith.extui %ge3A_274 : i1 to i32
      %cond3A_276 = arith.constant 0 : i32
      %cond3A_277 = arith.cmpi ne, %convert_element_type3A_275, %cond3A_276 : i32
      scf.if %cond3A_277 {
        %sub3A = arith.constant 4 : i32
        %sub3A_358 = arith.subi %add3A_262, %sub3A : i32
        %mul3A_359 = arith.constant 200 : i32
        %mul3A_360 = arith.muli %sub3A_358, %mul3A_359 : i32
        %add3A_361 = arith.addi %mul3A_2, %mul3A_360 : i32
        %dma_wait3A_362 = arith.constant 0 : i32
        %dma_wait3A_363 = tpu.memref_slice %arg21[%dma_wait3A_362] : memref<208xf32, #tpu.memory_space<vmem>> -> memref<200xf32, #tpu.memory_space<vmem>>
        %dma_wait3A_364 = tpu.memref_slice %arg6[%add3A_361] : memref<320000xf32, #tpu.memory_space<hbm>> -> memref<200xf32, #tpu.memory_space<hbm>>
        %dma_wait3A_365 = tpu.memref_slice %arg6[%add3A_361] : memref<320000xf32, #tpu.memory_space<hbm>> -> memref<200xf32, #tpu.memory_space<hbm>>
        %dma_wait3A_366 = arith.constant 0 : i32
        %dma_wait3A_367 = tpu.memref_slice %arg21[%dma_wait3A_366] : memref<208xf32, #tpu.memory_space<vmem>> -> memref<200xf32, #tpu.memory_space<vmem>>
        tpu.wait_dma2 semaphore(%arg27 : memref<!tpu.dma_semaphore, #tpu.memory_space<semaphore_mem>>) src(%dma_wait3A_367 : memref<200xf32, #tpu.memory_space<vmem>>) dst(%dma_wait3A_365 : memref<200xf32, #tpu.memory_space<hbm>>)
      } else {
      }
      %scan3A_278 = arith.constant 0 : i32
      %scan3A_279 = arith.constant 0 : i32
      %scan3A_280 = arith.constant 50 : i32
      %scan3A_281 = arith.addi %scan3A_279, %scan3A_280 : i32
      %scan3A_282 = arith.constant 1 : i32
      %scan3A_283 = scf.for %scan3A_358 = %scan3A_279 to %scan3A_281 step %scan3A_282 iter_args(%scan3A_359 = %scan3A_278) -> (i32)  : i32 {
        %mul3A_360 = arith.constant 4 : i32
        %mul3A_361 = arith.muli %scan3A_358, %mul3A_360 : i32
        %add3A_362 = arith.constant 0 : i32
        %add3A_363 = arith.addi %mul3A_361, %add3A_362 : i32
        %get3A_364 = arith.index_cast %add3A_363 : i32 to index
        %get3A_365 = arith.constant 0 : index
        %get3A_366 = tpu.vector_load %arg13[%get3A_364, %get3A_365] {strides = array<i32>} : memref<200x64xi32, #tpu.memory_space<vmem>>, vector<16xi32>,
        %bitcast3A_367 = vector.bitcast %get3A_366 : vector<16xi32> to vector<32xbf16>
        %add3A_368 = arith.constant 0 : i32
        %add3A_369 = arith.addi %mul3A_361, %add3A_368 : i32
        %get3A_370 = arith.index_cast %add3A_369 : i32 to index
        %get3A_371 = arith.constant 16 : index
        %get3A_372 = tpu.vector_load %arg13[%get3A_370, %get3A_371] {strides = array<i32>} : memref<200x64xi32, #tpu.memory_space<vmem>>, vector<16xi32>,
        %bitcast3A_373 = vector.bitcast %get3A_372 : vector<16xi32> to vector<32xbf16>
        %add3A_374 = arith.constant 1 : i32
        %add3A_375 = arith.addi %mul3A_361, %add3A_374 : i32
        %get3A_376 = arith.index_cast %add3A_375 : i32 to index
        %get3A_377 = arith.constant 0 : index
        %get3A_378 = tpu.vector_load %arg13[%get3A_376, %get3A_377] {strides = array<i32>} : memref<200x64xi32, #tpu.memory_space<vmem>>, vector<16xi32>,
        %bitcast3A_379 = vector.bitcast %get3A_378 : vector<16xi32> to vector<32xbf16>
        %add3A_380 = arith.constant 1 : i32
        %add3A_381 = arith.addi %mul3A_361, %add3A_380 : i32
        %get3A_382 = arith.index_cast %add3A_381 : i32 to index
        %get3A_383 = arith.constant 16 : index
        %get3A_384 = tpu.vector_load %arg13[%get3A_382, %get3A_383] {strides = array<i32>} : memref<200x64xi32, #tpu.memory_space<vmem>>, vector<16xi32>,
        %bitcast3A_385 = vector.bitcast %get3A_384 : vector<16xi32> to vector<32xbf16>
        %add3A_386 = arith.constant 2 : i32
        %add3A_387 = arith.addi %mul3A_361, %add3A_386 : i32
        %get3A_388 = arith.index_cast %add3A_387 : i32 to index
        %get3A_389 = arith.constant 0 : index
        %get3A_390 = tpu.vector_load %arg13[%get3A_388, %get3A_389] {strides = array<i32>} : memref<200x64xi32, #tpu.memory_space<vmem>>, vector<16xi32>,
        %bitcast3A_391 = vector.bitcast %get3A_390 : vector<16xi32> to vector<32xbf16>
        %add3A_392 = arith.constant 2 : i32
        %add3A_393 = arith.addi %mul3A_361, %add3A_392 : i32
        %get3A_394 = arith.index_cast %add3A_393 : i32 to index
        %get3A_395 = arith.constant 16 : index
        %get3A_396 = tpu.vector_load %arg13[%get3A_394, %get3A_395] {strides = array<i32>} : memref<200x64xi32, #tpu.memory_space<vmem>>, vector<16xi32>,
        %bitcast3A_397 = vector.bitcast %get3A_396 : vector<16xi32> to vector<32xbf16>
        %add3A_398 = arith.constant 3 : i32
        %add3A_399 = arith.addi %mul3A_361, %add3A_398 : i32
        %get3A_400 = arith.index_cast %add3A_399 : i32 to index
        %get3A_401 = arith.constant 0 : index
        %get3A_402 = tpu.vector_load %arg13[%get3A_400, %get3A_401] {strides = array<i32>} : memref<200x64xi32, #tpu.memory_space<vmem>>, vector<16xi32>,
        %bitcast3A_403 = vector.bitcast %get3A_402 : vector<16xi32> to vector<32xbf16>
        %add3A_404 = arith.constant 3 : i32
        %add3A_405 = arith.addi %mul3A_361, %add3A_404 : i32
        %get3A_406 = arith.index_cast %add3A_405 : i32 to index
        %get3A_407 = arith.constant 16 : index
        %get3A_408 = tpu.vector_load %arg13[%get3A_406, %get3A_407] {strides = array<i32>} : memref<200x64xi32, #tpu.memory_space<vmem>>, vector<16xi32>,
        %bitcast3A_409 = vector.bitcast %get3A_408 : vector<16xi32> to vector<32xbf16>
        %add3A_410 = arith.constant 0 : i32
        %add3A_411 = arith.addi %mul3A_361, %add3A_410 : i32
        %get3A_412 = arith.index_cast %add3A_411 : i32 to index
        %get3A_413 = arith.constant 32 : index
        %get3A_414 = tpu.vector_load %arg14[%get3A_412, %get3A_413] {strides = array<i32>} : memref<200x64xi32, #tpu.memory_space<vmem>>, vector<16xi32>,
        %bitcast3A_415 = vector.bitcast %get3A_414 : vector<16xi32> to vector<32xbf16>
        %add3A_416 = arith.constant 0 : i32
        %add3A_417 = arith.addi %mul3A_361, %add3A_416 : i32
        %get3A_418 = arith.index_cast %add3A_417 : i32 to index
        %get3A_419 = arith.constant 48 : index
        %get3A_420 = tpu.vector_load %arg14[%get3A_418, %get3A_419] {strides = array<i32>} : memref<200x64xi32, #tpu.memory_space<vmem>>, vector<16xi32>,
        %bitcast3A_421 = vector.bitcast %get3A_420 : vector<16xi32> to vector<32xbf16>
        %add3A_422 = arith.constant 1 : i32
        %add3A_423 = arith.addi %mul3A_361, %add3A_422 : i32
        %get3A_424 = arith.index_cast %add3A_423 : i32 to index
        %get3A_425 = arith.constant 32 : index
        %get3A_426 = tpu.vector_load %arg14[%get3A_424, %get3A_425] {strides = array<i32>} : memref<200x64xi32, #tpu.memory_space<vmem>>, vector<16xi32>,
        %bitcast3A_427 = vector.bitcast %get3A_426 : vector<16xi32> to vector<32xbf16>
        %add3A_428 = arith.constant 1 : i32
        %add3A_429 = arith.addi %mul3A_361, %add3A_428 : i32
        %get3A_430 = arith.index_cast %add3A_429 : i32 to index
        %get3A_431 = arith.constant 48 : index
        %get3A_432 = tpu.vector_load %arg14[%get3A_430, %get3A_431] {strides = array<i32>} : memref<200x64xi32, #tpu.memory_space<vmem>>, vector<16xi32>,
        %bitcast3A_433 = vector.bitcast %get3A_432 : vector<16xi32> to vector<32xbf16>
        %add3A_434 = arith.constant 2 : i32
        %add3A_435 = arith.addi %mul3A_361, %add3A_434 : i32
        %get3A_436 = arith.index_cast %add3A_435 : i32 to index
        %get3A_437 = arith.constant 32 : index
        %get3A_438 = tpu.vector_load %arg14[%get3A_436, %get3A_437] {strides = array<i32>} : memref<200x64xi32, #tpu.memory_space<vmem>>, vector<16xi32>,
        %bitcast3A_439 = vector.bitcast %get3A_438 : vector<16xi32> to vector<32xbf16>
        %add3A_440 = arith.constant 2 : i32
        %add3A_441 = arith.addi %mul3A_361, %add3A_440 : i32
        %get3A_442 = arith.index_cast %add3A_441 : i32 to index
        %get3A_443 = arith.constant 48 : index
        %get3A_444 = tpu.vector_load %arg14[%get3A_442, %get3A_443] {strides = array<i32>} : memref<200x64xi32, #tpu.memory_space<vmem>>, vector<16xi32>,
        %bitcast3A_445 = vector.bitcast %get3A_444 : vector<16xi32> to vector<32xbf16>
        %add3A_446 = arith.constant 3 : i32
        %add3A_447 = arith.addi %mul3A_361, %add3A_446 : i32
        %get3A_448 = arith.index_cast %add3A_447 : i32 to index
        %get3A_449 = arith.constant 32 : index
        %get3A_450 = tpu.vector_load %arg14[%get3A_448, %get3A_449] {strides = array<i32>} : memref<200x64xi32, #tpu.memory_space<vmem>>, vector<16xi32>,
        %bitcast3A_451 = vector.bitcast %get3A_450 : vector<16xi32> to vector<32xbf16>
        %add3A_452 = arith.constant 3 : i32
        %add3A_453 = arith.addi %mul3A_361, %add3A_452 : i32
        %get3A_454 = arith.index_cast %add3A_453 : i32 to index
        %get3A_455 = arith.constant 48 : index
        %get3A_456 = tpu.vector_load %arg14[%get3A_454, %get3A_455] {strides = array<i32>} : memref<200x64xi32, #tpu.memory_space<vmem>>, vector<16xi32>,
        %bitcast3A_457 = vector.bitcast %get3A_456 : vector<16xi32> to vector<32xbf16>
        %add3A_458 = arith.addf %bitcast3A_367, %bitcast3A_415 : vector<32xbf16>
        %max3A = arith.constant 0.000000e+00 : bf16
        %max3A_459 = vector.broadcast %max3A : bf16 to vector<32xbf16>
        %max3A_460 = arith.maximumf %add3A_458, %max3A_459 : vector<32xbf16>
        %mul3A_461 = arith.mulf %max3A_460, %bitcast3A : vector<32xbf16>
        %add3A_462 = arith.addf %bitcast3A_373, %bitcast3A_421 : vector<32xbf16>
        %max3A_463 = arith.constant 0.000000e+00 : bf16
        %max3A_464 = vector.broadcast %max3A_463 : bf16 to vector<32xbf16>
        %max3A_465 = arith.maximumf %add3A_462, %max3A_464 : vector<32xbf16>
        %mul3A_466 = arith.mulf %max3A_465, %bitcast3A_6 : vector<32xbf16>
        %add3A_467 = arith.addf %mul3A_461, %mul3A_466 : vector<32xbf16>
        %unpack3A = tpu.unpack_subelements %add3A_467, 0 {pack_format = #tpu.pack_format<interleaved>} : vector<32xbf16> -> vector<16xf32>
        %unpack3A_468 = tpu.unpack_subelements %add3A_467, 1 {pack_format = #tpu.pack_format<interleaved>} : vector<32xbf16> -> vector<16xf32>
        %add3A_469 = arith.addf %unpack3A, %unpack3A_468 : vector<16xf32>
        %add3A_470 = arith.constant 0 : i32
        %add3A_471 = arith.addi %mul3A_361, %add3A_470 : i32
        %mul3A_472 = arith.constant 16 : i32
        %mul3A_473 = arith.muli %add3A_471, %mul3A_472 : i32
        %swap3A = arith.index_cast %mul3A_473 : i32 to index
        %swap3A_474 = tpu.vector_load %arg17[%swap3A] {strides = array<i32>} : memref<3328xf32, #tpu.memory_space<vmem>>, vector<16xf32>,
        tpu.vector_store %arg17[%swap3A], %add3A_469 {strides = array<i32>} : memref<3328xf32, #tpu.memory_space<vmem>>, vector<16xf32>,
        %add3A_475 = arith.addf %bitcast3A_379, %bitcast3A_427 : vector<32xbf16>
        %max3A_476 = arith.constant 0.000000e+00 : bf16
        %max3A_477 = vector.broadcast %max3A_476 : bf16 to vector<32xbf16>
        %max3A_478 = arith.maximumf %add3A_475, %max3A_477 : vector<32xbf16>
        %mul3A_479 = arith.mulf %max3A_478, %bitcast3A : vector<32xbf16>
        %add3A_480 = arith.addf %bitcast3A_385, %bitcast3A_433 : vector<32xbf16>
        %max3A_481 = arith.constant 0.000000e+00 : bf16
        %max3A_482 = vector.broadcast %max3A_481 : bf16 to vector<32xbf16>
        %max3A_483 = arith.maximumf %add3A_480, %max3A_482 : vector<32xbf16>
        %mul3A_484 = arith.mulf %max3A_483, %bitcast3A_6 : vector<32xbf16>
        %add3A_485 = arith.addf %mul3A_479, %mul3A_484 : vector<32xbf16>
        %unpack3A_486 = tpu.unpack_subelements %add3A_485, 0 {pack_format = #tpu.pack_format<interleaved>} : vector<32xbf16> -> vector<16xf32>
        %unpack3A_487 = tpu.unpack_subelements %add3A_485, 1 {pack_format = #tpu.pack_format<interleaved>} : vector<32xbf16> -> vector<16xf32>
        %add3A_488 = arith.addf %unpack3A_486, %unpack3A_487 : vector<16xf32>
        %add3A_489 = arith.constant 1 : i32
        %add3A_490 = arith.addi %mul3A_361, %add3A_489 : i32
        %mul3A_491 = arith.constant 16 : i32
        %mul3A_492 = arith.muli %add3A_490, %mul3A_491 : i32
        %swap3A_493 = arith.index_cast %mul3A_492 : i32 to index
        %swap3A_494 = tpu.vector_load %arg17[%swap3A_493] {strides = array<i32>} : memref<3328xf32, #tpu.memory_space<vmem>>, vector<16xf32>,
        tpu.vector_store %arg17[%swap3A_493], %add3A_488 {strides = array<i32>} : memref<3328xf32, #tpu.memory_space<vmem>>, vector<16xf32>,
        %add3A_495 = arith.addf %bitcast3A_391, %bitcast3A_439 : vector<32xbf16>
        %max3A_496 = arith.constant 0.000000e+00 : bf16
        %max3A_497 = vector.broadcast %max3A_496 : bf16 to vector<32xbf16>
        %max3A_498 = arith.maximumf %add3A_495, %max3A_497 : vector<32xbf16>
        %mul3A_499 = arith.mulf %max3A_498, %bitcast3A : vector<32xbf16>
        %add3A_500 = arith.addf %bitcast3A_397, %bitcast3A_445 : vector<32xbf16>
        %max3A_501 = arith.constant 0.000000e+00 : bf16
        %max3A_502 = vector.broadcast %max3A_501 : bf16 to vector<32xbf16>
        %max3A_503 = arith.maximumf %add3A_500, %max3A_502 : vector<32xbf16>
        %mul3A_504 = arith.mulf %max3A_503, %bitcast3A_6 : vector<32xbf16>
        %add3A_505 = arith.addf %mul3A_499, %mul3A_504 : vector<32xbf16>
        %unpack3A_506 = tpu.unpack_subelements %add3A_505, 0 {pack_format = #tpu.pack_format<interleaved>} : vector<32xbf16> -> vector<16xf32>
        %unpack3A_507 = tpu.unpack_subelements %add3A_505, 1 {pack_format = #tpu.pack_format<interleaved>} : vector<32xbf16> -> vector<16xf32>
        %add3A_508 = arith.addf %unpack3A_506, %unpack3A_507 : vector<16xf32>
        %add3A_509 = arith.constant 2 : i32
        %add3A_510 = arith.addi %mul3A_361, %add3A_509 : i32
        %mul3A_511 = arith.constant 16 : i32
        %mul3A_512 = arith.muli %add3A_510, %mul3A_511 : i32
        %swap3A_513 = arith.index_cast %mul3A_512 : i32 to index
        %swap3A_514 = tpu.vector_load %arg17[%swap3A_513] {strides = array<i32>} : memref<3328xf32, #tpu.memory_space<vmem>>, vector<16xf32>,
        tpu.vector_store %arg17[%swap3A_513], %add3A_508 {strides = array<i32>} : memref<3328xf32, #tpu.memory_space<vmem>>, vector<16xf32>,
        %add3A_515 = arith.addf %bitcast3A_403, %bitcast3A_451 : vector<32xbf16>
        %max3A_516 = arith.constant 0.000000e+00 : bf16
        %max3A_517 = vector.broadcast %max3A_516 : bf16 to vector<32xbf16>
        %max3A_518 = arith.maximumf %add3A_515, %max3A_517 : vector<32xbf16>
        %mul3A_519 = arith.mulf %max3A_518, %bitcast3A : vector<32xbf16>
        %add3A_520 = arith.addf %bitcast3A_409, %bitcast3A_457 : vector<32xbf16>
        %max3A_521 = arith.constant 0.000000e+00 : bf16
        %max3A_522 = vector.broadcast %max3A_521 : bf16 to vector<32xbf16>
        %max3A_523 = arith.maximumf %add3A_520, %max3A_522 : vector<32xbf16>
        %mul3A_524 = arith.mulf %max3A_523, %bitcast3A_6 : vector<32xbf16>
        %add3A_525 = arith.addf %mul3A_519, %mul3A_524 : vector<32xbf16>
        %unpack3A_526 = tpu.unpack_subelements %add3A_525, 0 {pack_format = #tpu.pack_format<interleaved>} : vector<32xbf16> -> vector<16xf32>
        %unpack3A_527 = tpu.unpack_subelements %add3A_525, 1 {pack_format = #tpu.pack_format<interleaved>} : vector<32xbf16> -> vector<16xf32>
        %add3A_528 = arith.addf %unpack3A_526, %unpack3A_527 : vector<16xf32>
        %add3A_529 = arith.constant 3 : i32
        %add3A_530 = arith.addi %mul3A_361, %add3A_529 : i32
        %mul3A_531 = arith.constant 16 : i32
        %mul3A_532 = arith.muli %add3A_530, %mul3A_531 : i32
        %swap3A_533 = arith.index_cast %mul3A_532 : i32 to index
        %swap3A_534 = tpu.vector_load %arg17[%swap3A_533] {strides = array<i32>} : memref<3328xf32, #tpu.memory_space<vmem>>, vector<16xf32>,
        tpu.vector_store %arg17[%swap3A_533], %add3A_528 {strides = array<i32>} : memref<3328xf32, #tpu.memory_space<vmem>>, vector<16xf32>,
        %scan3A_535 = arith.constant 0 : i32
        scf.yield %scan3A_535 : i32
      }
      %scan3A_284 = arith.constant 50 : i32
      %scan3A_285 = arith.constant 0 : i32
      %scan3A_286 = arith.constant 0 : i32
      %scan3A_287 = arith.constant 13 : i32
      %scan3A_288 = arith.addi %scan3A_286, %scan3A_287 : i32
      %scan3A_289 = arith.constant 1 : i32
      %scan3A_290 = scf.for %scan3A_358 = %scan3A_286 to %scan3A_288 step %scan3A_289 iter_args(%scan3A_359 = %scan3A_285) -> (i32)  : i32 {
        %mul3A_360 = arith.constant 16 : i32
        %mul3A_361 = arith.muli %scan3A_358, %mul3A_360 : i32
        %add3A_362 = vector.broadcast %mul3A_361 : i32 to vector<16xi32>
        %add3A_363 = arith.addi %add3A_362, %iota3A : vector<16xi32>
        %mul3A_364 = arith.constant 16 : i32
        %mul3A_365 = vector.broadcast %mul3A_364 : i32 to vector<16xi32>
        %mul3A_366 = arith.muli %add3A_363, %mul3A_365 : vector<16xi32>
        %add3A_367 = arith.constant 0 : i32
        %add3A_368 = vector.broadcast %add3A_367 : i32 to vector<16xi32>
        %add3A_369 = arith.addi %mul3A_366, %add3A_368 : vector<16xi32>
        %gather3A = tpu.vector_load_idx %arg17[%add3A_369] : memref<3328xf32, #tpu.memory_space<vmem>>[vector<16xi32>], vector<16xf32>,
        %add3A_370 = arith.constant 1 : i32
        %add3A_371 = vector.broadcast %add3A_370 : i32 to vector<16xi32>
        %add3A_372 = arith.addi %mul3A_366, %add3A_371 : vector<16xi32>
        %gather3A_373 = tpu.vector_load_idx %arg17[%add3A_372] : memref<3328xf32, #tpu.memory_space<vmem>>[vector<16xi32>], vector<16xf32>,
        %add3A_374 = arith.addf %gather3A, %gather3A_373 : vector<16xf32>
        %add3A_375 = arith.constant 2 : i32
        %add3A_376 = vector.broadcast %add3A_375 : i32 to vector<16xi32>
        %add3A_377 = arith.addi %mul3A_366, %add3A_376 : vector<16xi32>
        %gather3A_378 = tpu.vector_load_idx %arg17[%add3A_377] : memref<3328xf32, #tpu.memory_space<vmem>>[vector<16xi32>], vector<16xf32>,
        %add3A_379 = arith.addf %add3A_374, %gather3A_378 : vector<16xf32>
        %add3A_380 = arith.constant 3 : i32
        %add3A_381 = vector.broadcast %add3A_380 : i32 to vector<16xi32>
        %add3A_382 = arith.addi %mul3A_366, %add3A_381 : vector<16xi32>
        %gather3A_383 = tpu.vector_load_idx %arg17[%add3A_382] : memref<3328xf32, #tpu.memory_space<vmem>>[vector<16xi32>], vector<16xf32>,
        %add3A_384 = arith.addf %add3A_379, %gather3A_383 : vector<16xf32>
        %add3A_385 = arith.constant 4 : i32
        %add3A_386 = vector.broadcast %add3A_385 : i32 to vector<16xi32>
        %add3A_387 = arith.addi %mul3A_366, %add3A_386 : vector<16xi32>
        %gather3A_388 = tpu.vector_load_idx %arg17[%add3A_387] : memref<3328xf32, #tpu.memory_space<vmem>>[vector<16xi32>], vector<16xf32>,
        %add3A_389 = arith.addf %add3A_384, %gather3A_388 : vector<16xf32>
        %add3A_390 = arith.constant 5 : i32
        %add3A_391 = vector.broadcast %add3A_390 : i32 to vector<16xi32>
        %add3A_392 = arith.addi %mul3A_366, %add3A_391 : vector<16xi32>
        %gather3A_393 = tpu.vector_load_idx %arg17[%add3A_392] : memref<3328xf32, #tpu.memory_space<vmem>>[vector<16xi32>], vector<16xf32>,
        %add3A_394 = arith.addf %add3A_389, %gather3A_393 : vector<16xf32>
        %add3A_395 = arith.constant 6 : i32
        %add3A_396 = vector.broadcast %add3A_395 : i32 to vector<16xi32>
        %add3A_397 = arith.addi %mul3A_366, %add3A_396 : vector<16xi32>
        %gather3A_398 = tpu.vector_load_idx %arg17[%add3A_397] : memref<3328xf32, #tpu.memory_space<vmem>>[vector<16xi32>], vector<16xf32>,
        %add3A_399 = arith.addf %add3A_394, %gather3A_398 : vector<16xf32>
        %add3A_400 = arith.constant 7 : i32
        %add3A_401 = vector.broadcast %add3A_400 : i32 to vector<16xi32>
        %add3A_402 = arith.addi %mul3A_366, %add3A_401 : vector<16xi32>
        %gather3A_403 = tpu.vector_load_idx %arg17[%add3A_402] : memref<3328xf32, #tpu.memory_space<vmem>>[vector<16xi32>], vector<16xf32>,
        %add3A_404 = arith.addf %add3A_399, %gather3A_403 : vector<16xf32>
        %add3A_405 = arith.constant 8 : i32
        %add3A_406 = vector.broadcast %add3A_405 : i32 to vector<16xi32>
        %add3A_407 = arith.addi %mul3A_366, %add3A_406 : vector<16xi32>
        %gather3A_408 = tpu.vector_load_idx %arg17[%add3A_407] : memref<3328xf32, #tpu.memory_space<vmem>>[vector<16xi32>], vector<16xf32>,
        %add3A_409 = arith.addf %add3A_404, %gather3A_408 : vector<16xf32>
        %add3A_410 = arith.constant 9 : i32
        %add3A_411 = vector.broadcast %add3A_410 : i32 to vector<16xi32>
        %add3A_412 = arith.addi %mul3A_366, %add3A_411 : vector<16xi32>
        %gather3A_413 = tpu.vector_load_idx %arg17[%add3A_412] : memref<3328xf32, #tpu.memory_space<vmem>>[vector<16xi32>], vector<16xf32>,
        %add3A_414 = arith.addf %add3A_409, %gather3A_413 : vector<16xf32>
        %add3A_415 = arith.constant 10 : i32
        %add3A_416 = vector.broadcast %add3A_415 : i32 to vector<16xi32>
        %add3A_417 = arith.addi %mul3A_366, %add3A_416 : vector<16xi32>
        %gather3A_418 = tpu.vector_load_idx %arg17[%add3A_417] : memref<3328xf32, #tpu.memory_space<vmem>>[vector<16xi32>], vector<16xf32>,
        %add3A_419 = arith.addf %add3A_414, %gather3A_418 : vector<16xf32>
        %add3A_420 = arith.constant 11 : i32
        %add3A_421 = vector.broadcast %add3A_420 : i32 to vector<16xi32>
        %add3A_422 = arith.addi %mul3A_366, %add3A_421 : vector<16xi32>
        %gather3A_423 = tpu.vector_load_idx %arg17[%add3A_422] : memref<3328xf32, #tpu.memory_space<vmem>>[vector<16xi32>], vector<16xf32>,
        %add3A_424 = arith.addf %add3A_419, %gather3A_423 : vector<16xf32>
        %add3A_425 = arith.constant 12 : i32
        %add3A_426 = vector.broadcast %add3A_425 : i32 to vector<16xi32>
        %add3A_427 = arith.addi %mul3A_366, %add3A_426 : vector<16xi32>
        %gather3A_428 = tpu.vector_load_idx %arg17[%add3A_427] : memref<3328xf32, #tpu.memory_space<vmem>>[vector<16xi32>], vector<16xf32>,
        %add3A_429 = arith.addf %add3A_424, %gather3A_428 : vector<16xf32>
        %add3A_430 = arith.constant 13 : i32
        %add3A_431 = vector.broadcast %add3A_430 : i32 to vector<16xi32>
        %add3A_432 = arith.addi %mul3A_366, %add3A_431 : vector<16xi32>
        %gather3A_433 = tpu.vector_load_idx %arg17[%add3A_432] : memref<3328xf32, #tpu.memory_space<vmem>>[vector<16xi32>], vector<16xf32>,
        %add3A_434 = arith.addf %add3A_429, %gather3A_433 : vector<16xf32>
        %add3A_435 = arith.constant 14 : i32
        %add3A_436 = vector.broadcast %add3A_435 : i32 to vector<16xi32>
        %add3A_437 = arith.addi %mul3A_366, %add3A_436 : vector<16xi32>
        %gather3A_438 = tpu.vector_load_idx %arg17[%add3A_437] : memref<3328xf32, #tpu.memory_space<vmem>>[vector<16xi32>], vector<16xf32>,
        %add3A_439 = arith.addf %add3A_434, %gather3A_438 : vector<16xf32>
        %add3A_440 = arith.constant 15 : i32
        %add3A_441 = vector.broadcast %add3A_440 : i32 to vector<16xi32>
        %add3A_442 = arith.addi %mul3A_366, %add3A_441 : vector<16xi32>
        %gather3A_443 = tpu.vector_load_idx %arg17[%add3A_442] : memref<3328xf32, #tpu.memory_space<vmem>>[vector<16xi32>], vector<16xf32>,
        %add3A_444 = arith.addf %add3A_439, %gather3A_443 : vector<16xf32>
        %mul3A_445 = arith.constant 16 : i32
        %mul3A_446 = arith.muli %scan3A_358, %mul3A_445 : i32
        %swap3A = arith.index_cast %mul3A_446 : i32 to index
        %swap3A_447 = tpu.vector_load %arg21[%swap3A] {strides = array<i32>} : memref<208xf32, #tpu.memory_space<vmem>>, vector<16xf32>,
        tpu.vector_store %arg21[%swap3A], %add3A_444 {strides = array<i32>} : memref<208xf32, #tpu.memory_space<vmem>>, vector<16xf32>,
        %scan3A_448 = arith.constant 0 : i32
        scf.yield %scan3A_448 : i32
      }
      %scan3A_291 = arith.constant 13 : i32
      %mul3A_292 = arith.constant 200 : i32
      %mul3A_293 = arith.muli %add3A_262, %mul3A_292 : i32
      %add3A_294 = arith.addi %mul3A_2, %mul3A_293 : i32
      %dma_start3A_295 = arith.constant 0 : i32
      %dma_start3A_296 = tpu.memref_slice %arg21[%dma_start3A_295] : memref<208xf32, #tpu.memory_space<vmem>> -> memref<200xf32, #tpu.memory_space<vmem>>
      %dma_start3A_297 = tpu.memref_slice %arg6[%add3A_294] : memref<320000xf32, #tpu.memory_space<hbm>> -> memref<200xf32, #tpu.memory_space<hbm>>
      %dma_start3A_298 = tpu.memref_slice %arg6[%add3A_294] : memref<320000xf32, #tpu.memory_space<hbm>> -> memref<200xf32, #tpu.memory_space<hbm>>
      %dma_start3A_299 = arith.constant 0 : i32
      %dma_start3A_300 = tpu.memref_slice %arg21[%dma_start3A_299] : memref<208xf32, #tpu.memory_space<vmem>> -> memref<200xf32, #tpu.memory_space<vmem>>
      tpu.enqueue_dma source(%dma_start3A_300 : memref<200xf32, #tpu.memory_space<vmem>>) target(%dma_start3A_298 : memref<200xf32, #tpu.memory_space<hbm>>) target_semaphore(%arg27 : memref<!tpu.dma_semaphore, #tpu.memory_space<semaphore_mem>>)
      %add3A_301 = arith.constant 4 : i32
      %add3A_302 = arith.addi %add3A_262, %add3A_301 : i32
      %lt3A_303 = arith.constant 50 : i32
      %lt3A_304 = arith.cmpi slt, %add3A_302, %lt3A_303 : i32
      %convert_element_type3A_305 = arith.extui %lt3A_304 : i1 to i32
      %cond3A_306 = arith.constant 0 : i32
      %cond3A_307 = arith.cmpi ne, %convert_element_type3A_305, %cond3A_306 : i32
      scf.if %cond3A_307 {
        %add3A_358 = arith.constant 4 : i32
        %add3A_359 = arith.addi %add3A_262, %add3A_358 : i32
        %mul3A_360 = arith.constant 200 : i32
        %mul3A_361 = arith.muli %add3A_359, %mul3A_360 : i32
        %dma_start3A_362 = tpu.memref_slice %arg7[%mul3A_361] : memref<10000xi32, #tpu.memory_space<vmem>> -> memref<200xi32, #tpu.memory_space<vmem>>
        %dma_start3A_363 = arith.constant 0 : i32
        %dma_start3A_364 = arith.constant 0 : i32
        %dma_start3A_365 = tpu.memref_slice %arg2[%dma_start3A_363, %dma_start3A_364] : memref<10000x64xi32, #tpu.memory_space<hbm>> -> memref<10000x64xi32, #tpu.memory_space<hbm>>
        tpu.enqueue_indirect_dma source(%dma_start3A_365 : memref<10000x64xi32, #tpu.memory_space<hbm>>) target(%arg13 : memref<200x64xi32, #tpu.memory_space<vmem>>) offsets(%dma_start3A_362 : memref<200xi32, #tpu.memory_space<vmem>>) semaphore(%arg25 : memref<!tpu.dma_semaphore, #tpu.memory_space<semaphore_mem>>)
        %dma_start3A_366 = tpu.memref_slice %arg8[%mul3A_361] : memref<10000xi32, #tpu.memory_space<vmem>> -> memref<200xi32, #tpu.memory_space<vmem>>
        %dma_start3A_367 = arith.constant 0 : i32
        %dma_start3A_368 = arith.constant 0 : i32
        %dma_start3A_369 = tpu.memref_slice %arg2[%dma_start3A_367, %dma_start3A_368] : memref<10000x64xi32, #tpu.memory_space<hbm>> -> memref<10000x64xi32, #tpu.memory_space<hbm>>
        tpu.enqueue_indirect_dma source(%dma_start3A_369 : memref<10000x64xi32, #tpu.memory_space<hbm>>) target(%arg14 : memref<200x64xi32, #tpu.memory_space<vmem>>) offsets(%dma_start3A_366 : memref<200xi32, #tpu.memory_space<vmem>>) semaphore(%arg25 : memref<!tpu.dma_semaphore, #tpu.memory_space<semaphore_mem>>)
      } else {
      }
      %mul3A_308 = arith.constant 4 : i32
      %mul3A_309 = arith.muli %scan3A_163, %mul3A_308 : i32
      %add3A_310 = arith.constant 3 : i32
      %add3A_311 = arith.addi %mul3A_309, %add3A_310 : i32
      %mul3A_312 = arith.constant 200 : i32
      %mul3A_313 = arith.muli %add3A_311, %mul3A_312 : i32
      %dma_wait3A_314 = tpu.memref_slice %arg7[%mul3A_313] : memref<10000xi32, #tpu.memory_space<vmem>> -> memref<200xi32, #tpu.memory_space<vmem>>
      %dma_wait3A_315 = arith.constant 0 : i32
      %dma_wait3A_316 = arith.constant 0 : i32
      %dma_wait3A_317 = tpu.memref_slice %arg2[%dma_wait3A_315, %dma_wait3A_316] : memref<10000x64xi32, #tpu.memory_space<hbm>> -> memref<10000x64xi32, #tpu.memory_space<hbm>>
      tpu.wait_indirect_dma semaphore(%arg26 : memref<!tpu.dma_semaphore, #tpu.memory_space<semaphore_mem>>) src(%dma_wait3A_317 : memref<10000x64xi32, #tpu.memory_space<hbm>>) dst(%arg15 : memref<200x64xi32, #tpu.memory_space<vmem>>)
      %dma_wait3A_318 = tpu.memref_slice %arg8[%mul3A_313] : memref<10000xi32, #tpu.memory_space<vmem>> -> memref<200xi32, #tpu.memory_space<vmem>>
      %dma_wait3A_319 = arith.constant 0 : i32
      %dma_wait3A_320 = arith.constant 0 : i32
      %dma_wait3A_321 = tpu.memref_slice %arg2[%dma_wait3A_319, %dma_wait3A_320] : memref<10000x64xi32, #tpu.memory_space<hbm>> -> memref<10000x64xi32, #tpu.memory_space<hbm>>
      tpu.wait_indirect_dma semaphore(%arg26 : memref<!tpu.dma_semaphore, #tpu.memory_space<semaphore_mem>>) src(%dma_wait3A_321 : memref<10000x64xi32, #tpu.memory_space<hbm>>) dst(%arg16 : memref<200x64xi32, #tpu.memory_space<vmem>>)
      %ge3A_322 = arith.constant 4 : i32
      %ge3A_323 = arith.cmpi sge, %add3A_311, %ge3A_322 : i32
      %convert_element_type3A_324 = arith.extui %ge3A_323 : i1 to i32
      %cond3A_325 = arith.constant 0 : i32
      %cond3A_326 = arith.cmpi ne, %convert_element_type3A_324, %cond3A_325 : i32
      scf.if %cond3A_326 {
        %sub3A = arith.constant 4 : i32
        %sub3A_358 = arith.subi %add3A_311, %sub3A : i32
        %mul3A_359 = arith.constant 200 : i32
        %mul3A_360 = arith.muli %sub3A_358, %mul3A_359 : i32
        %add3A_361 = arith.addi %mul3A_2, %mul3A_360 : i32
        %dma_wait3A_362 = arith.constant 0 : i32
        %dma_wait3A_363 = tpu.memref_slice %arg22[%dma_wait3A_362] : memref<208xf32, #tpu.memory_space<vmem>> -> memref<200xf32, #tpu.memory_space<vmem>>
        %dma_wait3A_364 = tpu.memref_slice %arg6[%add3A_361] : memref<320000xf32, #tpu.memory_space<hbm>> -> memref<200xf32, #tpu.memory_space<hbm>>
        %dma_wait3A_365 = tpu.memref_slice %arg6[%add3A_361] : memref<320000xf32, #tpu.memory_space<hbm>> -> memref<200xf32, #tpu.memory_space<hbm>>
        %dma_wait3A_366 = arith.constant 0 : i32
        %dma_wait3A_367 = tpu.memref_slice %arg22[%dma_wait3A_366] : memref<208xf32, #tpu.memory_space<vmem>> -> memref<200xf32, #tpu.memory_space<vmem>>
        tpu.wait_dma2 semaphore(%arg27 : memref<!tpu.dma_semaphore, #tpu.memory_space<semaphore_mem>>) src(%dma_wait3A_367 : memref<200xf32, #tpu.memory_space<vmem>>) dst(%dma_wait3A_365 : memref<200xf32, #tpu.memory_space<hbm>>)
      } else {
      }
      %scan3A_327 = arith.constant 0 : i32
      %scan3A_328 = arith.constant 0 : i32
      %scan3A_329 = arith.constant 50 : i32
      %scan3A_330 = arith.addi %scan3A_328, %scan3A_329 : i32
      %scan3A_331 = arith.constant 1 : i32
      %scan3A_332 = scf.for %scan3A_358 = %scan3A_328 to %scan3A_330 step %scan3A_331 iter_args(%scan3A_359 = %scan3A_327) -> (i32)  : i32 {
        %mul3A_360 = arith.constant 4 : i32
        %mul3A_361 = arith.muli %scan3A_358, %mul3A_360 : i32
        %add3A_362 = arith.constant 0 : i32
        %add3A_363 = arith.addi %mul3A_361, %add3A_362 : i32
        %get3A_364 = arith.index_cast %add3A_363 : i32 to index
        %get3A_365 = arith.constant 0 : index
        %get3A_366 = tpu.vector_load %arg15[%get3A_364, %get3A_365] {strides = array<i32>} : memref<200x64xi32, #tpu.memory_space<vmem>>, vector<16xi32>,
        %bitcast3A_367 = vector.bitcast %get3A_366 : vector<16xi32> to vector<32xbf16>
        %add3A_368 = arith.constant 0 : i32
        %add3A_369 = arith.addi %mul3A_361, %add3A_368 : i32
        %get3A_370 = arith.index_cast %add3A_369 : i32 to index
        %get3A_371 = arith.constant 16 : index
        %get3A_372 = tpu.vector_load %arg15[%get3A_370, %get3A_371] {strides = array<i32>} : memref<200x64xi32, #tpu.memory_space<vmem>>, vector<16xi32>,
        %bitcast3A_373 = vector.bitcast %get3A_372 : vector<16xi32> to vector<32xbf16>
        %add3A_374 = arith.constant 1 : i32
        %add3A_375 = arith.addi %mul3A_361, %add3A_374 : i32
        %get3A_376 = arith.index_cast %add3A_375 : i32 to index
        %get3A_377 = arith.constant 0 : index
        %get3A_378 = tpu.vector_load %arg15[%get3A_376, %get3A_377] {strides = array<i32>} : memref<200x64xi32, #tpu.memory_space<vmem>>, vector<16xi32>,
        %bitcast3A_379 = vector.bitcast %get3A_378 : vector<16xi32> to vector<32xbf16>
        %add3A_380 = arith.constant 1 : i32
        %add3A_381 = arith.addi %mul3A_361, %add3A_380 : i32
        %get3A_382 = arith.index_cast %add3A_381 : i32 to index
        %get3A_383 = arith.constant 16 : index
        %get3A_384 = tpu.vector_load %arg15[%get3A_382, %get3A_383] {strides = array<i32>} : memref<200x64xi32, #tpu.memory_space<vmem>>, vector<16xi32>,
        %bitcast3A_385 = vector.bitcast %get3A_384 : vector<16xi32> to vector<32xbf16>
        %add3A_386 = arith.constant 2 : i32
        %add3A_387 = arith.addi %mul3A_361, %add3A_386 : i32
        %get3A_388 = arith.index_cast %add3A_387 : i32 to index
        %get3A_389 = arith.constant 0 : index
        %get3A_390 = tpu.vector_load %arg15[%get3A_388, %get3A_389] {strides = array<i32>} : memref<200x64xi32, #tpu.memory_space<vmem>>, vector<16xi32>,
        %bitcast3A_391 = vector.bitcast %get3A_390 : vector<16xi32> to vector<32xbf16>
        %add3A_392 = arith.constant 2 : i32
        %add3A_393 = arith.addi %mul3A_361, %add3A_392 : i32
        %get3A_394 = arith.index_cast %add3A_393 : i32 to index
        %get3A_395 = arith.constant 16 : index
        %get3A_396 = tpu.vector_load %arg15[%get3A_394, %get3A_395] {strides = array<i32>} : memref<200x64xi32, #tpu.memory_space<vmem>>, vector<16xi32>,
        %bitcast3A_397 = vector.bitcast %get3A_396 : vector<16xi32> to vector<32xbf16>
        %add3A_398 = arith.constant 3 : i32
        %add3A_399 = arith.addi %mul3A_361, %add3A_398 : i32
        %get3A_400 = arith.index_cast %add3A_399 : i32 to index
        %get3A_401 = arith.constant 0 : index
        %get3A_402 = tpu.vector_load %arg15[%get3A_400, %get3A_401] {strides = array<i32>} : memref<200x64xi32, #tpu.memory_space<vmem>>, vector<16xi32>,
        %bitcast3A_403 = vector.bitcast %get3A_402 : vector<16xi32> to vector<32xbf16>
        %add3A_404 = arith.constant 3 : i32
        %add3A_405 = arith.addi %mul3A_361, %add3A_404 : i32
        %get3A_406 = arith.index_cast %add3A_405 : i32 to index
        %get3A_407 = arith.constant 16 : index
        %get3A_408 = tpu.vector_load %arg15[%get3A_406, %get3A_407] {strides = array<i32>} : memref<200x64xi32, #tpu.memory_space<vmem>>, vector<16xi32>,
        %bitcast3A_409 = vector.bitcast %get3A_408 : vector<16xi32> to vector<32xbf16>
        %add3A_410 = arith.constant 0 : i32
        %add3A_411 = arith.addi %mul3A_361, %add3A_410 : i32
        %get3A_412 = arith.index_cast %add3A_411 : i32 to index
        %get3A_413 = arith.constant 32 : index
        %get3A_414 = tpu.vector_load %arg16[%get3A_412, %get3A_413] {strides = array<i32>} : memref<200x64xi32, #tpu.memory_space<vmem>>, vector<16xi32>,
        %bitcast3A_415 = vector.bitcast %get3A_414 : vector<16xi32> to vector<32xbf16>
        %add3A_416 = arith.constant 0 : i32
        %add3A_417 = arith.addi %mul3A_361, %add3A_416 : i32
        %get3A_418 = arith.index_cast %add3A_417 : i32 to index
        %get3A_419 = arith.constant 48 : index
        %get3A_420 = tpu.vector_load %arg16[%get3A_418, %get3A_419] {strides = array<i32>} : memref<200x64xi32, #tpu.memory_space<vmem>>, vector<16xi32>,
        %bitcast3A_421 = vector.bitcast %get3A_420 : vector<16xi32> to vector<32xbf16>
        %add3A_422 = arith.constant 1 : i32
        %add3A_423 = arith.addi %mul3A_361, %add3A_422 : i32
        %get3A_424 = arith.index_cast %add3A_423 : i32 to index
        %get3A_425 = arith.constant 32 : index
        %get3A_426 = tpu.vector_load %arg16[%get3A_424, %get3A_425] {strides = array<i32>} : memref<200x64xi32, #tpu.memory_space<vmem>>, vector<16xi32>,
        %bitcast3A_427 = vector.bitcast %get3A_426 : vector<16xi32> to vector<32xbf16>
        %add3A_428 = arith.constant 1 : i32
        %add3A_429 = arith.addi %mul3A_361, %add3A_428 : i32
        %get3A_430 = arith.index_cast %add3A_429 : i32 to index
        %get3A_431 = arith.constant 48 : index
        %get3A_432 = tpu.vector_load %arg16[%get3A_430, %get3A_431] {strides = array<i32>} : memref<200x64xi32, #tpu.memory_space<vmem>>, vector<16xi32>,
        %bitcast3A_433 = vector.bitcast %get3A_432 : vector<16xi32> to vector<32xbf16>
        %add3A_434 = arith.constant 2 : i32
        %add3A_435 = arith.addi %mul3A_361, %add3A_434 : i32
        %get3A_436 = arith.index_cast %add3A_435 : i32 to index
        %get3A_437 = arith.constant 32 : index
        %get3A_438 = tpu.vector_load %arg16[%get3A_436, %get3A_437] {strides = array<i32>} : memref<200x64xi32, #tpu.memory_space<vmem>>, vector<16xi32>,
        %bitcast3A_439 = vector.bitcast %get3A_438 : vector<16xi32> to vector<32xbf16>
        %add3A_440 = arith.constant 2 : i32
        %add3A_441 = arith.addi %mul3A_361, %add3A_440 : i32
        %get3A_442 = arith.index_cast %add3A_441 : i32 to index
        %get3A_443 = arith.constant 48 : index
        %get3A_444 = tpu.vector_load %arg16[%get3A_442, %get3A_443] {strides = array<i32>} : memref<200x64xi32, #tpu.memory_space<vmem>>, vector<16xi32>,
        %bitcast3A_445 = vector.bitcast %get3A_444 : vector<16xi32> to vector<32xbf16>
        %add3A_446 = arith.constant 3 : i32
        %add3A_447 = arith.addi %mul3A_361, %add3A_446 : i32
        %get3A_448 = arith.index_cast %add3A_447 : i32 to index
        %get3A_449 = arith.constant 32 : index
        %get3A_450 = tpu.vector_load %arg16[%get3A_448, %get3A_449] {strides = array<i32>} : memref<200x64xi32, #tpu.memory_space<vmem>>, vector<16xi32>,
        %bitcast3A_451 = vector.bitcast %get3A_450 : vector<16xi32> to vector<32xbf16>
        %add3A_452 = arith.constant 3 : i32
        %add3A_453 = arith.addi %mul3A_361, %add3A_452 : i32
        %get3A_454 = arith.index_cast %add3A_453 : i32 to index
        %get3A_455 = arith.constant 48 : index
        %get3A_456 = tpu.vector_load %arg16[%get3A_454, %get3A_455] {strides = array<i32>} : memref<200x64xi32, #tpu.memory_space<vmem>>, vector<16xi32>,
        %bitcast3A_457 = vector.bitcast %get3A_456 : vector<16xi32> to vector<32xbf16>
        %add3A_458 = arith.addf %bitcast3A_367, %bitcast3A_415 : vector<32xbf16>
        %max3A = arith.constant 0.000000e+00 : bf16
        %max3A_459 = vector.broadcast %max3A : bf16 to vector<32xbf16>
        %max3A_460 = arith.maximumf %add3A_458, %max3A_459 : vector<32xbf16>
        %mul3A_461 = arith.mulf %max3A_460, %bitcast3A : vector<32xbf16>
        %add3A_462 = arith.addf %bitcast3A_373, %bitcast3A_421 : vector<32xbf16>
        %max3A_463 = arith.constant 0.000000e+00 : bf16
        %max3A_464 = vector.broadcast %max3A_463 : bf16 to vector<32xbf16>
        %max3A_465 = arith.maximumf %add3A_462, %max3A_464 : vector<32xbf16>
        %mul3A_466 = arith.mulf %max3A_465, %bitcast3A_6 : vector<32xbf16>
        %add3A_467 = arith.addf %mul3A_461, %mul3A_466 : vector<32xbf16>
        %unpack3A = tpu.unpack_subelements %add3A_467, 0 {pack_format = #tpu.pack_format<interleaved>} : vector<32xbf16> -> vector<16xf32>
        %unpack3A_468 = tpu.unpack_subelements %add3A_467, 1 {pack_format = #tpu.pack_format<interleaved>} : vector<32xbf16> -> vector<16xf32>
        %add3A_469 = arith.addf %unpack3A, %unpack3A_468 : vector<16xf32>
        %add3A_470 = arith.constant 0 : i32
        %add3A_471 = arith.addi %mul3A_361, %add3A_470 : i32
        %mul3A_472 = arith.constant 16 : i32
        %mul3A_473 = arith.muli %add3A_471, %mul3A_472 : i32
        %swap3A = arith.index_cast %mul3A_473 : i32 to index
        %swap3A_474 = tpu.vector_load %arg17[%swap3A] {strides = array<i32>} : memref<3328xf32, #tpu.memory_space<vmem>>, vector<16xf32>,
        tpu.vector_store %arg17[%swap3A], %add3A_469 {strides = array<i32>} : memref<3328xf32, #tpu.memory_space<vmem>>, vector<16xf32>,
        %add3A_475 = arith.addf %bitcast3A_379, %bitcast3A_427 : vector<32xbf16>
        %max3A_476 = arith.constant 0.000000e+00 : bf16
        %max3A_477 = vector.broadcast %max3A_476 : bf16 to vector<32xbf16>
        %max3A_478 = arith.maximumf %add3A_475, %max3A_477 : vector<32xbf16>
        %mul3A_479 = arith.mulf %max3A_478, %bitcast3A : vector<32xbf16>
        %add3A_480 = arith.addf %bitcast3A_385, %bitcast3A_433 : vector<32xbf16>
        %max3A_481 = arith.constant 0.000000e+00 : bf16
        %max3A_482 = vector.broadcast %max3A_481 : bf16 to vector<32xbf16>
        %max3A_483 = arith.maximumf %add3A_480, %max3A_482 : vector<32xbf16>
        %mul3A_484 = arith.mulf %max3A_483, %bitcast3A_6 : vector<32xbf16>
        %add3A_485 = arith.addf %mul3A_479, %mul3A_484 : vector<32xbf16>
        %unpack3A_486 = tpu.unpack_subelements %add3A_485, 0 {pack_format = #tpu.pack_format<interleaved>} : vector<32xbf16> -> vector<16xf32>
        %unpack3A_487 = tpu.unpack_subelements %add3A_485, 1 {pack_format = #tpu.pack_format<interleaved>} : vector<32xbf16> -> vector<16xf32>
        %add3A_488 = arith.addf %unpack3A_486, %unpack3A_487 : vector<16xf32>
        %add3A_489 = arith.constant 1 : i32
        %add3A_490 = arith.addi %mul3A_361, %add3A_489 : i32
        %mul3A_491 = arith.constant 16 : i32
        %mul3A_492 = arith.muli %add3A_490, %mul3A_491 : i32
        %swap3A_493 = arith.index_cast %mul3A_492 : i32 to index
        %swap3A_494 = tpu.vector_load %arg17[%swap3A_493] {strides = array<i32>} : memref<3328xf32, #tpu.memory_space<vmem>>, vector<16xf32>,
        tpu.vector_store %arg17[%swap3A_493], %add3A_488 {strides = array<i32>} : memref<3328xf32, #tpu.memory_space<vmem>>, vector<16xf32>,
        %add3A_495 = arith.addf %bitcast3A_391, %bitcast3A_439 : vector<32xbf16>
        %max3A_496 = arith.constant 0.000000e+00 : bf16
        %max3A_497 = vector.broadcast %max3A_496 : bf16 to vector<32xbf16>
        %max3A_498 = arith.maximumf %add3A_495, %max3A_497 : vector<32xbf16>
        %mul3A_499 = arith.mulf %max3A_498, %bitcast3A : vector<32xbf16>
        %add3A_500 = arith.addf %bitcast3A_397, %bitcast3A_445 : vector<32xbf16>
        %max3A_501 = arith.constant 0.000000e+00 : bf16
        %max3A_502 = vector.broadcast %max3A_501 : bf16 to vector<32xbf16>
        %max3A_503 = arith.maximumf %add3A_500, %max3A_502 : vector<32xbf16>
        %mul3A_504 = arith.mulf %max3A_503, %bitcast3A_6 : vector<32xbf16>
        %add3A_505 = arith.addf %mul3A_499, %mul3A_504 : vector<32xbf16>
        %unpack3A_506 = tpu.unpack_subelements %add3A_505, 0 {pack_format = #tpu.pack_format<interleaved>} : vector<32xbf16> -> vector<16xf32>
        %unpack3A_507 = tpu.unpack_subelements %add3A_505, 1 {pack_format = #tpu.pack_format<interleaved>} : vector<32xbf16> -> vector<16xf32>
        %add3A_508 = arith.addf %unpack3A_506, %unpack3A_507 : vector<16xf32>
        %add3A_509 = arith.constant 2 : i32
        %add3A_510 = arith.addi %mul3A_361, %add3A_509 : i32
        %mul3A_511 = arith.constant 16 : i32
        %mul3A_512 = arith.muli %add3A_510, %mul3A_511 : i32
        %swap3A_513 = arith.index_cast %mul3A_512 : i32 to index
        %swap3A_514 = tpu.vector_load %arg17[%swap3A_513] {strides = array<i32>} : memref<3328xf32, #tpu.memory_space<vmem>>, vector<16xf32>,
        tpu.vector_store %arg17[%swap3A_513], %add3A_508 {strides = array<i32>} : memref<3328xf32, #tpu.memory_space<vmem>>, vector<16xf32>,
        %add3A_515 = arith.addf %bitcast3A_403, %bitcast3A_451 : vector<32xbf16>
        %max3A_516 = arith.constant 0.000000e+00 : bf16
        %max3A_517 = vector.broadcast %max3A_516 : bf16 to vector<32xbf16>
        %max3A_518 = arith.maximumf %add3A_515, %max3A_517 : vector<32xbf16>
        %mul3A_519 = arith.mulf %max3A_518, %bitcast3A : vector<32xbf16>
        %add3A_520 = arith.addf %bitcast3A_409, %bitcast3A_457 : vector<32xbf16>
        %max3A_521 = arith.constant 0.000000e+00 : bf16
        %max3A_522 = vector.broadcast %max3A_521 : bf16 to vector<32xbf16>
        %max3A_523 = arith.maximumf %add3A_520, %max3A_522 : vector<32xbf16>
        %mul3A_524 = arith.mulf %max3A_523, %bitcast3A_6 : vector<32xbf16>
        %add3A_525 = arith.addf %mul3A_519, %mul3A_524 : vector<32xbf16>
        %unpack3A_526 = tpu.unpack_subelements %add3A_525, 0 {pack_format = #tpu.pack_format<interleaved>} : vector<32xbf16> -> vector<16xf32>
        %unpack3A_527 = tpu.unpack_subelements %add3A_525, 1 {pack_format = #tpu.pack_format<interleaved>} : vector<32xbf16> -> vector<16xf32>
        %add3A_528 = arith.addf %unpack3A_526, %unpack3A_527 : vector<16xf32>
        %add3A_529 = arith.constant 3 : i32
        %add3A_530 = arith.addi %mul3A_361, %add3A_529 : i32
        %mul3A_531 = arith.constant 16 : i32
        %mul3A_532 = arith.muli %add3A_530, %mul3A_531 : i32
        %swap3A_533 = arith.index_cast %mul3A_532 : i32 to index
        %swap3A_534 = tpu.vector_load %arg17[%swap3A_533] {strides = array<i32>} : memref<3328xf32, #tpu.memory_space<vmem>>, vector<16xf32>,
        tpu.vector_store %arg17[%swap3A_533], %add3A_528 {strides = array<i32>} : memref<3328xf32, #tpu.memory_space<vmem>>, vector<16xf32>,
        %scan3A_535 = arith.constant 0 : i32
        scf.yield %scan3A_535 : i32
      }
      %scan3A_333 = arith.constant 50 : i32
      %scan3A_334 = arith.constant 0 : i32
      %scan3A_335 = arith.constant 0 : i32
      %scan3A_336 = arith.constant 13 : i32
      %scan3A_337 = arith.addi %scan3A_335, %scan3A_336 : i32
      %scan3A_338 = arith.constant 1 : i32
      %scan3A_339 = scf.for %scan3A_358 = %scan3A_335 to %scan3A_337 step %scan3A_338 iter_args(%scan3A_359 = %scan3A_334) -> (i32)  : i32 {
        %mul3A_360 = arith.constant 16 : i32
        %mul3A_361 = arith.muli %scan3A_358, %mul3A_360 : i32
        %add3A_362 = vector.broadcast %mul3A_361 : i32 to vector<16xi32>
        %add3A_363 = arith.addi %add3A_362, %iota3A : vector<16xi32>
        %mul3A_364 = arith.constant 16 : i32
        %mul3A_365 = vector.broadcast %mul3A_364 : i32 to vector<16xi32>
        %mul3A_366 = arith.muli %add3A_363, %mul3A_365 : vector<16xi32>
        %add3A_367 = arith.constant 0 : i32
        %add3A_368 = vector.broadcast %add3A_367 : i32 to vector<16xi32>
        %add3A_369 = arith.addi %mul3A_366, %add3A_368 : vector<16xi32>
        %gather3A = tpu.vector_load_idx %arg17[%add3A_369] : memref<3328xf32, #tpu.memory_space<vmem>>[vector<16xi32>], vector<16xf32>,
        %add3A_370 = arith.constant 1 : i32
        %add3A_371 = vector.broadcast %add3A_370 : i32 to vector<16xi32>
        %add3A_372 = arith.addi %mul3A_366, %add3A_371 : vector<16xi32>
        %gather3A_373 = tpu.vector_load_idx %arg17[%add3A_372] : memref<3328xf32, #tpu.memory_space<vmem>>[vector<16xi32>], vector<16xf32>,
        %add3A_374 = arith.addf %gather3A, %gather3A_373 : vector<16xf32>
        %add3A_375 = arith.constant 2 : i32
        %add3A_376 = vector.broadcast %add3A_375 : i32 to vector<16xi32>
        %add3A_377 = arith.addi %mul3A_366, %add3A_376 : vector<16xi32>
        %gather3A_378 = tpu.vector_load_idx %arg17[%add3A_377] : memref<3328xf32, #tpu.memory_space<vmem>>[vector<16xi32>], vector<16xf32>,
        %add3A_379 = arith.addf %add3A_374, %gather3A_378 : vector<16xf32>
        %add3A_380 = arith.constant 3 : i32
        %add3A_381 = vector.broadcast %add3A_380 : i32 to vector<16xi32>
        %add3A_382 = arith.addi %mul3A_366, %add3A_381 : vector<16xi32>
        %gather3A_383 = tpu.vector_load_idx %arg17[%add3A_382] : memref<3328xf32, #tpu.memory_space<vmem>>[vector<16xi32>], vector<16xf32>,
        %add3A_384 = arith.addf %add3A_379, %gather3A_383 : vector<16xf32>
        %add3A_385 = arith.constant 4 : i32
        %add3A_386 = vector.broadcast %add3A_385 : i32 to vector<16xi32>
        %add3A_387 = arith.addi %mul3A_366, %add3A_386 : vector<16xi32>
        %gather3A_388 = tpu.vector_load_idx %arg17[%add3A_387] : memref<3328xf32, #tpu.memory_space<vmem>>[vector<16xi32>], vector<16xf32>,
        %add3A_389 = arith.addf %add3A_384, %gather3A_388 : vector<16xf32>
        %add3A_390 = arith.constant 5 : i32
        %add3A_391 = vector.broadcast %add3A_390 : i32 to vector<16xi32>
        %add3A_392 = arith.addi %mul3A_366, %add3A_391 : vector<16xi32>
        %gather3A_393 = tpu.vector_load_idx %arg17[%add3A_392] : memref<3328xf32, #tpu.memory_space<vmem>>[vector<16xi32>], vector<16xf32>,
        %add3A_394 = arith.addf %add3A_389, %gather3A_393 : vector<16xf32>
        %add3A_395 = arith.constant 6 : i32
        %add3A_396 = vector.broadcast %add3A_395 : i32 to vector<16xi32>
        %add3A_397 = arith.addi %mul3A_366, %add3A_396 : vector<16xi32>
        %gather3A_398 = tpu.vector_load_idx %arg17[%add3A_397] : memref<3328xf32, #tpu.memory_space<vmem>>[vector<16xi32>], vector<16xf32>,
        %add3A_399 = arith.addf %add3A_394, %gather3A_398 : vector<16xf32>
        %add3A_400 = arith.constant 7 : i32
        %add3A_401 = vector.broadcast %add3A_400 : i32 to vector<16xi32>
        %add3A_402 = arith.addi %mul3A_366, %add3A_401 : vector<16xi32>
        %gather3A_403 = tpu.vector_load_idx %arg17[%add3A_402] : memref<3328xf32, #tpu.memory_space<vmem>>[vector<16xi32>], vector<16xf32>,
        %add3A_404 = arith.addf %add3A_399, %gather3A_403 : vector<16xf32>
        %add3A_405 = arith.constant 8 : i32
        %add3A_406 = vector.broadcast %add3A_405 : i32 to vector<16xi32>
        %add3A_407 = arith.addi %mul3A_366, %add3A_406 : vector<16xi32>
        %gather3A_408 = tpu.vector_load_idx %arg17[%add3A_407] : memref<3328xf32, #tpu.memory_space<vmem>>[vector<16xi32>], vector<16xf32>,
        %add3A_409 = arith.addf %add3A_404, %gather3A_408 : vector<16xf32>
        %add3A_410 = arith.constant 9 : i32
        %add3A_411 = vector.broadcast %add3A_410 : i32 to vector<16xi32>
        %add3A_412 = arith.addi %mul3A_366, %add3A_411 : vector<16xi32>
        %gather3A_413 = tpu.vector_load_idx %arg17[%add3A_412] : memref<3328xf32, #tpu.memory_space<vmem>>[vector<16xi32>], vector<16xf32>,
        %add3A_414 = arith.addf %add3A_409, %gather3A_413 : vector<16xf32>
        %add3A_415 = arith.constant 10 : i32
        %add3A_416 = vector.broadcast %add3A_415 : i32 to vector<16xi32>
        %add3A_417 = arith.addi %mul3A_366, %add3A_416 : vector<16xi32>
        %gather3A_418 = tpu.vector_load_idx %arg17[%add3A_417] : memref<3328xf32, #tpu.memory_space<vmem>>[vector<16xi32>], vector<16xf32>,
        %add3A_419 = arith.addf %add3A_414, %gather3A_418 : vector<16xf32>
        %add3A_420 = arith.constant 11 : i32
        %add3A_421 = vector.broadcast %add3A_420 : i32 to vector<16xi32>
        %add3A_422 = arith.addi %mul3A_366, %add3A_421 : vector<16xi32>
        %gather3A_423 = tpu.vector_load_idx %arg17[%add3A_422] : memref<3328xf32, #tpu.memory_space<vmem>>[vector<16xi32>], vector<16xf32>,
        %add3A_424 = arith.addf %add3A_419, %gather3A_423 : vector<16xf32>
        %add3A_425 = arith.constant 12 : i32
        %add3A_426 = vector.broadcast %add3A_425 : i32 to vector<16xi32>
        %add3A_427 = arith.addi %mul3A_366, %add3A_426 : vector<16xi32>
        %gather3A_428 = tpu.vector_load_idx %arg17[%add3A_427] : memref<3328xf32, #tpu.memory_space<vmem>>[vector<16xi32>], vector<16xf32>,
        %add3A_429 = arith.addf %add3A_424, %gather3A_428 : vector<16xf32>
        %add3A_430 = arith.constant 13 : i32
        %add3A_431 = vector.broadcast %add3A_430 : i32 to vector<16xi32>
        %add3A_432 = arith.addi %mul3A_366, %add3A_431 : vector<16xi32>
        %gather3A_433 = tpu.vector_load_idx %arg17[%add3A_432] : memref<3328xf32, #tpu.memory_space<vmem>>[vector<16xi32>], vector<16xf32>,
        %add3A_434 = arith.addf %add3A_429, %gather3A_433 : vector<16xf32>
        %add3A_435 = arith.constant 14 : i32
        %add3A_436 = vector.broadcast %add3A_435 : i32 to vector<16xi32>
        %add3A_437 = arith.addi %mul3A_366, %add3A_436 : vector<16xi32>
        %gather3A_438 = tpu.vector_load_idx %arg17[%add3A_437] : memref<3328xf32, #tpu.memory_space<vmem>>[vector<16xi32>], vector<16xf32>,
        %add3A_439 = arith.addf %add3A_434, %gather3A_438 : vector<16xf32>
        %add3A_440 = arith.constant 15 : i32
        %add3A_441 = vector.broadcast %add3A_440 : i32 to vector<16xi32>
        %add3A_442 = arith.addi %mul3A_366, %add3A_441 : vector<16xi32>
        %gather3A_443 = tpu.vector_load_idx %arg17[%add3A_442] : memref<3328xf32, #tpu.memory_space<vmem>>[vector<16xi32>], vector<16xf32>,
        %add3A_444 = arith.addf %add3A_439, %gather3A_443 : vector<16xf32>
        %mul3A_445 = arith.constant 16 : i32
        %mul3A_446 = arith.muli %scan3A_358, %mul3A_445 : i32
        %swap3A = arith.index_cast %mul3A_446 : i32 to index
        %swap3A_447 = tpu.vector_load %arg22[%swap3A] {strides = array<i32>} : memref<208xf32, #tpu.memory_space<vmem>>, vector<16xf32>,
        tpu.vector_store %arg22[%swap3A], %add3A_444 {strides = array<i32>} : memref<208xf32, #tpu.memory_space<vmem>>, vector<16xf32>,
        %scan3A_448 = arith.constant 0 : i32
        scf.yield %scan3A_448 : i32
      }
      %scan3A_340 = arith.constant 13 : i32
      %mul3A_341 = arith.constant 200 : i32
      %mul3A_342 = arith.muli %add3A_311, %mul3A_341 : i32
      %add3A_343 = arith.addi %mul3A_2, %mul3A_342 : i32
      %dma_start3A_344 = arith.constant 0 : i32
      %dma_start3A_345 = tpu.memref_slice %arg22[%dma_start3A_344] : memref<208xf32, #tpu.memory_space<vmem>> -> memref<200xf32, #tpu.memory_space<vmem>>
      %dma_start3A_346 = tpu.memref_slice %arg6[%add3A_343] : memref<320000xf32, #tpu.memory_space<hbm>> -> memref<200xf32, #tpu.memory_space<hbm>>
      %dma_start3A_347 = tpu.memref_slice %arg6[%add3A_343] : memref<320000xf32, #tpu.memory_space<hbm>> -> memref<200xf32, #tpu.memory_space<hbm>>
      %dma_start3A_348 = arith.constant 0 : i32
      %dma_start3A_349 = tpu.memref_slice %arg22[%dma_start3A_348] : memref<208xf32, #tpu.memory_space<vmem>> -> memref<200xf32, #tpu.memory_space<vmem>>
      tpu.enqueue_dma source(%dma_start3A_349 : memref<200xf32, #tpu.memory_space<vmem>>) target(%dma_start3A_347 : memref<200xf32, #tpu.memory_space<hbm>>) target_semaphore(%arg27 : memref<!tpu.dma_semaphore, #tpu.memory_space<semaphore_mem>>)
      %add3A_350 = arith.constant 4 : i32
      %add3A_351 = arith.addi %add3A_311, %add3A_350 : i32
      %lt3A_352 = arith.constant 50 : i32
      %lt3A_353 = arith.cmpi slt, %add3A_351, %lt3A_352 : i32
      %convert_element_type3A_354 = arith.extui %lt3A_353 : i1 to i32
      %cond3A_355 = arith.constant 0 : i32
      %cond3A_356 = arith.cmpi ne, %convert_element_type3A_354, %cond3A_355 : i32
      scf.if %cond3A_356 {
        %add3A_358 = arith.constant 4 : i32
        %add3A_359 = arith.addi %add3A_311, %add3A_358 : i32
        %mul3A_360 = arith.constant 200 : i32
        %mul3A_361 = arith.muli %add3A_359, %mul3A_360 : i32
        %dma_start3A_362 = tpu.memref_slice %arg7[%mul3A_361] : memref<10000xi32, #tpu.memory_space<vmem>> -> memref<200xi32, #tpu.memory_space<vmem>>
        %dma_start3A_363 = arith.constant 0 : i32
        %dma_start3A_364 = arith.constant 0 : i32
        %dma_start3A_365 = tpu.memref_slice %arg2[%dma_start3A_363, %dma_start3A_364] : memref<10000x64xi32, #tpu.memory_space<hbm>> -> memref<10000x64xi32, #tpu.memory_space<hbm>>
        tpu.enqueue_indirect_dma source(%dma_start3A_365 : memref<10000x64xi32, #tpu.memory_space<hbm>>) target(%arg15 : memref<200x64xi32, #tpu.memory_space<vmem>>) offsets(%dma_start3A_362 : memref<200xi32, #tpu.memory_space<vmem>>) semaphore(%arg26 : memref<!tpu.dma_semaphore, #tpu.memory_space<semaphore_mem>>)
        %dma_start3A_366 = tpu.memref_slice %arg8[%mul3A_361] : memref<10000xi32, #tpu.memory_space<vmem>> -> memref<200xi32, #tpu.memory_space<vmem>>
        %dma_start3A_367 = arith.constant 0 : i32
        %dma_start3A_368 = arith.constant 0 : i32
        %dma_start3A_369 = tpu.memref_slice %arg2[%dma_start3A_367, %dma_start3A_368] : memref<10000x64xi32, #tpu.memory_space<hbm>> -> memref<10000x64xi32, #tpu.memory_space<hbm>>
        tpu.enqueue_indirect_dma source(%dma_start3A_369 : memref<10000x64xi32, #tpu.memory_space<hbm>>) target(%arg16 : memref<200x64xi32, #tpu.memory_space<vmem>>) offsets(%dma_start3A_366 : memref<200xi32, #tpu.memory_space<vmem>>) semaphore(%arg26 : memref<!tpu.dma_semaphore, #tpu.memory_space<semaphore_mem>>)
      } else {
      }
      %scan3A_357 = arith.constant 0 : i32
      scf.yield %scan3A_357 : i32
    }
    %scan3A_51 = arith.constant 12 : i32
    %dma_wait3A = arith.constant 9600 : i32
    %dma_wait3A_52 = tpu.memref_slice %arg7[%dma_wait3A] : memref<10000xi32, #tpu.memory_space<vmem>> -> memref<200xi32, #tpu.memory_space<vmem>>
    %dma_wait3A_53 = arith.constant 0 : i32
    %dma_wait3A_54 = arith.constant 0 : i32
    %dma_wait3A_55 = tpu.memref_slice %arg2[%dma_wait3A_53, %dma_wait3A_54] : memref<10000x64xi32, #tpu.memory_space<hbm>> -> memref<10000x64xi32, #tpu.memory_space<hbm>>
    tpu.wait_indirect_dma semaphore(%arg23 : memref<!tpu.dma_semaphore, #tpu.memory_space<semaphore_mem>>) src(%dma_wait3A_55 : memref<10000x64xi32, #tpu.memory_space<hbm>>) dst(%arg9 : memref<200x64xi32, #tpu.memory_space<vmem>>)
    %dma_wait3A_56 = arith.constant 9600 : i32
    %dma_wait3A_57 = tpu.memref_slice %arg8[%dma_wait3A_56] : memref<10000xi32, #tpu.memory_space<vmem>> -> memref<200xi32, #tpu.memory_space<vmem>>
    %dma_wait3A_58 = arith.constant 0 : i32
    %dma_wait3A_59 = arith.constant 0 : i32
    %dma_wait3A_60 = tpu.memref_slice %arg2[%dma_wait3A_58, %dma_wait3A_59] : memref<10000x64xi32, #tpu.memory_space<hbm>> -> memref<10000x64xi32, #tpu.memory_space<hbm>>
    tpu.wait_indirect_dma semaphore(%arg23 : memref<!tpu.dma_semaphore, #tpu.memory_space<semaphore_mem>>) src(%dma_wait3A_60 : memref<10000x64xi32, #tpu.memory_space<hbm>>) dst(%arg10 : memref<200x64xi32, #tpu.memory_space<vmem>>)
    %add3A_61 = arith.constant 8800 : i32
    %add3A_62 = arith.addi %mul3A_2, %add3A_61 : i32
    %dma_wait3A_63 = arith.constant 0 : i32
    %dma_wait3A_64 = tpu.memref_slice %arg19[%dma_wait3A_63] : memref<208xf32, #tpu.memory_space<vmem>> -> memref<200xf32, #tpu.memory_space<vmem>>
    %dma_wait3A_65 = tpu.memref_slice %arg6[%add3A_62] : memref<320000xf32, #tpu.memory_space<hbm>> -> memref<200xf32, #tpu.memory_space<hbm>>
    %dma_wait3A_66 = tpu.memref_slice %arg6[%add3A_62] : memref<320000xf32, #tpu.memory_space<hbm>> -> memref<200xf32, #tpu.memory_space<hbm>>
    %dma_wait3A_67 = arith.constant 0 : i32
    %dma_wait3A_68 = tpu.memref_slice %arg19[%dma_wait3A_67] : memref<208xf32, #tpu.memory_space<vmem>> -> memref<200xf32, #tpu.memory_space<vmem>>
    tpu.wait_dma2 semaphore(%arg27 : memref<!tpu.dma_semaphore, #tpu.memory_space<semaphore_mem>>) src(%dma_wait3A_68 : memref<200xf32, #tpu.memory_space<vmem>>) dst(%dma_wait3A_66 : memref<200xf32, #tpu.memory_space<hbm>>)
    %scan3A_69 = arith.constant 0 : i32
    %scan3A_70 = arith.constant 0 : i32
    %scan3A_71 = arith.constant 50 : i32
    %scan3A_72 = arith.addi %scan3A_70, %scan3A_71 : i32
    %scan3A_73 = arith.constant 1 : i32
    %scan3A_74 = scf.for %scan3A_163 = %scan3A_70 to %scan3A_72 step %scan3A_73 iter_args(%scan3A_164 = %scan3A_69) -> (i32)  : i32 {
      %mul3A_165 = arith.constant 4 : i32
      %mul3A_166 = arith.muli %scan3A_163, %mul3A_165 : i32
      %add3A_167 = arith.constant 0 : i32
      %add3A_168 = arith.addi %mul3A_166, %add3A_167 : i32
      %get3A_169 = arith.index_cast %add3A_168 : i32 to index
      %get3A_170 = arith.constant 0 : index
      %get3A_171 = tpu.vector_load %arg9[%get3A_169, %get3A_170] {strides = array<i32>} : memref<200x64xi32, #tpu.memory_space<vmem>>, vector<16xi32>,
      %bitcast3A_172 = vector.bitcast %get3A_171 : vector<16xi32> to vector<32xbf16>
      %add3A_173 = arith.constant 0 : i32
      %add3A_174 = arith.addi %mul3A_166, %add3A_173 : i32
      %get3A_175 = arith.index_cast %add3A_174 : i32 to index
      %get3A_176 = arith.constant 16 : index
      %get3A_177 = tpu.vector_load %arg9[%get3A_175, %get3A_176] {strides = array<i32>} : memref<200x64xi32, #tpu.memory_space<vmem>>, vector<16xi32>,
      %bitcast3A_178 = vector.bitcast %get3A_177 : vector<16xi32> to vector<32xbf16>
      %add3A_179 = arith.constant 1 : i32
      %add3A_180 = arith.addi %mul3A_166, %add3A_179 : i32
      %get3A_181 = arith.index_cast %add3A_180 : i32 to index
      %get3A_182 = arith.constant 0 : index
      %get3A_183 = tpu.vector_load %arg9[%get3A_181, %get3A_182] {strides = array<i32>} : memref<200x64xi32, #tpu.memory_space<vmem>>, vector<16xi32>,
      %bitcast3A_184 = vector.bitcast %get3A_183 : vector<16xi32> to vector<32xbf16>
      %add3A_185 = arith.constant 1 : i32
      %add3A_186 = arith.addi %mul3A_166, %add3A_185 : i32
      %get3A_187 = arith.index_cast %add3A_186 : i32 to index
      %get3A_188 = arith.constant 16 : index
      %get3A_189 = tpu.vector_load %arg9[%get3A_187, %get3A_188] {strides = array<i32>} : memref<200x64xi32, #tpu.memory_space<vmem>>, vector<16xi32>,
      %bitcast3A_190 = vector.bitcast %get3A_189 : vector<16xi32> to vector<32xbf16>
      %add3A_191 = arith.constant 2 : i32
      %add3A_192 = arith.addi %mul3A_166, %add3A_191 : i32
      %get3A_193 = arith.index_cast %add3A_192 : i32 to index
      %get3A_194 = arith.constant 0 : index
      %get3A_195 = tpu.vector_load %arg9[%get3A_193, %get3A_194] {strides = array<i32>} : memref<200x64xi32, #tpu.memory_space<vmem>>, vector<16xi32>,
      %bitcast3A_196 = vector.bitcast %get3A_195 : vector<16xi32> to vector<32xbf16>
      %add3A_197 = arith.constant 2 : i32
      %add3A_198 = arith.addi %mul3A_166, %add3A_197 : i32
      %get3A_199 = arith.index_cast %add3A_198 : i32 to index
      %get3A_200 = arith.constant 16 : index
      %get3A_201 = tpu.vector_load %arg9[%get3A_199, %get3A_200] {strides = array<i32>} : memref<200x64xi32, #tpu.memory_space<vmem>>, vector<16xi32>,
      %bitcast3A_202 = vector.bitcast %get3A_201 : vector<16xi32> to vector<32xbf16>
      %add3A_203 = arith.constant 3 : i32
      %add3A_204 = arith.addi %mul3A_166, %add3A_203 : i32
      %get3A_205 = arith.index_cast %add3A_204 : i32 to index
      %get3A_206 = arith.constant 0 : index
      %get3A_207 = tpu.vector_load %arg9[%get3A_205, %get3A_206] {strides = array<i32>} : memref<200x64xi32, #tpu.memory_space<vmem>>, vector<16xi32>,
      %bitcast3A_208 = vector.bitcast %get3A_207 : vector<16xi32> to vector<32xbf16>
      %add3A_209 = arith.constant 3 : i32
      %add3A_210 = arith.addi %mul3A_166, %add3A_209 : i32
      %get3A_211 = arith.index_cast %add3A_210 : i32 to index
      %get3A_212 = arith.constant 16 : index
      %get3A_213 = tpu.vector_load %arg9[%get3A_211, %get3A_212] {strides = array<i32>} : memref<200x64xi32, #tpu.memory_space<vmem>>, vector<16xi32>,
      %bitcast3A_214 = vector.bitcast %get3A_213 : vector<16xi32> to vector<32xbf16>
      %add3A_215 = arith.constant 0 : i32
      %add3A_216 = arith.addi %mul3A_166, %add3A_215 : i32
      %get3A_217 = arith.index_cast %add3A_216 : i32 to index
      %get3A_218 = arith.constant 32 : index
      %get3A_219 = tpu.vector_load %arg10[%get3A_217, %get3A_218] {strides = array<i32>} : memref<200x64xi32, #tpu.memory_space<vmem>>, vector<16xi32>,
      %bitcast3A_220 = vector.bitcast %get3A_219 : vector<16xi32> to vector<32xbf16>
      %add3A_221 = arith.constant 0 : i32
      %add3A_222 = arith.addi %mul3A_166, %add3A_221 : i32
      %get3A_223 = arith.index_cast %add3A_222 : i32 to index
      %get3A_224 = arith.constant 48 : index
      %get3A_225 = tpu.vector_load %arg10[%get3A_223, %get3A_224] {strides = array<i32>} : memref<200x64xi32, #tpu.memory_space<vmem>>, vector<16xi32>,
      %bitcast3A_226 = vector.bitcast %get3A_225 : vector<16xi32> to vector<32xbf16>
      %add3A_227 = arith.constant 1 : i32
      %add3A_228 = arith.addi %mul3A_166, %add3A_227 : i32
      %get3A_229 = arith.index_cast %add3A_228 : i32 to index
      %get3A_230 = arith.constant 32 : index
      %get3A_231 = tpu.vector_load %arg10[%get3A_229, %get3A_230] {strides = array<i32>} : memref<200x64xi32, #tpu.memory_space<vmem>>, vector<16xi32>,
      %bitcast3A_232 = vector.bitcast %get3A_231 : vector<16xi32> to vector<32xbf16>
      %add3A_233 = arith.constant 1 : i32
      %add3A_234 = arith.addi %mul3A_166, %add3A_233 : i32
      %get3A_235 = arith.index_cast %add3A_234 : i32 to index
      %get3A_236 = arith.constant 48 : index
      %get3A_237 = tpu.vector_load %arg10[%get3A_235, %get3A_236] {strides = array<i32>} : memref<200x64xi32, #tpu.memory_space<vmem>>, vector<16xi32>,
      %bitcast3A_238 = vector.bitcast %get3A_237 : vector<16xi32> to vector<32xbf16>
      %add3A_239 = arith.constant 2 : i32
      %add3A_240 = arith.addi %mul3A_166, %add3A_239 : i32
      %get3A_241 = arith.index_cast %add3A_240 : i32 to index
      %get3A_242 = arith.constant 32 : index
      %get3A_243 = tpu.vector_load %arg10[%get3A_241, %get3A_242] {strides = array<i32>} : memref<200x64xi32, #tpu.memory_space<vmem>>, vector<16xi32>,
      %bitcast3A_244 = vector.bitcast %get3A_243 : vector<16xi32> to vector<32xbf16>
      %add3A_245 = arith.constant 2 : i32
      %add3A_246 = arith.addi %mul3A_166, %add3A_245 : i32
      %get3A_247 = arith.index_cast %add3A_246 : i32 to index
      %get3A_248 = arith.constant 48 : index
      %get3A_249 = tpu.vector_load %arg10[%get3A_247, %get3A_248] {strides = array<i32>} : memref<200x64xi32, #tpu.memory_space<vmem>>, vector<16xi32>,
      %bitcast3A_250 = vector.bitcast %get3A_249 : vector<16xi32> to vector<32xbf16>
      %add3A_251 = arith.constant 3 : i32
      %add3A_252 = arith.addi %mul3A_166, %add3A_251 : i32
      %get3A_253 = arith.index_cast %add3A_252 : i32 to index
      %get3A_254 = arith.constant 32 : index
      %get3A_255 = tpu.vector_load %arg10[%get3A_253, %get3A_254] {strides = array<i32>} : memref<200x64xi32, #tpu.memory_space<vmem>>, vector<16xi32>,
      %bitcast3A_256 = vector.bitcast %get3A_255 : vector<16xi32> to vector<32xbf16>
      %add3A_257 = arith.constant 3 : i32
      %add3A_258 = arith.addi %mul3A_166, %add3A_257 : i32
      %get3A_259 = arith.index_cast %add3A_258 : i32 to index
      %get3A_260 = arith.constant 48 : index
      %get3A_261 = tpu.vector_load %arg10[%get3A_259, %get3A_260] {strides = array<i32>} : memref<200x64xi32, #tpu.memory_space<vmem>>, vector<16xi32>,
      %bitcast3A_262 = vector.bitcast %get3A_261 : vector<16xi32> to vector<32xbf16>
      %add3A_263 = arith.addf %bitcast3A_172, %bitcast3A_220 : vector<32xbf16>
      %max3A = arith.constant 0.000000e+00 : bf16
      %max3A_264 = vector.broadcast %max3A : bf16 to vector<32xbf16>
      %max3A_265 = arith.maximumf %add3A_263, %max3A_264 : vector<32xbf16>
      %mul3A_266 = arith.mulf %max3A_265, %bitcast3A : vector<32xbf16>
      %add3A_267 = arith.addf %bitcast3A_178, %bitcast3A_226 : vector<32xbf16>
      %max3A_268 = arith.constant 0.000000e+00 : bf16
      %max3A_269 = vector.broadcast %max3A_268 : bf16 to vector<32xbf16>
      %max3A_270 = arith.maximumf %add3A_267, %max3A_269 : vector<32xbf16>
      %mul3A_271 = arith.mulf %max3A_270, %bitcast3A_6 : vector<32xbf16>
      %add3A_272 = arith.addf %mul3A_266, %mul3A_271 : vector<32xbf16>
      %unpack3A = tpu.unpack_subelements %add3A_272, 0 {pack_format = #tpu.pack_format<interleaved>} : vector<32xbf16> -> vector<16xf32>
      %unpack3A_273 = tpu.unpack_subelements %add3A_272, 1 {pack_format = #tpu.pack_format<interleaved>} : vector<32xbf16> -> vector<16xf32>
      %add3A_274 = arith.addf %unpack3A, %unpack3A_273 : vector<16xf32>
      %add3A_275 = arith.constant 0 : i32
      %add3A_276 = arith.addi %mul3A_166, %add3A_275 : i32
      %mul3A_277 = arith.constant 16 : i32
      %mul3A_278 = arith.muli %add3A_276, %mul3A_277 : i32
      %swap3A = arith.index_cast %mul3A_278 : i32 to index
      %swap3A_279 = tpu.vector_load %arg17[%swap3A] {strides = array<i32>} : memref<3328xf32, #tpu.memory_space<vmem>>, vector<16xf32>,
      tpu.vector_store %arg17[%swap3A], %add3A_274 {strides = array<i32>} : memref<3328xf32, #tpu.memory_space<vmem>>, vector<16xf32>,
      %add3A_280 = arith.addf %bitcast3A_184, %bitcast3A_232 : vector<32xbf16>
      %max3A_281 = arith.constant 0.000000e+00 : bf16
      %max3A_282 = vector.broadcast %max3A_281 : bf16 to vector<32xbf16>
      %max3A_283 = arith.maximumf %add3A_280, %max3A_282 : vector<32xbf16>
      %mul3A_284 = arith.mulf %max3A_283, %bitcast3A : vector<32xbf16>
      %add3A_285 = arith.addf %bitcast3A_190, %bitcast3A_238 : vector<32xbf16>
      %max3A_286 = arith.constant 0.000000e+00 : bf16
      %max3A_287 = vector.broadcast %max3A_286 : bf16 to vector<32xbf16>
      %max3A_288 = arith.maximumf %add3A_285, %max3A_287 : vector<32xbf16>
      %mul3A_289 = arith.mulf %max3A_288, %bitcast3A_6 : vector<32xbf16>
      %add3A_290 = arith.addf %mul3A_284, %mul3A_289 : vector<32xbf16>
      %unpack3A_291 = tpu.unpack_subelements %add3A_290, 0 {pack_format = #tpu.pack_format<interleaved>} : vector<32xbf16> -> vector<16xf32>
      %unpack3A_292 = tpu.unpack_subelements %add3A_290, 1 {pack_format = #tpu.pack_format<interleaved>} : vector<32xbf16> -> vector<16xf32>
      %add3A_293 = arith.addf %unpack3A_291, %unpack3A_292 : vector<16xf32>
      %add3A_294 = arith.constant 1 : i32
      %add3A_295 = arith.addi %mul3A_166, %add3A_294 : i32
      %mul3A_296 = arith.constant 16 : i32
      %mul3A_297 = arith.muli %add3A_295, %mul3A_296 : i32
      %swap3A_298 = arith.index_cast %mul3A_297 : i32 to index
      %swap3A_299 = tpu.vector_load %arg17[%swap3A_298] {strides = array<i32>} : memref<3328xf32, #tpu.memory_space<vmem>>, vector<16xf32>,
      tpu.vector_store %arg17[%swap3A_298], %add3A_293 {strides = array<i32>} : memref<3328xf32, #tpu.memory_space<vmem>>, vector<16xf32>,
      %add3A_300 = arith.addf %bitcast3A_196, %bitcast3A_244 : vector<32xbf16>
      %max3A_301 = arith.constant 0.000000e+00 : bf16
      %max3A_302 = vector.broadcast %max3A_301 : bf16 to vector<32xbf16>
      %max3A_303 = arith.maximumf %add3A_300, %max3A_302 : vector<32xbf16>
      %mul3A_304 = arith.mulf %max3A_303, %bitcast3A : vector<32xbf16>
      %add3A_305 = arith.addf %bitcast3A_202, %bitcast3A_250 : vector<32xbf16>
      %max3A_306 = arith.constant 0.000000e+00 : bf16
      %max3A_307 = vector.broadcast %max3A_306 : bf16 to vector<32xbf16>
      %max3A_308 = arith.maximumf %add3A_305, %max3A_307 : vector<32xbf16>
      %mul3A_309 = arith.mulf %max3A_308, %bitcast3A_6 : vector<32xbf16>
      %add3A_310 = arith.addf %mul3A_304, %mul3A_309 : vector<32xbf16>
      %unpack3A_311 = tpu.unpack_subelements %add3A_310, 0 {pack_format = #tpu.pack_format<interleaved>} : vector<32xbf16> -> vector<16xf32>
      %unpack3A_312 = tpu.unpack_subelements %add3A_310, 1 {pack_format = #tpu.pack_format<interleaved>} : vector<32xbf16> -> vector<16xf32>
      %add3A_313 = arith.addf %unpack3A_311, %unpack3A_312 : vector<16xf32>
      %add3A_314 = arith.constant 2 : i32
      %add3A_315 = arith.addi %mul3A_166, %add3A_314 : i32
      %mul3A_316 = arith.constant 16 : i32
      %mul3A_317 = arith.muli %add3A_315, %mul3A_316 : i32
      %swap3A_318 = arith.index_cast %mul3A_317 : i32 to index
      %swap3A_319 = tpu.vector_load %arg17[%swap3A_318] {strides = array<i32>} : memref<3328xf32, #tpu.memory_space<vmem>>, vector<16xf32>,
      tpu.vector_store %arg17[%swap3A_318], %add3A_313 {strides = array<i32>} : memref<3328xf32, #tpu.memory_space<vmem>>, vector<16xf32>,
      %add3A_320 = arith.addf %bitcast3A_208, %bitcast3A_256 : vector<32xbf16>
      %max3A_321 = arith.constant 0.000000e+00 : bf16
      %max3A_322 = vector.broadcast %max3A_321 : bf16 to vector<32xbf16>
      %max3A_323 = arith.maximumf %add3A_320, %max3A_322 : vector<32xbf16>
      %mul3A_324 = arith.mulf %max3A_323, %bitcast3A : vector<32xbf16>
      %add3A_325 = arith.addf %bitcast3A_214, %bitcast3A_262 : vector<32xbf16>
      %max3A_326 = arith.constant 0.000000e+00 : bf16
      %max3A_327 = vector.broadcast %max3A_326 : bf16 to vector<32xbf16>
      %max3A_328 = arith.maximumf %add3A_325, %max3A_327 : vector<32xbf16>
      %mul3A_329 = arith.mulf %max3A_328, %bitcast3A_6 : vector<32xbf16>
      %add3A_330 = arith.addf %mul3A_324, %mul3A_329 : vector<32xbf16>
      %unpack3A_331 = tpu.unpack_subelements %add3A_330, 0 {pack_format = #tpu.pack_format<interleaved>} : vector<32xbf16> -> vector<16xf32>
      %unpack3A_332 = tpu.unpack_subelements %add3A_330, 1 {pack_format = #tpu.pack_format<interleaved>} : vector<32xbf16> -> vector<16xf32>
      %add3A_333 = arith.addf %unpack3A_331, %unpack3A_332 : vector<16xf32>
      %add3A_334 = arith.constant 3 : i32
      %add3A_335 = arith.addi %mul3A_166, %add3A_334 : i32
      %mul3A_336 = arith.constant 16 : i32
      %mul3A_337 = arith.muli %add3A_335, %mul3A_336 : i32
      %swap3A_338 = arith.index_cast %mul3A_337 : i32 to index
      %swap3A_339 = tpu.vector_load %arg17[%swap3A_338] {strides = array<i32>} : memref<3328xf32, #tpu.memory_space<vmem>>, vector<16xf32>,
      tpu.vector_store %arg17[%swap3A_338], %add3A_333 {strides = array<i32>} : memref<3328xf32, #tpu.memory_space<vmem>>, vector<16xf32>,
      %scan3A_340 = arith.constant 0 : i32
      scf.yield %scan3A_340 : i32
    }
    %scan3A_75 = arith.constant 50 : i32
    %scan3A_76 = arith.constant 0 : i32
    %scan3A_77 = arith.constant 0 : i32
    %scan3A_78 = arith.constant 13 : i32
    %scan3A_79 = arith.addi %scan3A_77, %scan3A_78 : i32
    %scan3A_80 = arith.constant 1 : i32
    %scan3A_81 = scf.for %scan3A_163 = %scan3A_77 to %scan3A_79 step %scan3A_80 iter_args(%scan3A_164 = %scan3A_76) -> (i32)  : i32 {
      %mul3A_165 = arith.constant 16 : i32
      %mul3A_166 = arith.muli %scan3A_163, %mul3A_165 : i32
      %add3A_167 = vector.broadcast %mul3A_166 : i32 to vector<16xi32>
      %add3A_168 = arith.addi %add3A_167, %iota3A : vector<16xi32>
      %mul3A_169 = arith.constant 16 : i32
      %mul3A_170 = vector.broadcast %mul3A_169 : i32 to vector<16xi32>
      %mul3A_171 = arith.muli %add3A_168, %mul3A_170 : vector<16xi32>
      %add3A_172 = arith.constant 0 : i32
      %add3A_173 = vector.broadcast %add3A_172 : i32 to vector<16xi32>
      %add3A_174 = arith.addi %mul3A_171, %add3A_173 : vector<16xi32>
      %gather3A = tpu.vector_load_idx %arg17[%add3A_174] : memref<3328xf32, #tpu.memory_space<vmem>>[vector<16xi32>], vector<16xf32>,
      %add3A_175 = arith.constant 1 : i32
      %add3A_176 = vector.broadcast %add3A_175 : i32 to vector<16xi32>
      %add3A_177 = arith.addi %mul3A_171, %add3A_176 : vector<16xi32>
      %gather3A_178 = tpu.vector_load_idx %arg17[%add3A_177] : memref<3328xf32, #tpu.memory_space<vmem>>[vector<16xi32>], vector<16xf32>,
      %add3A_179 = arith.addf %gather3A, %gather3A_178 : vector<16xf32>
      %add3A_180 = arith.constant 2 : i32
      %add3A_181 = vector.broadcast %add3A_180 : i32 to vector<16xi32>
      %add3A_182 = arith.addi %mul3A_171, %add3A_181 : vector<16xi32>
      %gather3A_183 = tpu.vector_load_idx %arg17[%add3A_182] : memref<3328xf32, #tpu.memory_space<vmem>>[vector<16xi32>], vector<16xf32>,
      %add3A_184 = arith.addf %add3A_179, %gather3A_183 : vector<16xf32>
      %add3A_185 = arith.constant 3 : i32
      %add3A_186 = vector.broadcast %add3A_185 : i32 to vector<16xi32>
      %add3A_187 = arith.addi %mul3A_171, %add3A_186 : vector<16xi32>
      %gather3A_188 = tpu.vector_load_idx %arg17[%add3A_187] : memref<3328xf32, #tpu.memory_space<vmem>>[vector<16xi32>], vector<16xf32>,
      %add3A_189 = arith.addf %add3A_184, %gather3A_188 : vector<16xf32>
      %add3A_190 = arith.constant 4 : i32
      %add3A_191 = vector.broadcast %add3A_190 : i32 to vector<16xi32>
      %add3A_192 = arith.addi %mul3A_171, %add3A_191 : vector<16xi32>
      %gather3A_193 = tpu.vector_load_idx %arg17[%add3A_192] : memref<3328xf32, #tpu.memory_space<vmem>>[vector<16xi32>], vector<16xf32>,
      %add3A_194 = arith.addf %add3A_189, %gather3A_193 : vector<16xf32>
      %add3A_195 = arith.constant 5 : i32
      %add3A_196 = vector.broadcast %add3A_195 : i32 to vector<16xi32>
      %add3A_197 = arith.addi %mul3A_171, %add3A_196 : vector<16xi32>
      %gather3A_198 = tpu.vector_load_idx %arg17[%add3A_197] : memref<3328xf32, #tpu.memory_space<vmem>>[vector<16xi32>], vector<16xf32>,
      %add3A_199 = arith.addf %add3A_194, %gather3A_198 : vector<16xf32>
      %add3A_200 = arith.constant 6 : i32
      %add3A_201 = vector.broadcast %add3A_200 : i32 to vector<16xi32>
      %add3A_202 = arith.addi %mul3A_171, %add3A_201 : vector<16xi32>
      %gather3A_203 = tpu.vector_load_idx %arg17[%add3A_202] : memref<3328xf32, #tpu.memory_space<vmem>>[vector<16xi32>], vector<16xf32>,
      %add3A_204 = arith.addf %add3A_199, %gather3A_203 : vector<16xf32>
      %add3A_205 = arith.constant 7 : i32
      %add3A_206 = vector.broadcast %add3A_205 : i32 to vector<16xi32>
      %add3A_207 = arith.addi %mul3A_171, %add3A_206 : vector<16xi32>
      %gather3A_208 = tpu.vector_load_idx %arg17[%add3A_207] : memref<3328xf32, #tpu.memory_space<vmem>>[vector<16xi32>], vector<16xf32>,
      %add3A_209 = arith.addf %add3A_204, %gather3A_208 : vector<16xf32>
      %add3A_210 = arith.constant 8 : i32
      %add3A_211 = vector.broadcast %add3A_210 : i32 to vector<16xi32>
      %add3A_212 = arith.addi %mul3A_171, %add3A_211 : vector<16xi32>
      %gather3A_213 = tpu.vector_load_idx %arg17[%add3A_212] : memref<3328xf32, #tpu.memory_space<vmem>>[vector<16xi32>], vector<16xf32>,
      %add3A_214 = arith.addf %add3A_209, %gather3A_213 : vector<16xf32>
      %add3A_215 = arith.constant 9 : i32
      %add3A_216 = vector.broadcast %add3A_215 : i32 to vector<16xi32>
      %add3A_217 = arith.addi %mul3A_171, %add3A_216 : vector<16xi32>
      %gather3A_218 = tpu.vector_load_idx %arg17[%add3A_217] : memref<3328xf32, #tpu.memory_space<vmem>>[vector<16xi32>], vector<16xf32>,
      %add3A_219 = arith.addf %add3A_214, %gather3A_218 : vector<16xf32>
      %add3A_220 = arith.constant 10 : i32
      %add3A_221 = vector.broadcast %add3A_220 : i32 to vector<16xi32>
      %add3A_222 = arith.addi %mul3A_171, %add3A_221 : vector<16xi32>
      %gather3A_223 = tpu.vector_load_idx %arg17[%add3A_222] : memref<3328xf32, #tpu.memory_space<vmem>>[vector<16xi32>], vector<16xf32>,
      %add3A_224 = arith.addf %add3A_219, %gather3A_223 : vector<16xf32>
      %add3A_225 = arith.constant 11 : i32
      %add3A_226 = vector.broadcast %add3A_225 : i32 to vector<16xi32>
      %add3A_227 = arith.addi %mul3A_171, %add3A_226 : vector<16xi32>
      %gather3A_228 = tpu.vector_load_idx %arg17[%add3A_227] : memref<3328xf32, #tpu.memory_space<vmem>>[vector<16xi32>], vector<16xf32>,
      %add3A_229 = arith.addf %add3A_224, %gather3A_228 : vector<16xf32>
      %add3A_230 = arith.constant 12 : i32
      %add3A_231 = vector.broadcast %add3A_230 : i32 to vector<16xi32>
      %add3A_232 = arith.addi %mul3A_171, %add3A_231 : vector<16xi32>
      %gather3A_233 = tpu.vector_load_idx %arg17[%add3A_232] : memref<3328xf32, #tpu.memory_space<vmem>>[vector<16xi32>], vector<16xf32>,
      %add3A_234 = arith.addf %add3A_229, %gather3A_233 : vector<16xf32>
      %add3A_235 = arith.constant 13 : i32
      %add3A_236 = vector.broadcast %add3A_235 : i32 to vector<16xi32>
      %add3A_237 = arith.addi %mul3A_171, %add3A_236 : vector<16xi32>
      %gather3A_238 = tpu.vector_load_idx %arg17[%add3A_237] : memref<3328xf32, #tpu.memory_space<vmem>>[vector<16xi32>], vector<16xf32>,
      %add3A_239 = arith.addf %add3A_234, %gather3A_238 : vector<16xf32>
      %add3A_240 = arith.constant 14 : i32
      %add3A_241 = vector.broadcast %add3A_240 : i32 to vector<16xi32>
      %add3A_242 = arith.addi %mul3A_171, %add3A_241 : vector<16xi32>
      %gather3A_243 = tpu.vector_load_idx %arg17[%add3A_242] : memref<3328xf32, #tpu.memory_space<vmem>>[vector<16xi32>], vector<16xf32>,
      %add3A_244 = arith.addf %add3A_239, %gather3A_243 : vector<16xf32>
      %add3A_245 = arith.constant 15 : i32
      %add3A_246 = vector.broadcast %add3A_245 : i32 to vector<16xi32>
      %add3A_247 = arith.addi %mul3A_171, %add3A_246 : vector<16xi32>
      %gather3A_248 = tpu.vector_load_idx %arg17[%add3A_247] : memref<3328xf32, #tpu.memory_space<vmem>>[vector<16xi32>], vector<16xf32>,
      %add3A_249 = arith.addf %add3A_244, %gather3A_248 : vector<16xf32>
      %mul3A_250 = arith.constant 16 : i32
      %mul3A_251 = arith.muli %scan3A_163, %mul3A_250 : i32
      %swap3A = arith.index_cast %mul3A_251 : i32 to index
      %swap3A_252 = tpu.vector_load %arg19[%swap3A] {strides = array<i32>} : memref<208xf32, #tpu.memory_space<vmem>>, vector<16xf32>,
      tpu.vector_store %arg19[%swap3A], %add3A_249 {strides = array<i32>} : memref<208xf32, #tpu.memory_space<vmem>>, vector<16xf32>,
      %scan3A_253 = arith.constant 0 : i32
      scf.yield %scan3A_253 : i32
    }
    %scan3A_82 = arith.constant 13 : i32
    %add3A_83 = arith.constant 9600 : i32
    %add3A_84 = arith.addi %mul3A_2, %add3A_83 : i32
    %dma_start3A_85 = arith.constant 0 : i32
    %dma_start3A_86 = tpu.memref_slice %arg19[%dma_start3A_85] : memref<208xf32, #tpu.memory_space<vmem>> -> memref<200xf32, #tpu.memory_space<vmem>>
    %dma_start3A_87 = tpu.memref_slice %arg6[%add3A_84] : memref<320000xf32, #tpu.memory_space<hbm>> -> memref<200xf32, #tpu.memory_space<hbm>>
    %dma_start3A_88 = tpu.memref_slice %arg6[%add3A_84] : memref<320000xf32, #tpu.memory_space<hbm>> -> memref<200xf32, #tpu.memory_space<hbm>>
    %dma_start3A_89 = arith.constant 0 : i32
    %dma_start3A_90 = tpu.memref_slice %arg19[%dma_start3A_89] : memref<208xf32, #tpu.memory_space<vmem>> -> memref<200xf32, #tpu.memory_space<vmem>>
    tpu.enqueue_dma source(%dma_start3A_90 : memref<200xf32, #tpu.memory_space<vmem>>) target(%dma_start3A_88 : memref<200xf32, #tpu.memory_space<hbm>>) target_semaphore(%arg27 : memref<!tpu.dma_semaphore, #tpu.memory_space<semaphore_mem>>)
    %dma_wait3A_91 = arith.constant 9800 : i32
    %dma_wait3A_92 = tpu.memref_slice %arg7[%dma_wait3A_91] : memref<10000xi32, #tpu.memory_space<vmem>> -> memref<200xi32, #tpu.memory_space<vmem>>
    %dma_wait3A_93 = arith.constant 0 : i32
    %dma_wait3A_94 = arith.constant 0 : i32
    %dma_wait3A_95 = tpu.memref_slice %arg2[%dma_wait3A_93, %dma_wait3A_94] : memref<10000x64xi32, #tpu.memory_space<hbm>> -> memref<10000x64xi32, #tpu.memory_space<hbm>>
    tpu.wait_indirect_dma semaphore(%arg24 : memref<!tpu.dma_semaphore, #tpu.memory_space<semaphore_mem>>) src(%dma_wait3A_95 : memref<10000x64xi32, #tpu.memory_space<hbm>>) dst(%arg11 : memref<200x64xi32, #tpu.memory_space<vmem>>)
    %dma_wait3A_96 = arith.constant 9800 : i32
    %dma_wait3A_97 = tpu.memref_slice %arg8[%dma_wait3A_96] : memref<10000xi32, #tpu.memory_space<vmem>> -> memref<200xi32, #tpu.memory_space<vmem>>
    %dma_wait3A_98 = arith.constant 0 : i32
    %dma_wait3A_99 = arith.constant 0 : i32
    %dma_wait3A_100 = tpu.memref_slice %arg2[%dma_wait3A_98, %dma_wait3A_99] : memref<10000x64xi32, #tpu.memory_space<hbm>> -> memref<10000x64xi32, #tpu.memory_space<hbm>>
    tpu.wait_indirect_dma semaphore(%arg24 : memref<!tpu.dma_semaphore, #tpu.memory_space<semaphore_mem>>) src(%dma_wait3A_100 : memref<10000x64xi32, #tpu.memory_space<hbm>>) dst(%arg12 : memref<200x64xi32, #tpu.memory_space<vmem>>)
    %add3A_101 = arith.constant 9000 : i32
    %add3A_102 = arith.addi %mul3A_2, %add3A_101 : i32
    %dma_wait3A_103 = arith.constant 0 : i32
    %dma_wait3A_104 = tpu.memref_slice %arg20[%dma_wait3A_103] : memref<208xf32, #tpu.memory_space<vmem>> -> memref<200xf32, #tpu.memory_space<vmem>>
    %dma_wait3A_105 = tpu.memref_slice %arg6[%add3A_102] : memref<320000xf32, #tpu.memory_space<hbm>> -> memref<200xf32, #tpu.memory_space<hbm>>
    %dma_wait3A_106 = tpu.memref_slice %arg6[%add3A_102] : memref<320000xf32, #tpu.memory_space<hbm>> -> memref<200xf32, #tpu.memory_space<hbm>>
    %dma_wait3A_107 = arith.constant 0 : i32
    %dma_wait3A_108 = tpu.memref_slice %arg20[%dma_wait3A_107] : memref<208xf32, #tpu.memory_space<vmem>> -> memref<200xf32, #tpu.memory_space<vmem>>
    tpu.wait_dma2 semaphore(%arg27 : memref<!tpu.dma_semaphore, #tpu.memory_space<semaphore_mem>>) src(%dma_wait3A_108 : memref<200xf32, #tpu.memory_space<vmem>>) dst(%dma_wait3A_106 : memref<200xf32, #tpu.memory_space<hbm>>)
    %scan3A_109 = arith.constant 0 : i32
    %scan3A_110 = arith.constant 0 : i32
    %scan3A_111 = arith.constant 50 : i32
    %scan3A_112 = arith.addi %scan3A_110, %scan3A_111 : i32
    %scan3A_113 = arith.constant 1 : i32
    %scan3A_114 = scf.for %scan3A_163 = %scan3A_110 to %scan3A_112 step %scan3A_113 iter_args(%scan3A_164 = %scan3A_109) -> (i32)  : i32 {
      %mul3A_165 = arith.constant 4 : i32
      %mul3A_166 = arith.muli %scan3A_163, %mul3A_165 : i32
      %add3A_167 = arith.constant 0 : i32
      %add3A_168 = arith.addi %mul3A_166, %add3A_167 : i32
      %get3A_169 = arith.index_cast %add3A_168 : i32 to index
      %get3A_170 = arith.constant 0 : index
      %get3A_171 = tpu.vector_load %arg11[%get3A_169, %get3A_170] {strides = array<i32>} : memref<200x64xi32, #tpu.memory_space<vmem>>, vector<16xi32>,
      %bitcast3A_172 = vector.bitcast %get3A_171 : vector<16xi32> to vector<32xbf16>
      %add3A_173 = arith.constant 0 : i32
      %add3A_174 = arith.addi %mul3A_166, %add3A_173 : i32
      %get3A_175 = arith.index_cast %add3A_174 : i32 to index
      %get3A_176 = arith.constant 16 : index
      %get3A_177 = tpu.vector_load %arg11[%get3A_175, %get3A_176] {strides = array<i32>} : memref<200x64xi32, #tpu.memory_space<vmem>>, vector<16xi32>,
      %bitcast3A_178 = vector.bitcast %get3A_177 : vector<16xi32> to vector<32xbf16>
      %add3A_179 = arith.constant 1 : i32
      %add3A_180 = arith.addi %mul3A_166, %add3A_179 : i32
      %get3A_181 = arith.index_cast %add3A_180 : i32 to index
      %get3A_182 = arith.constant 0 : index
      %get3A_183 = tpu.vector_load %arg11[%get3A_181, %get3A_182] {strides = array<i32>} : memref<200x64xi32, #tpu.memory_space<vmem>>, vector<16xi32>,
      %bitcast3A_184 = vector.bitcast %get3A_183 : vector<16xi32> to vector<32xbf16>
      %add3A_185 = arith.constant 1 : i32
      %add3A_186 = arith.addi %mul3A_166, %add3A_185 : i32
      %get3A_187 = arith.index_cast %add3A_186 : i32 to index
      %get3A_188 = arith.constant 16 : index
      %get3A_189 = tpu.vector_load %arg11[%get3A_187, %get3A_188] {strides = array<i32>} : memref<200x64xi32, #tpu.memory_space<vmem>>, vector<16xi32>,
      %bitcast3A_190 = vector.bitcast %get3A_189 : vector<16xi32> to vector<32xbf16>
      %add3A_191 = arith.constant 2 : i32
      %add3A_192 = arith.addi %mul3A_166, %add3A_191 : i32
      %get3A_193 = arith.index_cast %add3A_192 : i32 to index
      %get3A_194 = arith.constant 0 : index
      %get3A_195 = tpu.vector_load %arg11[%get3A_193, %get3A_194] {strides = array<i32>} : memref<200x64xi32, #tpu.memory_space<vmem>>, vector<16xi32>,
      %bitcast3A_196 = vector.bitcast %get3A_195 : vector<16xi32> to vector<32xbf16>
      %add3A_197 = arith.constant 2 : i32
      %add3A_198 = arith.addi %mul3A_166, %add3A_197 : i32
      %get3A_199 = arith.index_cast %add3A_198 : i32 to index
      %get3A_200 = arith.constant 16 : index
      %get3A_201 = tpu.vector_load %arg11[%get3A_199, %get3A_200] {strides = array<i32>} : memref<200x64xi32, #tpu.memory_space<vmem>>, vector<16xi32>,
      %bitcast3A_202 = vector.bitcast %get3A_201 : vector<16xi32> to vector<32xbf16>
      %add3A_203 = arith.constant 3 : i32
      %add3A_204 = arith.addi %mul3A_166, %add3A_203 : i32
      %get3A_205 = arith.index_cast %add3A_204 : i32 to index
      %get3A_206 = arith.constant 0 : index
      %get3A_207 = tpu.vector_load %arg11[%get3A_205, %get3A_206] {strides = array<i32>} : memref<200x64xi32, #tpu.memory_space<vmem>>, vector<16xi32>,
      %bitcast3A_208 = vector.bitcast %get3A_207 : vector<16xi32> to vector<32xbf16>
      %add3A_209 = arith.constant 3 : i32
      %add3A_210 = arith.addi %mul3A_166, %add3A_209 : i32
      %get3A_211 = arith.index_cast %add3A_210 : i32 to index
      %get3A_212 = arith.constant 16 : index
      %get3A_213 = tpu.vector_load %arg11[%get3A_211, %get3A_212] {strides = array<i32>} : memref<200x64xi32, #tpu.memory_space<vmem>>, vector<16xi32>,
      %bitcast3A_214 = vector.bitcast %get3A_213 : vector<16xi32> to vector<32xbf16>
      %add3A_215 = arith.constant 0 : i32
      %add3A_216 = arith.addi %mul3A_166, %add3A_215 : i32
      %get3A_217 = arith.index_cast %add3A_216 : i32 to index
      %get3A_218 = arith.constant 32 : index
      %get3A_219 = tpu.vector_load %arg12[%get3A_217, %get3A_218] {strides = array<i32>} : memref<200x64xi32, #tpu.memory_space<vmem>>, vector<16xi32>,
      %bitcast3A_220 = vector.bitcast %get3A_219 : vector<16xi32> to vector<32xbf16>
      %add3A_221 = arith.constant 0 : i32
      %add3A_222 = arith.addi %mul3A_166, %add3A_221 : i32
      %get3A_223 = arith.index_cast %add3A_222 : i32 to index
      %get3A_224 = arith.constant 48 : index
      %get3A_225 = tpu.vector_load %arg12[%get3A_223, %get3A_224] {strides = array<i32>} : memref<200x64xi32, #tpu.memory_space<vmem>>, vector<16xi32>,
      %bitcast3A_226 = vector.bitcast %get3A_225 : vector<16xi32> to vector<32xbf16>
      %add3A_227 = arith.constant 1 : i32
      %add3A_228 = arith.addi %mul3A_166, %add3A_227 : i32
      %get3A_229 = arith.index_cast %add3A_228 : i32 to index
      %get3A_230 = arith.constant 32 : index
      %get3A_231 = tpu.vector_load %arg12[%get3A_229, %get3A_230] {strides = array<i32>} : memref<200x64xi32, #tpu.memory_space<vmem>>, vector<16xi32>,
      %bitcast3A_232 = vector.bitcast %get3A_231 : vector<16xi32> to vector<32xbf16>
      %add3A_233 = arith.constant 1 : i32
      %add3A_234 = arith.addi %mul3A_166, %add3A_233 : i32
      %get3A_235 = arith.index_cast %add3A_234 : i32 to index
      %get3A_236 = arith.constant 48 : index
      %get3A_237 = tpu.vector_load %arg12[%get3A_235, %get3A_236] {strides = array<i32>} : memref<200x64xi32, #tpu.memory_space<vmem>>, vector<16xi32>,
      %bitcast3A_238 = vector.bitcast %get3A_237 : vector<16xi32> to vector<32xbf16>
      %add3A_239 = arith.constant 2 : i32
      %add3A_240 = arith.addi %mul3A_166, %add3A_239 : i32
      %get3A_241 = arith.index_cast %add3A_240 : i32 to index
      %get3A_242 = arith.constant 32 : index
      %get3A_243 = tpu.vector_load %arg12[%get3A_241, %get3A_242] {strides = array<i32>} : memref<200x64xi32, #tpu.memory_space<vmem>>, vector<16xi32>,
      %bitcast3A_244 = vector.bitcast %get3A_243 : vector<16xi32> to vector<32xbf16>
      %add3A_245 = arith.constant 2 : i32
      %add3A_246 = arith.addi %mul3A_166, %add3A_245 : i32
      %get3A_247 = arith.index_cast %add3A_246 : i32 to index
      %get3A_248 = arith.constant 48 : index
      %get3A_249 = tpu.vector_load %arg12[%get3A_247, %get3A_248] {strides = array<i32>} : memref<200x64xi32, #tpu.memory_space<vmem>>, vector<16xi32>,
      %bitcast3A_250 = vector.bitcast %get3A_249 : vector<16xi32> to vector<32xbf16>
      %add3A_251 = arith.constant 3 : i32
      %add3A_252 = arith.addi %mul3A_166, %add3A_251 : i32
      %get3A_253 = arith.index_cast %add3A_252 : i32 to index
      %get3A_254 = arith.constant 32 : index
      %get3A_255 = tpu.vector_load %arg12[%get3A_253, %get3A_254] {strides = array<i32>} : memref<200x64xi32, #tpu.memory_space<vmem>>, vector<16xi32>,
      %bitcast3A_256 = vector.bitcast %get3A_255 : vector<16xi32> to vector<32xbf16>
      %add3A_257 = arith.constant 3 : i32
      %add3A_258 = arith.addi %mul3A_166, %add3A_257 : i32
      %get3A_259 = arith.index_cast %add3A_258 : i32 to index
      %get3A_260 = arith.constant 48 : index
      %get3A_261 = tpu.vector_load %arg12[%get3A_259, %get3A_260] {strides = array<i32>} : memref<200x64xi32, #tpu.memory_space<vmem>>, vector<16xi32>,
      %bitcast3A_262 = vector.bitcast %get3A_261 : vector<16xi32> to vector<32xbf16>
      %add3A_263 = arith.addf %bitcast3A_172, %bitcast3A_220 : vector<32xbf16>
      %max3A = arith.constant 0.000000e+00 : bf16
      %max3A_264 = vector.broadcast %max3A : bf16 to vector<32xbf16>
      %max3A_265 = arith.maximumf %add3A_263, %max3A_264 : vector<32xbf16>
      %mul3A_266 = arith.mulf %max3A_265, %bitcast3A : vector<32xbf16>
      %add3A_267 = arith.addf %bitcast3A_178, %bitcast3A_226 : vector<32xbf16>
      %max3A_268 = arith.constant 0.000000e+00 : bf16
      %max3A_269 = vector.broadcast %max3A_268 : bf16 to vector<32xbf16>
      %max3A_270 = arith.maximumf %add3A_267, %max3A_269 : vector<32xbf16>
      %mul3A_271 = arith.mulf %max3A_270, %bitcast3A_6 : vector<32xbf16>
      %add3A_272 = arith.addf %mul3A_266, %mul3A_271 : vector<32xbf16>
      %unpack3A = tpu.unpack_subelements %add3A_272, 0 {pack_format = #tpu.pack_format<interleaved>} : vector<32xbf16> -> vector<16xf32>
      %unpack3A_273 = tpu.unpack_subelements %add3A_272, 1 {pack_format = #tpu.pack_format<interleaved>} : vector<32xbf16> -> vector<16xf32>
      %add3A_274 = arith.addf %unpack3A, %unpack3A_273 : vector<16xf32>
      %add3A_275 = arith.constant 0 : i32
      %add3A_276 = arith.addi %mul3A_166, %add3A_275 : i32
      %mul3A_277 = arith.constant 16 : i32
      %mul3A_278 = arith.muli %add3A_276, %mul3A_277 : i32
      %swap3A = arith.index_cast %mul3A_278 : i32 to index
      %swap3A_279 = tpu.vector_load %arg17[%swap3A] {strides = array<i32>} : memref<3328xf32, #tpu.memory_space<vmem>>, vector<16xf32>,
      tpu.vector_store %arg17[%swap3A], %add3A_274 {strides = array<i32>} : memref<3328xf32, #tpu.memory_space<vmem>>, vector<16xf32>,
      %add3A_280 = arith.addf %bitcast3A_184, %bitcast3A_232 : vector<32xbf16>
      %max3A_281 = arith.constant 0.000000e+00 : bf16
      %max3A_282 = vector.broadcast %max3A_281 : bf16 to vector<32xbf16>
      %max3A_283 = arith.maximumf %add3A_280, %max3A_282 : vector<32xbf16>
      %mul3A_284 = arith.mulf %max3A_283, %bitcast3A : vector<32xbf16>
      %add3A_285 = arith.addf %bitcast3A_190, %bitcast3A_238 : vector<32xbf16>
      %max3A_286 = arith.constant 0.000000e+00 : bf16
      %max3A_287 = vector.broadcast %max3A_286 : bf16 to vector<32xbf16>
      %max3A_288 = arith.maximumf %add3A_285, %max3A_287 : vector<32xbf16>
      %mul3A_289 = arith.mulf %max3A_288, %bitcast3A_6 : vector<32xbf16>
      %add3A_290 = arith.addf %mul3A_284, %mul3A_289 : vector<32xbf16>
      %unpack3A_291 = tpu.unpack_subelements %add3A_290, 0 {pack_format = #tpu.pack_format<interleaved>} : vector<32xbf16> -> vector<16xf32>
      %unpack3A_292 = tpu.unpack_subelements %add3A_290, 1 {pack_format = #tpu.pack_format<interleaved>} : vector<32xbf16> -> vector<16xf32>
      %add3A_293 = arith.addf %unpack3A_291, %unpack3A_292 : vector<16xf32>
      %add3A_294 = arith.constant 1 : i32
      %add3A_295 = arith.addi %mul3A_166, %add3A_294 : i32
      %mul3A_296 = arith.constant 16 : i32
      %mul3A_297 = arith.muli %add3A_295, %mul3A_296 : i32
      %swap3A_298 = arith.index_cast %mul3A_297 : i32 to index
      %swap3A_299 = tpu.vector_load %arg17[%swap3A_298] {strides = array<i32>} : memref<3328xf32, #tpu.memory_space<vmem>>, vector<16xf32>,
      tpu.vector_store %arg17[%swap3A_298], %add3A_293 {strides = array<i32>} : memref<3328xf32, #tpu.memory_space<vmem>>, vector<16xf32>,
      %add3A_300 = arith.addf %bitcast3A_196, %bitcast3A_244 : vector<32xbf16>
      %max3A_301 = arith.constant 0.000000e+00 : bf16
      %max3A_302 = vector.broadcast %max3A_301 : bf16 to vector<32xbf16>
      %max3A_303 = arith.maximumf %add3A_300, %max3A_302 : vector<32xbf16>
      %mul3A_304 = arith.mulf %max3A_303, %bitcast3A : vector<32xbf16>
      %add3A_305 = arith.addf %bitcast3A_202, %bitcast3A_250 : vector<32xbf16>
      %max3A_306 = arith.constant 0.000000e+00 : bf16
      %max3A_307 = vector.broadcast %max3A_306 : bf16 to vector<32xbf16>
      %max3A_308 = arith.maximumf %add3A_305, %max3A_307 : vector<32xbf16>
      %mul3A_309 = arith.mulf %max3A_308, %bitcast3A_6 : vector<32xbf16>
      %add3A_310 = arith.addf %mul3A_304, %mul3A_309 : vector<32xbf16>
      %unpack3A_311 = tpu.unpack_subelements %add3A_310, 0 {pack_format = #tpu.pack_format<interleaved>} : vector<32xbf16> -> vector<16xf32>
      %unpack3A_312 = tpu.unpack_subelements %add3A_310, 1 {pack_format = #tpu.pack_format<interleaved>} : vector<32xbf16> -> vector<16xf32>
      %add3A_313 = arith.addf %unpack3A_311, %unpack3A_312 : vector<16xf32>
      %add3A_314 = arith.constant 2 : i32
      %add3A_315 = arith.addi %mul3A_166, %add3A_314 : i32
      %mul3A_316 = arith.constant 16 : i32
      %mul3A_317 = arith.muli %add3A_315, %mul3A_316 : i32
      %swap3A_318 = arith.index_cast %mul3A_317 : i32 to index
      %swap3A_319 = tpu.vector_load %arg17[%swap3A_318] {strides = array<i32>} : memref<3328xf32, #tpu.memory_space<vmem>>, vector<16xf32>,
      tpu.vector_store %arg17[%swap3A_318], %add3A_313 {strides = array<i32>} : memref<3328xf32, #tpu.memory_space<vmem>>, vector<16xf32>,
      %add3A_320 = arith.addf %bitcast3A_208, %bitcast3A_256 : vector<32xbf16>
      %max3A_321 = arith.constant 0.000000e+00 : bf16
      %max3A_322 = vector.broadcast %max3A_321 : bf16 to vector<32xbf16>
      %max3A_323 = arith.maximumf %add3A_320, %max3A_322 : vector<32xbf16>
      %mul3A_324 = arith.mulf %max3A_323, %bitcast3A : vector<32xbf16>
      %add3A_325 = arith.addf %bitcast3A_214, %bitcast3A_262 : vector<32xbf16>
      %max3A_326 = arith.constant 0.000000e+00 : bf16
      %max3A_327 = vector.broadcast %max3A_326 : bf16 to vector<32xbf16>
      %max3A_328 = arith.maximumf %add3A_325, %max3A_327 : vector<32xbf16>
      %mul3A_329 = arith.mulf %max3A_328, %bitcast3A_6 : vector<32xbf16>
      %add3A_330 = arith.addf %mul3A_324, %mul3A_329 : vector<32xbf16>
      %unpack3A_331 = tpu.unpack_subelements %add3A_330, 0 {pack_format = #tpu.pack_format<interleaved>} : vector<32xbf16> -> vector<16xf32>
      %unpack3A_332 = tpu.unpack_subelements %add3A_330, 1 {pack_format = #tpu.pack_format<interleaved>} : vector<32xbf16> -> vector<16xf32>
      %add3A_333 = arith.addf %unpack3A_331, %unpack3A_332 : vector<16xf32>
      %add3A_334 = arith.constant 3 : i32
      %add3A_335 = arith.addi %mul3A_166, %add3A_334 : i32
      %mul3A_336 = arith.constant 16 : i32
      %mul3A_337 = arith.muli %add3A_335, %mul3A_336 : i32
      %swap3A_338 = arith.index_cast %mul3A_337 : i32 to index
      %swap3A_339 = tpu.vector_load %arg17[%swap3A_338] {strides = array<i32>} : memref<3328xf32, #tpu.memory_space<vmem>>, vector<16xf32>,
      tpu.vector_store %arg17[%swap3A_338], %add3A_333 {strides = array<i32>} : memref<3328xf32, #tpu.memory_space<vmem>>, vector<16xf32>,
      %scan3A_340 = arith.constant 0 : i32
      scf.yield %scan3A_340 : i32
    }
    %scan3A_115 = arith.constant 50 : i32
    %scan3A_116 = arith.constant 0 : i32
    %scan3A_117 = arith.constant 0 : i32
    %scan3A_118 = arith.constant 13 : i32
    %scan3A_119 = arith.addi %scan3A_117, %scan3A_118 : i32
    %scan3A_120 = arith.constant 1 : i32
    %scan3A_121 = scf.for %scan3A_163 = %scan3A_117 to %scan3A_119 step %scan3A_120 iter_args(%scan3A_164 = %scan3A_116) -> (i32)  : i32 {
      %mul3A_165 = arith.constant 16 : i32
      %mul3A_166 = arith.muli %scan3A_163, %mul3A_165 : i32
      %add3A_167 = vector.broadcast %mul3A_166 : i32 to vector<16xi32>
      %add3A_168 = arith.addi %add3A_167, %iota3A : vector<16xi32>
      %mul3A_169 = arith.constant 16 : i32
      %mul3A_170 = vector.broadcast %mul3A_169 : i32 to vector<16xi32>
      %mul3A_171 = arith.muli %add3A_168, %mul3A_170 : vector<16xi32>
      %add3A_172 = arith.constant 0 : i32
      %add3A_173 = vector.broadcast %add3A_172 : i32 to vector<16xi32>
      %add3A_174 = arith.addi %mul3A_171, %add3A_173 : vector<16xi32>
      %gather3A = tpu.vector_load_idx %arg17[%add3A_174] : memref<3328xf32, #tpu.memory_space<vmem>>[vector<16xi32>], vector<16xf32>,
      %add3A_175 = arith.constant 1 : i32
      %add3A_176 = vector.broadcast %add3A_175 : i32 to vector<16xi32>
      %add3A_177 = arith.addi %mul3A_171, %add3A_176 : vector<16xi32>
      %gather3A_178 = tpu.vector_load_idx %arg17[%add3A_177] : memref<3328xf32, #tpu.memory_space<vmem>>[vector<16xi32>], vector<16xf32>,
      %add3A_179 = arith.addf %gather3A, %gather3A_178 : vector<16xf32>
      %add3A_180 = arith.constant 2 : i32
      %add3A_181 = vector.broadcast %add3A_180 : i32 to vector<16xi32>
      %add3A_182 = arith.addi %mul3A_171, %add3A_181 : vector<16xi32>
      %gather3A_183 = tpu.vector_load_idx %arg17[%add3A_182] : memref<3328xf32, #tpu.memory_space<vmem>>[vector<16xi32>], vector<16xf32>,
      %add3A_184 = arith.addf %add3A_179, %gather3A_183 : vector<16xf32>
      %add3A_185 = arith.constant 3 : i32
      %add3A_186 = vector.broadcast %add3A_185 : i32 to vector<16xi32>
      %add3A_187 = arith.addi %mul3A_171, %add3A_186 : vector<16xi32>
      %gather3A_188 = tpu.vector_load_idx %arg17[%add3A_187] : memref<3328xf32, #tpu.memory_space<vmem>>[vector<16xi32>], vector<16xf32>,
      %add3A_189 = arith.addf %add3A_184, %gather3A_188 : vector<16xf32>
      %add3A_190 = arith.constant 4 : i32
      %add3A_191 = vector.broadcast %add3A_190 : i32 to vector<16xi32>
      %add3A_192 = arith.addi %mul3A_171, %add3A_191 : vector<16xi32>
      %gather3A_193 = tpu.vector_load_idx %arg17[%add3A_192] : memref<3328xf32, #tpu.memory_space<vmem>>[vector<16xi32>], vector<16xf32>,
      %add3A_194 = arith.addf %add3A_189, %gather3A_193 : vector<16xf32>
      %add3A_195 = arith.constant 5 : i32
      %add3A_196 = vector.broadcast %add3A_195 : i32 to vector<16xi32>
      %add3A_197 = arith.addi %mul3A_171, %add3A_196 : vector<16xi32>
      %gather3A_198 = tpu.vector_load_idx %arg17[%add3A_197] : memref<3328xf32, #tpu.memory_space<vmem>>[vector<16xi32>], vector<16xf32>,
      %add3A_199 = arith.addf %add3A_194, %gather3A_198 : vector<16xf32>
      %add3A_200 = arith.constant 6 : i32
      %add3A_201 = vector.broadcast %add3A_200 : i32 to vector<16xi32>
      %add3A_202 = arith.addi %mul3A_171, %add3A_201 : vector<16xi32>
      %gather3A_203 = tpu.vector_load_idx %arg17[%add3A_202] : memref<3328xf32, #tpu.memory_space<vmem>>[vector<16xi32>], vector<16xf32>,
      %add3A_204 = arith.addf %add3A_199, %gather3A_203 : vector<16xf32>
      %add3A_205 = arith.constant 7 : i32
      %add3A_206 = vector.broadcast %add3A_205 : i32 to vector<16xi32>
      %add3A_207 = arith.addi %mul3A_171, %add3A_206 : vector<16xi32>
      %gather3A_208 = tpu.vector_load_idx %arg17[%add3A_207] : memref<3328xf32, #tpu.memory_space<vmem>>[vector<16xi32>], vector<16xf32>,
      %add3A_209 = arith.addf %add3A_204, %gather3A_208 : vector<16xf32>
      %add3A_210 = arith.constant 8 : i32
      %add3A_211 = vector.broadcast %add3A_210 : i32 to vector<16xi32>
      %add3A_212 = arith.addi %mul3A_171, %add3A_211 : vector<16xi32>
      %gather3A_213 = tpu.vector_load_idx %arg17[%add3A_212] : memref<3328xf32, #tpu.memory_space<vmem>>[vector<16xi32>], vector<16xf32>,
      %add3A_214 = arith.addf %add3A_209, %gather3A_213 : vector<16xf32>
      %add3A_215 = arith.constant 9 : i32
      %add3A_216 = vector.broadcast %add3A_215 : i32 to vector<16xi32>
      %add3A_217 = arith.addi %mul3A_171, %add3A_216 : vector<16xi32>
      %gather3A_218 = tpu.vector_load_idx %arg17[%add3A_217] : memref<3328xf32, #tpu.memory_space<vmem>>[vector<16xi32>], vector<16xf32>,
      %add3A_219 = arith.addf %add3A_214, %gather3A_218 : vector<16xf32>
      %add3A_220 = arith.constant 10 : i32
      %add3A_221 = vector.broadcast %add3A_220 : i32 to vector<16xi32>
      %add3A_222 = arith.addi %mul3A_171, %add3A_221 : vector<16xi32>
      %gather3A_223 = tpu.vector_load_idx %arg17[%add3A_222] : memref<3328xf32, #tpu.memory_space<vmem>>[vector<16xi32>], vector<16xf32>,
      %add3A_224 = arith.addf %add3A_219, %gather3A_223 : vector<16xf32>
      %add3A_225 = arith.constant 11 : i32
      %add3A_226 = vector.broadcast %add3A_225 : i32 to vector<16xi32>
      %add3A_227 = arith.addi %mul3A_171, %add3A_226 : vector<16xi32>
      %gather3A_228 = tpu.vector_load_idx %arg17[%add3A_227] : memref<3328xf32, #tpu.memory_space<vmem>>[vector<16xi32>], vector<16xf32>,
      %add3A_229 = arith.addf %add3A_224, %gather3A_228 : vector<16xf32>
      %add3A_230 = arith.constant 12 : i32
      %add3A_231 = vector.broadcast %add3A_230 : i32 to vector<16xi32>
      %add3A_232 = arith.addi %mul3A_171, %add3A_231 : vector<16xi32>
      %gather3A_233 = tpu.vector_load_idx %arg17[%add3A_232] : memref<3328xf32, #tpu.memory_space<vmem>>[vector<16xi32>], vector<16xf32>,
      %add3A_234 = arith.addf %add3A_229, %gather3A_233 : vector<16xf32>
      %add3A_235 = arith.constant 13 : i32
      %add3A_236 = vector.broadcast %add3A_235 : i32 to vector<16xi32>
      %add3A_237 = arith.addi %mul3A_171, %add3A_236 : vector<16xi32>
      %gather3A_238 = tpu.vector_load_idx %arg17[%add3A_237] : memref<3328xf32, #tpu.memory_space<vmem>>[vector<16xi32>], vector<16xf32>,
      %add3A_239 = arith.addf %add3A_234, %gather3A_238 : vector<16xf32>
      %add3A_240 = arith.constant 14 : i32
      %add3A_241 = vector.broadcast %add3A_240 : i32 to vector<16xi32>
      %add3A_242 = arith.addi %mul3A_171, %add3A_241 : vector<16xi32>
      %gather3A_243 = tpu.vector_load_idx %arg17[%add3A_242] : memref<3328xf32, #tpu.memory_space<vmem>>[vector<16xi32>], vector<16xf32>,
      %add3A_244 = arith.addf %add3A_239, %gather3A_243 : vector<16xf32>
      %add3A_245 = arith.constant 15 : i32
      %add3A_246 = vector.broadcast %add3A_245 : i32 to vector<16xi32>
      %add3A_247 = arith.addi %mul3A_171, %add3A_246 : vector<16xi32>
      %gather3A_248 = tpu.vector_load_idx %arg17[%add3A_247] : memref<3328xf32, #tpu.memory_space<vmem>>[vector<16xi32>], vector<16xf32>,
      %add3A_249 = arith.addf %add3A_244, %gather3A_248 : vector<16xf32>
      %mul3A_250 = arith.constant 16 : i32
      %mul3A_251 = arith.muli %scan3A_163, %mul3A_250 : i32
      %swap3A = arith.index_cast %mul3A_251 : i32 to index
      %swap3A_252 = tpu.vector_load %arg20[%swap3A] {strides = array<i32>} : memref<208xf32, #tpu.memory_space<vmem>>, vector<16xf32>,
      tpu.vector_store %arg20[%swap3A], %add3A_249 {strides = array<i32>} : memref<208xf32, #tpu.memory_space<vmem>>, vector<16xf32>,
      %scan3A_253 = arith.constant 0 : i32
      scf.yield %scan3A_253 : i32
    }
    %scan3A_122 = arith.constant 13 : i32
    %add3A_123 = arith.constant 9800 : i32
    %add3A_124 = arith.addi %mul3A_2, %add3A_123 : i32
    %dma_start3A_125 = arith.constant 0 : i32
    %dma_start3A_126 = tpu.memref_slice %arg20[%dma_start3A_125] : memref<208xf32, #tpu.memory_space<vmem>> -> memref<200xf32, #tpu.memory_space<vmem>>
    %dma_start3A_127 = tpu.memref_slice %arg6[%add3A_124] : memref<320000xf32, #tpu.memory_space<hbm>> -> memref<200xf32, #tpu.memory_space<hbm>>
    %dma_start3A_128 = tpu.memref_slice %arg6[%add3A_124] : memref<320000xf32, #tpu.memory_space<hbm>> -> memref<200xf32, #tpu.memory_space<hbm>>
    %dma_start3A_129 = arith.constant 0 : i32
    %dma_start3A_130 = tpu.memref_slice %arg20[%dma_start3A_129] : memref<208xf32, #tpu.memory_space<vmem>> -> memref<200xf32, #tpu.memory_space<vmem>>
    tpu.enqueue_dma source(%dma_start3A_130 : memref<200xf32, #tpu.memory_space<vmem>>) target(%dma_start3A_128 : memref<200xf32, #tpu.memory_space<hbm>>) target_semaphore(%arg27 : memref<!tpu.dma_semaphore, #tpu.memory_space<semaphore_mem>>)
    %add3A_131 = arith.constant 9200 : i32
    %add3A_132 = arith.addi %mul3A_2, %add3A_131 : i32
    %dma_wait3A_133 = arith.constant 0 : i32
    %dma_wait3A_134 = tpu.memref_slice %arg21[%dma_wait3A_133] : memref<208xf32, #tpu.memory_space<vmem>> -> memref<200xf32, #tpu.memory_space<vmem>>
    %dma_wait3A_135 = tpu.memref_slice %arg6[%add3A_132] : memref<320000xf32, #tpu.memory_space<hbm>> -> memref<200xf32, #tpu.memory_space<hbm>>
    %dma_wait3A_136 = tpu.memref_slice %arg6[%add3A_132] : memref<320000xf32, #tpu.memory_space<hbm>> -> memref<200xf32, #tpu.memory_space<hbm>>
    %dma_wait3A_137 = arith.constant 0 : i32
    %dma_wait3A_138 = tpu.memref_slice %arg21[%dma_wait3A_137] : memref<208xf32, #tpu.memory_space<vmem>> -> memref<200xf32, #tpu.memory_space<vmem>>
    tpu.wait_dma2 semaphore(%arg27 : memref<!tpu.dma_semaphore, #tpu.memory_space<semaphore_mem>>) src(%dma_wait3A_138 : memref<200xf32, #tpu.memory_space<vmem>>) dst(%dma_wait3A_136 : memref<200xf32, #tpu.memory_space<hbm>>)
    %add3A_139 = arith.constant 9400 : i32
    %add3A_140 = arith.addi %mul3A_2, %add3A_139 : i32
    %dma_wait3A_141 = arith.constant 0 : i32
    %dma_wait3A_142 = tpu.memref_slice %arg22[%dma_wait3A_141] : memref<208xf32, #tpu.memory_space<vmem>> -> memref<200xf32, #tpu.memory_space<vmem>>
    %dma_wait3A_143 = tpu.memref_slice %arg6[%add3A_140] : memref<320000xf32, #tpu.memory_space<hbm>> -> memref<200xf32, #tpu.memory_space<hbm>>
    %dma_wait3A_144 = tpu.memref_slice %arg6[%add3A_140] : memref<320000xf32, #tpu.memory_space<hbm>> -> memref<200xf32, #tpu.memory_space<hbm>>
    %dma_wait3A_145 = arith.constant 0 : i32
    %dma_wait3A_146 = tpu.memref_slice %arg22[%dma_wait3A_145] : memref<208xf32, #tpu.memory_space<vmem>> -> memref<200xf32, #tpu.memory_space<vmem>>
    tpu.wait_dma2 semaphore(%arg27 : memref<!tpu.dma_semaphore, #tpu.memory_space<semaphore_mem>>) src(%dma_wait3A_146 : memref<200xf32, #tpu.memory_space<vmem>>) dst(%dma_wait3A_144 : memref<200xf32, #tpu.memory_space<hbm>>)
    %add3A_147 = arith.constant 9600 : i32
    %add3A_148 = arith.addi %mul3A_2, %add3A_147 : i32
    %dma_wait3A_149 = arith.constant 0 : i32
    %dma_wait3A_150 = tpu.memref_slice %arg19[%dma_wait3A_149] : memref<208xf32, #tpu.memory_space<vmem>> -> memref<200xf32, #tpu.memory_space<vmem>>
    %dma_wait3A_151 = tpu.memref_slice %arg6[%add3A_148] : memref<320000xf32, #tpu.memory_space<hbm>> -> memref<200xf32, #tpu.memory_space<hbm>>
    %dma_wait3A_152 = tpu.memref_slice %arg6[%add3A_148] : memref<320000xf32, #tpu.memory_space<hbm>> -> memref<200xf32, #tpu.memory_space<hbm>>
    %dma_wait3A_153 = arith.constant 0 : i32
    %dma_wait3A_154 = tpu.memref_slice %arg19[%dma_wait3A_153] : memref<208xf32, #tpu.memory_space<vmem>> -> memref<200xf32, #tpu.memory_space<vmem>>
    tpu.wait_dma2 semaphore(%arg27 : memref<!tpu.dma_semaphore, #tpu.memory_space<semaphore_mem>>) src(%dma_wait3A_154 : memref<200xf32, #tpu.memory_space<vmem>>) dst(%dma_wait3A_152 : memref<200xf32, #tpu.memory_space<hbm>>)
    %add3A_155 = arith.constant 9800 : i32
    %add3A_156 = arith.addi %mul3A_2, %add3A_155 : i32
    %dma_wait3A_157 = arith.constant 0 : i32
    %dma_wait3A_158 = tpu.memref_slice %arg20[%dma_wait3A_157] : memref<208xf32, #tpu.memory_space<vmem>> -> memref<200xf32, #tpu.memory_space<vmem>>
    %dma_wait3A_159 = tpu.memref_slice %arg6[%add3A_156] : memref<320000xf32, #tpu.memory_space<hbm>> -> memref<200xf32, #tpu.memory_space<hbm>>
    %dma_wait3A_160 = tpu.memref_slice %arg6[%add3A_156] : memref<320000xf32, #tpu.memory_space<hbm>> -> memref<200xf32, #tpu.memory_space<hbm>>
    %dma_wait3A_161 = arith.constant 0 : i32
    %dma_wait3A_162 = tpu.memref_slice %arg20[%dma_wait3A_161] : memref<208xf32, #tpu.memory_space<vmem>> -> memref<200xf32, #tpu.memory_space<vmem>>
    tpu.wait_dma2 semaphore(%arg27 : memref<!tpu.dma_semaphore, #tpu.memory_space<semaphore_mem>>) src(%dma_wait3A_162 : memref<200xf32, #tpu.memory_space<vmem>>) dst(%dma_wait3A_160 : memref<200xf32, #tpu.memory_space<hbm>>)
    return
  }
}

module attributes {stable_mosaic.version = 14 : i64} {
  func.func @body(%arg0: memref<10000x128xf32, #tpu.memory_space<vmem>>, %arg1: memref<128x128xf32, #tpu.memory_space<vmem>>, %arg2: memref<1x128xf32, #tpu.memory_space<vmem>>, %arg3: memref<128x128xf32, #tpu.memory_space<vmem>>, %arg4: memref<1x128xf32, #tpu.memory_space<vmem>>, %arg5: memref<10000x128xbf16, #tpu.memory_space<vmem>>) attributes {dimension_semantics = [], scalar_prefetch = 0 : i64, scratch_operands = 0 : i64, tpu.core_type = #tpu.core_type<tc>} {
    %get3A = arith.constant 0 : index
    %get3A_0 = arith.constant 0 : index
    %get3A_1 = vector.load %arg0[%get3A, %get3A_0] : memref<10000x128xf32, #tpu.memory_space<vmem>>, vector<10000x128xf32>
    %get3A_2 = arith.constant 0 : index
    %get3A_3 = arith.constant 0 : index
    %get3A_4 = vector.load %arg1[%get3A_2, %get3A_3] : memref<128x128xf32, #tpu.memory_space<vmem>>, vector<128x128xf32>
    %dot_general3A = arith.constant dense<0.000000e+00> : vector<10000x128xf32>
    %dot_general3A_5 = tpu.matmul %get3A_1, %get3A_4, %dot_general3A {dimension_numbers = #tpu.dot_dimension_numbers<[1], [0], [0], [1], [0, 0, 1, 1], [], []>, transpose_lhs_hint = false} : vector<10000x128xf32>, vector<128x128xf32>, vector<10000x128xf32> -> vector<10000x128xf32>
    %get3A_6 = arith.constant 0 : index
    %get3A_7 = arith.constant 0 : index
    %get3A_8 = vector.load %arg2[%get3A_6, %get3A_7] : memref<1x128xf32, #tpu.memory_space<vmem>>, vector<1x128xf32>
    %add3A = vector.broadcast %get3A_8 : vector<1x128xf32> to vector<10000x128xf32>
    %add3A_9 = arith.addf %dot_general3A_5, %add3A : vector<10000x128xf32>
    %get3A_10 = arith.constant 0 : index
    %get3A_11 = arith.constant 0 : index
    %get3A_12 = vector.load %arg3[%get3A_10, %get3A_11] : memref<128x128xf32, #tpu.memory_space<vmem>>, vector<128x128xf32>
    %dot_general3A_13 = arith.constant dense<0.000000e+00> : vector<10000x128xf32>
    %dot_general3A_14 = tpu.matmul %add3A_9, %get3A_12, %dot_general3A_13 {dimension_numbers = #tpu.dot_dimension_numbers<[1], [0], [0], [1], [0, 0, 1, 1], [], []>, transpose_lhs_hint = false} : vector<10000x128xf32>, vector<128x128xf32>, vector<10000x128xf32> -> vector<10000x128xf32>
    %get3A_15 = arith.constant 0 : index
    %get3A_16 = arith.constant 0 : index
    %get3A_17 = vector.load %arg4[%get3A_15, %get3A_16] : memref<1x128xf32, #tpu.memory_space<vmem>>, vector<1x128xf32>
    %add3A_18 = vector.broadcast %get3A_17 : vector<1x128xf32> to vector<10000x128xf32>
    %add3A_19 = arith.addf %dot_general3A_14, %add3A_18 : vector<10000x128xf32>
    %convert_element_type3A = arith.truncf %add3A_19 : vector<10000x128xf32> to vector<10000x128xbf16>
    %swap3A = arith.constant 0 : index
    %swap3A_20 = arith.constant 0 : index
    %swap3A_21 = vector.load %arg5[%swap3A, %swap3A_20] : memref<10000x128xbf16, #tpu.memory_space<vmem>>, vector<10000x128xbf16>
    tpu.vector_store %arg5[%swap3A, %swap3A_20], %convert_element_type3A {strides = array<i32>} : memref<10000x128xbf16, #tpu.memory_space<vmem>>, vector<10000x128xbf16>,
    return
  }
}

</mosaic_0001>

<sc_bundles>
// kernel: kernel.4.cloned.1.call-start
scs
__scs_entry_jumppad:
0x0: {  	(pc) =	sbr.rel $0x88, $3  }
0x1: {  	(tag) =	ssettag $0x0;
	lr =	simm.s32 $0x1  }
0x2: {  	[smem:$0x3F97] =	sst lr;
	_ =	strace $0xD0000000  }
0x3: {  	_ = 	snop  }
0x4: {  	_ = 	snop  }
0x5: {  	_ = 	snop  }
0x6: {  	_ = 	snop  }
0x7: {  	_ = 	snop  }
__scs_overlays_trampoline_lowered:
0x8: {  	[smem:$0x3FA6] =	sst s0  }
0x9: {  	[smem:$0x3FA7] =	sst s1  }
0xa: {  	[smem:$0x3FA8] =	sst s2  }
0xb: {  	[smem:$0x3FA9] =	sst s3  }
0xc: {  	[smem:$0x3FAA] =	sst s4  }
0xd: {  	[smem:$0x3FAB] =	sst s5  }
0xe: {  	[smem:$0x3FAC] =	sst s6  }
0xf: {  	[smem:$0x3FAD] =	sst s7  }
0x10: {  	[smem:$0x3FAE] =	sst s8  }
0x11: {  	[smem:$0x3FAF] =	sst s9;
	s0 =	simm.s32 @!p0 $0x0  }
0x12: {  	s1 =	sld [smem:$0x3F95];
	s0 =	simm.s32 @p0 $0x1  }
0x13: {  	[smem:$0x3FB0] =	sst s0;
	s0 =	simm.s32 @!p1 $0x0  }
0x14: {  	s2 =	sld [smem:$0x3F94];
	s0 =	simm.s32 @p1 $0x1  }
0x15: {  	[smem:$0x3FB1] =	sst s0;
	s0 =	simm.s32 @!p2 $0x0  }
0x16: {  	s3 =	sld [smem:$0x3FDB];
	s0 =	simm.s32 @p2 $0x1  }
0x17: {  	s4 =	simm.s32 $0x1BF5;
	[smem:$0x3FB3] =	sst s0  }
0x18: {  	s0 =	sld [smem:$0x3F96];
	_ =	swait.ge [sflag:s4], $0x0  }
0x19: {  	s7 =	sld [smem:$0x3F97]  }
0x1a: {  	s8 =	sadd.s32 $0xFFFFE003, lr  }
0x1b: {  	s9 =	sadd.s32 $0xFFFFFEF7, lr;
	s5 =	simm.s32 $0xFFFFFFFF;
	p2 =	slt.u32 s8, $0xFFFFF086  }
0x1c: {  	p1 =	slt.u32 s9, $0xF7A;
	s5 =	simm.s32 @!p2 $0x0  }
0x1d: {  	s5 =	simm.s32 @p1 $0x1;
	p0 =	seq.s32 s7, s2  }
0x1e: {  	s7 =	smul.u32 @!p0 $0xF7A, s2;
	p2 =	seq.s32 @!p0 s5, $0x0  }
0x1f: {  	s9 =	smul.u32 $0xF7A, s1;
	s8 =	simm.s32 @!p0 $0x1BF5;
	p2 =	por !p2, p0  }
0x20: {  	[sflag:s8] =	ssyncset.s32 @!p0 $0xFFFFF086;
	s6 =	sadd.s32 @!p0 s3, s7;
	s7 =	simm.s32 @!p0 $0x108  }
0x21: {  	s3 =	sadd.s32 s3, s9;
	s6 =	sadd.s32 @!p0 $0x88, s6;
	s7 =	simm.s32 @p2 $0x1082  }
0x22: {  	[simem:s7], [sflag:s8] =	dma.local @!p0 [hbm:s6], $0xF7A  }
0x23: {  	s9 =	sor.u32 $0xD0000000, s2;
	s6 =	simm.s32 $0x108;
	_ =	swait.ge @!p0 [sflag:s8], $0x0  }
0x24: {  	s3 =	sadd.s32 $0x88, s3;
	s6 =	simm.s32 @!p1 $0x1082;
	[sflag:s4] =	ssyncset.s32 $0xFFFFF086  }
0x25: {  	[simem:s6], [sflag:s4] =	dma.local [hbm:s3], $0xF7A  }
0x26: {  	[smem:$0x3F97] =	sst s1;
	(tag) =	ssettag s2;
	_ =	strace s9  }
0x27: {  	s1 =	sld [smem:$0x3FA7]  }
0x28: {  	s2 =	sld [smem:$0x3FA8]  }
0x29: {  	s4 =	sld [smem:$0x3FAA]  }
0x2a: {  	p0 =	seq.s32 s5, $0x0;
	s5 =	sld [smem:$0x3FAB]  }
0x2b: {  	s6 =	sld [smem:$0x3FAC]  }
0x2c: {  	s7 =	sld [smem:$0x3FAD]  }
0x2d: {  	s3 =	simm.s32 $0x108;
	s8 =	sld [smem:$0x3FAE]  }
0x2e: {  	s3 =	simm.s32 @!p0 $0x1082;
	s9 =	sld [smem:$0x3FAF]  }
0x2f: {  	lr =	sadd.s32 s0, s3;
	s0 =	sld [smem:$0x3FA6]  }
0x30: {  	s3 =	sld [smem:$0x3FA9]  }
0x31: {  	[smem:$0x3FB2] =	sst s10  }
0x32: {  	s10 =	sld [smem:$0x3FB0];
	_ =	sdelay $0x3  }
0x33: {  	p0 =	seq.s32 s10, $0x1;
	s10 =	sld [smem:$0x3FB2];
	_ =	sdelay $0x3  }
0x34: {  	[smem:$0x3FB2] =	sst s10  }
0x35: {  	s10 =	sld [smem:$0x3FB1];
	_ =	sdelay $0x3  }
0x36: {  	p1 =	seq.s32 s10, $0x1;
	s10 =	sld [smem:$0x3FB2];
	_ =	sdelay $0x3  }
0x37: {  	[smem:$0x3FB2] =	sst s10  }
0x38: {  	s10 =	sld [smem:$0x3FB3]  }
0x39: {  	_ = 	snop;
	(pc) =	sbr.ind lr, $3  }
0x3a: {  	_ = 	snop  }
0x3b: {  	_ = 	snop  }
0x3c: {  	p2 =	seq.s32 s10, $0x1;
	s10 =	sld [smem:$0x3FB2]  }
0x3d: {  	_ =	shalt  }
0x3e: {  	_ =	shalt  }
0x3f: {  	_ =	shalt  }
0x40: {  	_ =	shalt  }
0x41: {  	_ =	shalt  }
0x42: {  	_ =	shalt  }
0x43: {  	_ =	shalt  }
0x44: {  	_ =	shalt  }
0x45: {  	_ =	shalt  }
0x46: {  	_ =	shalt  }
0x47: {  	_ =	shalt  }
0x48: {  	_ =	shalt  }
0x49: {  	_ =	shalt  }
0x4a: {  	_ =	shalt  }
0x4b: {  	_ =	shalt  }
0x4c: {  	_ =	shalt  }
0x4d: {  	_ =	shalt  }
0x4e: {  	_ =	shalt  }
0x4f: {  	_ =	shalt  }
0x50: {  	_ =	shalt  }
0x51: {  	_ =	shalt  }
0x52: {  	_ =	shalt  }
0x53: {  	_ =	shalt  }
0x54: {  	_ =	shalt  }
0x55: {  	_ =	shalt  }
0x56: {  	_ =	shalt  }
0x57: {  	_ =	shalt  }
0x58: {  	_ =	shalt  }
0x59: {  	_ =	shalt  }
0x5a: {  	_ =	shalt  }
0x5b: {  	_ =	shalt  }
0x5c: {  	_ =	shalt  }
0x5d: {  	_ =	shalt  }
0x5e: {  	_ =	shalt  }
0x5f: {  	_ =	shalt  }
0x60: {  	_ =	shalt  }
0x61: {  	_ =	shalt  }
0x62: {  	_ =	shalt  }
0x63: {  	_ =	shalt  }
0x64: {  	_ =	shalt  }
0x65: {  	_ =	shalt  }
0x66: {  	_ =	shalt  }
0x67: {  	_ =	shalt  }
0x68: {  	_ =	shalt  }
0x69: {  	_ =	shalt  }
0x6a: {  	_ =	shalt  }
0x6b: {  	_ =	shalt  }
0x6c: {  	_ =	shalt  }
0x6d: {  	_ =	shalt  }
0x6e: {  	_ =	shalt  }
0x6f: {  	_ =	shalt  }
0x70: {  	_ =	shalt  }
0x71: {  	_ =	shalt  }
0x72: {  	_ =	shalt  }
0x73: {  	_ =	shalt  }
0x74: {  	_ =	shalt  }
0x75: {  	_ =	shalt  }
0x76: {  	_ =	shalt  }
0x77: {  	_ =	shalt  }
0x78: {  	_ =	shalt  }
0x79: {  	_ =	shalt  }
0x7a: {  	_ =	shalt  }
0x7b: {  	_ =	shalt  }
0x7c: {  	_ =	shalt  }
0x7d: {  	_ =	shalt  }
0x7e: {  	_ =	shalt  }
0x7f: {  	_ =	shalt  }
0x80: {  	_ =	shalt  }
0x81: {  	_ =	shalt  }
0x82: {  	_ =	shalt  }
0x83: {  	_ =	shalt  }
0x84: {  	_ =	shalt  }
0x85: {  	_ =	shalt  }
0x86: {  	_ =	shalt  }
0x87: {  	_ =	shalt  }
.Lfunc_end0:
.L_simem_size_0:
called_computation_lowered:
.L_overlay_start_0:
0x88: {  	s2 =	sld [smem:$0x3FD9]  }
0x89: {  	s3 =	sld [smem:$0x3FFE];
	_ =	sdelay $0x1  }
0x8a: {  	s1 =	srdreg.scid  }
0x8b: {  	s0 =	sand.u32 $0x1, s1  }
0x8c: {  	s14 =	sshll.u32 s0, $0xA;
	s2 =	sadd.s32 s3, s2  }
0x8d: {  	s2 =	sadd.s32 s2, s14  }
0x8e: {  	[smem:$0x3FBE] =	sst s2  }
0x8f: {  	_ = 	snop  }
0x90: {  	s2 =	sld [smem:$0x3FD0];
	_ =	sdelay $0x2  }
0x91: {  	s15 =	simm.s32 $0xA;
	s4 =	simm.s32 $0x10  }
0x92: {  	[smem:s4], [sflag:s15] =	dma.local [hbm:s2], $0x1  }
0x93: {  	_ =	swait.eq [sflag:s15], $0x1  }
0x94: {  	[sflag:s15] =	ssyncset.done $0x0  }
0x95: {  	s16 =	sld [smem:$0x10];
	[sflag:s15] =	ssyncadd.s32 $0xFFFFFFFF  }
0x96: {  	s17 =	sld [smem:$0x11];
	(tm) =	ssettm $0x1  }
0x97: {  	s18 =	sld [smem:$0x3FFB];
	_ =	sdelay $0x3  }
0x98: {  	_ =	strace s18  }
0x99: {  	s4 =	sld [smem:$0x3FFC];
	_ =	sdelay $0x3  }
0x9a: {  	_ =	strace s4  }
0x9b: {  	s4 =	sld [smem:$0x3FFD];
	_ =	sdelay $0x3  }
0x9c: {  	_ =	strace s4  }
0x9d: {  	_ =	strace $0x8FFFFFFF  }
0x9e: {  	s19 =	sld [smem:$0x3FDB];
	_ =	sdelay $0x1  }
0x9f: {  	s5 =	simm.s32 $_scs_section_size  }
0xa0: {  	s6 =	simm.s32 $_size__tile_overlayer_lowered;
	s7 =	simm.s32 $_tile_overlayer_lowered  }
0xa1: {  	s22 =	simm.s32 $0x1BFF;
	s21 =	sshll.u32 s7, $0x1;
	s4 =	sadd.s32 s5, s19  }
0xa2: {  	s8 =	simm.s32 $0x0;
	s20 =	sshll.u32 s6, $0x1;
	s6 =	sadd.s32 s21, s4  }
0xa3: {  	[timem:s8], [sflag:s22] =	dma.local [hbm:s6], s20  }
0xa4: {  	_ =	swait.ge [sflag:s22], s20  }
0xa5: {  	s5 =	ssub.s32 $0x0, s20;
	[sflag:s22] =	ssyncset.done $0x0  }
0xa6: {  	[sflag:s22] =	ssyncadd.s32 s5;
	_ =	sdelay $0x1  }
0xa7: {  	s23 =	simm.s32 $0x1B8B  }
0xa8: {  	_ =	swait.ge [sflag:s23], $0x1  }
0xa9: {  	[sflag:s23] =	ssyncset.done $0x0  }
0xaa: {  	s25 =	simm.s32 $0x1B8E;
	s24 =	sld [smem:$0x3FFE];
	[sflag:s23] =	ssyncadd.s32 $0xFFFFFFFF  }
0xab: {  	s26 =	simm.s32 $execute0_lowered;
	[smem:$0x3FD2] =	sst s25  }
0xac: {  	s6 =	sshll.u32 s26, $0x1;
	_ =	strace $0x80000046;
	[dreg:$0x1] =	wrdreg $0xFFFFFFFF  }
0xad: {  	s28 =	simm.s32 $_size_execute0_lowered;
	s4 =	sadd.s32 s4, s6;
	[dreg:$0x0] =	wrdreg $0x0  }
0xae: {  	s6 =	sshll.u32 s28, $0x1;
	[dreg:$0x2] =	wrdreg s4  }
0xaf: {  	[dreg:$0x3] =	wrdreg s6  }
0xb0: {  	[dreg:$0x4] =	wrdreg $0xC0  }
0xb1: {  	_ =	task [dreg:s8], $0x5FFFF  }
0xb2: {  	[dreg:$0x1] =	wrdreg $0xFFFFFFFF  }
0xb3: {  	[dreg:$0x0] =	wrdreg $0x60  }
0xb4: {  	[dreg:$0x2] =	wrdreg s17  }
0xb5: {  	[dreg:$0x3] =	wrdreg s24  }
0xb6: {  	[dreg:$0x4] =	wrdreg s16  }
0xb7: {  	[dreg:$0x5] =	wrdreg $0x9  }
0xb8: {  	_ =	task.clear_ibuf [dreg:s8], $0x6FFFF;
	_ =	strace $0x90000046  }
0xb9: {  	s29 =	simm.s32 $0x9;
	_ =	strace $0x80000048  }
0xba: {  	_ =	swait.ge [sflag:s29], $0x1  }
0xbb: {  	[sflag:s29] =	ssyncadd.s32 $0xFFFFFFFF  }
0xbc: {  	_ =	strace $0x90000048  }
0xbd: {  	_ =	sfence  }
0xbe: {  	s30 =	sld [smem:$0x0];
	_ =	sdelay $0x2  }
0xbf: {  	s31 =	sshll.u32 s1, $0xD;
	s1 =	sshrl.u32 s1, $0x2  }
0xc0: {  	s3 =	sand.u32 $0x4000, s31;
	s1 =	sadd.s32 s1, s30  }
0xc1: {  	s0 =	sor.u32 s3, s0;
	s1 =	sshll.u32 s1, $0x11  }
0xc2: {  	s0 =	sor.u32 s1, s0  }
0xc3: {  	s0 =	sadd.s32 $0x8F2B, s0  }
0xc4: {  	[sflag:s0] =	ssyncadd.remote.s32 $0x1  }
0xc5: {  	_ =	sfence.sel $0xFFFF  }
0xc6: {  	[dreg:$0x0] =	wrdreg $0xFFFFFFFF;
	(pc) =	sbr.abs _section_cstart, $3  }
0xc7: {  	[dreg:$0x1] =	wrdreg $0xFFFFFFFF  }
0xc8: {  	_ =	task.clear_ibuf [dreg:s8], $0x2FFFF;
	_ =	strace $0x9FFFFFFF  }
0xc9: {  	(tm) =	ssettm $0x7FFFFFFF  }
tec
execute0_lowered:
.L_overlay_start_1:
0x0: {  	(tag) =	ssettag $0x1  }
0x1: {  	s1 =	rddreg [dreg:$0x0];
	s0 =	srdreg.scid  }
0x2: {  	s3 =	stileid.u32;
	s2 =	rddreg [dreg:$0x1];
	s4 =	simm.s32 $0x0  }
0x3: {  	s18 =	simm.s32 $0xC8;
	s19 =	simm.s32 $0x4E20;
	s20 =	simm.s32 $0x8020  }
0x4: {  	s21 =	simm.s32 $0xB220;
	s23 =	simm.s32 $0xE420;
	s15 =	simm.s32 $0x1EB40  }
0x5: {  	s22 =	simm.s32 $0x2;
	s24 =	simm.s32 $0x1EC10;
	s25 =	simm.s32 $0x3  }
0x6: {  	s28 =	simm.s32 $0x4;
	s0 =	sand.u32 $0x1, s0;
	s3 =	sshll.u32 s3, $0x1  }
0x7: {  	s29 =	simm.s32 $0x1EDB0;
	s8 =	simm.s32 $0x0;
	s3 =	sor.u32 s0, s3  }
0x8: {  	[smem:$0x7FF] =	sst s4;
	s0 =	ssub.s32 $0x2, s0;
	s5 =	smul.u32 $0x2710, s3  }
0x9: {  	s6 =	sadd.s32 $0x13C00, s2;
	_ =	strace $0x80000047;
	s7 =	sshrl.u32 s0, $0x1  }
0xa: {  	s0 =	ssub.s32 s0, s7;
	s3 =	sshrl.u32 s5, $0x3;
	s9 =	sadd.s32 $0xC8, s5  }
0xb: {  	s10 =	sadd.s32 $0x190, s5;
	s30 =	sadd.s32 $0x2648, s5;
	s0 =	smax.u32 s0, $0x1  }
0xc: {  	s11 =	sadd.s32 $0x258, s5;
	s2 =	sadd.s32 s2, s3;
	[dreg:$0x8] =	wrdreg s0  }
0xd: {  	s26 =	sadd.s32 s6, s3;
	[dreg:$0x4] =	wrdreg s2;
	s2 =	sadd.s32 $0x9E00, s2  }
0xe: {  	v1 =	vlaneseq.u32;
	s31 =	sshrl.u32 s30, $0x3;
	[dreg:$0x5] =	wrdreg s2;
	s2 =	sadd.s32 $0x4B0, s26  }
0xf: {  	v1 =	vmul.u32 $0x10, v1;
	s0 =	simm.s32 $0x1;
	[dreg:$0x6] =	wrdreg s2;
	s2 =	sadd.s32 s6, s31  }
0x10: {  	v0 =	vimm.bf16 $0.0e+00;
	s3 =	simm.s32 $0x1DE20;
	s26 =	simm.s32 $0x1ECE0;
	[dreg:$0x7] =	wrdreg s2  }
.LBB2_1:
0x11: {  	[dreg:$0x9] =	wrdreg s8  }
0x12: {  	s2 =	rddreg [dreg:$0x2];
	s7 =	simm.s32 $0x1EB20;
	s16 =	simm.s32 $0x6  }
0x13: {  	[tilespmem:s7], [sflag:$0x6] =	stream.linear.gather [hbm4b:s2+s4], $0x20, $0x38;
	[tilespmem:$0x1EE80] =	vst v63  }
0x14: {  	_ =	swait.ge [sflag:s16], $0x20  }
0x15: {  	[sflag:s16] =	ssyncset.done $0x0  }
0x16: {  	s17 =	rddreg [dreg:$0x5];
	[sflag:s16] =	ssyncadd.s32 $0xFFFFFFE0  }
0x17: {  	[tilespmem:s4], [sflag:$0x6] =	stream.linear.gather [hbm4b:s17+s4], $0x2710, $0x38;
	[tilespmem:$0x1EE80] =	vst v63  }
0x18: {  	_ =	swait.ge [sflag:s16], $0x2710  }
0x19: {  	[sflag:s16] =	ssyncset.done $0x0  }
0x1a: {  	s31 =	simm.s32 $0x2710;
	s30 =	rddreg [dreg:$0x4];
	[sflag:s16] =	ssyncadd.s32 $0xFFFFD8F0  }
0x1b: {  	[tilespmem:s31], [sflag:$0x6] =	stream.linear.gather [hbm4b:s30+s4], $0x2710, $0x38;
	[tilespmem:$0x1EE80] =	vst v63  }
0x1c: {  	_ =	swait.ge [sflag:s16], $0x2710  }
0x1d: {  	[sflag:s16] =	ssyncset.done $0x0  }
0x1e: {  	[sflag:s16] =	ssyncadd.s32 $0xFFFFD8F0  }
0x1f: {  	v2 =	vld [tilespmem:$0x1EB20]  }
0x20: {  	v3 =	vld [tilespmem:$0x1EB30];
	[tilespmem:s19], [sflag:$0x1] =	stream.indirect.gather [hbm4b:s1+s18], $0x40, s4, s18, $0xb8  }
0x21: {  	_ = 	snop  }
0x22: {  	[tilespmem:s20], [sflag:$0x1] =	stream.indirect.gather [hbm4b:s1+s18], $0x40, s31, s18, $0xb8;
	[tilespmem:$0x1EE80] =	vst v63  }
0x23: {  	_ = 	snop  }
0x24: {  	[tilespmem:s21], [sflag:$0x2] =	stream.indirect.gather [hbm4b:s1+s18], $0x40, s18, s18, $0xb8;
	[tilespmem:$0x1EE80] =	vst v63  }
0x25: {  	s7 =	simm.s32 $0x27D8  }
0x26: {  	[tilespmem:s23], [sflag:$0x2] =	stream.indirect.gather [hbm4b:s1+s18], $0x40, s7, s18, $0xb8;
	[tilespmem:$0x1EE80] =	vst v63  }
0x27: {  	s8 =	simm.s32 $0x190;
	s12 =	simm.s32 $0x11620  }
0x28: {  	[tilespmem:s12], [sflag:$0x3] =	stream.indirect.gather [hbm4b:s1+s18], $0x40, s8, s18, $0xb8;
	[tilespmem:$0x1EE80] =	vst v63  }
0x29: {  	s13 =	simm.s32 $0x28A0;
	s14 =	simm.s32 $0x14820  }
0x2a: {  	[tilespmem:s14], [sflag:$0x3] =	stream.indirect.gather [hbm4b:s1+s18], $0x40, s13, s18, $0xb8;
	[tilespmem:$0x1EE80] =	vst v63  }
0x2b: {  	s17 =	simm.s32 $0x17A20;
	s16 =	simm.s32 $0x258  }
0x2c: {  	[tilespmem:s17], [sflag:$0x4] =	stream.indirect.gather [hbm4b:s1+s18], $0x40, s16, s18, $0xb8;
	[tilespmem:$0x1EE80] =	vst v63  }
0x2d: {  	s30 =	simm.s32 $0x2968;
	s31 =	simm.s32 $0x1AC20;
	s8 =	simm.s32 $0x0  }
0x2e: {  	[tilespmem:s31], [sflag:$0x4] =	stream.indirect.gather [hbm4b:s1+s18], $0x40, s30, s18, $0xb8;
	[tilespmem:$0x1EE80] =	vst v63  }
.LBB2_2:
0x2f: {  	_ =	swait.ge [sflag:s0], $0x3200  }
0x30: {  	[sflag:s0] =	ssyncset.done $0x0  }
0x31: {  	[sflag:s0] =	ssyncadd.s32 $0xFFFFCE00  }
0x32: {  	_ =	swait.ge [sflag:s0], $0x3200  }
0x33: {  	p0 =	seq.s32 s8, $0x0;
	[sflag:s0] =	ssyncset.done $0x0  }
0x34: {  	s7 =	simm.s32 @!p0 $0x5;
	[sflag:s0] =	ssyncadd.s32 $0xFFFFCE00  }
0x35: {  	_ =	swait.ge @!p0 [sflag:s7], $0xC8  }
0x36: {  	[sflag:s7] =	ssyncset.done @!p0 $0x0  }
0x37: {  	[sflag:s7] =	ssyncadd.s32 @!p0 $0xFFFFFF38;
	s7 =	simm.s32 $0x0  }
0x38: {  	v4 =	vld [tilespmem:s7+$0x80C0]  }
0x39: {  	v5 =	vld [tilespmem:s7+$0x8100]  }
0x3a: {  	v8 =	vld [tilespmem:s7+$0x8050]  }
0x3b: {  	v6 =	vld [tilespmem:s7+$0x80D0]  }
0x3c: {  	v9 =	vld [tilespmem:s7+$0x8110]  }
0x3d: {  	v15 =	vld [tilespmem:s7+$0x8040]  }
0x3e: {  	v12 =	vld [tilespmem:s7+$0x4EF0]  }
0x3f: {  	v14 =	vld [tilespmem:s7+$0x4E30]  }
0x40: {  	v10 =	vld [tilespmem:s7+$0x4EB0]  }
0x41: {  	v16 =	vld [tilespmem:s7+$0x4E20]  }
0x42: {  	v7 =	vld [tilespmem:s7+$0x4E60]  }
0x43: {  	v11 =	vld [tilespmem:s7+$0x4EE0]  }
0x44: {  	v13 =	vld [tilespmem:s7+$0x4EA0];
	v12 =	vadd.bf16 v9, v12;
	v8 =	vadd.bf16 v8, v14  }
0x45: {  	s13 =	simm.s32 $0x0;
	s14 =	simm.s32 $0x1DE40;
	s17 =	simm.s32 $0x800;
	v9 =	vld [tilespmem:s7+$0x4E70]  }
0x46: {  	s31 =	simm.s32 $0x1DE80;
	s16 =	simm.s32 $0x100;
	s12 =	simm.s32 $0x1DE80;
	v14 =	vld [tilespmem:s7+$0x8080];
	v15 =	vadd.bf16 v15, v16;
	v12 =	vmax.bf16 v12, v0;
	v8 =	vmax.bf16 v8, v0  }
.LBB2_3:
0x47: {  	p1 =	sne.s32 s17, $0xC400;
	s31 =	sadd.s32 $0x40, s31  }
0x48: {  	v16 =	vld [tilespmem:s7+$0x8090];
	v6 =	vadd.bf16 v6, v10;
	s30 =	smov.u32 s17;
	s17 =	sadd.s32 $0x400, s17;
	s7 =	smov.u32 s16  }
0x49: {  	v10 =	vmax.bf16 v15, v0;
	v5 =	vadd.bf16 v5, v11  }
0x4a: {  	v4 =	vadd.bf16 v4, v13  }
0x4b: {  	v10 =	vmul.bf16 v10, v2;
	v6 =	vmax.bf16 v6, v0;
	v5 =	vmax.bf16 v5, v0  }
0x4c: {  	v11 =	vmul.bf16 v12, v3;
	v7 =	vadd.bf16 v14, v7;
	v5 =	vmul.bf16 v5, v2  }
0x4d: {  	v6 =	vmul.bf16 v6, v3;
	v4 =	vmax.bf16 v4, v0;
	v9 =	vadd.bf16 v16, v9  }
0x4e: {  	v4 =	vmul.bf16 v4, v2;
	v7 =	vmax.bf16 v7, v0;
	v5 =	vadd.bf16 v11, v5  }
0x4f: {  	v8 =	vmul.bf16 v8, v3;
	v7 =	vmul.bf16 v7, v2;
	v9 =	vmax.bf16 v9, v0  }
0x50: {  	v4 =	vadd.bf16 v6, v4;
	v9 =	vmul.bf16 v9, v3;
	v6 =	vunpack.i.u.bf16.f32 v5  }
0x51: {  	v8 =	vadd.bf16 v8, v10;
	v5 =	vunpack.i.l.bf16.f32 v5  }
0x52: {  	v5 =	vadd.f32 v5, v6;
	v7 =	vadd.bf16 v9, v7;
	v9 =	vunpack.i.u.bf16.f32 v4  }
0x53: {  	v6 =	vunpack.i.u.bf16.f32 v8;
	v8 =	vunpack.i.l.bf16.f32 v8;
	v4 =	vunpack.i.l.bf16.f32 v4  }
0x54: {  	v6 =	vadd.f32 v8, v6;
	v4 =	vadd.f32 v4, v9;
	v8 =	vunpack.i.u.bf16.f32 v7;
	[tilespmem:s14+$0x10] =	vst v5  }
0x55: {  	v5 =	vunpack.i.l.bf16.f32 v7  }
0x56: {  	v5 =	vadd.f32 v5, v8;
	[tilespmem:s14+$0xFFFFFFE0] =	vst v6  }
0x57: {  	[tilespmem:s14+$0x0] =	vst v4  }
0x58: {  	s16 =	sshra.s32 s30, $0x2;
	[tilespmem:s14+$0xFFFFFFF0] =	vst v5;
	s14 =	smov.u32 s12;
	s12 =	smov.u32 s31  }
0x59: {  	v4 =	vld [tilespmem:s7+$0x80C0]  }
0x5a: {  	v5 =	vld [tilespmem:s7+$0x8100]  }
0x5b: {  	v8 =	vld [tilespmem:s7+$0x8050]  }
0x5c: {  	v6 =	vld [tilespmem:s7+$0x80D0]  }
0x5d: {  	v9 =	vld [tilespmem:s7+$0x8110]  }
0x5e: {  	v15 =	vld [tilespmem:s7+$0x8040]  }
0x5f: {  	v12 =	vld [tilespmem:s7+$0x4EF0]  }
0x60: {  	v14 =	vld [tilespmem:s7+$0x4E30]  }
0x61: {  	v10 =	vld [tilespmem:s7+$0x4EB0]  }
0x62: {  	v16 =	vld [tilespmem:s7+$0x4E20]  }
.Ltmp0:
0x63: {  	v7 =	vld [tilespmem:s7+$0x4E60];
	(pc) =	sbr.rel @p1 .LBB2_3-.Ltmp0, $4  }
0x64: {  	v11 =	vld [tilespmem:s7+$0x4EE0];
	v12 =	vadd.bf16 v9, v12  }
0x65: {  	v13 =	vld [tilespmem:s7+$0x4EA0];
	v8 =	vadd.bf16 v8, v14  }
0x66: {  	v9 =	vld [tilespmem:s7+$0x4E70];
	v12 =	vmax.bf16 v12, v0  }
0x67: {  	v14 =	vld [tilespmem:s7+$0x8080];
	v15 =	vadd.bf16 v15, v16;
	v8 =	vmax.bf16 v8, v0  }
0x68: {  	v16 =	vld [tilespmem:s7+$0x8090]  }
0x69: {  	v6 =	vadd.bf16 v6, v10  }
0x6a: {  	v24 =	vmul.bf16 v12, v3;
	v23 =	vmax.bf16 v15, v0;
	v5 =	vadd.bf16 v5, v11  }
0x6b: {  	v8 =	vmul.bf16 v8, v3;
	v4 =	vadd.bf16 v4, v13;
	v10 =	vmul.bf16 v23, v2  }
0x6c: {  	v6 =	vmax.bf16 v6, v0;
	v5 =	vmax.bf16 v5, v0;
	v7 =	vadd.bf16 v14, v7  }
0x6d: {  	v5 =	vmul.bf16 v5, v2;
	v4 =	vmax.bf16 v4, v0;
	v9 =	vadd.bf16 v16, v9  }
0x6e: {  	v6 =	vmul.bf16 v6, v3;
	v4 =	vmul.bf16 v4, v2  }
0x6f: {  	v7 =	vmax.bf16 v7, v0;
	v5 =	vadd.bf16 v24, v5;
	v9 =	vmax.bf16 v9, v0  }
0x70: {  	v7 =	vmul.bf16 v7, v2;
	v4 =	vadd.bf16 v6, v4;
	v6 =	vadd.bf16 v8, v10  }
0x71: {  	v9 =	vmul.bf16 v9, v3;
	v8 =	vunpack.i.u.bf16.f32 v5;
	v5 =	vunpack.i.l.bf16.f32 v5  }
0x72: {  	v5 =	vadd.f32 v5, v8  }
0x73: {  	v8 =	vunpack.i.u.bf16.f32 v6;
	v6 =	vunpack.i.l.bf16.f32 v6;
	v7 =	vadd.bf16 v9, v7  }
0x74: {  	v25 =	vunpack.i.u.bf16.f32 v4;
	v4 =	vunpack.i.l.bf16.f32 v4;
	v6 =	vadd.f32 v6, v8  }
0x75: {  	v4 =	vadd.f32 v4, v25;
	[tilespmem:s14+$0x10] =	vst v5;
	v8 =	vunpack.i.u.bf16.f32 v7;
	v5 =	vunpack.i.l.bf16.f32 v7  }
0x76: {  	[tilespmem:s14+$0xFFFFFFE0] =	vst v6;
	v5 =	vadd.f32 v5, v8  }
0x77: {  	[tilespmem:s14+$0x0] =	vst v4  }
0x78: {  	[tilespmem:s14+$0xFFFFFFF0] =	vst v5  }
0x79: {  	v4 =	vld [tilespmem:s16+$0x80C0]  }
0x7a: {  	v5 =	vld [tilespmem:s16+$0x8100]  }
0x7b: {  	v6 =	vld [tilespmem:s16+$0x8050]  }
0x7c: {  	v7 =	vld [tilespmem:s16+$0x80D0]  }
0x7d: {  	v8 =	vld [tilespmem:s16+$0x8110]  }
0x7e: {  	v26 =	vld [tilespmem:s16+$0x8040]  }
0x7f: {  	v27 =	vld [tilespmem:s16+$0x4EF0]  }
0x80: {  	v28 =	vld [tilespmem:s16+$0x4E30]  }
0x81: {  	v29 =	vld [tilespmem:s16+$0x4EB0]  }
0x82: {  	v30 =	vld [tilespmem:s16+$0x4E20]  }
0x83: {  	v31 =	vld [tilespmem:s16+$0x4E60]  }
0x84: {  	v32 =	vld [tilespmem:s16+$0x4EE0]  }
0x85: {  	v33 =	vld [tilespmem:s16+$0x4EA0]  }
0x86: {  	v17 =	vld [tilespmem:s16+$0x4E70]  }
0x87: {  	v34 =	vld [tilespmem:s16+$0x8080]  }
0x88: {  	v35 =	vld [tilespmem:s16+$0x8090];
	_ =	sdelay $0x1  }
0x89: {  	v8 =	vadd.bf16 v8, v27;
	v6 =	vadd.bf16 v6, v28  }
0x8a: {  	v9 =	vadd.bf16 v26, v30;
	v5 =	vadd.bf16 v5, v32  }
0x8b: {  	v36 =	vmov s13;
	v7 =	vadd.bf16 v7, v29;
	v4 =	vadd.bf16 v4, v33  }
0x8c: {  	v10 =	vadd.bf16 v34, v31;
	v11 =	vadd.bf16 v35, v17;
	v8 =	vmax.bf16 v8, v0  }
0x8d: {  	v6 =	vmax.bf16 v6, v0;
	v5 =	vmax.bf16 v5, v0;
	v7 =	vmax.bf16 v7, v0  }
0x8e: {  	v4 =	vmax.bf16 v4, v0;
	v5 =	vmul.bf16 v5, v2;
	v8 =	vmul.bf16 v8, v3  }
0x8f: {  	v9 =	vmax.bf16 v9, v0;
	v7 =	vmul.bf16 v7, v3;
	v4 =	vmul.bf16 v4, v2  }
0x90: {  	v10 =	vmax.bf16 v10, v0;
	v9 =	vmul.bf16 v9, v2;
	v6 =	vmul.bf16 v6, v3  }
0x91: {  	v5 =	vadd.bf16 v8, v5;
	v8 =	vmax.bf16 v11, v0;
	v4 =	vadd.bf16 v7, v4  }
0x92: {  	v10 =	vmul.bf16 v10, v2;
	v6 =	vadd.bf16 v6, v9;
	v8 =	vmul.bf16 v8, v3  }
0x93: {  	v7 =	vunpack.i.u.bf16.f32 v5;
	v5 =	vunpack.i.l.bf16.f32 v5;
	v37 =	vunpack.i.u.bf16.f32 v4  }
0x94: {  	v38 =	vunpack.i.u.bf16.f32 v6;
	v6 =	vunpack.i.l.bf16.f32 v6;
	v4 =	vunpack.i.l.bf16.f32 v4  }
0x95: {  	v8 =	vadd.bf16 v8, v10;
	v5 =	vadd.f32 v5, v7;
	v7 =	vshll.u32 v36, $0x4  }
0x96: {  	v6 =	vadd.f32 v6, v38;
	v4 =	vadd.f32 v4, v37;
	v7 =	vor.u32 v1, v7  }
0x97: {  	v39 =	vor.u32 $0x1, v7;
	v40 =	vunpack.i.u.bf16.f32 v8;
	[tilespmem:s12+$0x10] =	vst v5;
	v5 =	vunpack.i.l.bf16.f32 v8  }
0x98: {  	[tilespmem:s12+$0xFFFFFFE0] =	vst v6;
	v5 =	vadd.f32 v5, v40  }
0x99: {  	[tilespmem:s12+$0x0] =	vst v4;
	v4 =	vor.u32 $0x2, v7  }
0x9a: {  	[tilespmem:s12+$0xFFFFFFF0] =	vst v5  }
0x9b: {  	v6 =	vor.u32 $0x3, v7;
	v8 =	vld.idx.msk [tilespmem:v7+s3+$0x0], $0xffff  }
0x9c: {  	v5 =	vld.idx.msk [tilespmem:v39+s3+$0x0], $0xffff  }
0x9d: {  	v41 =	vor.u32 $0x4, v7  }
0x9e: {  	v4 =	vld.idx.msk [tilespmem:v4+s3+$0x0], $0xffff  }
0x9f: {  	v42 =	vor.u32 $0x5, v7  }
0xa0: {  	v6 =	vld.idx.msk [tilespmem:v6+s3+$0x0], $0xffff  }
0xa1: {  	v43 =	vor.u32 $0x6, v7;
	v5 =	vadd.f32 v5, v8  }
0xa2: {  	v8 =	vld.idx.msk [tilespmem:v41+s3+$0x0], $0xffff  }
0xa3: {  	v44 =	vor.u32 $0x7, v7;
	v4 =	vadd.f32 v4, v5  }
0xa4: {  	v5 =	vld.idx.msk [tilespmem:v42+s3+$0x0], $0xffff  }
0xa5: {  	v45 =	vor.u32 $0x8, v7;
	v4 =	vadd.f32 v6, v4  }
0xa6: {  	v6 =	vld.idx.msk [tilespmem:v43+s3+$0x0], $0xffff  }
0xa7: {  	v46 =	vor.u32 $0x9, v7;
	v4 =	vadd.f32 v8, v4  }
0xa8: {  	v8 =	vld.idx.msk [tilespmem:v44+s3+$0x0], $0xffff  }
0xa9: {  	v47 =	vor.u32 $0xA, v7;
	v4 =	vadd.f32 v5, v4  }
0xaa: {  	v5 =	vld.idx.msk [tilespmem:v45+s3+$0x0], $0xffff  }
0xab: {  	v48 =	vor.u32 $0xB, v7;
	v4 =	vadd.f32 v6, v4  }
0xac: {  	v6 =	vld.idx.msk [tilespmem:v46+s3+$0x0], $0xffff  }
0xad: {  	v49 =	vor.u32 $0xC, v7;
	v4 =	vadd.f32 v8, v4  }
0xae: {  	v8 =	vld.idx.msk [tilespmem:v47+s3+$0x0], $0xffff  }
0xaf: {  	v50 =	vor.u32 $0xD, v7;
	v4 =	vadd.f32 v5, v4  }
0xb0: {  	v5 =	vld.idx.msk [tilespmem:v48+s3+$0x0], $0xffff  }
0xb1: {  	v51 =	vor.u32 $0xE, v7;
	v4 =	vadd.f32 v6, v4  }
0xb2: {  	v6 =	vld.idx.msk [tilespmem:v49+s3+$0x0], $0xffff  }
0xb3: {  	v7 =	vor.u32 $0xF, v7;
	v4 =	vadd.f32 v8, v4  }
0xb4: {  	v8 =	vld.idx.msk [tilespmem:v50+s3+$0x0], $0xffff  }
0xb5: {  	v4 =	vadd.f32 v5, v4  }
0xb6: {  	v5 =	vld.idx.msk [tilespmem:v51+s3+$0x0], $0xffff  }
0xb7: {  	s30 =	simm.s32 $0x10;
	v4 =	vadd.f32 v6, v4  }
0xb8: {  	v6 =	vld.idx.msk [tilespmem:v7+s3+$0x0], $0xffff;
	v7 =	vmov s30  }
0xb9: {  	v7 =	vshll.u32 v7, $0x4;
	v4 =	vadd.f32 v8, v4  }
0xba: {  	v7 =	vor.u32 v1, v7  }
0xbb: {  	v8 =	vor.u32 $0x1, v7;
	v4 =	vadd.f32 v5, v4;
	_ =	sdelay $0x1  }
0xbc: {  	v4 =	vadd.f32 v6, v4  }
0xbd: {  	s7 =	simm.s32 $0x1EB40;
	v5 =	vor.u32 $0x2, v7  }
0xbe: {  	[tilespmem:s7+$0x0] =	vst v4  }
0xbf: {  	v6 =	vor.u32 $0x3, v7;
	v4 =	vld.idx.msk [tilespmem:v8+s3+$0x0], $0xffff  }
0xc0: {  	v8 =	vld.idx.msk [tilespmem:v7+s3+$0x0], $0xffff  }
0xc1: {  	v52 =	vor.u32 $0x4, v7  }
0xc2: {  	v5 =	vld.idx.msk [tilespmem:v5+s3+$0x0], $0xffff  }
0xc3: {  	v53 =	vor.u32 $0x5, v7  }
0xc4: {  	v6 =	vld.idx.msk [tilespmem:v6+s3+$0x0], $0xffff  }
0xc5: {  	v54 =	vor.u32 $0x6, v7;
	v4 =	vadd.f32 v4, v8  }
0xc6: {  	v8 =	vld.idx.msk [tilespmem:v52+s3+$0x0], $0xffff  }
0xc7: {  	v55 =	vor.u32 $0x7, v7;
	v4 =	vadd.f32 v5, v4  }
0xc8: {  	v5 =	vld.idx.msk [tilespmem:v53+s3+$0x0], $0xffff  }
0xc9: {  	v56 =	vor.u32 $0x8, v7;
	v4 =	vadd.f32 v6, v4  }
0xca: {  	v6 =	vld.idx.msk [tilespmem:v54+s3+$0x0], $0xffff  }
0xcb: {  	v57 =	vor.u32 $0x9, v7;
	v4 =	vadd.f32 v8, v4  }
0xcc: {  	v8 =	vld.idx.msk [tilespmem:v55+s3+$0x0], $0xffff  }
0xcd: {  	v58 =	vor.u32 $0xA, v7;
	v4 =	vadd.f32 v5, v4  }
0xce: {  	v5 =	vld.idx.msk [tilespmem:v56+s3+$0x0], $0xffff  }
0xcf: {  	v59 =	vor.u32 $0xB, v7;
	v4 =	vadd.f32 v6, v4  }
0xd0: {  	v6 =	vld.idx.msk [tilespmem:v57+s3+$0x0], $0xffff  }
0xd1: {  	v60 =	vor.u32 $0xC, v7;
	v4 =	vadd.f32 v8, v4  }
0xd2: {  	v8 =	vld.idx.msk [tilespmem:v58+s3+$0x0], $0xffff  }
0xd3: {  	v4 =	vadd.f32 v5, v4  }
0xd4: {  	v61 =	vor.u32 $0xD, v7;
	v5 =	vld.idx.msk [tilespmem:v59+s3+$0x0], $0xffff  }
0xd5: {  	v4 =	vadd.f32 v6, v4  }
0xd6: {  	v62 =	vor.u32 $0xE, v7;
	v6 =	vld.idx.msk [tilespmem:v60+s3+$0x0], $0xffff  }
0xd7: {  	v4 =	vadd.f32 v8, v4  }
0xd8: {  	v7 =	vor.u32 $0xF, v7  }
0xd9: {  	v8 =	vld.idx.msk [tilespmem:v61+s3+$0x0], $0xffff;
	v4 =	vadd.f32 v5, v4;
	_ =	sdelay $0x1  }
0xda: {  	v6 =	vadd.f32 v6, v4;
	v4 =	vld.idx.msk [tilespmem:v62+s3+$0x0], $0xffff  }
0xdb: {  	s31 =	simm.s32 $0x20  }
0xdc: {  	v63 =	vmov s31;
	v5 =	vld.idx.msk [tilespmem:v7+s3+$0x0], $0xffff  }
0xdd: {  	s12 =	simm.s32 $0x30;
	v7 =	vshll.u32 v63, $0x4;
	v6 =	vadd.f32 v8, v6  }
.LBB2_5:
0xde: {  	p1 =	sne.s32 s12, $0xC0;
	v7 =	vor.u32 v1, v7  }
0xdf: {  	v8 =	vor.u32 $0x1, v7;
	v4 =	vadd.f32 v4, v6;
	_ =	sdelay $0x1  }
0xe0: {  	v4 =	vadd.f32 v5, v4  }
0xe1: {  	s7 =	sadd.s32 $0x10, s7;
	v5 =	vor.u32 $0x2, v7  }
0xe2: {  	[tilespmem:s7+$0x0] =	vst v4  }
0xe3: {  	v6 =	vor.u32 $0x3, v7;
	v4 =	vld.idx.msk [tilespmem:v8+s3+$0x0], $0xffff  }
0xe4: {  	v8 =	vld.idx.msk [tilespmem:v7+s3+$0x0], $0xffff  }
0xe5: {  	v9 =	vor.u32 $0x4, v7  }
0xe6: {  	v5 =	vld.idx.msk [tilespmem:v5+s3+$0x0], $0xffff  }
0xe7: {  	v10 =	vor.u32 $0x5, v7  }
0xe8: {  	v6 =	vld.idx.msk [tilespmem:v6+s3+$0x0], $0xffff  }
0xe9: {  	v11 =	vor.u32 $0x6, v7  }
0xea: {  	v4 =	vadd.f32 v4, v8;
	v8 =	vld.idx.msk [tilespmem:v9+s3+$0x0], $0xffff  }
0xeb: {  	v9 =	vor.u32 $0x7, v7  }
0xec: {  	v4 =	vadd.f32 v5, v4;
	v5 =	vld.idx.msk [tilespmem:v10+s3+$0x0], $0xffff  }
0xed: {  	v10 =	vor.u32 $0x8, v7  }
0xee: {  	v4 =	vadd.f32 v6, v4;
	v6 =	vld.idx.msk [tilespmem:v11+s3+$0x0], $0xffff  }
0xef: {  	v11 =	vor.u32 $0x9, v7  }
0xf0: {  	v4 =	vadd.f32 v8, v4;
	v8 =	vld.idx.msk [tilespmem:v9+s3+$0x0], $0xffff  }
0xf1: {  	v9 =	vor.u32 $0xA, v7  }
0xf2: {  	v4 =	vadd.f32 v5, v4;
	v5 =	vld.idx.msk [tilespmem:v10+s3+$0x0], $0xffff  }
0xf3: {  	v10 =	vor.u32 $0xB, v7  }
0xf4: {  	v4 =	vadd.f32 v6, v4;
	v6 =	vld.idx.msk [tilespmem:v11+s3+$0x0], $0xffff  }
0xf5: {  	v11 =	vor.u32 $0xC, v7  }
0xf6: {  	v4 =	vadd.f32 v8, v4;
	v8 =	vld.idx.msk [tilespmem:v9+s3+$0x0], $0xffff  }
0xf7: {  	v9 =	vor.u32 $0xD, v7  }
0xf8: {  	v4 =	vadd.f32 v5, v4;
	v5 =	vld.idx.msk [tilespmem:v10+s3+$0x0], $0xffff  }
0xf9: {  	v10 =	vor.u32 $0xE, v7  }
0xfa: {  	v4 =	vadd.f32 v6, v4;
	v6 =	vld.idx.msk [tilespmem:v11+s3+$0x0], $0xffff  }
0xfb: {  	v7 =	vor.u32 $0xF, v7  }
0xfc: {  	v4 =	vadd.f32 v8, v4;
	v8 =	vld.idx.msk [tilespmem:v9+s3+$0x0], $0xffff;
	_ =	sdelay $0x1  }
.Ltmp1:
0xfd: {  	v5 =	vadd.f32 v5, v4;
	v4 =	vld.idx.msk [tilespmem:v10+s3+$0x0], $0xffff;
	(pc) =	sbr.rel @p1 .LBB2_5-.Ltmp1, $4  }
0xfe: {  	_ = 	snop  }
0xff: {  	v6 =	vadd.f32 v6, v5;
	v5 =	vld.idx.msk [tilespmem:v7+s3+$0x0], $0xffff  }
0x100: {  	v7 =	vmov s12  }
0x101: {  	s12 =	sadd.s32 $0x10, s12;
	v7 =	vshll.u32 v7, $0x4;
	v6 =	vadd.f32 v8, v6  }
0x102: {  	v7 =	vor.u32 v1, v7  }
0x103: {  	v8 =	vor.u32 $0x1, v7;
	v4 =	vadd.f32 v4, v6;
	_ =	sdelay $0x1  }
0x104: {  	v4 =	vadd.f32 v5, v4  }
0x105: {  	s7 =	sadd.s32 $0x10, s7;
	v5 =	vor.u32 $0x2, v7  }
0x106: {  	[tilespmem:s7+$0x0] =	vst v4  }
0x107: {  	v6 =	vor.u32 $0x3, v7;
	v4 =	vld.idx.msk [tilespmem:v8+s3+$0x0], $0xffff  }
0x108: {  	v8 =	vld.idx.msk [tilespmem:v7+s3+$0x0], $0xffff  }
0x109: {  	v9 =	vor.u32 $0x4, v7  }
0x10a: {  	v5 =	vld.idx.msk [tilespmem:v5+s3+$0x0], $0xffff  }
0x10b: {  	v10 =	vor.u32 $0x5, v7  }
0x10c: {  	v6 =	vld.idx.msk [tilespmem:v6+s3+$0x0], $0xffff  }
0x10d: {  	v11 =	vor.u32 $0x6, v7;
	v4 =	vadd.f32 v4, v8  }
0x10e: {  	v8 =	vld.idx.msk [tilespmem:v9+s3+$0x0], $0xffff  }
0x10f: {  	v9 =	vor.u32 $0x7, v7;
	v4 =	vadd.f32 v5, v4  }
0x110: {  	v5 =	vld.idx.msk [tilespmem:v10+s3+$0x0], $0xffff  }
0x111: {  	v10 =	vor.u32 $0x8, v7;
	v4 =	vadd.f32 v6, v4  }
0x112: {  	v6 =	vld.idx.msk [tilespmem:v11+s3+$0x0], $0xffff  }
0x113: {  	v11 =	vor.u32 $0x9, v7;
	v4 =	vadd.f32 v8, v4  }
0x114: {  	v8 =	vld.idx.msk [tilespmem:v9+s3+$0x0], $0xffff  }
0x115: {  	v9 =	vor.u32 $0xA, v7;
	v4 =	vadd.f32 v5, v4  }
0x116: {  	v5 =	vld.idx.msk [tilespmem:v10+s3+$0x0], $0xffff  }
0x117: {  	v10 =	vor.u32 $0xB, v7;
	v4 =	vadd.f32 v6, v4  }
0x118: {  	v6 =	vld.idx.msk [tilespmem:v11+s3+$0x0], $0xffff  }
0x119: {  	v11 =	vor.u32 $0xC, v7;
	v4 =	vadd.f32 v8, v4  }
0x11a: {  	v8 =	vld.idx.msk [tilespmem:v9+s3+$0x0], $0xffff  }
0x11b: {  	v9 =	vor.u32 $0xD, v7;
	v4 =	vadd.f32 v5, v4  }
0x11c: {  	v5 =	vld.idx.msk [tilespmem:v10+s3+$0x0], $0xffff  }
0x11d: {  	v10 =	vor.u32 $0xE, v7;
	v4 =	vadd.f32 v6, v4  }
0x11e: {  	v6 =	vld.idx.msk [tilespmem:v11+s3+$0x0], $0xffff  }
0x11f: {  	v7 =	vor.u32 $0xF, v7;
	v4 =	vadd.f32 v8, v4  }
0x120: {  	v8 =	vld.idx.msk [tilespmem:v9+s3+$0x0], $0xffff  }
0x121: {  	v4 =	vadd.f32 v5, v4  }
0x122: {  	v5 =	vld.idx.msk [tilespmem:v10+s3+$0x0], $0xffff  }
0x123: {  	v4 =	vadd.f32 v6, v4  }
0x124: {  	v6 =	vld.idx.msk [tilespmem:v7+s3+$0x0], $0xffff  }
0x125: {  	v4 =	vadd.f32 v8, v4;
	_ =	sdelay $0x1  }
0x126: {  	s12 =	smul.u32 $0x320, s8;
	v4 =	vadd.f32 v5, v4;
	_ =	sdelay $0x1  }
0x127: {  	s13 =	sadd.s32 s5, s12;
	v4 =	vadd.f32 v6, v4  }
0x128: {  	s13 =	sshrl.u32 s13, $0x3;
	s7 =	sadd.s32 $0x10, s7  }
0x129: {  	s14 =	sadd.s32 s6, s13;
	[tilespmem:s7+$0x0] =	vst v4  }
0x12a: {  	[hbm4b:s14+s4] =	stream.linear.scatter [tilespmem:s15], [sflag:$0x5], $0xC8, $0x38;
	[tilespmem:$0x1EE80] =	vst v63  }
0x12b: {  	s16 =	sadd.s32 $0x320, s12  }
0x12c: {  	[tilespmem:s19], [sflag:$0x1] =	stream.indirect.gather [hbm4b:s1+s18], $0x40, s16, s18, $0xb8;
	[tilespmem:$0x1EE80] =	vst v63  }
0x12d: {  	s17 =	sadd.s32 $0x2A30, s12  }
0x12e: {  	[tilespmem:s20], [sflag:$0x1] =	stream.indirect.gather [hbm4b:s1+s18], $0x40, s17, s18, $0xb8;
	[tilespmem:$0x1EE80] =	vst v63  }
0x12f: {  	_ =	swait.ge [sflag:s22], $0x3200  }
0x130: {  	[sflag:s22] =	ssyncset.done $0x0  }
0x131: {  	[sflag:s22] =	ssyncadd.s32 $0xFFFFCE00  }
0x132: {  	_ =	swait.ge [sflag:s22], $0x3200  }
0x133: {  	[sflag:s22] =	ssyncset.done $0x0  }
0x134: {  	s7 =	simm.s32 @!p0 $0x5;
	[sflag:s22] =	ssyncadd.s32 $0xFFFFCE00  }
0x135: {  	_ =	swait.ge @!p0 [sflag:s7], $0xC8  }
0x136: {  	[sflag:s7] =	ssyncset.done @!p0 $0x0  }
0x137: {  	s16 =	simm.s32 $0x0;
	[sflag:s7] =	ssyncadd.s32 @!p0 $0xFFFFFF38  }
0x138: {  	v4 =	vld [tilespmem:s16+$0xE4C0]  }
0x139: {  	v5 =	vld [tilespmem:s16+$0xE500]  }
0x13a: {  	v8 =	vld [tilespmem:s16+$0xE450]  }
0x13b: {  	v6 =	vld [tilespmem:s16+$0xE4D0]  }
0x13c: {  	v9 =	vld [tilespmem:s16+$0xE510]  }
0x13d: {  	v15 =	vld [tilespmem:s16+$0xE440]  }
0x13e: {  	v12 =	vld [tilespmem:s16+$0xB2F0]  }
0x13f: {  	v14 =	vld [tilespmem:s16+$0xB230]  }
0x140: {  	v10 =	vld [tilespmem:s16+$0xB2B0]  }
0x141: {  	v16 =	vld [tilespmem:s16+$0xB220]  }
0x142: {  	v7 =	vld [tilespmem:s16+$0xB260]  }
0x143: {  	v11 =	vld [tilespmem:s16+$0xB2E0]  }
0x144: {  	v13 =	vld [tilespmem:s16+$0xB2A0];
	v12 =	vadd.bf16 v9, v12;
	v8 =	vadd.bf16 v8, v14  }
0x145: {  	s31 =	simm.s32 $0x800;
	s30 =	simm.s32 $0x1DE80;
	s13 =	simm.s32 $0x1DE80;
	v9 =	vld [tilespmem:s16+$0xB270]  }
0x146: {  	s14 =	simm.s32 $0x0;
	s17 =	simm.s32 $0x100;
	s7 =	simm.s32 $0x1DE40;
	v14 =	vld [tilespmem:s16+$0xE480];
	v15 =	vadd.bf16 v15, v16;
	v12 =	vmax.bf16 v12, v0;
	v8 =	vmax.bf16 v8, v0  }
.LBB2_7:
0x147: {  	p1 =	sne.s32 s31, $0xC400;
	s30 =	sadd.s32 $0x40, s30  }
0x148: {  	v16 =	vld [tilespmem:s16+$0xE490];
	v6 =	vadd.bf16 v6, v10;
	s2 =	smov.u32 s31;
	s31 =	sadd.s32 $0x400, s31;
	s16 =	smov.u32 s17  }
0x149: {  	v10 =	vmax.bf16 v15, v0;
	v5 =	vadd.bf16 v5, v11  }
0x14a: {  	v4 =	vadd.bf16 v4, v13  }
0x14b: {  	v10 =	vmul.bf16 v10, v2;
	v6 =	vmax.bf16 v6, v0;
	v5 =	vmax.bf16 v5, v0  }
0x14c: {  	v11 =	vmul.bf16 v12, v3;
	v7 =	vadd.bf16 v14, v7;
	v5 =	vmul.bf16 v5, v2  }
0x14d: {  	v6 =	vmul.bf16 v6, v3;
	v4 =	vmax.bf16 v4, v0;
	v9 =	vadd.bf16 v16, v9  }
0x14e: {  	v4 =	vmul.bf16 v4, v2;
	v7 =	vmax.bf16 v7, v0;
	v5 =	vadd.bf16 v11, v5  }
0x14f: {  	v8 =	vmul.bf16 v8, v3;
	v7 =	vmul.bf16 v7, v2;
	v9 =	vmax.bf16 v9, v0  }
0x150: {  	v4 =	vadd.bf16 v6, v4;
	v9 =	vmul.bf16 v9, v3;
	v6 =	vunpack.i.u.bf16.f32 v5  }
0x151: {  	v8 =	vadd.bf16 v8, v10;
	v5 =	vunpack.i.l.bf16.f32 v5  }
0x152: {  	v5 =	vadd.f32 v5, v6;
	v7 =	vadd.bf16 v9, v7;
	v9 =	vunpack.i.u.bf16.f32 v4  }
0x153: {  	v6 =	vunpack.i.u.bf16.f32 v8;
	v8 =	vunpack.i.l.bf16.f32 v8;
	v4 =	vunpack.i.l.bf16.f32 v4  }
0x154: {  	v6 =	vadd.f32 v8, v6;
	v4 =	vadd.f32 v4, v9;
	v8 =	vunpack.i.u.bf16.f32 v7;
	[tilespmem:s7+$0x10] =	vst v5  }
0x155: {  	v5 =	vunpack.i.l.bf16.f32 v7  }
0x156: {  	v5 =	vadd.f32 v5, v8;
	[tilespmem:s7+$0xFFFFFFE0] =	vst v6  }
0x157: {  	[tilespmem:s7+$0x0] =	vst v4  }
0x158: {  	s17 =	sshra.s32 s2, $0x2;
	[tilespmem:s7+$0xFFFFFFF0] =	vst v5;
	s7 =	smov.u32 s13;
	s13 =	smov.u32 s30  }
0x159: {  	v4 =	vld [tilespmem:s16+$0xE4C0]  }
0x15a: {  	v5 =	vld [tilespmem:s16+$0xE500]  }
0x15b: {  	v8 =	vld [tilespmem:s16+$0xE450]  }
0x15c: {  	v6 =	vld [tilespmem:s16+$0xE4D0]  }
0x15d: {  	v9 =	vld [tilespmem:s16+$0xE510]  }
0x15e: {  	v15 =	vld [tilespmem:s16+$0xE440]  }
0x15f: {  	v12 =	vld [tilespmem:s16+$0xB2F0]  }
0x160: {  	v14 =	vld [tilespmem:s16+$0xB230]  }
0x161: {  	v10 =	vld [tilespmem:s16+$0xB2B0]  }
0x162: {  	v16 =	vld [tilespmem:s16+$0xB220]  }
.Ltmp2:
0x163: {  	v7 =	vld [tilespmem:s16+$0xB260];
	(pc) =	sbr.rel @p1 .LBB2_7-.Ltmp2, $4  }
0x164: {  	v11 =	vld [tilespmem:s16+$0xB2E0];
	v12 =	vadd.bf16 v9, v12  }
0x165: {  	v13 =	vld [tilespmem:s16+$0xB2A0];
	v8 =	vadd.bf16 v8, v14  }
0x166: {  	v9 =	vld [tilespmem:s16+$0xB270];
	v12 =	vmax.bf16 v12, v0  }
0x167: {  	v14 =	vld [tilespmem:s16+$0xE480];
	v15 =	vadd.bf16 v15, v16;
	v8 =	vmax.bf16 v8, v0  }
0x168: {  	v16 =	vld [tilespmem:s16+$0xE490]  }
0x169: {  	v6 =	vadd.bf16 v6, v10  }
0x16a: {  	v24 =	vmul.bf16 v12, v3;
	v23 =	vmax.bf16 v15, v0;
	v5 =	vadd.bf16 v5, v11  }
0x16b: {  	v8 =	vmul.bf16 v8, v3;
	v4 =	vadd.bf16 v4, v13;
	v10 =	vmul.bf16 v23, v2  }
0x16c: {  	v6 =	vmax.bf16 v6, v0;
	v5 =	vmax.bf16 v5, v0;
	v7 =	vadd.bf16 v14, v7  }
0x16d: {  	v5 =	vmul.bf16 v5, v2;
	v4 =	vmax.bf16 v4, v0;
	v9 =	vadd.bf16 v16, v9  }
0x16e: {  	v6 =	vmul.bf16 v6, v3;
	v4 =	vmul.bf16 v4, v2  }
0x16f: {  	v7 =	vmax.bf16 v7, v0;
	v5 =	vadd.bf16 v24, v5;
	v9 =	vmax.bf16 v9, v0  }
0x170: {  	v7 =	vmul.bf16 v7, v2;
	v4 =	vadd.bf16 v6, v4;
	v6 =	vadd.bf16 v8, v10  }
0x171: {  	v9 =	vmul.bf16 v9, v3;
	v8 =	vunpack.i.u.bf16.f32 v5;
	v5 =	vunpack.i.l.bf16.f32 v5  }
0x172: {  	v5 =	vadd.f32 v5, v8  }
0x173: {  	v8 =	vunpack.i.u.bf16.f32 v6;
	v6 =	vunpack.i.l.bf16.f32 v6;
	v7 =	vadd.bf16 v9, v7  }
0x174: {  	v25 =	vunpack.i.u.bf16.f32 v4;
	v4 =	vunpack.i.l.bf16.f32 v4;
	v6 =	vadd.f32 v6, v8  }
0x175: {  	v4 =	vadd.f32 v4, v25;
	[tilespmem:s7+$0x10] =	vst v5;
	v8 =	vunpack.i.u.bf16.f32 v7;
	v5 =	vunpack.i.l.bf16.f32 v7  }
0x176: {  	[tilespmem:s7+$0xFFFFFFE0] =	vst v6;
	v5 =	vadd.f32 v5, v8  }
0x177: {  	[tilespmem:s7+$0x0] =	vst v4  }
0x178: {  	[tilespmem:s7+$0xFFFFFFF0] =	vst v5  }
0x179: {  	v4 =	vld [tilespmem:s17+$0xE4C0]  }
0x17a: {  	v5 =	vld [tilespmem:s17+$0xE500]  }
0x17b: {  	v6 =	vld [tilespmem:s17+$0xE450]  }
0x17c: {  	v7 =	vld [tilespmem:s17+$0xE4D0]  }
0x17d: {  	v8 =	vld [tilespmem:s17+$0xE510]  }
0x17e: {  	v26 =	vld [tilespmem:s17+$0xE440]  }
0x17f: {  	v27 =	vld [tilespmem:s17+$0xB2F0]  }
0x180: {  	v28 =	vld [tilespmem:s17+$0xB230]  }
0x181: {  	v29 =	vld [tilespmem:s17+$0xB2B0]  }
0x182: {  	v30 =	vld [tilespmem:s17+$0xB220]  }
0x183: {  	v31 =	vld [tilespmem:s17+$0xB260]  }
0x184: {  	v32 =	vld [tilespmem:s17+$0xB2E0]  }
0x185: {  	v33 =	vld [tilespmem:s17+$0xB2A0]  }
0x186: {  	v17 =	vld [tilespmem:s17+$0xB270]  }
0x187: {  	v34 =	vld [tilespmem:s17+$0xE480]  }
0x188: {  	v35 =	vld [tilespmem:s17+$0xE490];
	_ =	sdelay $0x1  }
0x189: {  	v8 =	vadd.bf16 v8, v27;
	v6 =	vadd.bf16 v6, v28  }
0x18a: {  	v9 =	vadd.bf16 v26, v30;
	v5 =	vadd.bf16 v5, v32  }
0x18b: {  	v36 =	vmov s14;
	v7 =	vadd.bf16 v7, v29;
	v4 =	vadd.bf16 v4, v33  }
0x18c: {  	v10 =	vadd.bf16 v34, v31;
	v11 =	vadd.bf16 v35, v17;
	v8 =	vmax.bf16 v8, v0  }
0x18d: {  	v6 =	vmax.bf16 v6, v0;
	v5 =	vmax.bf16 v5, v0;
	v7 =	vmax.bf16 v7, v0  }
0x18e: {  	v4 =	vmax.bf16 v4, v0;
	v5 =	vmul.bf16 v5, v2;
	v8 =	vmul.bf16 v8, v3  }
0x18f: {  	v9 =	vmax.bf16 v9, v0;
	v7 =	vmul.bf16 v7, v3;
	v4 =	vmul.bf16 v4, v2  }
0x190: {  	v10 =	vmax.bf16 v10, v0;
	v9 =	vmul.bf16 v9, v2;
	v6 =	vmul.bf16 v6, v3  }
0x191: {  	v5 =	vadd.bf16 v8, v5;
	v8 =	vmax.bf16 v11, v0;
	v4 =	vadd.bf16 v7, v4  }
0x192: {  	v10 =	vmul.bf16 v10, v2;
	v6 =	vadd.bf16 v6, v9;
	v8 =	vmul.bf16 v8, v3  }
0x193: {  	v7 =	vunpack.i.u.bf16.f32 v5;
	v5 =	vunpack.i.l.bf16.f32 v5;
	v37 =	vunpack.i.u.bf16.f32 v4  }
0x194: {  	v38 =	vunpack.i.u.bf16.f32 v6;
	v6 =	vunpack.i.l.bf16.f32 v6;
	v4 =	vunpack.i.l.bf16.f32 v4  }
0x195: {  	v8 =	vadd.bf16 v8, v10;
	v5 =	vadd.f32 v5, v7;
	v7 =	vshll.u32 v36, $0x4  }
0x196: {  	v6 =	vadd.f32 v6, v38;
	v4 =	vadd.f32 v4, v37;
	v7 =	vor.u32 v1, v7  }
0x197: {  	v39 =	vor.u32 $0x1, v7;
	v40 =	vunpack.i.u.bf16.f32 v8;
	[tilespmem:s13+$0x10] =	vst v5;
	v5 =	vunpack.i.l.bf16.f32 v8  }
0x198: {  	[tilespmem:s13+$0xFFFFFFE0] =	vst v6;
	v5 =	vadd.f32 v5, v40  }
0x199: {  	[tilespmem:s13+$0x0] =	vst v4;
	v4 =	vor.u32 $0x2, v7  }
0x19a: {  	[tilespmem:s13+$0xFFFFFFF0] =	vst v5  }
0x19b: {  	v6 =	vor.u32 $0x3, v7;
	v8 =	vld.idx.msk [tilespmem:v7+s3+$0x0], $0xffff  }
0x19c: {  	v5 =	vld.idx.msk [tilespmem:v39+s3+$0x0], $0xffff  }
0x19d: {  	v41 =	vor.u32 $0x4, v7  }
0x19e: {  	v4 =	vld.idx.msk [tilespmem:v4+s3+$0x0], $0xffff  }
0x19f: {  	v42 =	vor.u32 $0x5, v7  }
0x1a0: {  	v6 =	vld.idx.msk [tilespmem:v6+s3+$0x0], $0xffff  }
0x1a1: {  	v43 =	vor.u32 $0x6, v7;
	v5 =	vadd.f32 v5, v8  }
0x1a2: {  	v8 =	vld.idx.msk [tilespmem:v41+s3+$0x0], $0xffff  }
0x1a3: {  	v44 =	vor.u32 $0x7, v7;
	v4 =	vadd.f32 v4, v5  }
0x1a4: {  	v5 =	vld.idx.msk [tilespmem:v42+s3+$0x0], $0xffff  }
0x1a5: {  	v45 =	vor.u32 $0x8, v7;
	v4 =	vadd.f32 v6, v4  }
0x1a6: {  	v6 =	vld.idx.msk [tilespmem:v43+s3+$0x0], $0xffff  }
0x1a7: {  	v46 =	vor.u32 $0x9, v7;
	v4 =	vadd.f32 v8, v4  }
0x1a8: {  	v8 =	vld.idx.msk [tilespmem:v44+s3+$0x0], $0xffff  }
0x1a9: {  	v47 =	vor.u32 $0xA, v7;
	v4 =	vadd.f32 v5, v4  }
0x1aa: {  	v5 =	vld.idx.msk [tilespmem:v45+s3+$0x0], $0xffff  }
0x1ab: {  	v48 =	vor.u32 $0xB, v7;
	v4 =	vadd.f32 v6, v4  }
0x1ac: {  	v6 =	vld.idx.msk [tilespmem:v46+s3+$0x0], $0xffff  }
0x1ad: {  	v49 =	vor.u32 $0xC, v7;
	v4 =	vadd.f32 v8, v4  }
0x1ae: {  	v8 =	vld.idx.msk [tilespmem:v47+s3+$0x0], $0xffff  }
0x1af: {  	v50 =	vor.u32 $0xD, v7;
	v4 =	vadd.f32 v5, v4  }
0x1b0: {  	v5 =	vld.idx.msk [tilespmem:v48+s3+$0x0], $0xffff  }
0x1b1: {  	v51 =	vor.u32 $0xE, v7;
	v4 =	vadd.f32 v6, v4  }
0x1b2: {  	v6 =	vld.idx.msk [tilespmem:v49+s3+$0x0], $0xffff  }
0x1b3: {  	v7 =	vor.u32 $0xF, v7;
	v4 =	vadd.f32 v8, v4  }
0x1b4: {  	v8 =	vld.idx.msk [tilespmem:v50+s3+$0x0], $0xffff  }
0x1b5: {  	v4 =	vadd.f32 v5, v4  }
0x1b6: {  	v5 =	vld.idx.msk [tilespmem:v51+s3+$0x0], $0xffff  }
0x1b7: {  	s2 =	simm.s32 $0x10;
	v4 =	vadd.f32 v6, v4  }
0x1b8: {  	v6 =	vld.idx.msk [tilespmem:v7+s3+$0x0], $0xffff;
	v7 =	vmov s2  }
0x1b9: {  	v7 =	vshll.u32 v7, $0x4;
	v4 =	vadd.f32 v8, v4  }
0x1ba: {  	v7 =	vor.u32 v1, v7  }
0x1bb: {  	v8 =	vor.u32 $0x1, v7;
	v4 =	vadd.f32 v5, v4;
	_ =	sdelay $0x1  }
0x1bc: {  	v4 =	vadd.f32 v6, v4  }
0x1bd: {  	s7 =	simm.s32 $0x1EC10;
	v5 =	vor.u32 $0x2, v7  }
0x1be: {  	[tilespmem:s7+$0x0] =	vst v4  }
0x1bf: {  	v6 =	vor.u32 $0x3, v7;
	v4 =	vld.idx.msk [tilespmem:v8+s3+$0x0], $0xffff  }
0x1c0: {  	v8 =	vld.idx.msk [tilespmem:v7+s3+$0x0], $0xffff  }
0x1c1: {  	v52 =	vor.u32 $0x4, v7  }
0x1c2: {  	v5 =	vld.idx.msk [tilespmem:v5+s3+$0x0], $0xffff  }
0x1c3: {  	v53 =	vor.u32 $0x5, v7  }
0x1c4: {  	v6 =	vld.idx.msk [tilespmem:v6+s3+$0x0], $0xffff  }
0x1c5: {  	v54 =	vor.u32 $0x6, v7;
	v4 =	vadd.f32 v4, v8  }
0x1c6: {  	v8 =	vld.idx.msk [tilespmem:v52+s3+$0x0], $0xffff  }
0x1c7: {  	v55 =	vor.u32 $0x7, v7;
	v4 =	vadd.f32 v5, v4  }
0x1c8: {  	v5 =	vld.idx.msk [tilespmem:v53+s3+$0x0], $0xffff  }
0x1c9: {  	v56 =	vor.u32 $0x8, v7;
	v4 =	vadd.f32 v6, v4  }
0x1ca: {  	v6 =	vld.idx.msk [tilespmem:v54+s3+$0x0], $0xffff  }
0x1cb: {  	v57 =	vor.u32 $0x9, v7;
	v4 =	vadd.f32 v8, v4  }
0x1cc: {  	v8 =	vld.idx.msk [tilespmem:v55+s3+$0x0], $0xffff  }
0x1cd: {  	v58 =	vor.u32 $0xA, v7;
	v4 =	vadd.f32 v5, v4  }
0x1ce: {  	v5 =	vld.idx.msk [tilespmem:v56+s3+$0x0], $0xffff  }
0x1cf: {  	v59 =	vor.u32 $0xB, v7;
	v4 =	vadd.f32 v6, v4  }
0x1d0: {  	v6 =	vld.idx.msk [tilespmem:v57+s3+$0x0], $0xffff  }
0x1d1: {  	v60 =	vor.u32 $0xC, v7;
	v4 =	vadd.f32 v8, v4  }
0x1d2: {  	v8 =	vld.idx.msk [tilespmem:v58+s3+$0x0], $0xffff  }
0x1d3: {  	v4 =	vadd.f32 v5, v4  }
0x1d4: {  	v61 =	vor.u32 $0xD, v7;
	v5 =	vld.idx.msk [tilespmem:v59+s3+$0x0], $0xffff  }
0x1d5: {  	v4 =	vadd.f32 v6, v4  }
0x1d6: {  	v62 =	vor.u32 $0xE, v7;
	v6 =	vld.idx.msk [tilespmem:v60+s3+$0x0], $0xffff  }
0x1d7: {  	v4 =	vadd.f32 v8, v4  }
0x1d8: {  	v7 =	vor.u32 $0xF, v7  }
0x1d9: {  	v8 =	vld.idx.msk [tilespmem:v61+s3+$0x0], $0xffff;
	v4 =	vadd.f32 v5, v4;
	_ =	sdelay $0x1  }
0x1da: {  	v6 =	vadd.f32 v6, v4;
	v4 =	vld.idx.msk [tilespmem:v62+s3+$0x0], $0xffff  }
0x1db: {  	s31 =	simm.s32 $0x20  }
0x1dc: {  	v63 =	vmov s31;
	v5 =	vld.idx.msk [tilespmem:v7+s3+$0x0], $0xffff  }
0x1dd: {  	s13 =	simm.s32 $0x30;
	v7 =	vshll.u32 v63, $0x4;
	v6 =	vadd.f32 v8, v6  }
.LBB2_9:
0x1de: {  	p1 =	sne.s32 s13, $0xC0;
	v7 =	vor.u32 v1, v7  }
0x1df: {  	v8 =	vor.u32 $0x1, v7;
	v4 =	vadd.f32 v4, v6;
	_ =	sdelay $0x1  }
0x1e0: {  	v4 =	vadd.f32 v5, v4  }
0x1e1: {  	s7 =	sadd.s32 $0x10, s7;
	v5 =	vor.u32 $0x2, v7  }
0x1e2: {  	[tilespmem:s7+$0x0] =	vst v4  }
0x1e3: {  	v6 =	vor.u32 $0x3, v7;
	v4 =	vld.idx.msk [tilespmem:v8+s3+$0x0], $0xffff  }
0x1e4: {  	v8 =	vld.idx.msk [tilespmem:v7+s3+$0x0], $0xffff  }
0x1e5: {  	v9 =	vor.u32 $0x4, v7  }
0x1e6: {  	v5 =	vld.idx.msk [tilespmem:v5+s3+$0x0], $0xffff  }
0x1e7: {  	v10 =	vor.u32 $0x5, v7  }
0x1e8: {  	v6 =	vld.idx.msk [tilespmem:v6+s3+$0x0], $0xffff  }
0x1e9: {  	v11 =	vor.u32 $0x6, v7  }
0x1ea: {  	v4 =	vadd.f32 v4, v8;
	v8 =	vld.idx.msk [tilespmem:v9+s3+$0x0], $0xffff  }
0x1eb: {  	v9 =	vor.u32 $0x7, v7  }
0x1ec: {  	v4 =	vadd.f32 v5, v4;
	v5 =	vld.idx.msk [tilespmem:v10+s3+$0x0], $0xffff  }
0x1ed: {  	v10 =	vor.u32 $0x8, v7  }
0x1ee: {  	v4 =	vadd.f32 v6, v4;
	v6 =	vld.idx.msk [tilespmem:v11+s3+$0x0], $0xffff  }
0x1ef: {  	v11 =	vor.u32 $0x9, v7  }
0x1f0: {  	v4 =	vadd.f32 v8, v4;
	v8 =	vld.idx.msk [tilespmem:v9+s3+$0x0], $0xffff  }
0x1f1: {  	v9 =	vor.u32 $0xA, v7  }
0x1f2: {  	v4 =	vadd.f32 v5, v4;
	v5 =	vld.idx.msk [tilespmem:v10+s3+$0x0], $0xffff  }
0x1f3: {  	v10 =	vor.u32 $0xB, v7  }
0x1f4: {  	v4 =	vadd.f32 v6, v4;
	v6 =	vld.idx.msk [tilespmem:v11+s3+$0x0], $0xffff  }
0x1f5: {  	v11 =	vor.u32 $0xC, v7  }
0x1f6: {  	v4 =	vadd.f32 v8, v4;
	v8 =	vld.idx.msk [tilespmem:v9+s3+$0x0], $0xffff  }
0x1f7: {  	v9 =	vor.u32 $0xD, v7  }
0x1f8: {  	v4 =	vadd.f32 v5, v4;
	v5 =	vld.idx.msk [tilespmem:v10+s3+$0x0], $0xffff  }
0x1f9: {  	v10 =	vor.u32 $0xE, v7  }
0x1fa: {  	v4 =	vadd.f32 v6, v4;
	v6 =	vld.idx.msk [tilespmem:v11+s3+$0x0], $0xffff  }
0x1fb: {  	v7 =	vor.u32 $0xF, v7  }
0x1fc: {  	v4 =	vadd.f32 v8, v4;
	v8 =	vld.idx.msk [tilespmem:v9+s3+$0x0], $0xffff;
	_ =	sdelay $0x1  }
.Ltmp3:
0x1fd: {  	v5 =	vadd.f32 v5, v4;
	v4 =	vld.idx.msk [tilespmem:v10+s3+$0x0], $0xffff;
	(pc) =	sbr.rel @p1 .LBB2_9-.Ltmp3, $4  }
0x1fe: {  	_ = 	snop  }
0x1ff: {  	v6 =	vadd.f32 v6, v5;
	v5 =	vld.idx.msk [tilespmem:v7+s3+$0x0], $0xffff  }
0x200: {  	v7 =	vmov s13  }
0x201: {  	s13 =	sadd.s32 $0x10, s13;
	v7 =	vshll.u32 v7, $0x4;
	v6 =	vadd.f32 v8, v6  }
0x202: {  	v7 =	vor.u32 v1, v7  }
0x203: {  	v8 =	vor.u32 $0x1, v7;
	v4 =	vadd.f32 v4, v6;
	_ =	sdelay $0x1  }
0x204: {  	v4 =	vadd.f32 v5, v4  }
0x205: {  	s2 =	sadd.s32 $0x10, s7;
	v5 =	vor.u32 $0x2, v7  }
0x206: {  	[tilespmem:s2+$0x0] =	vst v4  }
0x207: {  	v6 =	vor.u32 $0x3, v7;
	v4 =	vld.idx.msk [tilespmem:v8+s3+$0x0], $0xffff  }
0x208: {  	v8 =	vld.idx.msk [tilespmem:v7+s3+$0x0], $0xffff  }
0x209: {  	v9 =	vor.u32 $0x4, v7  }
0x20a: {  	v5 =	vld.idx.msk [tilespmem:v5+s3+$0x0], $0xffff  }
0x20b: {  	v10 =	vor.u32 $0x5, v7  }
0x20c: {  	v6 =	vld.idx.msk [tilespmem:v6+s3+$0x0], $0xffff  }
0x20d: {  	v11 =	vor.u32 $0x6, v7;
	v4 =	vadd.f32 v4, v8  }
0x20e: {  	v8 =	vld.idx.msk [tilespmem:v9+s3+$0x0], $0xffff  }
0x20f: {  	v9 =	vor.u32 $0x7, v7;
	v4 =	vadd.f32 v5, v4  }
0x210: {  	v5 =	vld.idx.msk [tilespmem:v10+s3+$0x0], $0xffff  }
0x211: {  	v10 =	vor.u32 $0x8, v7;
	v4 =	vadd.f32 v6, v4  }
0x212: {  	v6 =	vld.idx.msk [tilespmem:v11+s3+$0x0], $0xffff  }
0x213: {  	v11 =	vor.u32 $0x9, v7;
	v4 =	vadd.f32 v8, v4  }
0x214: {  	v8 =	vld.idx.msk [tilespmem:v9+s3+$0x0], $0xffff  }
0x215: {  	v9 =	vor.u32 $0xA, v7;
	v4 =	vadd.f32 v5, v4  }
0x216: {  	v5 =	vld.idx.msk [tilespmem:v10+s3+$0x0], $0xffff  }
0x217: {  	v10 =	vor.u32 $0xB, v7;
	v4 =	vadd.f32 v6, v4  }
0x218: {  	v6 =	vld.idx.msk [tilespmem:v11+s3+$0x0], $0xffff  }
0x219: {  	v11 =	vor.u32 $0xC, v7;
	v4 =	vadd.f32 v8, v4  }
0x21a: {  	v8 =	vld.idx.msk [tilespmem:v9+s3+$0x0], $0xffff  }
0x21b: {  	v9 =	vor.u32 $0xD, v7;
	v4 =	vadd.f32 v5, v4  }
0x21c: {  	v5 =	vld.idx.msk [tilespmem:v10+s3+$0x0], $0xffff  }
0x21d: {  	v10 =	vor.u32 $0xE, v7;
	v4 =	vadd.f32 v6, v4  }
0x21e: {  	v6 =	vld.idx.msk [tilespmem:v11+s3+$0x0], $0xffff  }
0x21f: {  	v7 =	vor.u32 $0xF, v7;
	v4 =	vadd.f32 v8, v4  }
0x220: {  	v8 =	vld.idx.msk [tilespmem:v9+s3+$0x0], $0xffff  }
0x221: {  	v4 =	vadd.f32 v5, v4  }
0x222: {  	v5 =	vld.idx.msk [tilespmem:v10+s3+$0x0], $0xffff  }
0x223: {  	v4 =	vadd.f32 v6, v4  }
0x224: {  	v6 =	vld.idx.msk [tilespmem:v7+s3+$0x0], $0xffff  }
0x225: {  	v4 =	vadd.f32 v8, v4;
	_ =	sdelay $0x1  }
0x226: {  	v4 =	vadd.f32 v5, v4;
	_ =	sdelay $0x1  }
0x227: {  	s13 =	sadd.s32 s12, s9;
	v4 =	vadd.f32 v6, v4  }
0x228: {  	s7 =	sshrl.u32 s13, $0x3;
	s2 =	sadd.s32 $0x10, s2  }
0x229: {  	s14 =	sadd.s32 s6, s7;
	[tilespmem:s2+$0x0] =	vst v4  }
0x22a: {  	[hbm4b:s14+s4] =	stream.linear.scatter [tilespmem:s24], [sflag:$0x5], $0xC8, $0x38;
	[tilespmem:$0x1EE80] =	vst v63  }
0x22b: {  	s16 =	sadd.s32 $0x3E8, s12  }
0x22c: {  	[tilespmem:s21], [sflag:$0x2] =	stream.indirect.gather [hbm4b:s1+s18], $0x40, s16, s18, $0xb8;
	[tilespmem:$0x1EE80] =	vst v63  }
0x22d: {  	s17 =	sadd.s32 $0x2AF8, s12  }
0x22e: {  	[tilespmem:s23], [sflag:$0x2] =	stream.indirect.gather [hbm4b:s1+s18], $0x40, s17, s18, $0xb8;
	[tilespmem:$0x1EE80] =	vst v63  }
0x22f: {  	_ =	swait.ge [sflag:s25], $0x3200  }
0x230: {  	[sflag:s25] =	ssyncset.done $0x0  }
0x231: {  	[sflag:s25] =	ssyncadd.s32 $0xFFFFCE00  }
0x232: {  	_ =	swait.ge [sflag:s25], $0x3200  }
0x233: {  	[sflag:s25] =	ssyncset.done $0x0  }
0x234: {  	s2 =	simm.s32 @!p0 $0x5;
	[sflag:s25] =	ssyncadd.s32 $0xFFFFCE00  }
0x235: {  	_ =	swait.ge @!p0 [sflag:s2], $0xC8  }
0x236: {  	[sflag:s2] =	ssyncset.done @!p0 $0x0  }
0x237: {  	s16 =	simm.s32 $0x0;
	[sflag:s2] =	ssyncadd.s32 @!p0 $0xFFFFFF38  }
0x238: {  	v4 =	vld [tilespmem:s16+$0x148C0]  }
0x239: {  	v5 =	vld [tilespmem:s16+$0x14900]  }
0x23a: {  	v8 =	vld [tilespmem:s16+$0x14850]  }
0x23b: {  	v6 =	vld [tilespmem:s16+$0x148D0]  }
0x23c: {  	v9 =	vld [tilespmem:s16+$0x14910]  }
0x23d: {  	v15 =	vld [tilespmem:s16+$0x14840]  }
0x23e: {  	v12 =	vld [tilespmem:s16+$0x116F0]  }
0x23f: {  	v14 =	vld [tilespmem:s16+$0x11630]  }
0x240: {  	v10 =	vld [tilespmem:s16+$0x116B0]  }
0x241: {  	v16 =	vld [tilespmem:s16+$0x11620]  }
0x242: {  	v7 =	vld [tilespmem:s16+$0x11660]  }
0x243: {  	v11 =	vld [tilespmem:s16+$0x116E0]  }
0x244: {  	v13 =	vld [tilespmem:s16+$0x116A0];
	v12 =	vadd.bf16 v9, v12;
	v8 =	vadd.bf16 v8, v14  }
0x245: {  	s31 =	simm.s32 $0x800;
	s30 =	simm.s32 $0x1DE80;
	s13 =	simm.s32 $0x1DE80;
	v9 =	vld [tilespmem:s16+$0x11670]  }
0x246: {  	s7 =	simm.s32 $0x1DE40;
	s14 =	simm.s32 $0x0;
	s17 =	simm.s32 $0x100;
	v14 =	vld [tilespmem:s16+$0x14880];
	v15 =	vadd.bf16 v15, v16;
	v12 =	vmax.bf16 v12, v0;
	v8 =	vmax.bf16 v8, v0  }
.LBB2_11:
0x247: {  	p1 =	sne.s32 s31, $0xC400;
	s30 =	sadd.s32 $0x40, s30  }
0x248: {  	v16 =	vld [tilespmem:s16+$0x14890];
	v6 =	vadd.bf16 v6, v10;
	s2 =	smov.u32 s31;
	s31 =	sadd.s32 $0x400, s31;
	s16 =	smov.u32 s17  }
0x249: {  	v10 =	vmax.bf16 v15, v0;
	v5 =	vadd.bf16 v5, v11  }
0x24a: {  	v4 =	vadd.bf16 v4, v13  }
0x24b: {  	v10 =	vmul.bf16 v10, v2;
	v6 =	vmax.bf16 v6, v0;
	v5 =	vmax.bf16 v5, v0  }
0x24c: {  	v11 =	vmul.bf16 v12, v3;
	v7 =	vadd.bf16 v14, v7;
	v5 =	vmul.bf16 v5, v2  }
0x24d: {  	v6 =	vmul.bf16 v6, v3;
	v4 =	vmax.bf16 v4, v0;
	v9 =	vadd.bf16 v16, v9  }
0x24e: {  	v4 =	vmul.bf16 v4, v2;
	v7 =	vmax.bf16 v7, v0;
	v5 =	vadd.bf16 v11, v5  }
0x24f: {  	v8 =	vmul.bf16 v8, v3;
	v7 =	vmul.bf16 v7, v2;
	v9 =	vmax.bf16 v9, v0  }
0x250: {  	v4 =	vadd.bf16 v6, v4;
	v9 =	vmul.bf16 v9, v3;
	v6 =	vunpack.i.u.bf16.f32 v5  }
0x251: {  	v8 =	vadd.bf16 v8, v10;
	v5 =	vunpack.i.l.bf16.f32 v5  }
0x252: {  	v5 =	vadd.f32 v5, v6;
	v7 =	vadd.bf16 v9, v7;
	v9 =	vunpack.i.u.bf16.f32 v4  }
0x253: {  	v6 =	vunpack.i.u.bf16.f32 v8;
	v8 =	vunpack.i.l.bf16.f32 v8;
	v4 =	vunpack.i.l.bf16.f32 v4  }
0x254: {  	v6 =	vadd.f32 v8, v6;
	v4 =	vadd.f32 v4, v9;
	v8 =	vunpack.i.u.bf16.f32 v7;
	[tilespmem:s7+$0x10] =	vst v5  }
0x255: {  	v5 =	vunpack.i.l.bf16.f32 v7  }
0x256: {  	v5 =	vadd.f32 v5, v8;
	[tilespmem:s7+$0xFFFFFFE0] =	vst v6  }
0x257: {  	[tilespmem:s7+$0x0] =	vst v4  }
0x258: {  	s17 =	sshra.s32 s2, $0x2;
	[tilespmem:s7+$0xFFFFFFF0] =	vst v5;
	s7 =	smov.u32 s13;
	s13 =	smov.u32 s30  }
0x259: {  	v4 =	vld [tilespmem:s16+$0x148C0]  }
0x25a: {  	v5 =	vld [tilespmem:s16+$0x14900]  }
0x25b: {  	v8 =	vld [tilespmem:s16+$0x14850]  }
0x25c: {  	v6 =	vld [tilespmem:s16+$0x148D0]  }
0x25d: {  	v9 =	vld [tilespmem:s16+$0x14910]  }
0x25e: {  	v15 =	vld [tilespmem:s16+$0x14840]  }
0x25f: {  	v12 =	vld [tilespmem:s16+$0x116F0]  }
0x260: {  	v14 =	vld [tilespmem:s16+$0x11630]  }
0x261: {  	v10 =	vld [tilespmem:s16+$0x116B0]  }
0x262: {  	v16 =	vld [tilespmem:s16+$0x11620]  }
.Ltmp4:
0x263: {  	v7 =	vld [tilespmem:s16+$0x11660];
	(pc) =	sbr.rel @p1 .LBB2_11-.Ltmp4, $4  }
0x264: {  	v11 =	vld [tilespmem:s16+$0x116E0];
	v12 =	vadd.bf16 v9, v12  }
0x265: {  	v13 =	vld [tilespmem:s16+$0x116A0];
	v8 =	vadd.bf16 v8, v14  }
0x266: {  	v9 =	vld [tilespmem:s16+$0x11670];
	v12 =	vmax.bf16 v12, v0  }
0x267: {  	v14 =	vld [tilespmem:s16+$0x14880];
	v15 =	vadd.bf16 v15, v16;
	v8 =	vmax.bf16 v8, v0  }
0x268: {  	v16 =	vld [tilespmem:s16+$0x14890]  }
0x269: {  	v6 =	vadd.bf16 v6, v10  }
0x26a: {  	v24 =	vmul.bf16 v12, v3;
	v23 =	vmax.bf16 v15, v0;
	v5 =	vadd.bf16 v5, v11  }
0x26b: {  	v8 =	vmul.bf16 v8, v3;
	v4 =	vadd.bf16 v4, v13;
	v10 =	vmul.bf16 v23, v2  }
0x26c: {  	v6 =	vmax.bf16 v6, v0;
	v5 =	vmax.bf16 v5, v0;
	v7 =	vadd.bf16 v14, v7  }
0x26d: {  	v5 =	vmul.bf16 v5, v2;
	v4 =	vmax.bf16 v4, v0;
	v9 =	vadd.bf16 v16, v9  }
0x26e: {  	v6 =	vmul.bf16 v6, v3;
	v4 =	vmul.bf16 v4, v2  }
0x26f: {  	v7 =	vmax.bf16 v7, v0;
	v5 =	vadd.bf16 v24, v5;
	v9 =	vmax.bf16 v9, v0  }
0x270: {  	v7 =	vmul.bf16 v7, v2;
	v4 =	vadd.bf16 v6, v4;
	v6 =	vadd.bf16 v8, v10  }
0x271: {  	v9 =	vmul.bf16 v9, v3;
	v8 =	vunpack.i.u.bf16.f32 v5;
	v5 =	vunpack.i.l.bf16.f32 v5  }
0x272: {  	v5 =	vadd.f32 v5, v8  }
0x273: {  	v8 =	vunpack.i.u.bf16.f32 v6;
	v6 =	vunpack.i.l.bf16.f32 v6;
	v7 =	vadd.bf16 v9, v7  }
0x274: {  	v25 =	vunpack.i.u.bf16.f32 v4;
	v4 =	vunpack.i.l.bf16.f32 v4;
	v6 =	vadd.f32 v6, v8  }
0x275: {  	v4 =	vadd.f32 v4, v25;
	[tilespmem:s7+$0x10] =	vst v5;
	v8 =	vunpack.i.u.bf16.f32 v7;
	v5 =	vunpack.i.l.bf16.f32 v7  }
0x276: {  	[tilespmem:s7+$0xFFFFFFE0] =	vst v6;
	v5 =	vadd.f32 v5, v8  }
0x277: {  	[tilespmem:s7+$0x0] =	vst v4  }
0x278: {  	[tilespmem:s7+$0xFFFFFFF0] =	vst v5  }
0x279: {  	v4 =	vld [tilespmem:s17+$0x148C0]  }
0x27a: {  	v5 =	vld [tilespmem:s17+$0x14900]  }
0x27b: {  	v6 =	vld [tilespmem:s17+$0x14850]  }
0x27c: {  	v7 =	vld [tilespmem:s17+$0x148D0]  }
0x27d: {  	v8 =	vld [tilespmem:s17+$0x14910]  }
0x27e: {  	v26 =	vld [tilespmem:s17+$0x14840]  }
0x27f: {  	v27 =	vld [tilespmem:s17+$0x116F0]  }
0x280: {  	v28 =	vld [tilespmem:s17+$0x11630]  }
0x281: {  	v29 =	vld [tilespmem:s17+$0x116B0]  }
0x282: {  	v30 =	vld [tilespmem:s17+$0x11620]  }
0x283: {  	v31 =	vld [tilespmem:s17+$0x11660]  }
0x284: {  	v32 =	vld [tilespmem:s17+$0x116E0]  }
0x285: {  	v33 =	vld [tilespmem:s17+$0x116A0]  }
0x286: {  	v17 =	vld [tilespmem:s17+$0x11670]  }
0x287: {  	v34 =	vld [tilespmem:s17+$0x14880]  }
0x288: {  	v35 =	vld [tilespmem:s17+$0x14890];
	_ =	sdelay $0x1  }
0x289: {  	v8 =	vadd.bf16 v8, v27;
	v6 =	vadd.bf16 v6, v28  }
0x28a: {  	v9 =	vadd.bf16 v26, v30;
	v5 =	vadd.bf16 v5, v32  }
0x28b: {  	v36 =	vmov s14;
	v7 =	vadd.bf16 v7, v29;
	v4 =	vadd.bf16 v4, v33  }
0x28c: {  	v10 =	vadd.bf16 v34, v31;
	v11 =	vadd.bf16 v35, v17;
	v8 =	vmax.bf16 v8, v0  }
0x28d: {  	v6 =	vmax.bf16 v6, v0;
	v5 =	vmax.bf16 v5, v0;
	v7 =	vmax.bf16 v7, v0  }
0x28e: {  	v4 =	vmax.bf16 v4, v0;
	v5 =	vmul.bf16 v5, v2;
	v8 =	vmul.bf16 v8, v3  }
0x28f: {  	v9 =	vmax.bf16 v9, v0;
	v7 =	vmul.bf16 v7, v3;
	v4 =	vmul.bf16 v4, v2  }
0x290: {  	v10 =	vmax.bf16 v10, v0;
	v9 =	vmul.bf16 v9, v2;
	v6 =	vmul.bf16 v6, v3  }
0x291: {  	v5 =	vadd.bf16 v8, v5;
	v8 =	vmax.bf16 v11, v0;
	v4 =	vadd.bf16 v7, v4  }
0x292: {  	v10 =	vmul.bf16 v10, v2;
	v6 =	vadd.bf16 v6, v9;
	v8 =	vmul.bf16 v8, v3  }
0x293: {  	v7 =	vunpack.i.u.bf16.f32 v5;
	v5 =	vunpack.i.l.bf16.f32 v5;
	v37 =	vunpack.i.u.bf16.f32 v4  }
0x294: {  	v38 =	vunpack.i.u.bf16.f32 v6;
	v6 =	vunpack.i.l.bf16.f32 v6;
	v4 =	vunpack.i.l.bf16.f32 v4  }
0x295: {  	v8 =	vadd.bf16 v8, v10;
	v5 =	vadd.f32 v5, v7;
	v7 =	vshll.u32 v36, $0x4  }
0x296: {  	v6 =	vadd.f32 v6, v38;
	v4 =	vadd.f32 v4, v37;
	v7 =	vor.u32 v1, v7  }
0x297: {  	v39 =	vor.u32 $0x1, v7;
	v40 =	vunpack.i.u.bf16.f32 v8;
	[tilespmem:s13+$0x10] =	vst v5;
	v5 =	vunpack.i.l.bf16.f32 v8  }
0x298: {  	[tilespmem:s13+$0xFFFFFFE0] =	vst v6;
	v5 =	vadd.f32 v5, v40  }
0x299: {  	[tilespmem:s13+$0x0] =	vst v4;
	v4 =	vor.u32 $0x2, v7  }
0x29a: {  	[tilespmem:s13+$0xFFFFFFF0] =	vst v5  }
0x29b: {  	v6 =	vor.u32 $0x3, v7;
	v8 =	vld.idx.msk [tilespmem:v7+s3+$0x0], $0xffff  }
0x29c: {  	v5 =	vld.idx.msk [tilespmem:v39+s3+$0x0], $0xffff  }
0x29d: {  	v41 =	vor.u32 $0x4, v7  }
0x29e: {  	v4 =	vld.idx.msk [tilespmem:v4+s3+$0x0], $0xffff  }
0x29f: {  	v42 =	vor.u32 $0x5, v7  }
0x2a0: {  	v6 =	vld.idx.msk [tilespmem:v6+s3+$0x0], $0xffff  }
0x2a1: {  	v43 =	vor.u32 $0x6, v7;
	v5 =	vadd.f32 v5, v8  }
0x2a2: {  	v8 =	vld.idx.msk [tilespmem:v41+s3+$0x0], $0xffff  }
0x2a3: {  	v44 =	vor.u32 $0x7, v7;
	v4 =	vadd.f32 v4, v5  }
0x2a4: {  	v5 =	vld.idx.msk [tilespmem:v42+s3+$0x0], $0xffff  }
0x2a5: {  	v45 =	vor.u32 $0x8, v7;
	v4 =	vadd.f32 v6, v4  }
0x2a6: {  	v6 =	vld.idx.msk [tilespmem:v43+s3+$0x0], $0xffff  }
0x2a7: {  	v46 =	vor.u32 $0x9, v7;
	v4 =	vadd.f32 v8, v4  }
0x2a8: {  	v8 =	vld.idx.msk [tilespmem:v44+s3+$0x0], $0xffff  }
0x2a9: {  	v47 =	vor.u32 $0xA, v7;
	v4 =	vadd.f32 v5, v4  }
0x2aa: {  	v5 =	vld.idx.msk [tilespmem:v45+s3+$0x0], $0xffff  }
0x2ab: {  	v48 =	vor.u32 $0xB, v7;
	v4 =	vadd.f32 v6, v4  }
0x2ac: {  	v6 =	vld.idx.msk [tilespmem:v46+s3+$0x0], $0xffff  }
0x2ad: {  	v49 =	vor.u32 $0xC, v7;
	v4 =	vadd.f32 v8, v4  }
0x2ae: {  	v8 =	vld.idx.msk [tilespmem:v47+s3+$0x0], $0xffff  }
0x2af: {  	v50 =	vor.u32 $0xD, v7;
	v4 =	vadd.f32 v5, v4  }
0x2b0: {  	v5 =	vld.idx.msk [tilespmem:v48+s3+$0x0], $0xffff  }
0x2b1: {  	v51 =	vor.u32 $0xE, v7;
	v4 =	vadd.f32 v6, v4  }
0x2b2: {  	v6 =	vld.idx.msk [tilespmem:v49+s3+$0x0], $0xffff  }
0x2b3: {  	v7 =	vor.u32 $0xF, v7;
	v4 =	vadd.f32 v8, v4  }
0x2b4: {  	v8 =	vld.idx.msk [tilespmem:v50+s3+$0x0], $0xffff  }
0x2b5: {  	v4 =	vadd.f32 v5, v4  }
0x2b6: {  	v5 =	vld.idx.msk [tilespmem:v51+s3+$0x0], $0xffff  }
0x2b7: {  	s2 =	simm.s32 $0x10;
	v4 =	vadd.f32 v6, v4  }
0x2b8: {  	v6 =	vld.idx.msk [tilespmem:v7+s3+$0x0], $0xffff;
	v7 =	vmov s2  }
0x2b9: {  	v7 =	vshll.u32 v7, $0x4;
	v4 =	vadd.f32 v8, v4  }
0x2ba: {  	v7 =	vor.u32 v1, v7  }
0x2bb: {  	v8 =	vor.u32 $0x1, v7;
	v4 =	vadd.f32 v5, v4;
	_ =	sdelay $0x1  }
0x2bc: {  	v4 =	vadd.f32 v6, v4  }
0x2bd: {  	s7 =	simm.s32 $0x1ECE0;
	v5 =	vor.u32 $0x2, v7  }
0x2be: {  	[tilespmem:s7+$0x0] =	vst v4  }
0x2bf: {  	v6 =	vor.u32 $0x3, v7;
	v4 =	vld.idx.msk [tilespmem:v8+s3+$0x0], $0xffff  }
0x2c0: {  	v8 =	vld.idx.msk [tilespmem:v7+s3+$0x0], $0xffff  }
0x2c1: {  	v52 =	vor.u32 $0x4, v7  }
0x2c2: {  	v5 =	vld.idx.msk [tilespmem:v5+s3+$0x0], $0xffff  }
0x2c3: {  	v53 =	vor.u32 $0x5, v7  }
0x2c4: {  	v6 =	vld.idx.msk [tilespmem:v6+s3+$0x0], $0xffff  }
0x2c5: {  	v54 =	vor.u32 $0x6, v7;
	v4 =	vadd.f32 v4, v8  }
0x2c6: {  	v8 =	vld.idx.msk [tilespmem:v52+s3+$0x0], $0xffff  }
0x2c7: {  	v55 =	vor.u32 $0x7, v7;
	v4 =	vadd.f32 v5, v4  }
0x2c8: {  	v5 =	vld.idx.msk [tilespmem:v53+s3+$0x0], $0xffff  }
0x2c9: {  	v56 =	vor.u32 $0x8, v7;
	v4 =	vadd.f32 v6, v4  }
0x2ca: {  	v6 =	vld.idx.msk [tilespmem:v54+s3+$0x0], $0xffff  }
0x2cb: {  	v57 =	vor.u32 $0x9, v7;
	v4 =	vadd.f32 v8, v4  }
0x2cc: {  	v8 =	vld.idx.msk [tilespmem:v55+s3+$0x0], $0xffff  }
0x2cd: {  	v58 =	vor.u32 $0xA, v7;
	v4 =	vadd.f32 v5, v4  }
0x2ce: {  	v5 =	vld.idx.msk [tilespmem:v56+s3+$0x0], $0xffff  }
0x2cf: {  	v59 =	vor.u32 $0xB, v7;
	v4 =	vadd.f32 v6, v4  }
0x2d0: {  	v6 =	vld.idx.msk [tilespmem:v57+s3+$0x0], $0xffff  }
0x2d1: {  	v60 =	vor.u32 $0xC, v7;
	v4 =	vadd.f32 v8, v4  }
0x2d2: {  	v8 =	vld.idx.msk [tilespmem:v58+s3+$0x0], $0xffff  }
0x2d3: {  	v4 =	vadd.f32 v5, v4  }
0x2d4: {  	v61 =	vor.u32 $0xD, v7;
	v5 =	vld.idx.msk [tilespmem:v59+s3+$0x0], $0xffff  }
0x2d5: {  	v4 =	vadd.f32 v6, v4  }
0x2d6: {  	v62 =	vor.u32 $0xE, v7;
	v6 =	vld.idx.msk [tilespmem:v60+s3+$0x0], $0xffff  }
0x2d7: {  	v4 =	vadd.f32 v8, v4  }
0x2d8: {  	v7 =	vor.u32 $0xF, v7  }
0x2d9: {  	v8 =	vld.idx.msk [tilespmem:v61+s3+$0x0], $0xffff;
	v4 =	vadd.f32 v5, v4;
	_ =	sdelay $0x1  }
0x2da: {  	v6 =	vadd.f32 v6, v4;
	v4 =	vld.idx.msk [tilespmem:v62+s3+$0x0], $0xffff  }
0x2db: {  	s31 =	simm.s32 $0x20  }
0x2dc: {  	v63 =	vmov s31;
	v5 =	vld.idx.msk [tilespmem:v7+s3+$0x0], $0xffff  }
0x2dd: {  	s13 =	simm.s32 $0x30;
	v7 =	vshll.u32 v63, $0x4;
	v6 =	vadd.f32 v8, v6  }
.LBB2_13:
0x2de: {  	p1 =	sne.s32 s13, $0xC0;
	v7 =	vor.u32 v1, v7  }
0x2df: {  	v8 =	vor.u32 $0x1, v7;
	v4 =	vadd.f32 v4, v6;
	_ =	sdelay $0x1  }
0x2e0: {  	v4 =	vadd.f32 v5, v4  }
0x2e1: {  	s7 =	sadd.s32 $0x10, s7;
	v5 =	vor.u32 $0x2, v7  }
0x2e2: {  	[tilespmem:s7+$0x0] =	vst v4  }
0x2e3: {  	v6 =	vor.u32 $0x3, v7;
	v4 =	vld.idx.msk [tilespmem:v8+s3+$0x0], $0xffff  }
0x2e4: {  	v8 =	vld.idx.msk [tilespmem:v7+s3+$0x0], $0xffff  }
0x2e5: {  	v9 =	vor.u32 $0x4, v7  }
0x2e6: {  	v5 =	vld.idx.msk [tilespmem:v5+s3+$0x0], $0xffff  }
0x2e7: {  	v10 =	vor.u32 $0x5, v7  }
0x2e8: {  	v6 =	vld.idx.msk [tilespmem:v6+s3+$0x0], $0xffff  }
0x2e9: {  	v11 =	vor.u32 $0x6, v7  }
0x2ea: {  	v4 =	vadd.f32 v4, v8;
	v8 =	vld.idx.msk [tilespmem:v9+s3+$0x0], $0xffff  }
0x2eb: {  	v9 =	vor.u32 $0x7, v7  }
0x2ec: {  	v4 =	vadd.f32 v5, v4;
	v5 =	vld.idx.msk [tilespmem:v10+s3+$0x0], $0xffff  }
0x2ed: {  	v10 =	vor.u32 $0x8, v7  }
0x2ee: {  	v4 =	vadd.f32 v6, v4;
	v6 =	vld.idx.msk [tilespmem:v11+s3+$0x0], $0xffff  }
0x2ef: {  	v11 =	vor.u32 $0x9, v7  }
0x2f0: {  	v4 =	vadd.f32 v8, v4;
	v8 =	vld.idx.msk [tilespmem:v9+s3+$0x0], $0xffff  }
0x2f1: {  	v9 =	vor.u32 $0xA, v7  }
0x2f2: {  	v4 =	vadd.f32 v5, v4;
	v5 =	vld.idx.msk [tilespmem:v10+s3+$0x0], $0xffff  }
0x2f3: {  	v10 =	vor.u32 $0xB, v7  }
0x2f4: {  	v4 =	vadd.f32 v6, v4;
	v6 =	vld.idx.msk [tilespmem:v11+s3+$0x0], $0xffff  }
0x2f5: {  	v11 =	vor.u32 $0xC, v7  }
0x2f6: {  	v4 =	vadd.f32 v8, v4;
	v8 =	vld.idx.msk [tilespmem:v9+s3+$0x0], $0xffff  }
0x2f7: {  	v9 =	vor.u32 $0xD, v7  }
0x2f8: {  	v4 =	vadd.f32 v5, v4;
	v5 =	vld.idx.msk [tilespmem:v10+s3+$0x0], $0xffff  }
0x2f9: {  	v10 =	vor.u32 $0xE, v7  }
0x2fa: {  	v4 =	vadd.f32 v6, v4;
	v6 =	vld.idx.msk [tilespmem:v11+s3+$0x0], $0xffff  }
0x2fb: {  	v7 =	vor.u32 $0xF, v7  }
0x2fc: {  	v4 =	vadd.f32 v8, v4;
	v8 =	vld.idx.msk [tilespmem:v9+s3+$0x0], $0xffff;
	_ =	sdelay $0x1  }
.Ltmp5:
0x2fd: {  	v5 =	vadd.f32 v5, v4;
	v4 =	vld.idx.msk [tilespmem:v10+s3+$0x0], $0xffff;
	(pc) =	sbr.rel @p1 .LBB2_13-.Ltmp5, $4  }
0x2fe: {  	_ = 	snop  }
0x2ff: {  	v6 =	vadd.f32 v6, v5;
	v5 =	vld.idx.msk [tilespmem:v7+s3+$0x0], $0xffff  }
0x300: {  	v7 =	vmov s13  }
0x301: {  	s13 =	sadd.s32 $0x10, s13;
	v7 =	vshll.u32 v7, $0x4;
	v6 =	vadd.f32 v8, v6  }
0x302: {  	v7 =	vor.u32 v1, v7  }
0x303: {  	v8 =	vor.u32 $0x1, v7;
	v4 =	vadd.f32 v4, v6;
	_ =	sdelay $0x1  }
0x304: {  	v4 =	vadd.f32 v5, v4  }
0x305: {  	s2 =	sadd.s32 $0x10, s7;
	v5 =	vor.u32 $0x2, v7  }
0x306: {  	[tilespmem:s2+$0x0] =	vst v4  }
0x307: {  	v6 =	vor.u32 $0x3, v7;
	v4 =	vld.idx.msk [tilespmem:v8+s3+$0x0], $0xffff  }
0x308: {  	v8 =	vld.idx.msk [tilespmem:v7+s3+$0x0], $0xffff  }
0x309: {  	v9 =	vor.u32 $0x4, v7  }
0x30a: {  	v5 =	vld.idx.msk [tilespmem:v5+s3+$0x0], $0xffff  }
0x30b: {  	v10 =	vor.u32 $0x5, v7  }
0x30c: {  	v6 =	vld.idx.msk [tilespmem:v6+s3+$0x0], $0xffff  }
0x30d: {  	v11 =	vor.u32 $0x6, v7;
	v4 =	vadd.f32 v4, v8  }
0x30e: {  	v8 =	vld.idx.msk [tilespmem:v9+s3+$0x0], $0xffff  }
0x30f: {  	v9 =	vor.u32 $0x7, v7;
	v4 =	vadd.f32 v5, v4  }
0x310: {  	v5 =	vld.idx.msk [tilespmem:v10+s3+$0x0], $0xffff  }
0x311: {  	v10 =	vor.u32 $0x8, v7;
	v4 =	vadd.f32 v6, v4  }
0x312: {  	v6 =	vld.idx.msk [tilespmem:v11+s3+$0x0], $0xffff  }
0x313: {  	v11 =	vor.u32 $0x9, v7;
	v4 =	vadd.f32 v8, v4  }
0x314: {  	v8 =	vld.idx.msk [tilespmem:v9+s3+$0x0], $0xffff  }
0x315: {  	v9 =	vor.u32 $0xA, v7;
	v4 =	vadd.f32 v5, v4  }
0x316: {  	v5 =	vld.idx.msk [tilespmem:v10+s3+$0x0], $0xffff  }
0x317: {  	v10 =	vor.u32 $0xB, v7;
	v4 =	vadd.f32 v6, v4  }
0x318: {  	v6 =	vld.idx.msk [tilespmem:v11+s3+$0x0], $0xffff  }
0x319: {  	v11 =	vor.u32 $0xC, v7;
	v4 =	vadd.f32 v8, v4  }
0x31a: {  	v8 =	vld.idx.msk [tilespmem:v9+s3+$0x0], $0xffff  }
0x31b: {  	v9 =	vor.u32 $0xD, v7;
	v4 =	vadd.f32 v5, v4  }
0x31c: {  	v5 =	vld.idx.msk [tilespmem:v10+s3+$0x0], $0xffff  }
0x31d: {  	v10 =	vor.u32 $0xE, v7;
	v4 =	vadd.f32 v6, v4  }
0x31e: {  	v6 =	vld.idx.msk [tilespmem:v11+s3+$0x0], $0xffff  }
0x31f: {  	v7 =	vor.u32 $0xF, v7;
	v4 =	vadd.f32 v8, v4  }
0x320: {  	v8 =	vld.idx.msk [tilespmem:v9+s3+$0x0], $0xffff  }
0x321: {  	v4 =	vadd.f32 v5, v4  }
0x322: {  	v5 =	vld.idx.msk [tilespmem:v10+s3+$0x0], $0xffff  }
0x323: {  	v4 =	vadd.f32 v6, v4  }
0x324: {  	v6 =	vld.idx.msk [tilespmem:v7+s3+$0x0], $0xffff  }
0x325: {  	v4 =	vadd.f32 v8, v4;
	_ =	sdelay $0x1  }
0x326: {  	v4 =	vadd.f32 v5, v4;
	_ =	sdelay $0x1  }
0x327: {  	s16 =	sadd.s32 s12, s10;
	v4 =	vadd.f32 v6, v4  }
0x328: {  	s7 =	sshrl.u32 s16, $0x3;
	s2 =	sadd.s32 $0x10, s2  }
0x329: {  	p1 =	seq.s32 s8, $0xB;
	s17 =	sadd.s32 s6, s7;
	[tilespmem:s2+$0x0] =	vst v4  }
0x32a: {  	[hbm4b:s17+s4] =	stream.linear.scatter [tilespmem:s26], [sflag:$0x5], $0xC8, $0x38;
	[tilespmem:$0x1EE80] =	vst v63  }
0x32b: {  	s13 =	simm.s32 @!p1 $0x11620;
	s7 =	simm.s32 @!p1 $0xC8;
	s2 =	sadd.s32 @!p1 $0x4B0, s12  }
0x32c: {  	[tilespmem:s13], [sflag:$0x3] =	stream.indirect.gather @!p1 [hbm4b:s1+s7], $0x40, s2, s7, $0xb8;
	[tilespmem:$0x1EE80] =	vst v63  }
0x32d: {  	s2 =	sadd.s32 @!p1 $0x2BC0, s12;
	s13 =	simm.s32 @!p1 $0x14820  }
0x32e: {  	[tilespmem:s13], [sflag:$0x3] =	stream.indirect.gather @!p1 [hbm4b:s1+s7], $0x40, s2, s7, $0xb8;
	[tilespmem:$0x1EE80] =	vst v63  }
0x32f: {  	_ =	swait.ge [sflag:s28], $0x3200  }
0x330: {  	[sflag:s28] =	ssyncset.done $0x0  }
0x331: {  	[sflag:s28] =	ssyncadd.s32 $0xFFFFCE00  }
0x332: {  	_ =	swait.ge [sflag:s28], $0x3200  }
0x333: {  	[sflag:s28] =	ssyncset.done $0x0  }
0x334: {  	s2 =	simm.s32 @!p0 $0x5;
	[sflag:s28] =	ssyncadd.s32 $0xFFFFCE00  }
0x335: {  	_ =	swait.ge @!p0 [sflag:s2], $0xC8  }
0x336: {  	[sflag:s2] =	ssyncset.done @!p0 $0x0  }
0x337: {  	s16 =	simm.s32 $0x0;
	[sflag:s2] =	ssyncadd.s32 @!p0 $0xFFFFFF38  }
0x338: {  	v4 =	vld [tilespmem:s16+$0x1ACC0]  }
0x339: {  	v5 =	vld [tilespmem:s16+$0x1AD00]  }
0x33a: {  	v8 =	vld [tilespmem:s16+$0x1AC50]  }
0x33b: {  	v6 =	vld [tilespmem:s16+$0x1ACD0]  }
0x33c: {  	v9 =	vld [tilespmem:s16+$0x1AD10]  }
0x33d: {  	v15 =	vld [tilespmem:s16+$0x1AC40]  }
0x33e: {  	v12 =	vld [tilespmem:s16+$0x17AF0]  }
0x33f: {  	v14 =	vld [tilespmem:s16+$0x17A30]  }
0x340: {  	v10 =	vld [tilespmem:s16+$0x17AB0]  }
0x341: {  	v16 =	vld [tilespmem:s16+$0x17A20]  }
0x342: {  	v7 =	vld [tilespmem:s16+$0x17A60]  }
0x343: {  	v11 =	vld [tilespmem:s16+$0x17AE0]  }
0x344: {  	v13 =	vld [tilespmem:s16+$0x17AA0];
	v12 =	vadd.bf16 v9, v12;
	v8 =	vadd.bf16 v8, v14  }
0x345: {  	s14 =	simm.s32 $0x0;
	s31 =	simm.s32 $0x800;
	s30 =	simm.s32 $0x1DE80;
	v9 =	vld [tilespmem:s16+$0x17A70]  }
0x346: {  	s17 =	simm.s32 $0x100;
	s7 =	simm.s32 $0x1DE40;
	s13 =	simm.s32 $0x1DE80;
	v14 =	vld [tilespmem:s16+$0x1AC80];
	v15 =	vadd.bf16 v15, v16;
	v12 =	vmax.bf16 v12, v0;
	v8 =	vmax.bf16 v8, v0  }
.LBB2_15:
0x347: {  	p0 =	sne.s32 s31, $0xC400;
	s30 =	sadd.s32 $0x40, s30  }
0x348: {  	v16 =	vld [tilespmem:s16+$0x1AC90];
	v6 =	vadd.bf16 v6, v10;
	s2 =	smov.u32 s31;
	s31 =	sadd.s32 $0x400, s31;
	s16 =	smov.u32 s17  }
0x349: {  	v10 =	vmax.bf16 v15, v0;
	v5 =	vadd.bf16 v5, v11  }
0x34a: {  	v4 =	vadd.bf16 v4, v13  }
0x34b: {  	v10 =	vmul.bf16 v10, v2;
	v6 =	vmax.bf16 v6, v0;
	v5 =	vmax.bf16 v5, v0  }
0x34c: {  	v11 =	vmul.bf16 v12, v3;
	v7 =	vadd.bf16 v14, v7;
	v5 =	vmul.bf16 v5, v2  }
0x34d: {  	v6 =	vmul.bf16 v6, v3;
	v4 =	vmax.bf16 v4, v0;
	v9 =	vadd.bf16 v16, v9  }
0x34e: {  	v4 =	vmul.bf16 v4, v2;
	v7 =	vmax.bf16 v7, v0;
	v5 =	vadd.bf16 v11, v5  }
0x34f: {  	v8 =	vmul.bf16 v8, v3;
	v7 =	vmul.bf16 v7, v2;
	v9 =	vmax.bf16 v9, v0  }
0x350: {  	v4 =	vadd.bf16 v6, v4;
	v9 =	vmul.bf16 v9, v3;
	v6 =	vunpack.i.u.bf16.f32 v5  }
0x351: {  	v8 =	vadd.bf16 v8, v10;
	v5 =	vunpack.i.l.bf16.f32 v5  }
0x352: {  	v5 =	vadd.f32 v5, v6;
	v7 =	vadd.bf16 v9, v7;
	v9 =	vunpack.i.u.bf16.f32 v4  }
0x353: {  	v6 =	vunpack.i.u.bf16.f32 v8;
	v8 =	vunpack.i.l.bf16.f32 v8;
	v4 =	vunpack.i.l.bf16.f32 v4  }
0x354: {  	v6 =	vadd.f32 v8, v6;
	v4 =	vadd.f32 v4, v9;
	v8 =	vunpack.i.u.bf16.f32 v7;
	[tilespmem:s7+$0x10] =	vst v5  }
0x355: {  	v5 =	vunpack.i.l.bf16.f32 v7  }
0x356: {  	v5 =	vadd.f32 v5, v8;
	[tilespmem:s7+$0xFFFFFFE0] =	vst v6  }
0x357: {  	[tilespmem:s7+$0x0] =	vst v4  }
0x358: {  	s17 =	sshra.s32 s2, $0x2;
	[tilespmem:s7+$0xFFFFFFF0] =	vst v5;
	s7 =	smov.u32 s13;
	s13 =	smov.u32 s30  }
0x359: {  	v4 =	vld [tilespmem:s16+$0x1ACC0]  }
0x35a: {  	v5 =	vld [tilespmem:s16+$0x1AD00]  }
0x35b: {  	v8 =	vld [tilespmem:s16+$0x1AC50]  }
0x35c: {  	v6 =	vld [tilespmem:s16+$0x1ACD0]  }
0x35d: {  	v9 =	vld [tilespmem:s16+$0x1AD10]  }
0x35e: {  	v15 =	vld [tilespmem:s16+$0x1AC40]  }
0x35f: {  	v12 =	vld [tilespmem:s16+$0x17AF0]  }
0x360: {  	v14 =	vld [tilespmem:s16+$0x17A30]  }
0x361: {  	v10 =	vld [tilespmem:s16+$0x17AB0]  }
0x362: {  	v16 =	vld [tilespmem:s16+$0x17A20]  }
.Ltmp6:
0x363: {  	v7 =	vld [tilespmem:s16+$0x17A60];
	(pc) =	sbr.rel @p0 .LBB2_15-.Ltmp6, $4  }
0x364: {  	v11 =	vld [tilespmem:s16+$0x17AE0];
	v12 =	vadd.bf16 v9, v12  }
0x365: {  	v13 =	vld [tilespmem:s16+$0x17AA0];
	v8 =	vadd.bf16 v8, v14  }
0x366: {  	v9 =	vld [tilespmem:s16+$0x17A70];
	v12 =	vmax.bf16 v12, v0  }
0x367: {  	v14 =	vld [tilespmem:s16+$0x1AC80];
	v15 =	vadd.bf16 v15, v16;
	v8 =	vmax.bf16 v8, v0  }
0x368: {  	v16 =	vld [tilespmem:s16+$0x1AC90]  }
0x369: {  	v6 =	vadd.bf16 v6, v10  }
0x36a: {  	v24 =	vmul.bf16 v12, v3;
	v23 =	vmax.bf16 v15, v0;
	v5 =	vadd.bf16 v5, v11  }
0x36b: {  	v8 =	vmul.bf16 v8, v3;
	v4 =	vadd.bf16 v4, v13;
	v10 =	vmul.bf16 v23, v2  }
0x36c: {  	v6 =	vmax.bf16 v6, v0;
	v5 =	vmax.bf16 v5, v0;
	v7 =	vadd.bf16 v14, v7  }
0x36d: {  	v5 =	vmul.bf16 v5, v2;
	v4 =	vmax.bf16 v4, v0;
	v9 =	vadd.bf16 v16, v9  }
0x36e: {  	v6 =	vmul.bf16 v6, v3;
	v4 =	vmul.bf16 v4, v2  }
0x36f: {  	v7 =	vmax.bf16 v7, v0;
	v5 =	vadd.bf16 v24, v5;
	v9 =	vmax.bf16 v9, v0  }
0x370: {  	v7 =	vmul.bf16 v7, v2;
	v4 =	vadd.bf16 v6, v4;
	v6 =	vadd.bf16 v8, v10  }
0x371: {  	v9 =	vmul.bf16 v9, v3;
	v8 =	vunpack.i.u.bf16.f32 v5;
	v5 =	vunpack.i.l.bf16.f32 v5  }
0x372: {  	v5 =	vadd.f32 v5, v8  }
0x373: {  	v8 =	vunpack.i.u.bf16.f32 v6;
	v6 =	vunpack.i.l.bf16.f32 v6;
	v7 =	vadd.bf16 v9, v7  }
0x374: {  	v25 =	vunpack.i.u.bf16.f32 v4;
	v4 =	vunpack.i.l.bf16.f32 v4;
	v6 =	vadd.f32 v6, v8  }
0x375: {  	v4 =	vadd.f32 v4, v25;
	[tilespmem:s7+$0x10] =	vst v5;
	v8 =	vunpack.i.u.bf16.f32 v7;
	v5 =	vunpack.i.l.bf16.f32 v7  }
0x376: {  	[tilespmem:s7+$0xFFFFFFE0] =	vst v6;
	v5 =	vadd.f32 v5, v8  }
0x377: {  	[tilespmem:s7+$0x0] =	vst v4  }
0x378: {  	[tilespmem:s7+$0xFFFFFFF0] =	vst v5  }
0x379: {  	v4 =	vld [tilespmem:s17+$0x1ACC0]  }
0x37a: {  	v5 =	vld [tilespmem:s17+$0x1AD00]  }
0x37b: {  	v6 =	vld [tilespmem:s17+$0x1AC50]  }
0x37c: {  	v7 =	vld [tilespmem:s17+$0x1ACD0]  }
0x37d: {  	v8 =	vld [tilespmem:s17+$0x1AD10]  }
0x37e: {  	v26 =	vld [tilespmem:s17+$0x1AC40]  }
0x37f: {  	v27 =	vld [tilespmem:s17+$0x17AF0]  }
0x380: {  	v28 =	vld [tilespmem:s17+$0x17A30]  }
0x381: {  	v29 =	vld [tilespmem:s17+$0x17AB0]  }
0x382: {  	v30 =	vld [tilespmem:s17+$0x17A20]  }
0x383: {  	v31 =	vld [tilespmem:s17+$0x17A60]  }
0x384: {  	v32 =	vld [tilespmem:s17+$0x17AE0]  }
0x385: {  	v33 =	vld [tilespmem:s17+$0x17AA0]  }
0x386: {  	v17 =	vld [tilespmem:s17+$0x17A70]  }
0x387: {  	v34 =	vld [tilespmem:s17+$0x1AC80]  }
0x388: {  	v35 =	vld [tilespmem:s17+$0x1AC90];
	_ =	sdelay $0x1  }
0x389: {  	v8 =	vadd.bf16 v8, v27;
	v6 =	vadd.bf16 v6, v28  }
0x38a: {  	v9 =	vadd.bf16 v26, v30;
	v5 =	vadd.bf16 v5, v32  }
0x38b: {  	v36 =	vmov s14;
	v7 =	vadd.bf16 v7, v29;
	v4 =	vadd.bf16 v4, v33  }
0x38c: {  	v10 =	vadd.bf16 v34, v31;
	v11 =	vadd.bf16 v35, v17;
	v8 =	vmax.bf16 v8, v0  }
0x38d: {  	v6 =	vmax.bf16 v6, v0;
	v5 =	vmax.bf16 v5, v0;
	v7 =	vmax.bf16 v7, v0  }
0x38e: {  	v4 =	vmax.bf16 v4, v0;
	v5 =	vmul.bf16 v5, v2;
	v8 =	vmul.bf16 v8, v3  }
0x38f: {  	v9 =	vmax.bf16 v9, v0;
	v7 =	vmul.bf16 v7, v3;
	v4 =	vmul.bf16 v4, v2  }
0x390: {  	v10 =	vmax.bf16 v10, v0;
	v9 =	vmul.bf16 v9, v2;
	v6 =	vmul.bf16 v6, v3  }
0x391: {  	v5 =	vadd.bf16 v8, v5;
	v8 =	vmax.bf16 v11, v0;
	v4 =	vadd.bf16 v7, v4  }
0x392: {  	v10 =	vmul.bf16 v10, v2;
	v6 =	vadd.bf16 v6, v9;
	v8 =	vmul.bf16 v8, v3  }
0x393: {  	v7 =	vunpack.i.u.bf16.f32 v5;
	v5 =	vunpack.i.l.bf16.f32 v5;
	v37 =	vunpack.i.u.bf16.f32 v4  }
0x394: {  	v38 =	vunpack.i.u.bf16.f32 v6;
	v6 =	vunpack.i.l.bf16.f32 v6;
	v4 =	vunpack.i.l.bf16.f32 v4  }
0x395: {  	v8 =	vadd.bf16 v8, v10;
	v5 =	vadd.f32 v5, v7;
	v7 =	vshll.u32 v36, $0x4  }
0x396: {  	v6 =	vadd.f32 v6, v38;
	v4 =	vadd.f32 v4, v37;
	v7 =	vor.u32 v1, v7  }
0x397: {  	v39 =	vor.u32 $0x1, v7;
	v40 =	vunpack.i.u.bf16.f32 v8;
	[tilespmem:s13+$0x10] =	vst v5;
	v5 =	vunpack.i.l.bf16.f32 v8  }
0x398: {  	[tilespmem:s13+$0xFFFFFFE0] =	vst v6;
	v5 =	vadd.f32 v5, v40  }
0x399: {  	[tilespmem:s13+$0x0] =	vst v4;
	v4 =	vor.u32 $0x2, v7  }
0x39a: {  	[tilespmem:s13+$0xFFFFFFF0] =	vst v5  }
0x39b: {  	v6 =	vor.u32 $0x3, v7;
	v8 =	vld.idx.msk [tilespmem:v7+s3+$0x0], $0xffff  }
0x39c: {  	v5 =	vld.idx.msk [tilespmem:v39+s3+$0x0], $0xffff  }
0x39d: {  	v41 =	vor.u32 $0x4, v7  }
0x39e: {  	v4 =	vld.idx.msk [tilespmem:v4+s3+$0x0], $0xffff  }
0x39f: {  	v42 =	vor.u32 $0x5, v7  }
0x3a0: {  	v6 =	vld.idx.msk [tilespmem:v6+s3+$0x0], $0xffff  }
0x3a1: {  	v43 =	vor.u32 $0x6, v7;
	v5 =	vadd.f32 v5, v8  }
0x3a2: {  	v8 =	vld.idx.msk [tilespmem:v41+s3+$0x0], $0xffff  }
0x3a3: {  	v44 =	vor.u32 $0x7, v7;
	v4 =	vadd.f32 v4, v5  }
0x3a4: {  	v5 =	vld.idx.msk [tilespmem:v42+s3+$0x0], $0xffff  }
0x3a5: {  	v45 =	vor.u32 $0x8, v7;
	v4 =	vadd.f32 v6, v4  }
0x3a6: {  	v6 =	vld.idx.msk [tilespmem:v43+s3+$0x0], $0xffff  }
0x3a7: {  	v46 =	vor.u32 $0x9, v7;
	v4 =	vadd.f32 v8, v4  }
0x3a8: {  	v8 =	vld.idx.msk [tilespmem:v44+s3+$0x0], $0xffff  }
0x3a9: {  	v47 =	vor.u32 $0xA, v7;
	v4 =	vadd.f32 v5, v4  }
0x3aa: {  	v5 =	vld.idx.msk [tilespmem:v45+s3+$0x0], $0xffff  }
0x3ab: {  	v48 =	vor.u32 $0xB, v7;
	v4 =	vadd.f32 v6, v4  }
0x3ac: {  	v6 =	vld.idx.msk [tilespmem:v46+s3+$0x0], $0xffff  }
0x3ad: {  	v49 =	vor.u32 $0xC, v7;
	v4 =	vadd.f32 v8, v4  }
0x3ae: {  	v8 =	vld.idx.msk [tilespmem:v47+s3+$0x0], $0xffff  }
0x3af: {  	v50 =	vor.u32 $0xD, v7;
	v4 =	vadd.f32 v5, v4  }
0x3b0: {  	v5 =	vld.idx.msk [tilespmem:v48+s3+$0x0], $0xffff  }
0x3b1: {  	v51 =	vor.u32 $0xE, v7;
	v4 =	vadd.f32 v6, v4  }
0x3b2: {  	v6 =	vld.idx.msk [tilespmem:v49+s3+$0x0], $0xffff  }
0x3b3: {  	v7 =	vor.u32 $0xF, v7;
	v4 =	vadd.f32 v8, v4  }
0x3b4: {  	v8 =	vld.idx.msk [tilespmem:v50+s3+$0x0], $0xffff  }
0x3b5: {  	v4 =	vadd.f32 v5, v4  }
0x3b6: {  	v5 =	vld.idx.msk [tilespmem:v51+s3+$0x0], $0xffff  }
0x3b7: {  	s2 =	simm.s32 $0x10;
	v4 =	vadd.f32 v6, v4  }
0x3b8: {  	v6 =	vld.idx.msk [tilespmem:v7+s3+$0x0], $0xffff;
	v7 =	vmov s2  }
0x3b9: {  	v7 =	vshll.u32 v7, $0x4;
	v4 =	vadd.f32 v8, v4  }
0x3ba: {  	v7 =	vor.u32 v1, v7  }
0x3bb: {  	v8 =	vor.u32 $0x1, v7;
	v4 =	vadd.f32 v5, v4;
	_ =	sdelay $0x1  }
0x3bc: {  	v4 =	vadd.f32 v6, v4  }
0x3bd: {  	s7 =	simm.s32 $0x1EDB0;
	v5 =	vor.u32 $0x2, v7  }
0x3be: {  	[tilespmem:s7+$0x0] =	vst v4  }
0x3bf: {  	v6 =	vor.u32 $0x3, v7;
	v4 =	vld.idx.msk [tilespmem:v8+s3+$0x0], $0xffff  }
0x3c0: {  	v8 =	vld.idx.msk [tilespmem:v7+s3+$0x0], $0xffff  }
0x3c1: {  	v52 =	vor.u32 $0x4, v7  }
0x3c2: {  	v5 =	vld.idx.msk [tilespmem:v5+s3+$0x0], $0xffff  }
0x3c3: {  	v53 =	vor.u32 $0x5, v7  }
0x3c4: {  	v6 =	vld.idx.msk [tilespmem:v6+s3+$0x0], $0xffff  }
0x3c5: {  	v54 =	vor.u32 $0x6, v7;
	v4 =	vadd.f32 v4, v8  }
0x3c6: {  	v8 =	vld.idx.msk [tilespmem:v52+s3+$0x0], $0xffff  }
0x3c7: {  	v55 =	vor.u32 $0x7, v7;
	v4 =	vadd.f32 v5, v4  }
0x3c8: {  	v5 =	vld.idx.msk [tilespmem:v53+s3+$0x0], $0xffff  }
0x3c9: {  	v56 =	vor.u32 $0x8, v7;
	v4 =	vadd.f32 v6, v4  }
0x3ca: {  	v6 =	vld.idx.msk [tilespmem:v54+s3+$0x0], $0xffff  }
0x3cb: {  	v57 =	vor.u32 $0x9, v7;
	v4 =	vadd.f32 v8, v4  }
0x3cc: {  	v8 =	vld.idx.msk [tilespmem:v55+s3+$0x0], $0xffff  }
0x3cd: {  	v58 =	vor.u32 $0xA, v7;
	v4 =	vadd.f32 v5, v4  }
0x3ce: {  	v5 =	vld.idx.msk [tilespmem:v56+s3+$0x0], $0xffff  }
0x3cf: {  	v59 =	vor.u32 $0xB, v7;
	v4 =	vadd.f32 v6, v4  }
0x3d0: {  	v6 =	vld.idx.msk [tilespmem:v57+s3+$0x0], $0xffff  }
0x3d1: {  	v60 =	vor.u32 $0xC, v7;
	v4 =	vadd.f32 v8, v4  }
0x3d2: {  	v8 =	vld.idx.msk [tilespmem:v58+s3+$0x0], $0xffff  }
0x3d3: {  	v4 =	vadd.f32 v5, v4  }
0x3d4: {  	v61 =	vor.u32 $0xD, v7;
	v5 =	vld.idx.msk [tilespmem:v59+s3+$0x0], $0xffff  }
0x3d5: {  	v4 =	vadd.f32 v6, v4  }
0x3d6: {  	v62 =	vor.u32 $0xE, v7;
	v6 =	vld.idx.msk [tilespmem:v60+s3+$0x0], $0xffff  }
0x3d7: {  	v4 =	vadd.f32 v8, v4  }
0x3d8: {  	v7 =	vor.u32 $0xF, v7  }
0x3d9: {  	v8 =	vld.idx.msk [tilespmem:v61+s3+$0x0], $0xffff;
	v4 =	vadd.f32 v5, v4;
	_ =	sdelay $0x1  }
0x3da: {  	v6 =	vadd.f32 v6, v4;
	v4 =	vld.idx.msk [tilespmem:v62+s3+$0x0], $0xffff  }
0x3db: {  	s31 =	simm.s32 $0x20  }
0x3dc: {  	v63 =	vmov s31;
	v5 =	vld.idx.msk [tilespmem:v7+s3+$0x0], $0xffff  }
0x3dd: {  	s13 =	simm.s32 $0x30;
	v7 =	vshll.u32 v63, $0x4;
	v6 =	vadd.f32 v8, v6  }
.LBB2_17:
0x3de: {  	p0 =	sne.s32 s13, $0xC0;
	v7 =	vor.u32 v1, v7  }
0x3df: {  	v8 =	vor.u32 $0x1, v7;
	v4 =	vadd.f32 v4, v6;
	_ =	sdelay $0x1  }
0x3e0: {  	v4 =	vadd.f32 v5, v4  }
0x3e1: {  	s7 =	sadd.s32 $0x10, s7;
	v5 =	vor.u32 $0x2, v7  }
0x3e2: {  	[tilespmem:s7+$0x0] =	vst v4  }
0x3e3: {  	v6 =	vor.u32 $0x3, v7;
	v4 =	vld.idx.msk [tilespmem:v8+s3+$0x0], $0xffff  }
0x3e4: {  	v8 =	vld.idx.msk [tilespmem:v7+s3+$0x0], $0xffff  }
0x3e5: {  	v9 =	vor.u32 $0x4, v7  }
0x3e6: {  	v5 =	vld.idx.msk [tilespmem:v5+s3+$0x0], $0xffff  }
0x3e7: {  	v10 =	vor.u32 $0x5, v7  }
0x3e8: {  	v6 =	vld.idx.msk [tilespmem:v6+s3+$0x0], $0xffff  }
0x3e9: {  	v11 =	vor.u32 $0x6, v7  }
0x3ea: {  	v4 =	vadd.f32 v4, v8;
	v8 =	vld.idx.msk [tilespmem:v9+s3+$0x0], $0xffff  }
0x3eb: {  	v9 =	vor.u32 $0x7, v7  }
0x3ec: {  	v4 =	vadd.f32 v5, v4;
	v5 =	vld.idx.msk [tilespmem:v10+s3+$0x0], $0xffff  }
0x3ed: {  	v10 =	vor.u32 $0x8, v7  }
0x3ee: {  	v4 =	vadd.f32 v6, v4;
	v6 =	vld.idx.msk [tilespmem:v11+s3+$0x0], $0xffff  }
0x3ef: {  	v11 =	vor.u32 $0x9, v7  }
0x3f0: {  	v4 =	vadd.f32 v8, v4;
	v8 =	vld.idx.msk [tilespmem:v9+s3+$0x0], $0xffff  }
0x3f1: {  	v9 =	vor.u32 $0xA, v7  }
0x3f2: {  	v4 =	vadd.f32 v5, v4;
	v5 =	vld.idx.msk [tilespmem:v10+s3+$0x0], $0xffff  }
0x3f3: {  	v10 =	vor.u32 $0xB, v7  }
0x3f4: {  	v4 =	vadd.f32 v6, v4;
	v6 =	vld.idx.msk [tilespmem:v11+s3+$0x0], $0xffff  }
0x3f5: {  	v11 =	vor.u32 $0xC, v7  }
0x3f6: {  	v4 =	vadd.f32 v8, v4;
	v8 =	vld.idx.msk [tilespmem:v9+s3+$0x0], $0xffff  }
0x3f7: {  	v9 =	vor.u32 $0xD, v7  }
0x3f8: {  	v4 =	vadd.f32 v5, v4;
	v5 =	vld.idx.msk [tilespmem:v10+s3+$0x0], $0xffff  }
0x3f9: {  	v10 =	vor.u32 $0xE, v7  }
0x3fa: {  	v4 =	vadd.f32 v6, v4;
	v6 =	vld.idx.msk [tilespmem:v11+s3+$0x0], $0xffff  }
0x3fb: {  	v7 =	vor.u32 $0xF, v7  }
0x3fc: {  	v4 =	vadd.f32 v8, v4;
	v8 =	vld.idx.msk [tilespmem:v9+s3+$0x0], $0xffff;
	_ =	sdelay $0x1  }
.Ltmp7:
0x3fd: {  	v5 =	vadd.f32 v5, v4;
	v4 =	vld.idx.msk [tilespmem:v10+s3+$0x0], $0xffff;
	(pc) =	sbr.rel @p0 .LBB2_17-.Ltmp7, $4  }
0x3fe: {  	_ = 	snop  }
0x3ff: {  	v6 =	vadd.f32 v6, v5;
	v5 =	vld.idx.msk [tilespmem:v7+s3+$0x0], $0xffff  }
0x400: {  	v7 =	vmov s13  }
0x401: {  	s13 =	sadd.s32 $0x10, s13;
	v7 =	vshll.u32 v7, $0x4;
	v6 =	vadd.f32 v8, v6  }
0x402: {  	v7 =	vor.u32 v1, v7  }
0x403: {  	v8 =	vor.u32 $0x1, v7;
	v4 =	vadd.f32 v4, v6;
	_ =	sdelay $0x1  }
0x404: {  	v4 =	vadd.f32 v5, v4  }
0x405: {  	s2 =	sadd.s32 $0x10, s7;
	v5 =	vor.u32 $0x2, v7  }
0x406: {  	[tilespmem:s2+$0x0] =	vst v4  }
0x407: {  	v46 =	vor.u32 $0x3, v7;
	v4 =	vld.idx.msk [tilespmem:v8+s3+$0x0], $0xffff  }
0x408: {  	v47 =	vld.idx.msk [tilespmem:v7+s3+$0x0], $0xffff  }
0x409: {  	v9 =	vor.u32 $0x4, v7  }
0x40a: {  	v5 =	vld.idx.msk [tilespmem:v5+s3+$0x0], $0xffff  }
0x40b: {  	v10 =	vor.u32 $0x5, v7  }
0x40c: {  	v6 =	vld.idx.msk [tilespmem:v46+s3+$0x0], $0xffff  }
0x40d: {  	v11 =	vor.u32 $0x6, v7;
	v4 =	vadd.f32 v4, v47  }
0x40e: {  	v48 =	vld.idx.msk [tilespmem:v9+s3+$0x0], $0xffff  }
0x40f: {  	v49 =	vor.u32 $0x7, v7;
	v4 =	vadd.f32 v5, v4  }
0x410: {  	v5 =	vld.idx.msk [tilespmem:v10+s3+$0x0], $0xffff  }
0x411: {  	v50 =	vor.u32 $0x8, v7;
	v4 =	vadd.f32 v6, v4  }
0x412: {  	v51 =	vld.idx.msk [tilespmem:v11+s3+$0x0], $0xffff  }
0x413: {  	v52 =	vor.u32 $0x9, v7;
	v4 =	vadd.f32 v48, v4  }
0x414: {  	v53 =	vld.idx.msk [tilespmem:v49+s3+$0x0], $0xffff  }
0x415: {  	v54 =	vor.u32 $0xA, v7;
	v4 =	vadd.f32 v5, v4  }
0x416: {  	v5 =	vld.idx.msk [tilespmem:v50+s3+$0x0], $0xffff  }
0x417: {  	v55 =	vor.u32 $0xB, v7;
	v4 =	vadd.f32 v51, v4  }
0x418: {  	v56 =	vld.idx.msk [tilespmem:v52+s3+$0x0], $0xffff  }
0x419: {  	v57 =	vor.u32 $0xC, v7;
	v4 =	vadd.f32 v53, v4  }
0x41a: {  	v58 =	vld.idx.msk [tilespmem:v54+s3+$0x0], $0xffff  }
0x41b: {  	v59 =	vor.u32 $0xD, v7;
	v4 =	vadd.f32 v5, v4  }
0x41c: {  	v5 =	vld.idx.msk [tilespmem:v55+s3+$0x0], $0xffff  }
0x41d: {  	v60 =	vor.u32 $0xE, v7;
	v4 =	vadd.f32 v56, v4  }
0x41e: {  	v61 =	vld.idx.msk [tilespmem:v57+s3+$0x0], $0xffff  }
0x41f: {  	v7 =	vor.u32 $0xF, v7;
	v4 =	vadd.f32 v58, v4  }
0x420: {  	v62 =	vld.idx.msk [tilespmem:v59+s3+$0x0], $0xffff  }
0x421: {  	v4 =	vadd.f32 v5, v4  }
0x422: {  	v5 =	vld.idx.msk [tilespmem:v60+s3+$0x0], $0xffff  }
0x423: {  	v4 =	vadd.f32 v61, v4  }
0x424: {  	v63 =	vld.idx.msk [tilespmem:v7+s3+$0x0], $0xffff  }
0x425: {  	v4 =	vadd.f32 v62, v4;
	_ =	sdelay $0x1  }
0x426: {  	v4 =	vadd.f32 v5, v4  }
.Ltmp8:
0x427: {  	_ = 	snop;
	(pc) =	sbr.rel @p1 .LBB2_20-.Ltmp8, $4  }
0x428: {  	s30 =	sadd.s32 s12, s11;
	v4 =	vadd.f32 v63, v4  }
0x429: {  	s7 =	sshrl.u32 s30, $0x3;
	s2 =	sadd.s32 $0x10, s2  }
0x42a: {  	s31 =	sadd.s32 s6, s7;
	[tilespmem:s2+$0x0] =	vst v4  }
0x42b: {  	[hbm4b:s31+s4] =	stream.linear.scatter [tilespmem:s29], [sflag:$0x5], $0xC8, $0x38;
	[tilespmem:$0x1EE80] =	vst v63  }
.Ltmp9:
0x42c: {  	(pc) =	sbr.rel .LBB2_2-.Ltmp9, $4  }
0x42d: {  	s2 =	sadd.s32 $0x578, s12;
	s7 =	simm.s32 $0x17A20  }
0x42e: {  	[tilespmem:s7], [sflag:$0x4] =	stream.indirect.gather [hbm4b:s1+s18], $0x40, s2, s18, $0xb8;
	[tilespmem:$0x1EE80] =	vst v63  }
0x42f: {  	s30 =	sadd.s32 $0x2C88, s12;
	s31 =	simm.s32 $0x1AC20;
	s8 =	sadd.s32 $0x1, s8  }
0x430: {  	[tilespmem:s31], [sflag:$0x4] =	stream.indirect.gather [hbm4b:s1+s18], $0x40, s30, s18, $0xb8;
	[tilespmem:$0x1EE80] =	vst v63  }
.LBB2_20:
0x431: {  	_ =	swait.ge [sflag:s0], $0x3200  }
0x432: {  	[sflag:s0] =	ssyncset.done $0x0  }
0x433: {  	[sflag:s0] =	ssyncadd.s32 $0xFFFFCE00  }
0x434: {  	_ =	swait.ge [sflag:s0], $0x3200  }
0x435: {  	[sflag:s0] =	ssyncset.done $0x0  }
0x436: {  	s2 =	simm.s32 $0x5;
	[sflag:s0] =	ssyncadd.s32 $0xFFFFCE00  }
0x437: {  	_ =	swait.ge [sflag:s2], $0xC8  }
0x438: {  	[sflag:s2] =	ssyncset.done $0x0  }
0x439: {  	s13 =	simm.s32 $0x0;
	[sflag:s2] =	ssyncadd.s32 $0xFFFFFF38  }
0x43a: {  	v4 =	vld [tilespmem:s13+$0x80C0]  }
0x43b: {  	v5 =	vld [tilespmem:s13+$0x8100]  }
0x43c: {  	v8 =	vld [tilespmem:s13+$0x8050]  }
0x43d: {  	v6 =	vld [tilespmem:s13+$0x80D0]  }
0x43e: {  	v9 =	vld [tilespmem:s13+$0x8110]  }
0x43f: {  	v15 =	vld [tilespmem:s13+$0x8040]  }
0x440: {  	v12 =	vld [tilespmem:s13+$0x4EF0]  }
0x441: {  	v14 =	vld [tilespmem:s13+$0x4E30]  }
0x442: {  	v10 =	vld [tilespmem:s13+$0x4EB0]  }
0x443: {  	v16 =	vld [tilespmem:s13+$0x4E20]  }
0x444: {  	v7 =	vld [tilespmem:s13+$0x4E60]  }
0x445: {  	v11 =	vld [tilespmem:s13+$0x4EE0]  }
0x446: {  	v13 =	vld [tilespmem:s13+$0x4EA0];
	v12 =	vadd.bf16 v9, v12;
	v8 =	vadd.bf16 v8, v14  }
0x447: {  	s12 =	simm.s32 $0x0;
	s7 =	simm.s32 $0x1DE40;
	s16 =	simm.s32 $0x800;
	v9 =	vld [tilespmem:s13+$0x4E70]  }
0x448: {  	s17 =	simm.s32 $0x1DE80;
	s14 =	simm.s32 $0x100;
	s8 =	simm.s32 $0x1DE80;
	v14 =	vld [tilespmem:s13+$0x8080];
	v15 =	vadd.bf16 v15, v16;
	v12 =	vmax.bf16 v12, v0;
	v8 =	vmax.bf16 v8, v0  }
.LBB2_21:
0x449: {  	p0 =	sne.s32 s16, $0xC400;
	s17 =	sadd.s32 $0x40, s17  }
0x44a: {  	v16 =	vld [tilespmem:s13+$0x8090];
	v6 =	vadd.bf16 v6, v10;
	s2 =	smov.u32 s16;
	s16 =	sadd.s32 $0x400, s16;
	s13 =	smov.u32 s14  }
0x44b: {  	v10 =	vmax.bf16 v15, v0;
	v5 =	vadd.bf16 v5, v11  }
0x44c: {  	v4 =	vadd.bf16 v4, v13  }
0x44d: {  	v10 =	vmul.bf16 v10, v2;
	v6 =	vmax.bf16 v6, v0;
	v5 =	vmax.bf16 v5, v0  }
0x44e: {  	v11 =	vmul.bf16 v12, v3;
	v7 =	vadd.bf16 v14, v7;
	v5 =	vmul.bf16 v5, v2  }
0x44f: {  	v6 =	vmul.bf16 v6, v3;
	v4 =	vmax.bf16 v4, v0;
	v9 =	vadd.bf16 v16, v9  }
0x450: {  	v4 =	vmul.bf16 v4, v2;
	v7 =	vmax.bf16 v7, v0;
	v5 =	vadd.bf16 v11, v5  }
0x451: {  	v8 =	vmul.bf16 v8, v3;
	v7 =	vmul.bf16 v7, v2;
	v9 =	vmax.bf16 v9, v0  }
0x452: {  	v4 =	vadd.bf16 v6, v4;
	v9 =	vmul.bf16 v9, v3;
	v6 =	vunpack.i.u.bf16.f32 v5  }
0x453: {  	v8 =	vadd.bf16 v8, v10;
	v5 =	vunpack.i.l.bf16.f32 v5  }
0x454: {  	v5 =	vadd.f32 v5, v6;
	v7 =	vadd.bf16 v9, v7;
	v9 =	vunpack.i.u.bf16.f32 v4  }
0x455: {  	v6 =	vunpack.i.u.bf16.f32 v8;
	v8 =	vunpack.i.l.bf16.f32 v8;
	v4 =	vunpack.i.l.bf16.f32 v4  }
0x456: {  	v6 =	vadd.f32 v8, v6;
	v4 =	vadd.f32 v4, v9;
	v8 =	vunpack.i.u.bf16.f32 v7;
	[tilespmem:s7+$0x10] =	vst v5  }
0x457: {  	v5 =	vunpack.i.l.bf16.f32 v7  }
0x458: {  	v5 =	vadd.f32 v5, v8;
	[tilespmem:s7+$0xFFFFFFE0] =	vst v6  }
0x459: {  	[tilespmem:s7+$0x0] =	vst v4  }
0x45a: {  	s14 =	sshra.s32 s2, $0x2;
	[tilespmem:s7+$0xFFFFFFF0] =	vst v5;
	s7 =	smov.u32 s8;
	s8 =	smov.u32 s17  }
0x45b: {  	v4 =	vld [tilespmem:s13+$0x80C0]  }
0x45c: {  	v5 =	vld [tilespmem:s13+$0x8100]  }
0x45d: {  	v8 =	vld [tilespmem:s13+$0x8050]  }
0x45e: {  	v6 =	vld [tilespmem:s13+$0x80D0]  }
0x45f: {  	v9 =	vld [tilespmem:s13+$0x8110]  }
0x460: {  	v15 =	vld [tilespmem:s13+$0x8040]  }
0x461: {  	v12 =	vld [tilespmem:s13+$0x4EF0]  }
0x462: {  	v14 =	vld [tilespmem:s13+$0x4E30]  }
0x463: {  	v10 =	vld [tilespmem:s13+$0x4EB0]  }
0x464: {  	v16 =	vld [tilespmem:s13+$0x4E20]  }
.Ltmp10:
0x465: {  	v7 =	vld [tilespmem:s13+$0x4E60];
	(pc) =	sbr.rel @p0 .LBB2_21-.Ltmp10, $4  }
0x466: {  	v11 =	vld [tilespmem:s13+$0x4EE0];
	v12 =	vadd.bf16 v9, v12  }
0x467: {  	v13 =	vld [tilespmem:s13+$0x4EA0];
	v8 =	vadd.bf16 v8, v14  }
0x468: {  	v9 =	vld [tilespmem:s13+$0x4E70];
	v12 =	vmax.bf16 v12, v0  }
0x469: {  	v14 =	vld [tilespmem:s13+$0x8080];
	v15 =	vadd.bf16 v15, v16;
	v8 =	vmax.bf16 v8, v0  }
0x46a: {  	v16 =	vld [tilespmem:s13+$0x8090]  }
0x46b: {  	v6 =	vadd.bf16 v6, v10  }
0x46c: {  	v24 =	vmul.bf16 v12, v3;
	v23 =	vmax.bf16 v15, v0;
	v5 =	vadd.bf16 v5, v11  }
0x46d: {  	v8 =	vmul.bf16 v8, v3;
	v4 =	vadd.bf16 v4, v13;
	v10 =	vmul.bf16 v23, v2  }
0x46e: {  	v6 =	vmax.bf16 v6, v0;
	v5 =	vmax.bf16 v5, v0;
	v7 =	vadd.bf16 v14, v7  }
0x46f: {  	v5 =	vmul.bf16 v5, v2;
	v4 =	vmax.bf16 v4, v0;
	v9 =	vadd.bf16 v16, v9  }
0x470: {  	v6 =	vmul.bf16 v6, v3;
	v4 =	vmul.bf16 v4, v2  }
0x471: {  	v7 =	vmax.bf16 v7, v0;
	v5 =	vadd.bf16 v24, v5;
	v9 =	vmax.bf16 v9, v0  }
0x472: {  	v7 =	vmul.bf16 v7, v2;
	v4 =	vadd.bf16 v6, v4;
	v6 =	vadd.bf16 v8, v10  }
0x473: {  	v9 =	vmul.bf16 v9, v3;
	v8 =	vunpack.i.u.bf16.f32 v5;
	v5 =	vunpack.i.l.bf16.f32 v5  }
0x474: {  	v5 =	vadd.f32 v5, v8  }
0x475: {  	v8 =	vunpack.i.u.bf16.f32 v6;
	v6 =	vunpack.i.l.bf16.f32 v6;
	v7 =	vadd.bf16 v9, v7  }
0x476: {  	v25 =	vunpack.i.u.bf16.f32 v4;
	v4 =	vunpack.i.l.bf16.f32 v4;
	v6 =	vadd.f32 v6, v8  }
0x477: {  	v4 =	vadd.f32 v4, v25;
	[tilespmem:s7+$0x10] =	vst v5;
	v8 =	vunpack.i.u.bf16.f32 v7;
	v5 =	vunpack.i.l.bf16.f32 v7  }
0x478: {  	[tilespmem:s7+$0xFFFFFFE0] =	vst v6;
	v5 =	vadd.f32 v5, v8  }
0x479: {  	[tilespmem:s7+$0x0] =	vst v4  }
0x47a: {  	[tilespmem:s7+$0xFFFFFFF0] =	vst v5  }
0x47b: {  	v4 =	vld [tilespmem:s14+$0x80C0]  }
0x47c: {  	v5 =	vld [tilespmem:s14+$0x8100]  }
0x47d: {  	v6 =	vld [tilespmem:s14+$0x8050]  }
0x47e: {  	v7 =	vld [tilespmem:s14+$0x80D0]  }
0x47f: {  	v8 =	vld [tilespmem:s14+$0x8110]  }
0x480: {  	v26 =	vld [tilespmem:s14+$0x8040]  }
0x481: {  	v27 =	vld [tilespmem:s14+$0x4EF0]  }
0x482: {  	v28 =	vld [tilespmem:s14+$0x4E30]  }
0x483: {  	v29 =	vld [tilespmem:s14+$0x4EB0]  }
0x484: {  	v30 =	vld [tilespmem:s14+$0x4E20]  }
0x485: {  	v31 =	vld [tilespmem:s14+$0x4E60]  }
0x486: {  	v32 =	vld [tilespmem:s14+$0x4EE0]  }
0x487: {  	v33 =	vld [tilespmem:s14+$0x4EA0]  }
0x488: {  	v17 =	vld [tilespmem:s14+$0x4E70]  }
0x489: {  	v34 =	vld [tilespmem:s14+$0x8080]  }
0x48a: {  	v35 =	vld [tilespmem:s14+$0x8090];
	_ =	sdelay $0x1  }
0x48b: {  	v8 =	vadd.bf16 v8, v27;
	v6 =	vadd.bf16 v6, v28  }
0x48c: {  	v9 =	vadd.bf16 v26, v30;
	v5 =	vadd.bf16 v5, v32  }
0x48d: {  	v36 =	vmov s12;
	v7 =	vadd.bf16 v7, v29;
	v4 =	vadd.bf16 v4, v33  }
0x48e: {  	v10 =	vadd.bf16 v34, v31;
	v11 =	vadd.bf16 v35, v17;
	v8 =	vmax.bf16 v8, v0  }
0x48f: {  	v6 =	vmax.bf16 v6, v0;
	v5 =	vmax.bf16 v5, v0;
	v7 =	vmax.bf16 v7, v0  }
0x490: {  	v4 =	vmax.bf16 v4, v0;
	v5 =	vmul.bf16 v5, v2;
	v8 =	vmul.bf16 v8, v3  }
0x491: {  	v9 =	vmax.bf16 v9, v0;
	v7 =	vmul.bf16 v7, v3;
	v4 =	vmul.bf16 v4, v2  }
0x492: {  	v10 =	vmax.bf16 v10, v0;
	v9 =	vmul.bf16 v9, v2;
	v6 =	vmul.bf16 v6, v3  }
0x493: {  	v5 =	vadd.bf16 v8, v5;
	v8 =	vmax.bf16 v11, v0;
	v4 =	vadd.bf16 v7, v4  }
0x494: {  	v10 =	vmul.bf16 v10, v2;
	v6 =	vadd.bf16 v6, v9;
	v8 =	vmul.bf16 v8, v3  }
0x495: {  	v7 =	vunpack.i.u.bf16.f32 v5;
	v5 =	vunpack.i.l.bf16.f32 v5;
	v37 =	vunpack.i.u.bf16.f32 v4  }
0x496: {  	v38 =	vunpack.i.u.bf16.f32 v6;
	v6 =	vunpack.i.l.bf16.f32 v6;
	v4 =	vunpack.i.l.bf16.f32 v4  }
0x497: {  	v8 =	vadd.bf16 v8, v10;
	v5 =	vadd.f32 v5, v7;
	v7 =	vshll.u32 v36, $0x4  }
0x498: {  	v6 =	vadd.f32 v6, v38;
	v4 =	vadd.f32 v4, v37;
	v7 =	vor.u32 v1, v7  }
0x499: {  	v39 =	vor.u32 $0x1, v7;
	v40 =	vunpack.i.u.bf16.f32 v8;
	[tilespmem:s8+$0x10] =	vst v5;
	v5 =	vunpack.i.l.bf16.f32 v8  }
0x49a: {  	[tilespmem:s8+$0xFFFFFFE0] =	vst v6;
	v5 =	vadd.f32 v5, v40  }
0x49b: {  	[tilespmem:s8+$0x0] =	vst v4;
	v4 =	vor.u32 $0x2, v7  }
0x49c: {  	[tilespmem:s8+$0xFFFFFFF0] =	vst v5  }
0x49d: {  	v6 =	vor.u32 $0x3, v7;
	v8 =	vld.idx.msk [tilespmem:v7+s3+$0x0], $0xffff  }
0x49e: {  	v5 =	vld.idx.msk [tilespmem:v39+s3+$0x0], $0xffff  }
0x49f: {  	v41 =	vor.u32 $0x4, v7  }
0x4a0: {  	v4 =	vld.idx.msk [tilespmem:v4+s3+$0x0], $0xffff  }
0x4a1: {  	v42 =	vor.u32 $0x5, v7  }
0x4a2: {  	v6 =	vld.idx.msk [tilespmem:v6+s3+$0x0], $0xffff  }
0x4a3: {  	v43 =	vor.u32 $0x6, v7;
	v5 =	vadd.f32 v5, v8  }
0x4a4: {  	v8 =	vld.idx.msk [tilespmem:v41+s3+$0x0], $0xffff  }
0x4a5: {  	v44 =	vor.u32 $0x7, v7;
	v4 =	vadd.f32 v4, v5  }
0x4a6: {  	v5 =	vld.idx.msk [tilespmem:v42+s3+$0x0], $0xffff  }
0x4a7: {  	v45 =	vor.u32 $0x8, v7;
	v4 =	vadd.f32 v6, v4  }
0x4a8: {  	v6 =	vld.idx.msk [tilespmem:v43+s3+$0x0], $0xffff  }
0x4a9: {  	v46 =	vor.u32 $0x9, v7;
	v4 =	vadd.f32 v8, v4  }
0x4aa: {  	v8 =	vld.idx.msk [tilespmem:v44+s3+$0x0], $0xffff  }
0x4ab: {  	v47 =	vor.u32 $0xA, v7;
	v4 =	vadd.f32 v5, v4  }
0x4ac: {  	v5 =	vld.idx.msk [tilespmem:v45+s3+$0x0], $0xffff  }
0x4ad: {  	v48 =	vor.u32 $0xB, v7;
	v4 =	vadd.f32 v6, v4  }
0x4ae: {  	v6 =	vld.idx.msk [tilespmem:v46+s3+$0x0], $0xffff  }
0x4af: {  	v49 =	vor.u32 $0xC, v7;
	v4 =	vadd.f32 v8, v4  }
0x4b0: {  	v8 =	vld.idx.msk [tilespmem:v47+s3+$0x0], $0xffff  }
0x4b1: {  	v50 =	vor.u32 $0xD, v7;
	v4 =	vadd.f32 v5, v4  }
0x4b2: {  	v5 =	vld.idx.msk [tilespmem:v48+s3+$0x0], $0xffff  }
0x4b3: {  	v51 =	vor.u32 $0xE, v7;
	v4 =	vadd.f32 v6, v4  }
0x4b4: {  	v6 =	vld.idx.msk [tilespmem:v49+s3+$0x0], $0xffff  }
0x4b5: {  	v7 =	vor.u32 $0xF, v7;
	v4 =	vadd.f32 v8, v4  }
0x4b6: {  	v8 =	vld.idx.msk [tilespmem:v50+s3+$0x0], $0xffff  }
0x4b7: {  	v4 =	vadd.f32 v5, v4  }
0x4b8: {  	v5 =	vld.idx.msk [tilespmem:v51+s3+$0x0], $0xffff  }
0x4b9: {  	s2 =	simm.s32 $0x10;
	v4 =	vadd.f32 v6, v4  }
0x4ba: {  	v6 =	vld.idx.msk [tilespmem:v7+s3+$0x0], $0xffff;
	v7 =	vmov s2  }
0x4bb: {  	v7 =	vshll.u32 v7, $0x4;
	v4 =	vadd.f32 v8, v4  }
0x4bc: {  	v7 =	vor.u32 v1, v7  }
0x4bd: {  	v8 =	vor.u32 $0x1, v7;
	v4 =	vadd.f32 v5, v4;
	_ =	sdelay $0x1  }
0x4be: {  	v4 =	vadd.f32 v6, v4  }
0x4bf: {  	s7 =	simm.s32 $0x1EB40;
	v5 =	vor.u32 $0x2, v7  }
0x4c0: {  	[tilespmem:s7+$0x0] =	vst v4  }
0x4c1: {  	v6 =	vor.u32 $0x3, v7;
	v4 =	vld.idx.msk [tilespmem:v8+s3+$0x0], $0xffff  }
0x4c2: {  	v8 =	vld.idx.msk [tilespmem:v7+s3+$0x0], $0xffff  }
0x4c3: {  	v52 =	vor.u32 $0x4, v7  }
0x4c4: {  	v5 =	vld.idx.msk [tilespmem:v5+s3+$0x0], $0xffff  }
0x4c5: {  	v53 =	vor.u32 $0x5, v7  }
0x4c6: {  	v6 =	vld.idx.msk [tilespmem:v6+s3+$0x0], $0xffff  }
0x4c7: {  	v54 =	vor.u32 $0x6, v7;
	v4 =	vadd.f32 v4, v8  }
0x4c8: {  	v8 =	vld.idx.msk [tilespmem:v52+s3+$0x0], $0xffff  }
0x4c9: {  	v55 =	vor.u32 $0x7, v7;
	v4 =	vadd.f32 v5, v4  }
0x4ca: {  	v5 =	vld.idx.msk [tilespmem:v53+s3+$0x0], $0xffff  }
0x4cb: {  	v56 =	vor.u32 $0x8, v7;
	v4 =	vadd.f32 v6, v4  }
0x4cc: {  	v6 =	vld.idx.msk [tilespmem:v54+s3+$0x0], $0xffff  }
0x4cd: {  	v57 =	vor.u32 $0x9, v7;
	v4 =	vadd.f32 v8, v4  }
0x4ce: {  	v8 =	vld.idx.msk [tilespmem:v55+s3+$0x0], $0xffff  }
0x4cf: {  	v58 =	vor.u32 $0xA, v7;
	v4 =	vadd.f32 v5, v4  }
0x4d0: {  	v5 =	vld.idx.msk [tilespmem:v56+s3+$0x0], $0xffff  }
0x4d1: {  	v59 =	vor.u32 $0xB, v7;
	v4 =	vadd.f32 v6, v4  }
0x4d2: {  	v6 =	vld.idx.msk [tilespmem:v57+s3+$0x0], $0xffff  }
0x4d3: {  	v60 =	vor.u32 $0xC, v7;
	v4 =	vadd.f32 v8, v4  }
0x4d4: {  	v8 =	vld.idx.msk [tilespmem:v58+s3+$0x0], $0xffff  }
0x4d5: {  	v4 =	vadd.f32 v5, v4  }
0x4d6: {  	v61 =	vor.u32 $0xD, v7;
	v5 =	vld.idx.msk [tilespmem:v59+s3+$0x0], $0xffff  }
0x4d7: {  	v4 =	vadd.f32 v6, v4  }
0x4d8: {  	v62 =	vor.u32 $0xE, v7;
	v6 =	vld.idx.msk [tilespmem:v60+s3+$0x0], $0xffff  }
0x4d9: {  	v4 =	vadd.f32 v8, v4  }
0x4da: {  	v7 =	vor.u32 $0xF, v7  }
0x4db: {  	v8 =	vld.idx.msk [tilespmem:v61+s3+$0x0], $0xffff;
	v4 =	vadd.f32 v5, v4;
	_ =	sdelay $0x1  }
0x4dc: {  	v6 =	vadd.f32 v6, v4;
	v4 =	vld.idx.msk [tilespmem:v62+s3+$0x0], $0xffff  }
0x4dd: {  	s31 =	simm.s32 $0x20  }
0x4de: {  	v63 =	vmov s31;
	v5 =	vld.idx.msk [tilespmem:v7+s3+$0x0], $0xffff  }
0x4df: {  	s8 =	simm.s32 $0x30;
	v7 =	vshll.u32 v63, $0x4;
	v6 =	vadd.f32 v8, v6  }
.LBB2_23:
0x4e0: {  	p0 =	sne.s32 s8, $0xC0;
	v7 =	vor.u32 v1, v7  }
0x4e1: {  	v8 =	vor.u32 $0x1, v7;
	v4 =	vadd.f32 v4, v6;
	_ =	sdelay $0x1  }
0x4e2: {  	v4 =	vadd.f32 v5, v4  }
0x4e3: {  	s7 =	sadd.s32 $0x10, s7;
	v5 =	vor.u32 $0x2, v7  }
0x4e4: {  	[tilespmem:s7+$0x0] =	vst v4  }
0x4e5: {  	v6 =	vor.u32 $0x3, v7;
	v4 =	vld.idx.msk [tilespmem:v8+s3+$0x0], $0xffff  }
0x4e6: {  	v8 =	vld.idx.msk [tilespmem:v7+s3+$0x0], $0xffff  }
0x4e7: {  	v9 =	vor.u32 $0x4, v7  }
0x4e8: {  	v5 =	vld.idx.msk [tilespmem:v5+s3+$0x0], $0xffff  }
0x4e9: {  	v10 =	vor.u32 $0x5, v7  }
0x4ea: {  	v6 =	vld.idx.msk [tilespmem:v6+s3+$0x0], $0xffff  }
0x4eb: {  	v11 =	vor.u32 $0x6, v7  }
0x4ec: {  	v4 =	vadd.f32 v4, v8;
	v8 =	vld.idx.msk [tilespmem:v9+s3+$0x0], $0xffff  }
0x4ed: {  	v9 =	vor.u32 $0x7, v7  }
0x4ee: {  	v4 =	vadd.f32 v5, v4;
	v5 =	vld.idx.msk [tilespmem:v10+s3+$0x0], $0xffff  }
0x4ef: {  	v10 =	vor.u32 $0x8, v7  }
0x4f0: {  	v4 =	vadd.f32 v6, v4;
	v6 =	vld.idx.msk [tilespmem:v11+s3+$0x0], $0xffff  }
0x4f1: {  	v11 =	vor.u32 $0x9, v7  }
0x4f2: {  	v4 =	vadd.f32 v8, v4;
	v8 =	vld.idx.msk [tilespmem:v9+s3+$0x0], $0xffff  }
0x4f3: {  	v9 =	vor.u32 $0xA, v7  }
0x4f4: {  	v4 =	vadd.f32 v5, v4;
	v5 =	vld.idx.msk [tilespmem:v10+s3+$0x0], $0xffff  }
0x4f5: {  	v10 =	vor.u32 $0xB, v7  }
0x4f6: {  	v4 =	vadd.f32 v6, v4;
	v6 =	vld.idx.msk [tilespmem:v11+s3+$0x0], $0xffff  }
0x4f7: {  	v11 =	vor.u32 $0xC, v7  }
0x4f8: {  	v4 =	vadd.f32 v8, v4;
	v8 =	vld.idx.msk [tilespmem:v9+s3+$0x0], $0xffff  }
0x4f9: {  	v9 =	vor.u32 $0xD, v7  }
0x4fa: {  	v4 =	vadd.f32 v5, v4;
	v5 =	vld.idx.msk [tilespmem:v10+s3+$0x0], $0xffff  }
0x4fb: {  	v10 =	vor.u32 $0xE, v7  }
0x4fc: {  	v4 =	vadd.f32 v6, v4;
	v6 =	vld.idx.msk [tilespmem:v11+s3+$0x0], $0xffff  }
0x4fd: {  	v7 =	vor.u32 $0xF, v7  }
0x4fe: {  	v4 =	vadd.f32 v8, v4;
	v8 =	vld.idx.msk [tilespmem:v9+s3+$0x0], $0xffff;
	_ =	sdelay $0x1  }
.Ltmp11:
0x4ff: {  	v5 =	vadd.f32 v5, v4;
	v4 =	vld.idx.msk [tilespmem:v10+s3+$0x0], $0xffff;
	(pc) =	sbr.rel @p0 .LBB2_23-.Ltmp11, $4  }
0x500: {  	_ = 	snop  }
0x501: {  	v6 =	vadd.f32 v6, v5;
	v5 =	vld.idx.msk [tilespmem:v7+s3+$0x0], $0xffff  }
0x502: {  	v7 =	vmov s8  }
0x503: {  	s8 =	sadd.s32 $0x10, s8;
	v7 =	vshll.u32 v7, $0x4;
	v6 =	vadd.f32 v8, v6  }
0x504: {  	v7 =	vor.u32 v1, v7  }
0x505: {  	v8 =	vor.u32 $0x1, v7;
	v4 =	vadd.f32 v4, v6;
	_ =	sdelay $0x1  }
0x506: {  	v4 =	vadd.f32 v5, v4  }
0x507: {  	s2 =	sadd.s32 $0x10, s7;
	v5 =	vor.u32 $0x2, v7  }
0x508: {  	[tilespmem:s2+$0x0] =	vst v4  }
0x509: {  	v6 =	vor.u32 $0x3, v7;
	v4 =	vld.idx.msk [tilespmem:v8+s3+$0x0], $0xffff  }
0x50a: {  	v8 =	vld.idx.msk [tilespmem:v7+s3+$0x0], $0xffff  }
0x50b: {  	v9 =	vor.u32 $0x4, v7  }
0x50c: {  	v5 =	vld.idx.msk [tilespmem:v5+s3+$0x0], $0xffff  }
0x50d: {  	v10 =	vor.u32 $0x5, v7  }
0x50e: {  	v6 =	vld.idx.msk [tilespmem:v6+s3+$0x0], $0xffff  }
0x50f: {  	v11 =	vor.u32 $0x6, v7;
	v4 =	vadd.f32 v4, v8  }
0x510: {  	v8 =	vld.idx.msk [tilespmem:v9+s3+$0x0], $0xffff  }
0x511: {  	v9 =	vor.u32 $0x7, v7;
	v4 =	vadd.f32 v5, v4  }
0x512: {  	v5 =	vld.idx.msk [tilespmem:v10+s3+$0x0], $0xffff  }
0x513: {  	v10 =	vor.u32 $0x8, v7;
	v4 =	vadd.f32 v6, v4  }
0x514: {  	v6 =	vld.idx.msk [tilespmem:v11+s3+$0x0], $0xffff  }
0x515: {  	v11 =	vor.u32 $0x9, v7;
	v4 =	vadd.f32 v8, v4  }
0x516: {  	v8 =	vld.idx.msk [tilespmem:v9+s3+$0x0], $0xffff  }
0x517: {  	v9 =	vor.u32 $0xA, v7;
	v4 =	vadd.f32 v5, v4  }
0x518: {  	v5 =	vld.idx.msk [tilespmem:v10+s3+$0x0], $0xffff  }
0x519: {  	v10 =	vor.u32 $0xB, v7;
	v4 =	vadd.f32 v6, v4  }
0x51a: {  	v6 =	vld.idx.msk [tilespmem:v11+s3+$0x0], $0xffff  }
0x51b: {  	v11 =	vor.u32 $0xC, v7;
	v4 =	vadd.f32 v8, v4  }
0x51c: {  	v8 =	vld.idx.msk [tilespmem:v9+s3+$0x0], $0xffff  }
0x51d: {  	v9 =	vor.u32 $0xD, v7;
	v4 =	vadd.f32 v5, v4  }
0x51e: {  	v5 =	vld.idx.msk [tilespmem:v10+s3+$0x0], $0xffff  }
0x51f: {  	v10 =	vor.u32 $0xE, v7;
	v4 =	vadd.f32 v6, v4  }
0x520: {  	v6 =	vld.idx.msk [tilespmem:v11+s3+$0x0], $0xffff  }
0x521: {  	v7 =	vor.u32 $0xF, v7;
	v4 =	vadd.f32 v8, v4  }
0x522: {  	v8 =	vld.idx.msk [tilespmem:v9+s3+$0x0], $0xffff  }
0x523: {  	v4 =	vadd.f32 v5, v4  }
0x524: {  	v5 =	vld.idx.msk [tilespmem:v10+s3+$0x0], $0xffff  }
0x525: {  	v4 =	vadd.f32 v6, v4  }
0x526: {  	v6 =	vld.idx.msk [tilespmem:v7+s3+$0x0], $0xffff  }
0x527: {  	v4 =	vadd.f32 v8, v4;
	_ =	sdelay $0x1  }
0x528: {  	v4 =	vadd.f32 v5, v4;
	_ =	sdelay $0x1  }
0x529: {  	v4 =	vadd.f32 v6, v4  }
0x52a: {  	s2 =	sadd.s32 $0x10, s2  }
0x52b: {  	s8 =	simm.s32 $0x0;
	s30 =	rddreg [dreg:$0x6];
	[tilespmem:s2+$0x0] =	vst v4  }
0x52c: {  	[hbm4b:s30+s8] =	stream.linear.scatter [tilespmem:s15], [sflag:$0x5], $0xC8, $0x38;
	[tilespmem:$0x1EE80] =	vst v63  }
0x52d: {  	_ =	swait.ge [sflag:s22], $0x3200  }
0x52e: {  	[sflag:s22] =	ssyncset.done $0x0  }
0x52f: {  	[sflag:s22] =	ssyncadd.s32 $0xFFFFCE00  }
0x530: {  	_ =	swait.ge [sflag:s22], $0x3200  }
0x531: {  	[sflag:s22] =	ssyncset.done $0x0  }
0x532: {  	s31 =	simm.s32 $0x5;
	[sflag:s22] =	ssyncadd.s32 $0xFFFFCE00  }
0x533: {  	_ =	swait.ge [sflag:s31], $0xC8  }
0x534: {  	[sflag:s31] =	ssyncset.done $0x0  }
0x535: {  	s13 =	simm.s32 $0x0;
	[sflag:s31] =	ssyncadd.s32 $0xFFFFFF38  }
0x536: {  	v4 =	vld [tilespmem:s13+$0xE4C0]  }
0x537: {  	v5 =	vld [tilespmem:s13+$0xE500]  }
0x538: {  	v8 =	vld [tilespmem:s13+$0xE450]  }
0x539: {  	v6 =	vld [tilespmem:s13+$0xE4D0]  }
0x53a: {  	v9 =	vld [tilespmem:s13+$0xE510]  }
0x53b: {  	v15 =	vld [tilespmem:s13+$0xE440]  }
0x53c: {  	v11 =	vld [tilespmem:s13+$0xB2F0]  }
0x53d: {  	v14 =	vld [tilespmem:s13+$0xB230]  }
0x53e: {  	v10 =	vld [tilespmem:s13+$0xB2B0]  }
0x53f: {  	v16 =	vld [tilespmem:s13+$0xB220]  }
0x540: {  	v7 =	vld [tilespmem:s13+$0xB260]  }
0x541: {  	v12 =	vld [tilespmem:s13+$0xB2E0]  }
0x542: {  	v13 =	vld [tilespmem:s13+$0xB2A0];
	v11 =	vadd.bf16 v9, v11;
	v8 =	vadd.bf16 v8, v14  }
0x543: {  	s7 =	simm.s32 $0x1DE40;
	s16 =	simm.s32 $0x800;
	v9 =	vld [tilespmem:s13+$0xB270]  }
0x544: {  	s17 =	simm.s32 $0x1DE80;
	s14 =	simm.s32 $0x100;
	s12 =	simm.s32 $0x1DE80;
	v14 =	vld [tilespmem:s13+$0xE480];
	v15 =	vadd.bf16 v15, v16;
	v11 =	vmax.bf16 v11, v0;
	v8 =	vmax.bf16 v8, v0  }
.LBB2_25:
0x545: {  	p0 =	sne.s32 s16, $0xC400;
	s17 =	sadd.s32 $0x40, s17  }
0x546: {  	v16 =	vld [tilespmem:s13+$0xE490];
	v6 =	vadd.bf16 v6, v10;
	s2 =	smov.u32 s16;
	s16 =	sadd.s32 $0x400, s16;
	s13 =	smov.u32 s14  }
0x547: {  	v10 =	vmax.bf16 v15, v0;
	v5 =	vadd.bf16 v5, v12  }
0x548: {  	v4 =	vadd.bf16 v4, v13  }
0x549: {  	v10 =	vmul.bf16 v10, v2;
	v6 =	vmax.bf16 v6, v0;
	v5 =	vmax.bf16 v5, v0  }
0x54a: {  	v11 =	vmul.bf16 v11, v3;
	v7 =	vadd.bf16 v14, v7;
	v5 =	vmul.bf16 v5, v2  }
0x54b: {  	v6 =	vmul.bf16 v6, v3;
	v4 =	vmax.bf16 v4, v0;
	v9 =	vadd.bf16 v16, v9  }
0x54c: {  	v4 =	vmul.bf16 v4, v2;
	v7 =	vmax.bf16 v7, v0;
	v5 =	vadd.bf16 v11, v5  }
0x54d: {  	v8 =	vmul.bf16 v8, v3;
	v7 =	vmul.bf16 v7, v2;
	v9 =	vmax.bf16 v9, v0  }
0x54e: {  	v4 =	vadd.bf16 v6, v4;
	v9 =	vmul.bf16 v9, v3;
	v6 =	vunpack.i.u.bf16.f32 v5  }
0x54f: {  	v8 =	vadd.bf16 v8, v10;
	v5 =	vunpack.i.l.bf16.f32 v5  }
0x550: {  	v5 =	vadd.f32 v5, v6;
	v7 =	vadd.bf16 v9, v7;
	v9 =	vunpack.i.u.bf16.f32 v4  }
0x551: {  	v6 =	vunpack.i.u.bf16.f32 v8;
	v8 =	vunpack.i.l.bf16.f32 v8;
	v4 =	vunpack.i.l.bf16.f32 v4  }
0x552: {  	v6 =	vadd.f32 v8, v6;
	v4 =	vadd.f32 v4, v9;
	v8 =	vunpack.i.u.bf16.f32 v7;
	[tilespmem:s7+$0x10] =	vst v5  }
0x553: {  	v5 =	vunpack.i.l.bf16.f32 v7  }
0x554: {  	v5 =	vadd.f32 v5, v8;
	[tilespmem:s7+$0xFFFFFFE0] =	vst v6  }
0x555: {  	[tilespmem:s7+$0x0] =	vst v4  }
0x556: {  	s14 =	sshra.s32 s2, $0x2;
	[tilespmem:s7+$0xFFFFFFF0] =	vst v5;
	s7 =	smov.u32 s12;
	s12 =	smov.u32 s17  }
0x557: {  	v4 =	vld [tilespmem:s13+$0xE4C0]  }
0x558: {  	v5 =	vld [tilespmem:s13+$0xE500]  }
0x559: {  	v8 =	vld [tilespmem:s13+$0xE450]  }
0x55a: {  	v6 =	vld [tilespmem:s13+$0xE4D0]  }
0x55b: {  	v9 =	vld [tilespmem:s13+$0xE510]  }
0x55c: {  	v15 =	vld [tilespmem:s13+$0xE440]  }
0x55d: {  	v11 =	vld [tilespmem:s13+$0xB2F0]  }
0x55e: {  	v14 =	vld [tilespmem:s13+$0xB230]  }
0x55f: {  	v10 =	vld [tilespmem:s13+$0xB2B0]  }
0x560: {  	v16 =	vld [tilespmem:s13+$0xB220]  }
.Ltmp12:
0x561: {  	v7 =	vld [tilespmem:s13+$0xB260];
	(pc) =	sbr.rel @p0 .LBB2_25-.Ltmp12, $4  }
0x562: {  	v12 =	vld [tilespmem:s13+$0xB2E0];
	v11 =	vadd.bf16 v9, v11  }
0x563: {  	v13 =	vld [tilespmem:s13+$0xB2A0];
	v8 =	vadd.bf16 v8, v14  }
0x564: {  	v9 =	vld [tilespmem:s13+$0xB270];
	v11 =	vmax.bf16 v11, v0  }
0x565: {  	v14 =	vld [tilespmem:s13+$0xE480];
	v15 =	vadd.bf16 v15, v16;
	v8 =	vmax.bf16 v8, v0  }
0x566: {  	v16 =	vld [tilespmem:s13+$0xE490]  }
0x567: {  	v6 =	vadd.bf16 v6, v10  }
0x568: {  	v11 =	vmul.bf16 v11, v3;
	v31 =	vmax.bf16 v15, v0;
	v5 =	vadd.bf16 v5, v12  }
0x569: {  	v8 =	vmul.bf16 v8, v3;
	v4 =	vadd.bf16 v4, v13;
	v10 =	vmul.bf16 v31, v2  }
0x56a: {  	v6 =	vmax.bf16 v6, v0;
	v5 =	vmax.bf16 v5, v0;
	v7 =	vadd.bf16 v14, v7  }
0x56b: {  	v5 =	vmul.bf16 v5, v2;
	v4 =	vmax.bf16 v4, v0;
	v9 =	vadd.bf16 v16, v9  }
0x56c: {  	v6 =	vmul.bf16 v6, v3;
	v4 =	vmul.bf16 v4, v2  }
0x56d: {  	v7 =	vmax.bf16 v7, v0;
	v5 =	vadd.bf16 v11, v5;
	v9 =	vmax.bf16 v9, v0  }
0x56e: {  	v7 =	vmul.bf16 v7, v2;
	v4 =	vadd.bf16 v6, v4;
	v6 =	vadd.bf16 v8, v10  }
0x56f: {  	v9 =	vmul.bf16 v9, v3;
	v32 =	vunpack.i.u.bf16.f32 v5;
	v5 =	vunpack.i.l.bf16.f32 v5  }
0x570: {  	v5 =	vadd.f32 v5, v32  }
0x571: {  	v33 =	vunpack.i.u.bf16.f32 v6;
	v6 =	vunpack.i.l.bf16.f32 v6;
	v7 =	vadd.bf16 v9, v7  }
0x572: {  	v34 =	vunpack.i.u.bf16.f32 v4;
	v4 =	vunpack.i.l.bf16.f32 v4;
	v6 =	vadd.f32 v6, v33  }
0x573: {  	v4 =	vadd.f32 v4, v34;
	[tilespmem:s7+$0x10] =	vst v5;
	v35 =	vunpack.i.u.bf16.f32 v7;
	v5 =	vunpack.i.l.bf16.f32 v7  }
0x574: {  	[tilespmem:s7+$0xFFFFFFE0] =	vst v6;
	v5 =	vadd.f32 v5, v35  }
0x575: {  	[tilespmem:s7+$0x0] =	vst v4  }
0x576: {  	[tilespmem:s7+$0xFFFFFFF0] =	vst v5  }
0x577: {  	v4 =	vld [tilespmem:s14+$0xE4C0]  }
0x578: {  	v5 =	vld [tilespmem:s14+$0xE500]  }
0x579: {  	v6 =	vld [tilespmem:s14+$0xE450]  }
0x57a: {  	v7 =	vld [tilespmem:s14+$0xE4D0]  }
0x57b: {  	v36 =	vld [tilespmem:s14+$0xE510]  }
0x57c: {  	v37 =	vld [tilespmem:s14+$0xE440]  }
0x57d: {  	v38 =	vld [tilespmem:s14+$0xB2F0]  }
0x57e: {  	v39 =	vld [tilespmem:s14+$0xB230]  }
0x57f: {  	v40 =	vld [tilespmem:s14+$0xB2B0]  }
0x580: {  	v41 =	vld [tilespmem:s14+$0xB220]  }
0x581: {  	v42 =	vld [tilespmem:s14+$0xB260]  }
0x582: {  	v43 =	vld [tilespmem:s14+$0xB2E0]  }
0x583: {  	v44 =	vld [tilespmem:s14+$0xB2A0]  }
0x584: {  	v17 =	vld [tilespmem:s14+$0xB270]  }
0x585: {  	v45 =	vld [tilespmem:s14+$0xE480]  }
0x586: {  	v46 =	vld [tilespmem:s14+$0xE490]  }
0x587: {  	v8 =	vadd.bf16 v36, v38  }
0x588: {  	v6 =	vadd.bf16 v6, v39;
	v9 =	vadd.bf16 v37, v41  }
0x589: {  	v5 =	vadd.bf16 v5, v43;
	v7 =	vadd.bf16 v7, v40  }
0x58a: {  	v4 =	vadd.bf16 v4, v44;
	v10 =	vadd.bf16 v45, v42  }
0x58b: {  	v11 =	vadd.bf16 v46, v17;
	v8 =	vmax.bf16 v8, v0;
	v6 =	vmax.bf16 v6, v0  }
0x58c: {  	v9 =	vmax.bf16 v9, v0;
	v5 =	vmax.bf16 v5, v0;
	v7 =	vmax.bf16 v7, v0  }
0x58d: {  	v4 =	vmax.bf16 v4, v0;
	v9 =	vmul.bf16 v9, v2;
	v5 =	vmul.bf16 v5, v2  }
0x58e: {  	v10 =	vmax.bf16 v10, v0;
	v8 =	vmul.bf16 v8, v3;
	v7 =	vmul.bf16 v7, v3  }
0x58f: {  	v47 =	vmax.bf16 v11, v0;
	v4 =	vmul.bf16 v4, v2;
	v6 =	vmul.bf16 v6, v3  }
0x590: {  	v2 =	vmul.bf16 v10, v2;
	v3 =	vmul.bf16 v47, v3  }
0x591: {  	v5 =	vadd.bf16 v8, v5;
	v4 =	vadd.bf16 v7, v4  }
0x592: {  	v6 =	vadd.bf16 v6, v9;
	v2 =	vadd.bf16 v3, v2;
	v3 =	vmov s8  }
0x593: {  	v3 =	vshll.u32 v3, $0x4;
	v7 =	vunpack.i.u.bf16.f32 v5;
	v5 =	vunpack.i.l.bf16.f32 v5  }
0x594: {  	v48 =	vunpack.i.u.bf16.f32 v4;
	v3 =	vor.u32 v1, v3;
	v4 =	vunpack.i.l.bf16.f32 v4  }
0x595: {  	v49 =	vunpack.i.u.bf16.f32 v2;
	v2 =	vunpack.i.l.bf16.f32 v2;
	v5 =	vadd.f32 v5, v7  }
0x596: {  	v7 =	vunpack.i.u.bf16.f32 v6;
	v6 =	vunpack.i.l.bf16.f32 v6;
	v4 =	vadd.f32 v4, v48  }
0x597: {  	v2 =	vadd.f32 v2, v49;
	v6 =	vadd.f32 v6, v7;
	v7 =	vor.u32 $0x1, v3;
	[tilespmem:s12+$0x10] =	vst v5  }
0x598: {  	[tilespmem:s12+$0x0] =	vst v4  }
0x599: {  	v4 =	vor.u32 $0x2, v3;
	[tilespmem:s12+$0xFFFFFFF0] =	vst v2  }
0x59a: {  	[tilespmem:s12+$0xFFFFFFE0] =	vst v6  }
0x59b: {  	v5 =	vor.u32 $0x3, v3;
	v6 =	vld.idx.msk [tilespmem:v3+s3+$0x0], $0xffff  }
0x59c: {  	v2 =	vld.idx.msk [tilespmem:v7+s3+$0x0], $0xffff  }
0x59d: {  	v7 =	vor.u32 $0x4, v3  }
0x59e: {  	v4 =	vld.idx.msk [tilespmem:v4+s3+$0x0], $0xffff  }
0x59f: {  	v50 =	vor.u32 $0x5, v3  }
0x5a0: {  	v5 =	vld.idx.msk [tilespmem:v5+s3+$0x0], $0xffff  }
0x5a1: {  	v51 =	vor.u32 $0x6, v3;
	v2 =	vadd.f32 v2, v6  }
0x5a2: {  	v6 =	vld.idx.msk [tilespmem:v7+s3+$0x0], $0xffff  }
0x5a3: {  	v7 =	vor.u32 $0x7, v3;
	v2 =	vadd.f32 v4, v2  }
0x5a4: {  	v4 =	vld.idx.msk [tilespmem:v50+s3+$0x0], $0xffff  }
0x5a5: {  	v52 =	vor.u32 $0x8, v3;
	v2 =	vadd.f32 v5, v2  }
0x5a6: {  	v5 =	vld.idx.msk [tilespmem:v51+s3+$0x0], $0xffff  }
0x5a7: {  	v53 =	vor.u32 $0x9, v3;
	v2 =	vadd.f32 v6, v2  }
0x5a8: {  	v6 =	vld.idx.msk [tilespmem:v7+s3+$0x0], $0xffff  }
0x5a9: {  	v7 =	vor.u32 $0xA, v3;
	v2 =	vadd.f32 v4, v2  }
0x5aa: {  	v4 =	vld.idx.msk [tilespmem:v52+s3+$0x0], $0xffff  }
0x5ab: {  	v54 =	vor.u32 $0xB, v3;
	v2 =	vadd.f32 v5, v2  }
0x5ac: {  	v5 =	vld.idx.msk [tilespmem:v53+s3+$0x0], $0xffff  }
0x5ad: {  	v55 =	vor.u32 $0xC, v3;
	v2 =	vadd.f32 v6, v2  }
0x5ae: {  	v6 =	vld.idx.msk [tilespmem:v7+s3+$0x0], $0xffff  }
0x5af: {  	v7 =	vor.u32 $0xD, v3;
	v2 =	vadd.f32 v4, v2  }
0x5b0: {  	v4 =	vld.idx.msk [tilespmem:v54+s3+$0x0], $0xffff  }
0x5b1: {  	v56 =	vor.u32 $0xE, v3;
	v2 =	vadd.f32 v5, v2  }
0x5b2: {  	v5 =	vld.idx.msk [tilespmem:v55+s3+$0x0], $0xffff  }
0x5b3: {  	v3 =	vor.u32 $0xF, v3;
	v2 =	vadd.f32 v6, v2  }
0x5b4: {  	v6 =	vld.idx.msk [tilespmem:v7+s3+$0x0], $0xffff  }
0x5b5: {  	v2 =	vadd.f32 v4, v2  }
0x5b6: {  	v4 =	vld.idx.msk [tilespmem:v56+s3+$0x0], $0xffff  }
0x5b7: {  	s2 =	simm.s32 $0x10;
	v2 =	vadd.f32 v5, v2  }
0x5b8: {  	v3 =	vld.idx.msk [tilespmem:v3+s3+$0x0], $0xffff;
	v5 =	vmov s2  }
0x5b9: {  	v5 =	vshll.u32 v5, $0x4;
	v2 =	vadd.f32 v6, v2  }
0x5ba: {  	v5 =	vor.u32 v1, v5  }
0x5bb: {  	v6 =	vor.u32 $0x1, v5;
	v2 =	vadd.f32 v4, v2;
	_ =	sdelay $0x1  }
0x5bc: {  	v2 =	vadd.f32 v3, v2  }
0x5bd: {  	s7 =	simm.s32 $0x1EC10;
	v3 =	vor.u32 $0x2, v5  }
0x5be: {  	[tilespmem:s7+$0x0] =	vst v2  }
0x5bf: {  	v4 =	vor.u32 $0x3, v5;
	v2 =	vld.idx.msk [tilespmem:v6+s3+$0x0], $0xffff  }
0x5c0: {  	v6 =	vld.idx.msk [tilespmem:v5+s3+$0x0], $0xffff  }
0x5c1: {  	v7 =	vor.u32 $0x4, v5  }
0x5c2: {  	v3 =	vld.idx.msk [tilespmem:v3+s3+$0x0], $0xffff  }
0x5c3: {  	v57 =	vor.u32 $0x5, v5  }
0x5c4: {  	v4 =	vld.idx.msk [tilespmem:v4+s3+$0x0], $0xffff  }
0x5c5: {  	v58 =	vor.u32 $0x6, v5;
	v2 =	vadd.f32 v2, v6  }
0x5c6: {  	v6 =	vld.idx.msk [tilespmem:v7+s3+$0x0], $0xffff  }
0x5c7: {  	v7 =	vor.u32 $0x7, v5;
	v2 =	vadd.f32 v3, v2  }
0x5c8: {  	v3 =	vld.idx.msk [tilespmem:v57+s3+$0x0], $0xffff  }
0x5c9: {  	v59 =	vor.u32 $0x8, v5;
	v2 =	vadd.f32 v4, v2  }
0x5ca: {  	v4 =	vld.idx.msk [tilespmem:v58+s3+$0x0], $0xffff  }
0x5cb: {  	v60 =	vor.u32 $0x9, v5;
	v2 =	vadd.f32 v6, v2  }
0x5cc: {  	v6 =	vld.idx.msk [tilespmem:v7+s3+$0x0], $0xffff  }
0x5cd: {  	v7 =	vor.u32 $0xA, v5;
	v2 =	vadd.f32 v3, v2  }
0x5ce: {  	v3 =	vld.idx.msk [tilespmem:v59+s3+$0x0], $0xffff  }
0x5cf: {  	v61 =	vor.u32 $0xB, v5;
	v2 =	vadd.f32 v4, v2  }
0x5d0: {  	v4 =	vld.idx.msk [tilespmem:v60+s3+$0x0], $0xffff  }
0x5d1: {  	v62 =	vor.u32 $0xC, v5;
	v2 =	vadd.f32 v6, v2  }
0x5d2: {  	v6 =	vld.idx.msk [tilespmem:v7+s3+$0x0], $0xffff  }
0x5d3: {  	v2 =	vadd.f32 v3, v2  }
0x5d4: {  	v7 =	vor.u32 $0xD, v5;
	v3 =	vld.idx.msk [tilespmem:v61+s3+$0x0], $0xffff  }
0x5d5: {  	v2 =	vadd.f32 v4, v2  }
0x5d6: {  	v63 =	vor.u32 $0xE, v5;
	v4 =	vld.idx.msk [tilespmem:v62+s3+$0x0], $0xffff  }
0x5d7: {  	v2 =	vadd.f32 v6, v2  }
0x5d8: {  	v5 =	vor.u32 $0xF, v5  }
0x5d9: {  	v6 =	vld.idx.msk [tilespmem:v7+s3+$0x0], $0xffff;
	v2 =	vadd.f32 v3, v2;
	_ =	sdelay $0x1  }
0x5da: {  	v4 =	vadd.f32 v4, v2;
	v2 =	vld.idx.msk [tilespmem:v63+s3+$0x0], $0xffff  }
0x5db: {  	s31 =	simm.s32 $0x20  }
0x5dc: {  	v7 =	vmov s31;
	v3 =	vld.idx.msk [tilespmem:v5+s3+$0x0], $0xffff  }
0x5dd: {  	s8 =	simm.s32 $0x30;
	v5 =	vshll.u32 v7, $0x4;
	v4 =	vadd.f32 v6, v4  }
.LBB2_27:
0x5de: {  	p0 =	sne.s32 s8, $0xC0;
	v5 =	vor.u32 v1, v5  }
0x5df: {  	v6 =	vor.u32 $0x1, v5;
	v2 =	vadd.f32 v2, v4;
	_ =	sdelay $0x1  }
0x5e0: {  	v2 =	vadd.f32 v3, v2  }
0x5e1: {  	s7 =	sadd.s32 $0x10, s7;
	v3 =	vor.u32 $0x2, v5  }
0x5e2: {  	[tilespmem:s7+$0x0] =	vst v2  }
0x5e3: {  	v4 =	vor.u32 $0x3, v5;
	v2 =	vld.idx.msk [tilespmem:v6+s3+$0x0], $0xffff  }
0x5e4: {  	v6 =	vld.idx.msk [tilespmem:v5+s3+$0x0], $0xffff  }
0x5e5: {  	v7 =	vor.u32 $0x4, v5  }
0x5e6: {  	v3 =	vld.idx.msk [tilespmem:v3+s3+$0x0], $0xffff  }
0x5e7: {  	v8 =	vor.u32 $0x5, v5  }
0x5e8: {  	v4 =	vld.idx.msk [tilespmem:v4+s3+$0x0], $0xffff  }
0x5e9: {  	v9 =	vor.u32 $0x6, v5  }
0x5ea: {  	v2 =	vadd.f32 v2, v6;
	v6 =	vld.idx.msk [tilespmem:v7+s3+$0x0], $0xffff  }
0x5eb: {  	v7 =	vor.u32 $0x7, v5  }
0x5ec: {  	v2 =	vadd.f32 v3, v2;
	v3 =	vld.idx.msk [tilespmem:v8+s3+$0x0], $0xffff  }
0x5ed: {  	v8 =	vor.u32 $0x8, v5  }
0x5ee: {  	v2 =	vadd.f32 v4, v2;
	v4 =	vld.idx.msk [tilespmem:v9+s3+$0x0], $0xffff  }
0x5ef: {  	v9 =	vor.u32 $0x9, v5  }
0x5f0: {  	v2 =	vadd.f32 v6, v2;
	v6 =	vld.idx.msk [tilespmem:v7+s3+$0x0], $0xffff  }
0x5f1: {  	v7 =	vor.u32 $0xA, v5  }
0x5f2: {  	v2 =	vadd.f32 v3, v2;
	v3 =	vld.idx.msk [tilespmem:v8+s3+$0x0], $0xffff  }
0x5f3: {  	v8 =	vor.u32 $0xB, v5  }
0x5f4: {  	v2 =	vadd.f32 v4, v2;
	v4 =	vld.idx.msk [tilespmem:v9+s3+$0x0], $0xffff  }
0x5f5: {  	v9 =	vor.u32 $0xC, v5  }
0x5f6: {  	v2 =	vadd.f32 v6, v2;
	v6 =	vld.idx.msk [tilespmem:v7+s3+$0x0], $0xffff  }
0x5f7: {  	v7 =	vor.u32 $0xD, v5  }
0x5f8: {  	v2 =	vadd.f32 v3, v2;
	v3 =	vld.idx.msk [tilespmem:v8+s3+$0x0], $0xffff  }
0x5f9: {  	v8 =	vor.u32 $0xE, v5  }
0x5fa: {  	v2 =	vadd.f32 v4, v2;
	v4 =	vld.idx.msk [tilespmem:v9+s3+$0x0], $0xffff  }
0x5fb: {  	v5 =	vor.u32 $0xF, v5  }
0x5fc: {  	v2 =	vadd.f32 v6, v2;
	v6 =	vld.idx.msk [tilespmem:v7+s3+$0x0], $0xffff;
	_ =	sdelay $0x1  }
.Ltmp13:
0x5fd: {  	v3 =	vadd.f32 v3, v2;
	v2 =	vld.idx.msk [tilespmem:v8+s3+$0x0], $0xffff;
	(pc) =	sbr.rel @p0 .LBB2_27-.Ltmp13, $4  }
0x5fe: {  	_ = 	snop  }
0x5ff: {  	v4 =	vadd.f32 v4, v3;
	v3 =	vld.idx.msk [tilespmem:v5+s3+$0x0], $0xffff  }
0x600: {  	v5 =	vmov s8  }
0x601: {  	s8 =	sadd.s32 $0x10, s8;
	v5 =	vshll.u32 v5, $0x4;
	v4 =	vadd.f32 v6, v4  }
0x602: {  	v5 =	vor.u32 v1, v5  }
0x603: {  	v6 =	vor.u32 $0x1, v5;
	v2 =	vadd.f32 v2, v4;
	_ =	sdelay $0x1  }
0x604: {  	v2 =	vadd.f32 v3, v2  }
0x605: {  	s2 =	sadd.s32 $0x10, s7;
	v3 =	vor.u32 $0x2, v5  }
0x606: {  	[tilespmem:s2+$0x0] =	vst v2  }
0x607: {  	v46 =	vor.u32 $0x3, v5;
	v2 =	vld.idx.msk [tilespmem:v6+s3+$0x0], $0xffff  }
0x608: {  	v47 =	vld.idx.msk [tilespmem:v5+s3+$0x0], $0xffff  }
0x609: {  	v7 =	vor.u32 $0x4, v5  }
0x60a: {  	v3 =	vld.idx.msk [tilespmem:v3+s3+$0x0], $0xffff  }
0x60b: {  	v8 =	vor.u32 $0x5, v5  }
0x60c: {  	v4 =	vld.idx.msk [tilespmem:v46+s3+$0x0], $0xffff  }
0x60d: {  	v9 =	vor.u32 $0x6, v5;
	v2 =	vadd.f32 v2, v47  }
0x60e: {  	v48 =	vld.idx.msk [tilespmem:v7+s3+$0x0], $0xffff  }
0x60f: {  	v49 =	vor.u32 $0x7, v5;
	v2 =	vadd.f32 v3, v2  }
0x610: {  	v3 =	vld.idx.msk [tilespmem:v8+s3+$0x0], $0xffff  }
0x611: {  	v50 =	vor.u32 $0x8, v5;
	v2 =	vadd.f32 v4, v2  }
0x612: {  	v51 =	vld.idx.msk [tilespmem:v9+s3+$0x0], $0xffff  }
0x613: {  	v52 =	vor.u32 $0x9, v5;
	v2 =	vadd.f32 v48, v2  }
0x614: {  	v53 =	vld.idx.msk [tilespmem:v49+s3+$0x0], $0xffff  }
0x615: {  	v54 =	vor.u32 $0xA, v5;
	v2 =	vadd.f32 v3, v2  }
0x616: {  	v3 =	vld.idx.msk [tilespmem:v50+s3+$0x0], $0xffff  }
0x617: {  	v55 =	vor.u32 $0xB, v5;
	v2 =	vadd.f32 v51, v2  }
0x618: {  	v56 =	vld.idx.msk [tilespmem:v52+s3+$0x0], $0xffff  }
0x619: {  	v57 =	vor.u32 $0xC, v5;
	v2 =	vadd.f32 v53, v2  }
0x61a: {  	v58 =	vld.idx.msk [tilespmem:v54+s3+$0x0], $0xffff  }
0x61b: {  	v59 =	vor.u32 $0xD, v5;
	v2 =	vadd.f32 v3, v2  }
0x61c: {  	v3 =	vld.idx.msk [tilespmem:v55+s3+$0x0], $0xffff  }
0x61d: {  	v60 =	vor.u32 $0xE, v5;
	v2 =	vadd.f32 v56, v2  }
0x61e: {  	v61 =	vld.idx.msk [tilespmem:v57+s3+$0x0], $0xffff  }
0x61f: {  	v5 =	vor.u32 $0xF, v5;
	v2 =	vadd.f32 v58, v2  }
0x620: {  	v62 =	vld.idx.msk [tilespmem:v59+s3+$0x0], $0xffff  }
0x621: {  	v2 =	vadd.f32 v3, v2  }
0x622: {  	v3 =	vld.idx.msk [tilespmem:v60+s3+$0x0], $0xffff  }
0x623: {  	v2 =	vadd.f32 v61, v2  }
0x624: {  	v63 =	vld.idx.msk [tilespmem:v5+s3+$0x0], $0xffff  }
0x625: {  	v2 =	vadd.f32 v62, v2;
	_ =	sdelay $0x1  }
0x626: {  	v2 =	vadd.f32 v3, v2;
	_ =	sdelay $0x1  }
0x627: {  	v2 =	vadd.f32 v63, v2  }
0x628: {  	s2 =	sadd.s32 $0x10, s2  }
0x629: {  	s17 =	rddreg [dreg:$0x7];
	s30 =	simm.s32 $0x5;
	[tilespmem:s2+$0x0] =	vst v2  }
0x62a: {  	[hbm4b:s17+s4] =	stream.linear.scatter [tilespmem:s24], [sflag:$0x5], $0xC8, $0x38;
	[tilespmem:$0x1EE80] =	vst v63  }
0x62b: {  	_ =	swait.ge [sflag:s30], $0xC8  }
0x62c: {  	[sflag:s30] =	ssyncset.done $0x0  }
0x62d: {  	[sflag:s30] =	ssyncadd.s32 $0xFFFFFF38  }
0x62e: {  	_ =	swait.ge [sflag:s30], $0xC8  }
0x62f: {  	[sflag:s30] =	ssyncset.done $0x0  }
0x630: {  	[sflag:s30] =	ssyncadd.s32 $0xFFFFFF38  }
0x631: {  	_ =	swait.ge [sflag:s30], $0xC8  }
0x632: {  	[sflag:s30] =	ssyncset.done $0x0  }
0x633: {  	[sflag:s30] =	ssyncadd.s32 $0xFFFFFF38  }
0x634: {  	_ =	swait.ge [sflag:s30], $0xC8  }
0x635: {  	s8 =	rddreg [dreg:$0x9]  }
0x636: {  	s31 =	rddreg [dreg:$0x8];
	s8 =	sadd.s32 $0x1, s8  }
0x637: {  	p0 =	sne.s32 s8, s31  }
.Ltmp14:
0x638: {  	_ = 	snop;
	(pc) =	sbr.rel @p0 .LBB2_1-.Ltmp14, $3  }
0x639: {  	_ =	sdelay $0x1  }
0x63a: {  	[sflag:s30] =	ssyncset.done $0x0  }
0x63b: {  	[sflag:s30] =	ssyncadd.s32 $0xFFFFFF38  }
0x63c: {  	_ =	sfence.sel $0x180000  }
0x63d: {  	[bflag:$0x0] =	sbarrier.arrive $0xFFFF  }
0x63e: {  	_ =	strace $0x90000047  }
0x63f: {  	s0 =	stileid.u32;
	[bflag:$0x2] =	sbarrier.arrive $0xFFFF  }
0x640: {  	p0 =	sne.s32 s0, $0x0;
	s0 =	rddreg [dreg:$0x3]  }
0x641: {  	s0 =	sadd.s32 @!p0 $0x100000, s0  }
0x642: {  	[sflag:s0] =	ssyncadd.tile.s32 @!p0 $0x1;
	_ =	shalt  }
.Lfunc_end2:
_tile_overlayer_lowered:
.L_overlay_start_2:
0x643: {  	(tag) =	ssettag $0x2  }
0x644: {  	s0 =	rddreg [dreg:$0x0];
	s2 =	stileid.u32  }
0x645: {  	s1 =	rddreg [dreg:$0x1];
	p0 =	sne.s32 s2, $0x0  }
0x646: {  	s3 =	rddreg [dreg:$0x2];
	[bflag:$0x3] =	sbarrier.arrive $0xFFFF;
	s2 =	simm.s32 @!p0 $0x1C06  }
0x647: {  	[timem:s3], [sflag:s2] =	dma.local @!p0 [hbm:s0], s1  }
0x648: {  	s0 =	simm.s32 @!p0 $0x6  }
0x649: {  	_ =	swait.ge @!p0 [sflag:s0], s1  }
0x64a: {  	s1 =	ssub.s32 @!p0 $0x0, s1;
	[sflag:s0] =	ssyncset.done @!p0 $0x0  }
0x64b: {  	[sflag:s0] =	ssyncadd.s32 @!p0 s1  }
0x64c: {  	[bflag:$0x3] =	sbarrier.arrive $0xFFFF  }
0x64d: {  	_ =	shalt  }

</sc_bundles>
